<compile_context>
chip_gen: v7x
topology: tpu7x:2x2x1
jax: 0.10.2.dev20260603
libtpu: 0.0.44.dev20260713+nightly
codegen_flags: <defaults>
</compile_context>

<pallas_src>
import functools

import jax
import jax.numpy as jnp
from jax import lax
from jax.experimental import pallas as pl
from jax.experimental.pallas import tpu as pltpu
from jax.experimental.pallas import tpu_sc as plsc

_BATCH = 16384
_CLASSES = 1000
_KEEP = int(_BATCH * 0.7)

_SC_ROWS = 7168
_TC_ROWS = _BATCH - _SC_ROWS
_ROWS = 1024

_NW = 32
_RPW = _SC_ROWS // _NW
_CHUNK = 16
_NCHUNK = _RPW // _CHUNK
_PITCH = _CLASSES


_NFULL = 992 // 16
_TAIL = 984


def _sc_ce(pred_hbm, tgt_hbm, m_hbm, s_hbm, tv_hbm,
           buf0, buf1, tgtbuf, mbuf, sbuf, tvbuf, sem0, sem1):
    wid = lax.axis_index("s") * 2 + lax.axis_index("c")
    base = wid * _RPW
    pltpu.sync_copy(tgt_hbm.at[pl.ds(base, _RPW)], tgtbuf)
    lanes = lax.iota(jnp.int32, 16)
    lanes_f = lanes.astype(jnp.float32)
    neginf = jnp.full((16,), -jnp.inf, jnp.float32)
    tail_valid = lanes >= 8

    pltpu.async_copy(pred_hbm.at[pl.ds(base, _CHUNK), :], buf0, sem0)
    pltpu.async_copy(pred_hbm.at[pl.ds(base + _CHUNK, _CHUNK), :], buf1, sem1)

    def process(ci, cur):
        tvec = tgtbuf[pl.ds(ci * _CHUNK, 16)]
        safe = jnp.clip(tvec, 0, _CLASSES - 1).astype(jnp.float32)
        t_rs = [jnp.max(jnp.where(lanes == r, safe, -1.0))
                for r in range(_CHUNK)]

        def mb(j, accs):
            return tuple(
                jnp.maximum(accs[r], cur[r, pl.ds(j * 16, 16)])
                for r in range(_CHUNK))

        maccs = lax.fori_loop(0, _NFULL, mb, (neginf,) * _CHUNK, unroll=2)
        gts = [cur[r, pl.ds(_TAIL, 16)] for r in range(_CHUNK)]
        m_rs = [jnp.max(jnp.maximum(maccs[r], gts[r])) for r in range(_CHUNK)]

        def sb(j, c):
            saccs, tvaccs = c
            colid = (j * 16).astype(jnp.float32) + lanes_f
            sn, tn = [], []
            for r in range(_CHUNK):
                g = cur[r, pl.ds(j * 16, 16)]
                sn.append(saccs[r] + jnp.exp(g - m_rs[r]))
                tn.append(jnp.where(colid == t_rs[r], g, tvaccs[r]))
            return tuple(sn), tuple(tn)

        zero16 = jnp.zeros((16,), jnp.float32)
        saccs, tvaccs = lax.fori_loop(
            0, _NFULL, sb, ((zero16,) * _CHUNK, (neginf,) * _CHUNK),
            unroll=2)

        m_vec = zero16
        s_vec = zero16
        tv_vec = zero16
        tailcol = _TAIL + lanes_f
        for r in range(_CHUNK):
            sacc = saccs[r] + jnp.where(
                tail_valid, jnp.exp(gts[r] - m_rs[r]), 0.0)
            tvacc = jnp.where(
                jnp.logical_and(tailcol == t_rs[r], tail_valid),
                gts[r], tvaccs[r])
            m_vec = jnp.where(lanes == r, m_rs[r], m_vec)
            s_vec = jnp.where(lanes == r, jnp.sum(sacc), s_vec)
            tv_vec = jnp.where(lanes == r, jnp.max(tvacc), tv_vec)

        mbuf[pl.ds(ci * _CHUNK, 16)] = m_vec
        sbuf[pl.ds(ci * _CHUNK, 16)] = s_vec
        tvbuf[pl.ds(ci * _CHUNK, 16)] = tv_vec

    def chunk_body(i, carry):
        ci0 = 2 * i
        ci1 = 2 * i + 1
        pltpu.make_async_copy(
            pred_hbm.at[pl.ds(base, _CHUNK), :], buf0, sem0).wait()
        process(ci0, buf0)

        @pl.when(ci0 + 2 < _NCHUNK)
        def _():
            pltpu.async_copy(
                pred_hbm.at[pl.ds(base + (ci0 + 2) * _CHUNK, _CHUNK), :],
                buf0, sem0)

        pltpu.make_async_copy(
            pred_hbm.at[pl.ds(base, _CHUNK), :], buf1, sem1).wait()
        process(ci1, buf1)

        @pl.when(ci1 + 2 < _NCHUNK)
        def _():
            pltpu.async_copy(
                pred_hbm.at[pl.ds(base + (ci1 + 2) * _CHUNK, _CHUNK), :],
                buf1, sem1)

        return carry

    lax.fori_loop(0, _NCHUNK // 2, chunk_body, jnp.int32(0))

    pltpu.sync_copy(mbuf, m_hbm.at[pl.ds(base, _RPW)])
    pltpu.sync_copy(sbuf, s_hbm.at[pl.ds(base, _RPW)])
    pltpu.sync_copy(tvbuf, tv_hbm.at[pl.ds(base, _RPW)])


_sc_ce_call = functools.partial(
    pl.kernel,
    out_type=[
        jax.ShapeDtypeStruct((_SC_ROWS,), jnp.float32),
        jax.ShapeDtypeStruct((_SC_ROWS,), jnp.float32),
        jax.ShapeDtypeStruct((_SC_ROWS,), jnp.float32),
    ],
    mesh=plsc.VectorSubcoreMesh(core_axis_name="c", subcore_axis_name="s"),
    compiler_params=pltpu.CompilerParams(
        needs_layout_passes=False, use_tc_tiling_on_sc=True),
    scratch_types=[
        pltpu.VMEM((_CHUNK, _CLASSES), jnp.float32),
        pltpu.VMEM((_CHUNK, _CLASSES), jnp.float32),
        pltpu.VMEM((_RPW,), jnp.int32),
        pltpu.VMEM((_RPW,), jnp.float32),
        pltpu.VMEM((_RPW,), jnp.float32),
        pltpu.VMEM((_RPW,), jnp.float32),
        pltpu.SemaphoreType.DMA,
        pltpu.SemaphoreType.DMA,
    ],
)(_sc_ce)


def _ce_kernel(pred_ref, tgt_ref, out_ref):
    x = pred_ref[...]
    tgt = tgt_ref[...]
    m = jnp.max(x, axis=1, keepdims=True)
    s = jnp.sum(jnp.exp(x - m), axis=1, keepdims=True)
    lse = m + jnp.log(s)
    col = jax.lax.broadcasted_iota(jnp.int32, x.shape, 1)
    safe = jnp.clip(tgt, 0, _CLASSES - 1)
    tsel = jnp.sum(jnp.where(col == safe, x, 0.0), axis=1, keepdims=True)
    ce = lse - tsel
    ce = jnp.where(tgt == -1, 0.0, ce)
    out_ref[...] = ce


def _topk_kernel(m_ref, s_ref, tv_ref, tgt_ref, ce_tc_ref, out_ref):
    ce_sc = m_ref[...] + jnp.log(s_ref[...]) - tv_ref[...]
    ce_sc = jnp.where(tgt_ref[...] == -1, 0.0, ce_sc)
    ce_tc = ce_tc_ref[...]

    def count_ge(t):
        n = jnp.sum((ce_sc >= t).astype(jnp.int32))
        if _TC_ROWS:
            n = n + jnp.sum((ce_tc >= t).astype(jnp.int32))
        return n

    def body(_, lohi):
        lo, hi = lohi
        mid = lo + (hi - lo) // 2
        t = jax.lax.bitcast_convert_type(mid, jnp.float32)
        ge = count_ge(t) >= _KEEP
        return jnp.where(ge, mid, lo), jnp.where(ge, hi, mid)

    lo, _ = jax.lax.fori_loop(
        0, 32, body, (jnp.int32(0), jnp.int32(0x7F800000))
    )
    t = jax.lax.bitcast_convert_type(lo, jnp.float32)
    cnt_gt = jnp.sum((ce_sc > t).astype(jnp.int32))
    sum_gt = jnp.sum(jnp.where(ce_sc > t, ce_sc, 0.0))
    if _TC_ROWS:
        cnt_gt = cnt_gt + jnp.sum((ce_tc > t).astype(jnp.int32))
        sum_gt = sum_gt + jnp.sum(jnp.where(ce_tc > t, ce_tc, 0.0))
    total = sum_gt + (_KEEP - cnt_gt).astype(jnp.float32) * t
    out_ref[...] = jnp.broadcast_to(total / jnp.float32(_KEEP), (1, 1))


@jax.jit
def kernel(pred, target):
    tgt = target.astype(jnp.int32)
    m, s, tv = _sc_ce_call(pred, tgt)

    if _TC_ROWS:
        grid = _TC_ROWS // _ROWS
        ce_tc = pl.pallas_call(
            _ce_kernel,
            grid=(grid,),
            in_specs=[
                pl.BlockSpec((_ROWS, _CLASSES),
                             lambda i: (i + _SC_ROWS // _ROWS, 0)),
                pl.BlockSpec((_ROWS, 1),
                             lambda i: (i + _SC_ROWS // _ROWS, 0)),
            ],
            out_specs=pl.BlockSpec((_ROWS, 1), lambda i: (i, 0)),
            out_shape=jax.ShapeDtypeStruct((_TC_ROWS, 1), jnp.float32),
            compiler_params=pltpu.CompilerParams(
                dimension_semantics=("arbitrary",),
            ),
        )(pred, tgt.reshape(_BATCH, 1))
        ce_tc2 = ce_tc.reshape(_TC_ROWS // 128, 128)
    else:
        ce_tc2 = jnp.zeros((8, 128), jnp.float32)

    sc_r = _SC_ROWS // 128
    out = pl.pallas_call(
        _topk_kernel,
        out_shape=jax.ShapeDtypeStruct((1, 1), jnp.float32),
    )(m.reshape(sc_r, 128), s.reshape(sc_r, 128), tv.reshape(sc_r, 128),
      tgt[:_SC_ROWS].reshape(sc_r, 128), ce_tc2)
    return out[0, 0]

# --- scband reference (transcript-rebuilt; emitter-appended) ---
"""Pipeline reference for scband-ohem-class-loss-83889301225808 (READ-ONLY COPY).

The authoritative reference and input builder live on the scoring server;
editing this copy changes nothing except your own understanding.
"""

import jax, jax.numpy as jnp
import numpy as np

KEEP_RATE = 0.7

def setup_inputs(seed: int = 0) -> dict:
    key = jax.random.key(seed)
    k1, k2 = jax.random.split(key)
    pred = jax.random.normal(k1, (16384, 1000), dtype=jnp.float32)
    target = jax.random.randint(k2, (16384,), 0, 1000, dtype=jnp.int64)
    return {"pred": pred, "target": target}

def reference(pred, target):
    batch_size = pred.shape[0]
    num_classes = pred.shape[1]
    # F.cross_entropy(pred, target, reduction='none', ignore_index=-1)
    logp = jax.nn.log_softmax(pred, axis=-1)
    safe_idx = jnp.clip(target, 0, num_classes - 1)
    ce = -jnp.take_along_axis(logp, safe_idx[:, None], axis=1)[:, 0]
    ce = jnp.where(target == -1, 0.0, ce)
    # torch.sort(loss, descending=True)
    sorted_loss = jnp.sort(ce)[::-1]
    keep_num = min(sorted_loss.shape[0], int(batch_size * KEEP_RATE))
    if keep_num < sorted_loss.shape[0]:
        kept = sorted_loss[:keep_num]
    else:
        kept = ce
    cls_loss = kept.sum() / keep_num
    return cls_loss

if __name__ == "__main__":
    import jax
    _d = setup_inputs()
    print(jax.jit(kernel)(*tuple(_d.values())))

</pallas_src>

<mosaic_0001>
#map = affine_map<(d0, d1) -> (0, 0)>
#map1 = affine_map<(d0, d1) -> (0)>
module attributes {stable_mosaic.version = 14 : i64} {
  func.func @_sc_ce(%arg0: i32, %arg1: i32, %arg2: memref<16384x1000xf32, #tpu.memory_space<hbm>>, %arg3: memref<16384xi32, #tpu.memory_space<hbm>>, %arg4: memref<7168xf32, #tpu.memory_space<hbm>>, %arg5: memref<7168xf32, #tpu.memory_space<hbm>>, %arg6: memref<7168xf32, #tpu.memory_space<hbm>>, %arg7: memref<16x1000xf32, #tpu.memory_space<vmem>>, %arg8: memref<16x1000xf32, #tpu.memory_space<vmem>>, %arg9: memref<224xi32, #tpu.memory_space<vmem>>, %arg10: memref<224xf32, #tpu.memory_space<vmem>>, %arg11: memref<224xf32, #tpu.memory_space<vmem>>, %arg12: memref<224xf32, #tpu.memory_space<vmem>>, %arg13: memref<!tpu.dma_semaphore, #tpu.memory_space<semaphore_mem>>, %arg14: memref<!tpu.dma_semaphore, #tpu.memory_space<semaphore_mem>>) attributes {dimension_semantics = [#tpu.dimension_semantics<core_parallel>, #tpu.dimension_semantics<subcore_parallel>], iteration_bounds = array<i64: 2, 16>, scalar_prefetch = 0 : i64, scratch_operands = 8 : i64, tpu.core_type = #tpu.core_type<sc_vector_subcore>, window_params = [{transform_indices = #map}, {transform_indices = #map1}, {transform_indices = #map1}, {transform_indices = #map1}, {transform_indices = #map1}]} {
    %mul3A = arith.constant 2 : i32
    %mul3A_0 = arith.muli %arg1, %mul3A : i32
    %add3A = arith.addi %mul3A_0, %arg0 : i32
    %mul3A_1 = arith.constant 224 : i32
    %mul3A_2 = arith.muli %add3A, %mul3A_1 : i32
    "tpu.region"() ({
      %run_scoped3A = tpu.sem_alloc : memref<!tpu.dma_semaphore, #tpu.memory_space<semaphore_mem>>
      %dma_start3A_20 = tpu.memref_slice %arg3[%mul3A_2] : memref<16384xi32, #tpu.memory_space<hbm>> -> memref<224xi32, #tpu.memory_space<hbm>>
      %dma_start3A_21 = tpu.memref_slice %arg3[%mul3A_2] : memref<16384xi32, #tpu.memory_space<hbm>> -> memref<224xi32, #tpu.memory_space<hbm>>
      tpu.enqueue_dma source(%dma_start3A_21 : memref<224xi32, #tpu.memory_space<hbm>>) target(%arg9 : memref<224xi32, #tpu.memory_space<vmem>>) target_semaphore(%run_scoped3A : memref<!tpu.dma_semaphore, #tpu.memory_space<semaphore_mem>>)
      %dma_wait3A = tpu.memref_slice %arg3[%mul3A_2] : memref<16384xi32, #tpu.memory_space<hbm>> -> memref<224xi32, #tpu.memory_space<hbm>>
      %dma_wait3A_22 = tpu.memref_slice %arg3[%mul3A_2] : memref<16384xi32, #tpu.memory_space<hbm>> -> memref<224xi32, #tpu.memory_space<hbm>>
      tpu.wait_dma2 semaphore(%run_scoped3A : memref<!tpu.dma_semaphore, #tpu.memory_space<semaphore_mem>>) src(%dma_wait3A_22 : memref<224xi32, #tpu.memory_space<hbm>>) dst(%arg9 : memref<224xi32, #tpu.memory_space<vmem>>)
      tpu.yield
    }) : () -> ()
    %iota3A = tpu.iota {dimensions = array<i32: 0>} : vector<16xi32>
    %convert_element_type3A = arith.sitofp %iota3A : vector<16xi32> to vector<16xf32>
    %broadcast_in_dim3A = arith.constant 0xFF800000 : f32
    %broadcast_in_dim3A_3 = vector.broadcast %broadcast_in_dim3A : f32 to vector<16xf32>
    %ge3A = arith.constant 8 : i32
    %ge3A_4 = vector.broadcast %ge3A : i32 to vector<16xi32>
    %ge3A_5 = arith.cmpi sge, %iota3A, %ge3A_4 : vector<16xi32>
    %dma_start3A = arith.constant 0 : i32
    %dma_start3A_6 = tpu.memref_slice %arg2[%mul3A_2, %dma_start3A] : memref<16384x1000xf32, #tpu.memory_space<hbm>> -> memref<16x1000xf32, #tpu.memory_space<hbm>>
    %dma_start3A_7 = arith.constant 0 : i32
    %dma_start3A_8 = tpu.memref_slice %arg2[%mul3A_2, %dma_start3A_7] : memref<16384x1000xf32, #tpu.memory_space<hbm>> -> memref<16x1000xf32, #tpu.memory_space<hbm>>
    tpu.enqueue_dma source(%dma_start3A_8 : memref<16x1000xf32, #tpu.memory_space<hbm>>) target(%arg7 : memref<16x1000xf32, #tpu.memory_space<vmem>>) target_semaphore(%arg13 : memref<!tpu.dma_semaphore, #tpu.memory_space<semaphore_mem>>)
    %add3A_9 = arith.constant 16 : i32
    %add3A_10 = arith.addi %mul3A_2, %add3A_9 : i32
    %dma_start3A_11 = arith.constant 0 : i32
    %dma_start3A_12 = tpu.memref_slice %arg2[%add3A_10, %dma_start3A_11] : memref<16384x1000xf32, #tpu.memory_space<hbm>> -> memref<16x1000xf32, #tpu.memory_space<hbm>>
    %dma_start3A_13 = arith.constant 0 : i32
    %dma_start3A_14 = tpu.memref_slice %arg2[%add3A_10, %dma_start3A_13] : memref<16384x1000xf32, #tpu.memory_space<hbm>> -> memref<16x1000xf32, #tpu.memory_space<hbm>>
    tpu.enqueue_dma source(%dma_start3A_14 : memref<16x1000xf32, #tpu.memory_space<hbm>>) target(%arg8 : memref<16x1000xf32, #tpu.memory_space<vmem>>) target_semaphore(%arg14 : memref<!tpu.dma_semaphore, #tpu.memory_space<semaphore_mem>>)
    %scan3A = arith.constant 0 : i32
    %scan3A_15 = arith.constant 0 : i32
    %scan3A_16 = arith.constant 7 : i32
    %scan3A_17 = arith.addi %scan3A_15, %scan3A_16 : i32
    %scan3A_18 = arith.constant 1 : i32
    scf.for %scan3A_20 = %scan3A_15 to %scan3A_17 step %scan3A_18  : i32 {
      %mul3A_21 = arith.constant 2 : i32
      %mul3A_22 = arith.muli %mul3A_21, %scan3A_20 : i32
      %mul3A_23 = arith.constant 2 : i32
      %mul3A_24 = arith.muli %mul3A_23, %scan3A_20 : i32
      %add3A_25 = arith.constant 1 : i32
      %add3A_26 = arith.addi %mul3A_24, %add3A_25 : i32
      %dma_wait3A = arith.constant 0 : i32
      %dma_wait3A_27 = tpu.memref_slice %arg2[%mul3A_2, %dma_wait3A] : memref<16384x1000xf32, #tpu.memory_space<hbm>> -> memref<16x1000xf32, #tpu.memory_space<hbm>>
      %dma_wait3A_28 = arith.constant 0 : i32
      %dma_wait3A_29 = tpu.memref_slice %arg2[%mul3A_2, %dma_wait3A_28] : memref<16384x1000xf32, #tpu.memory_space<hbm>> -> memref<16x1000xf32, #tpu.memory_space<hbm>>
      tpu.wait_dma2 semaphore(%arg13 : memref<!tpu.dma_semaphore, #tpu.memory_space<semaphore_mem>>) src(%dma_wait3A_29 : memref<16x1000xf32, #tpu.memory_space<hbm>>) dst(%arg7 : memref<16x1000xf32, #tpu.memory_space<vmem>>)
      %mul3A_30 = arith.constant 16 : i32
      %mul3A_31 = arith.muli %mul3A_22, %mul3A_30 : i32
      %get3A = arith.index_cast %mul3A_31 : i32 to index
      %get3A_32 = tpu.vector_load %arg9[%get3A] {strides = array<i32>} : memref<224xi32, #tpu.memory_space<vmem>>, vector<16xi32>,
      %jit3A = arith.constant 0 : i32
      %jit3A_33 = arith.constant 999 : i32
      %max3A = vector.broadcast %jit3A : i32 to vector<16xi32>
      %max3A_34 = arith.maxsi %max3A, %get3A_32 : vector<16xi32>
      %min3A = vector.broadcast %jit3A_33 : i32 to vector<16xi32>
      %min3A_35 = arith.minsi %min3A, %max3A_34 : vector<16xi32>
      %convert_element_type3A_36 = arith.sitofp %min3A_35 : vector<16xi32> to vector<16xf32>
      %eq3A = arith.constant 0 : i32
      %eq3A_37 = vector.broadcast %eq3A : i32 to vector<16xi32>
      %eq3A_38 = arith.cmpi eq, %iota3A, %eq3A_37 : vector<16xi32>
      %jit3A_39 = arith.constant -1.000000e+00 : f32
      %broadcast_in_dim3A_40 = vector.broadcast %jit3A_39 : f32 to vector<16xf32>
      %select_n3A = arith.select %eq3A_38, %convert_element_type3A_36, %broadcast_in_dim3A_40 : vector<16xi1>, vector<16xf32>
      %reduce_max3A = arith.constant true
      %reduce_max3A_41 = vector.broadcast %reduce_max3A : i1 to vector<16xi1>
      %reduce_max3A_42 = tpu.scan <max>, %select_n3A masked %reduce_max3A_41 : vector<16xf32>, vector<16xi1> -> vector<16xf32>
      %reduce_max3A_43 = vector.extract %reduce_max3A_42[15] : f32 from vector<16xf32>
      %eq3A_44 = arith.constant 1 : i32
      %eq3A_45 = vector.broadcast %eq3A_44 : i32 to vector<16xi32>
      %eq3A_46 = arith.cmpi eq, %iota3A, %eq3A_45 : vector<16xi32>
      %jit3A_47 = arith.constant -1.000000e+00 : f32
      %broadcast_in_dim3A_48 = vector.broadcast %jit3A_47 : f32 to vector<16xf32>
      %select_n3A_49 = arith.select %eq3A_46, %convert_element_type3A_36, %broadcast_in_dim3A_48 : vector<16xi1>, vector<16xf32>
      %reduce_max3A_50 = arith.constant true
      %reduce_max3A_51 = vector.broadcast %reduce_max3A_50 : i1 to vector<16xi1>
      %reduce_max3A_52 = tpu.scan <max>, %select_n3A_49 masked %reduce_max3A_51 : vector<16xf32>, vector<16xi1> -> vector<16xf32>
      %reduce_max3A_53 = vector.extract %reduce_max3A_52[15] : f32 from vector<16xf32>
      %eq3A_54 = arith.constant 2 : i32
      %eq3A_55 = vector.broadcast %eq3A_54 : i32 to vector<16xi32>
      %eq3A_56 = arith.cmpi eq, %iota3A, %eq3A_55 : vector<16xi32>
      %jit3A_57 = arith.constant -1.000000e+00 : f32
      %broadcast_in_dim3A_58 = vector.broadcast %jit3A_57 : f32 to vector<16xf32>
      %select_n3A_59 = arith.select %eq3A_56, %convert_element_type3A_36, %broadcast_in_dim3A_58 : vector<16xi1>, vector<16xf32>
      %reduce_max3A_60 = arith.constant true
      %reduce_max3A_61 = vector.broadcast %reduce_max3A_60 : i1 to vector<16xi1>
      %reduce_max3A_62 = tpu.scan <max>, %select_n3A_59 masked %reduce_max3A_61 : vector<16xf32>, vector<16xi1> -> vector<16xf32>
      %reduce_max3A_63 = vector.extract %reduce_max3A_62[15] : f32 from vector<16xf32>
      %eq3A_64 = arith.constant 3 : i32
      %eq3A_65 = vector.broadcast %eq3A_64 : i32 to vector<16xi32>
      %eq3A_66 = arith.cmpi eq, %iota3A, %eq3A_65 : vector<16xi32>
      %jit3A_67 = arith.constant -1.000000e+00 : f32
      %broadcast_in_dim3A_68 = vector.broadcast %jit3A_67 : f32 to vector<16xf32>
      %select_n3A_69 = arith.select %eq3A_66, %convert_element_type3A_36, %broadcast_in_dim3A_68 : vector<16xi1>, vector<16xf32>
      %reduce_max3A_70 = arith.constant true
      %reduce_max3A_71 = vector.broadcast %reduce_max3A_70 : i1 to vector<16xi1>
      %reduce_max3A_72 = tpu.scan <max>, %select_n3A_69 masked %reduce_max3A_71 : vector<16xf32>, vector<16xi1> -> vector<16xf32>
      %reduce_max3A_73 = vector.extract %reduce_max3A_72[15] : f32 from vector<16xf32>
      %eq3A_74 = arith.constant 4 : i32
      %eq3A_75 = vector.broadcast %eq3A_74 : i32 to vector<16xi32>
      %eq3A_76 = arith.cmpi eq, %iota3A, %eq3A_75 : vector<16xi32>
      %jit3A_77 = arith.constant -1.000000e+00 : f32
      %broadcast_in_dim3A_78 = vector.broadcast %jit3A_77 : f32 to vector<16xf32>
      %select_n3A_79 = arith.select %eq3A_76, %convert_element_type3A_36, %broadcast_in_dim3A_78 : vector<16xi1>, vector<16xf32>
      %reduce_max3A_80 = arith.constant true
      %reduce_max3A_81 = vector.broadcast %reduce_max3A_80 : i1 to vector<16xi1>
      %reduce_max3A_82 = tpu.scan <max>, %select_n3A_79 masked %reduce_max3A_81 : vector<16xf32>, vector<16xi1> -> vector<16xf32>
      %reduce_max3A_83 = vector.extract %reduce_max3A_82[15] : f32 from vector<16xf32>
      %eq3A_84 = arith.constant 5 : i32
      %eq3A_85 = vector.broadcast %eq3A_84 : i32 to vector<16xi32>
      %eq3A_86 = arith.cmpi eq, %iota3A, %eq3A_85 : vector<16xi32>
      %jit3A_87 = arith.constant -1.000000e+00 : f32
      %broadcast_in_dim3A_88 = vector.broadcast %jit3A_87 : f32 to vector<16xf32>
      %select_n3A_89 = arith.select %eq3A_86, %convert_element_type3A_36, %broadcast_in_dim3A_88 : vector<16xi1>, vector<16xf32>
      %reduce_max3A_90 = arith.constant true
      %reduce_max3A_91 = vector.broadcast %reduce_max3A_90 : i1 to vector<16xi1>
      %reduce_max3A_92 = tpu.scan <max>, %select_n3A_89 masked %reduce_max3A_91 : vector<16xf32>, vector<16xi1> -> vector<16xf32>
      %reduce_max3A_93 = vector.extract %reduce_max3A_92[15] : f32 from vector<16xf32>
      %eq3A_94 = arith.constant 6 : i32
      %eq3A_95 = vector.broadcast %eq3A_94 : i32 to vector<16xi32>
      %eq3A_96 = arith.cmpi eq, %iota3A, %eq3A_95 : vector<16xi32>
      %jit3A_97 = arith.constant -1.000000e+00 : f32
      %broadcast_in_dim3A_98 = vector.broadcast %jit3A_97 : f32 to vector<16xf32>
      %select_n3A_99 = arith.select %eq3A_96, %convert_element_type3A_36, %broadcast_in_dim3A_98 : vector<16xi1>, vector<16xf32>
      %reduce_max3A_100 = arith.constant true
      %reduce_max3A_101 = vector.broadcast %reduce_max3A_100 : i1 to vector<16xi1>
      %reduce_max3A_102 = tpu.scan <max>, %select_n3A_99 masked %reduce_max3A_101 : vector<16xf32>, vector<16xi1> -> vector<16xf32>
      %reduce_max3A_103 = vector.extract %reduce_max3A_102[15] : f32 from vector<16xf32>
      %eq3A_104 = arith.constant 7 : i32
      %eq3A_105 = vector.broadcast %eq3A_104 : i32 to vector<16xi32>
      %eq3A_106 = arith.cmpi eq, %iota3A, %eq3A_105 : vector<16xi32>
      %jit3A_107 = arith.constant -1.000000e+00 : f32
      %broadcast_in_dim3A_108 = vector.broadcast %jit3A_107 : f32 to vector<16xf32>
      %select_n3A_109 = arith.select %eq3A_106, %convert_element_type3A_36, %broadcast_in_dim3A_108 : vector<16xi1>, vector<16xf32>
      %reduce_max3A_110 = arith.constant true
      %reduce_max3A_111 = vector.broadcast %reduce_max3A_110 : i1 to vector<16xi1>
      %reduce_max3A_112 = tpu.scan <max>, %select_n3A_109 masked %reduce_max3A_111 : vector<16xf32>, vector<16xi1> -> vector<16xf32>
      %reduce_max3A_113 = vector.extract %reduce_max3A_112[15] : f32 from vector<16xf32>
      %eq3A_114 = arith.constant 8 : i32
      %eq3A_115 = vector.broadcast %eq3A_114 : i32 to vector<16xi32>
      %eq3A_116 = arith.cmpi eq, %iota3A, %eq3A_115 : vector<16xi32>
      %jit3A_117 = arith.constant -1.000000e+00 : f32
      %broadcast_in_dim3A_118 = vector.broadcast %jit3A_117 : f32 to vector<16xf32>
      %select_n3A_119 = arith.select %eq3A_116, %convert_element_type3A_36, %broadcast_in_dim3A_118 : vector<16xi1>, vector<16xf32>
      %reduce_max3A_120 = arith.constant true
      %reduce_max3A_121 = vector.broadcast %reduce_max3A_120 : i1 to vector<16xi1>
      %reduce_max3A_122 = tpu.scan <max>, %select_n3A_119 masked %reduce_max3A_121 : vector<16xf32>, vector<16xi1> -> vector<16xf32>
      %reduce_max3A_123 = vector.extract %reduce_max3A_122[15] : f32 from vector<16xf32>
      %eq3A_124 = arith.constant 9 : i32
      %eq3A_125 = vector.broadcast %eq3A_124 : i32 to vector<16xi32>
      %eq3A_126 = arith.cmpi eq, %iota3A, %eq3A_125 : vector<16xi32>
      %jit3A_127 = arith.constant -1.000000e+00 : f32
      %broadcast_in_dim3A_128 = vector.broadcast %jit3A_127 : f32 to vector<16xf32>
      %select_n3A_129 = arith.select %eq3A_126, %convert_element_type3A_36, %broadcast_in_dim3A_128 : vector<16xi1>, vector<16xf32>
      %reduce_max3A_130 = arith.constant true
      %reduce_max3A_131 = vector.broadcast %reduce_max3A_130 : i1 to vector<16xi1>
      %reduce_max3A_132 = tpu.scan <max>, %select_n3A_129 masked %reduce_max3A_131 : vector<16xf32>, vector<16xi1> -> vector<16xf32>
      %reduce_max3A_133 = vector.extract %reduce_max3A_132[15] : f32 from vector<16xf32>
      %eq3A_134 = arith.constant 10 : i32
      %eq3A_135 = vector.broadcast %eq3A_134 : i32 to vector<16xi32>
      %eq3A_136 = arith.cmpi eq, %iota3A, %eq3A_135 : vector<16xi32>
      %jit3A_137 = arith.constant -1.000000e+00 : f32
      %broadcast_in_dim3A_138 = vector.broadcast %jit3A_137 : f32 to vector<16xf32>
      %select_n3A_139 = arith.select %eq3A_136, %convert_element_type3A_36, %broadcast_in_dim3A_138 : vector<16xi1>, vector<16xf32>
      %reduce_max3A_140 = arith.constant true
      %reduce_max3A_141 = vector.broadcast %reduce_max3A_140 : i1 to vector<16xi1>
      %reduce_max3A_142 = tpu.scan <max>, %select_n3A_139 masked %reduce_max3A_141 : vector<16xf32>, vector<16xi1> -> vector<16xf32>
      %reduce_max3A_143 = vector.extract %reduce_max3A_142[15] : f32 from vector<16xf32>
      %eq3A_144 = arith.constant 11 : i32
      %eq3A_145 = vector.broadcast %eq3A_144 : i32 to vector<16xi32>
      %eq3A_146 = arith.cmpi eq, %iota3A, %eq3A_145 : vector<16xi32>
      %jit3A_147 = arith.constant -1.000000e+00 : f32
      %broadcast_in_dim3A_148 = vector.broadcast %jit3A_147 : f32 to vector<16xf32>
      %select_n3A_149 = arith.select %eq3A_146, %convert_element_type3A_36, %broadcast_in_dim3A_148 : vector<16xi1>, vector<16xf32>
      %reduce_max3A_150 = arith.constant true
      %reduce_max3A_151 = vector.broadcast %reduce_max3A_150 : i1 to vector<16xi1>
      %reduce_max3A_152 = tpu.scan <max>, %select_n3A_149 masked %reduce_max3A_151 : vector<16xf32>, vector<16xi1> -> vector<16xf32>
      %reduce_max3A_153 = vector.extract %reduce_max3A_152[15] : f32 from vector<16xf32>
      %eq3A_154 = arith.constant 12 : i32
      %eq3A_155 = vector.broadcast %eq3A_154 : i32 to vector<16xi32>
      %eq3A_156 = arith.cmpi eq, %iota3A, %eq3A_155 : vector<16xi32>
      %jit3A_157 = arith.constant -1.000000e+00 : f32
      %broadcast_in_dim3A_158 = vector.broadcast %jit3A_157 : f32 to vector<16xf32>
      %select_n3A_159 = arith.select %eq3A_156, %convert_element_type3A_36, %broadcast_in_dim3A_158 : vector<16xi1>, vector<16xf32>
      %reduce_max3A_160 = arith.constant true
      %reduce_max3A_161 = vector.broadcast %reduce_max3A_160 : i1 to vector<16xi1>
      %reduce_max3A_162 = tpu.scan <max>, %select_n3A_159 masked %reduce_max3A_161 : vector<16xf32>, vector<16xi1> -> vector<16xf32>
      %reduce_max3A_163 = vector.extract %reduce_max3A_162[15] : f32 from vector<16xf32>
      %eq3A_164 = arith.constant 13 : i32
      %eq3A_165 = vector.broadcast %eq3A_164 : i32 to vector<16xi32>
      %eq3A_166 = arith.cmpi eq, %iota3A, %eq3A_165 : vector<16xi32>
      %jit3A_167 = arith.constant -1.000000e+00 : f32
      %broadcast_in_dim3A_168 = vector.broadcast %jit3A_167 : f32 to vector<16xf32>
      %select_n3A_169 = arith.select %eq3A_166, %convert_element_type3A_36, %broadcast_in_dim3A_168 : vector<16xi1>, vector<16xf32>
      %reduce_max3A_170 = arith.constant true
      %reduce_max3A_171 = vector.broadcast %reduce_max3A_170 : i1 to vector<16xi1>
      %reduce_max3A_172 = tpu.scan <max>, %select_n3A_169 masked %reduce_max3A_171 : vector<16xf32>, vector<16xi1> -> vector<16xf32>
      %reduce_max3A_173 = vector.extract %reduce_max3A_172[15] : f32 from vector<16xf32>
      %eq3A_174 = arith.constant 14 : i32
      %eq3A_175 = vector.broadcast %eq3A_174 : i32 to vector<16xi32>
      %eq3A_176 = arith.cmpi eq, %iota3A, %eq3A_175 : vector<16xi32>
      %jit3A_177 = arith.constant -1.000000e+00 : f32
      %broadcast_in_dim3A_178 = vector.broadcast %jit3A_177 : f32 to vector<16xf32>
      %select_n3A_179 = arith.select %eq3A_176, %convert_element_type3A_36, %broadcast_in_dim3A_178 : vector<16xi1>, vector<16xf32>
      %reduce_max3A_180 = arith.constant true
      %reduce_max3A_181 = vector.broadcast %reduce_max3A_180 : i1 to vector<16xi1>
      %reduce_max3A_182 = tpu.scan <max>, %select_n3A_179 masked %reduce_max3A_181 : vector<16xf32>, vector<16xi1> -> vector<16xf32>
      %reduce_max3A_183 = vector.extract %reduce_max3A_182[15] : f32 from vector<16xf32>
      %eq3A_184 = arith.constant 15 : i32
      %eq3A_185 = vector.broadcast %eq3A_184 : i32 to vector<16xi32>
      %eq3A_186 = arith.cmpi eq, %iota3A, %eq3A_185 : vector<16xi32>
      %jit3A_187 = arith.constant -1.000000e+00 : f32
      %broadcast_in_dim3A_188 = vector.broadcast %jit3A_187 : f32 to vector<16xf32>
      %select_n3A_189 = arith.select %eq3A_186, %convert_element_type3A_36, %broadcast_in_dim3A_188 : vector<16xi1>, vector<16xf32>
      %reduce_max3A_190 = arith.constant true
      %reduce_max3A_191 = vector.broadcast %reduce_max3A_190 : i1 to vector<16xi1>
      %reduce_max3A_192 = tpu.scan <max>, %select_n3A_189 masked %reduce_max3A_191 : vector<16xf32>, vector<16xi1> -> vector<16xf32>
      %reduce_max3A_193 = vector.extract %reduce_max3A_192[15] : f32 from vector<16xf32>
      %scan3A_194 = arith.constant 0 : i32
      %scan3A_195 = arith.constant 62 : i32
      %scan3A_196 = arith.addi %scan3A_194, %scan3A_195 : i32
      %scan3A_197 = arith.constant 2 : i32
      %scan3A_198:16 = scf.for %scan3A_1810 = %scan3A_194 to %scan3A_196 step %scan3A_197 iter_args(%scan3A_1811 = %broadcast_in_dim3A_3, %scan3A_1812 = %broadcast_in_dim3A_3, %scan3A_1813 = %broadcast_in_dim3A_3, %scan3A_1814 = %broadcast_in_dim3A_3, %scan3A_1815 = %broadcast_in_dim3A_3, %scan3A_1816 = %broadcast_in_dim3A_3, %scan3A_1817 = %broadcast_in_dim3A_3, %scan3A_1818 = %broadcast_in_dim3A_3, %scan3A_1819 = %broadcast_in_dim3A_3, %scan3A_1820 = %broadcast_in_dim3A_3, %scan3A_1821 = %broadcast_in_dim3A_3, %scan3A_1822 = %broadcast_in_dim3A_3, %scan3A_1823 = %broadcast_in_dim3A_3, %scan3A_1824 = %broadcast_in_dim3A_3, %scan3A_1825 = %broadcast_in_dim3A_3, %scan3A_1826 = %broadcast_in_dim3A_3) -> (vector<16xf32>, vector<16xf32>, vector<16xf32>, vector<16xf32>, vector<16xf32>, vector<16xf32>, vector<16xf32>, vector<16xf32>, vector<16xf32>, vector<16xf32>, vector<16xf32>, vector<16xf32>, vector<16xf32>, vector<16xf32>, vector<16xf32>, vector<16xf32>)  : i32 {
        %mul3A_1827 = arith.constant 16 : i32
        %mul3A_1828 = arith.muli %scan3A_1810, %mul3A_1827 : i32
        %get3A_1829 = arith.constant 0 : i32
        %get3A_1830 = arith.index_cast %get3A_1829 : i32 to index
        %get3A_1831 = arith.index_cast %mul3A_1828 : i32 to index
        %get3A_1832 = tpu.vector_load %arg7[%get3A_1830, %get3A_1831] {strides = array<i32>} : memref<16x1000xf32, #tpu.memory_space<vmem>>, vector<16xf32>,
        %max3A_1833 = arith.maximumf %scan3A_1811, %get3A_1832 : vector<16xf32>
        %mul3A_1834 = arith.constant 16 : i32
        %mul3A_1835 = arith.muli %scan3A_1810, %mul3A_1834 : i32
        %get3A_1836 = arith.constant 1 : i32
        %get3A_1837 = arith.index_cast %get3A_1836 : i32 to index
        %get3A_1838 = arith.index_cast %mul3A_1835 : i32 to index
        %get3A_1839 = tpu.vector_load %arg7[%get3A_1837, %get3A_1838] {strides = array<i32>} : memref<16x1000xf32, #tpu.memory_space<vmem>>, vector<16xf32>,
        %max3A_1840 = arith.maximumf %scan3A_1812, %get3A_1839 : vector<16xf32>
        %mul3A_1841 = arith.constant 16 : i32
        %mul3A_1842 = arith.muli %scan3A_1810, %mul3A_1841 : i32
        %get3A_1843 = arith.constant 2 : i32
        %get3A_1844 = arith.index_cast %get3A_1843 : i32 to index
        %get3A_1845 = arith.index_cast %mul3A_1842 : i32 to index
        %get3A_1846 = tpu.vector_load %arg7[%get3A_1844, %get3A_1845] {strides = array<i32>} : memref<16x1000xf32, #tpu.memory_space<vmem>>, vector<16xf32>,
        %max3A_1847 = arith.maximumf %scan3A_1813, %get3A_1846 : vector<16xf32>
        %mul3A_1848 = arith.constant 16 : i32
        %mul3A_1849 = arith.muli %scan3A_1810, %mul3A_1848 : i32
        %get3A_1850 = arith.constant 3 : i32
        %get3A_1851 = arith.index_cast %get3A_1850 : i32 to index
        %get3A_1852 = arith.index_cast %mul3A_1849 : i32 to index
        %get3A_1853 = tpu.vector_load %arg7[%get3A_1851, %get3A_1852] {strides = array<i32>} : memref<16x1000xf32, #tpu.memory_space<vmem>>, vector<16xf32>,
        %max3A_1854 = arith.maximumf %scan3A_1814, %get3A_1853 : vector<16xf32>
        %mul3A_1855 = arith.constant 16 : i32
        %mul3A_1856 = arith.muli %scan3A_1810, %mul3A_1855 : i32
        %get3A_1857 = arith.constant 4 : i32
        %get3A_1858 = arith.index_cast %get3A_1857 : i32 to index
        %get3A_1859 = arith.index_cast %mul3A_1856 : i32 to index
        %get3A_1860 = tpu.vector_load %arg7[%get3A_1858, %get3A_1859] {strides = array<i32>} : memref<16x1000xf32, #tpu.memory_space<vmem>>, vector<16xf32>,
        %max3A_1861 = arith.maximumf %scan3A_1815, %get3A_1860 : vector<16xf32>
        %mul3A_1862 = arith.constant 16 : i32
        %mul3A_1863 = arith.muli %scan3A_1810, %mul3A_1862 : i32
        %get3A_1864 = arith.constant 5 : i32
        %get3A_1865 = arith.index_cast %get3A_1864 : i32 to index
        %get3A_1866 = arith.index_cast %mul3A_1863 : i32 to index
        %get3A_1867 = tpu.vector_load %arg7[%get3A_1865, %get3A_1866] {strides = array<i32>} : memref<16x1000xf32, #tpu.memory_space<vmem>>, vector<16xf32>,
        %max3A_1868 = arith.maximumf %scan3A_1816, %get3A_1867 : vector<16xf32>
        %mul3A_1869 = arith.constant 16 : i32
        %mul3A_1870 = arith.muli %scan3A_1810, %mul3A_1869 : i32
        %get3A_1871 = arith.constant 6 : i32
        %get3A_1872 = arith.index_cast %get3A_1871 : i32 to index
        %get3A_1873 = arith.index_cast %mul3A_1870 : i32 to index
        %get3A_1874 = tpu.vector_load %arg7[%get3A_1872, %get3A_1873] {strides = array<i32>} : memref<16x1000xf32, #tpu.memory_space<vmem>>, vector<16xf32>,
        %max3A_1875 = arith.maximumf %scan3A_1817, %get3A_1874 : vector<16xf32>
        %mul3A_1876 = arith.constant 16 : i32
        %mul3A_1877 = arith.muli %scan3A_1810, %mul3A_1876 : i32
        %get3A_1878 = arith.constant 7 : i32
        %get3A_1879 = arith.index_cast %get3A_1878 : i32 to index
        %get3A_1880 = arith.index_cast %mul3A_1877 : i32 to index
        %get3A_1881 = tpu.vector_load %arg7[%get3A_1879, %get3A_1880] {strides = array<i32>} : memref<16x1000xf32, #tpu.memory_space<vmem>>, vector<16xf32>,
        %max3A_1882 = arith.maximumf %scan3A_1818, %get3A_1881 : vector<16xf32>
        %mul3A_1883 = arith.constant 16 : i32
        %mul3A_1884 = arith.muli %scan3A_1810, %mul3A_1883 : i32
        %get3A_1885 = arith.constant 8 : i32
        %get3A_1886 = arith.index_cast %get3A_1885 : i32 to index
        %get3A_1887 = arith.index_cast %mul3A_1884 : i32 to index
        %get3A_1888 = tpu.vector_load %arg7[%get3A_1886, %get3A_1887] {strides = array<i32>} : memref<16x1000xf32, #tpu.memory_space<vmem>>, vector<16xf32>,
        %max3A_1889 = arith.maximumf %scan3A_1819, %get3A_1888 : vector<16xf32>
        %mul3A_1890 = arith.constant 16 : i32
        %mul3A_1891 = arith.muli %scan3A_1810, %mul3A_1890 : i32
        %get3A_1892 = arith.constant 9 : i32
        %get3A_1893 = arith.index_cast %get3A_1892 : i32 to index
        %get3A_1894 = arith.index_cast %mul3A_1891 : i32 to index
        %get3A_1895 = tpu.vector_load %arg7[%get3A_1893, %get3A_1894] {strides = array<i32>} : memref<16x1000xf32, #tpu.memory_space<vmem>>, vector<16xf32>,
        %max3A_1896 = arith.maximumf %scan3A_1820, %get3A_1895 : vector<16xf32>
        %mul3A_1897 = arith.constant 16 : i32
        %mul3A_1898 = arith.muli %scan3A_1810, %mul3A_1897 : i32
        %get3A_1899 = arith.constant 10 : i32
        %get3A_1900 = arith.index_cast %get3A_1899 : i32 to index
        %get3A_1901 = arith.index_cast %mul3A_1898 : i32 to index
        %get3A_1902 = tpu.vector_load %arg7[%get3A_1900, %get3A_1901] {strides = array<i32>} : memref<16x1000xf32, #tpu.memory_space<vmem>>, vector<16xf32>,
        %max3A_1903 = arith.maximumf %scan3A_1821, %get3A_1902 : vector<16xf32>
        %mul3A_1904 = arith.constant 16 : i32
        %mul3A_1905 = arith.muli %scan3A_1810, %mul3A_1904 : i32
        %get3A_1906 = arith.constant 11 : i32
        %get3A_1907 = arith.index_cast %get3A_1906 : i32 to index
        %get3A_1908 = arith.index_cast %mul3A_1905 : i32 to index
        %get3A_1909 = tpu.vector_load %arg7[%get3A_1907, %get3A_1908] {strides = array<i32>} : memref<16x1000xf32, #tpu.memory_space<vmem>>, vector<16xf32>,
        %max3A_1910 = arith.maximumf %scan3A_1822, %get3A_1909 : vector<16xf32>
        %mul3A_1911 = arith.constant 16 : i32
        %mul3A_1912 = arith.muli %scan3A_1810, %mul3A_1911 : i32
        %get3A_1913 = arith.constant 12 : i32
        %get3A_1914 = arith.index_cast %get3A_1913 : i32 to index
        %get3A_1915 = arith.index_cast %mul3A_1912 : i32 to index
        %get3A_1916 = tpu.vector_load %arg7[%get3A_1914, %get3A_1915] {strides = array<i32>} : memref<16x1000xf32, #tpu.memory_space<vmem>>, vector<16xf32>,
        %max3A_1917 = arith.maximumf %scan3A_1823, %get3A_1916 : vector<16xf32>
        %mul3A_1918 = arith.constant 16 : i32
        %mul3A_1919 = arith.muli %scan3A_1810, %mul3A_1918 : i32
        %get3A_1920 = arith.constant 13 : i32
        %get3A_1921 = arith.index_cast %get3A_1920 : i32 to index
        %get3A_1922 = arith.index_cast %mul3A_1919 : i32 to index
        %get3A_1923 = tpu.vector_load %arg7[%get3A_1921, %get3A_1922] {strides = array<i32>} : memref<16x1000xf32, #tpu.memory_space<vmem>>, vector<16xf32>,
        %max3A_1924 = arith.maximumf %scan3A_1824, %get3A_1923 : vector<16xf32>
        %mul3A_1925 = arith.constant 16 : i32
        %mul3A_1926 = arith.muli %scan3A_1810, %mul3A_1925 : i32
        %get3A_1927 = arith.constant 14 : i32
        %get3A_1928 = arith.index_cast %get3A_1927 : i32 to index
        %get3A_1929 = arith.index_cast %mul3A_1926 : i32 to index
        %get3A_1930 = tpu.vector_load %arg7[%get3A_1928, %get3A_1929] {strides = array<i32>} : memref<16x1000xf32, #tpu.memory_space<vmem>>, vector<16xf32>,
        %max3A_1931 = arith.maximumf %scan3A_1825, %get3A_1930 : vector<16xf32>
        %mul3A_1932 = arith.constant 16 : i32
        %mul3A_1933 = arith.muli %scan3A_1810, %mul3A_1932 : i32
        %get3A_1934 = arith.constant 15 : i32
        %get3A_1935 = arith.index_cast %get3A_1934 : i32 to index
        %get3A_1936 = arith.index_cast %mul3A_1933 : i32 to index
        %get3A_1937 = tpu.vector_load %arg7[%get3A_1935, %get3A_1936] {strides = array<i32>} : memref<16x1000xf32, #tpu.memory_space<vmem>>, vector<16xf32>,
        %max3A_1938 = arith.maximumf %scan3A_1826, %get3A_1937 : vector<16xf32>
        %scan3A_1939 = arith.constant 1 : i32
        %scan3A_1940 = arith.addi %scan3A_1810, %scan3A_1939 : i32
        %mul3A_1941 = arith.constant 16 : i32
        %mul3A_1942 = arith.muli %scan3A_1940, %mul3A_1941 : i32
        %get3A_1943 = arith.constant 0 : i32
        %get3A_1944 = arith.index_cast %get3A_1943 : i32 to index
        %get3A_1945 = arith.index_cast %mul3A_1942 : i32 to index
        %get3A_1946 = tpu.vector_load %arg7[%get3A_1944, %get3A_1945] {strides = array<i32>} : memref<16x1000xf32, #tpu.memory_space<vmem>>, vector<16xf32>,
        %max3A_1947 = arith.maximumf %max3A_1833, %get3A_1946 : vector<16xf32>
        %mul3A_1948 = arith.constant 16 : i32
        %mul3A_1949 = arith.muli %scan3A_1940, %mul3A_1948 : i32
        %get3A_1950 = arith.constant 1 : i32
        %get3A_1951 = arith.index_cast %get3A_1950 : i32 to index
        %get3A_1952 = arith.index_cast %mul3A_1949 : i32 to index
        %get3A_1953 = tpu.vector_load %arg7[%get3A_1951, %get3A_1952] {strides = array<i32>} : memref<16x1000xf32, #tpu.memory_space<vmem>>, vector<16xf32>,
        %max3A_1954 = arith.maximumf %max3A_1840, %get3A_1953 : vector<16xf32>
        %mul3A_1955 = arith.constant 16 : i32
        %mul3A_1956 = arith.muli %scan3A_1940, %mul3A_1955 : i32
        %get3A_1957 = arith.constant 2 : i32
        %get3A_1958 = arith.index_cast %get3A_1957 : i32 to index
        %get3A_1959 = arith.index_cast %mul3A_1956 : i32 to index
        %get3A_1960 = tpu.vector_load %arg7[%get3A_1958, %get3A_1959] {strides = array<i32>} : memref<16x1000xf32, #tpu.memory_space<vmem>>, vector<16xf32>,
        %max3A_1961 = arith.maximumf %max3A_1847, %get3A_1960 : vector<16xf32>
        %mul3A_1962 = arith.constant 16 : i32
        %mul3A_1963 = arith.muli %scan3A_1940, %mul3A_1962 : i32
        %get3A_1964 = arith.constant 3 : i32
        %get3A_1965 = arith.index_cast %get3A_1964 : i32 to index
        %get3A_1966 = arith.index_cast %mul3A_1963 : i32 to index
        %get3A_1967 = tpu.vector_load %arg7[%get3A_1965, %get3A_1966] {strides = array<i32>} : memref<16x1000xf32, #tpu.memory_space<vmem>>, vector<16xf32>,
        %max3A_1968 = arith.maximumf %max3A_1854, %get3A_1967 : vector<16xf32>
        %mul3A_1969 = arith.constant 16 : i32
        %mul3A_1970 = arith.muli %scan3A_1940, %mul3A_1969 : i32
        %get3A_1971 = arith.constant 4 : i32
        %get3A_1972 = arith.index_cast %get3A_1971 : i32 to index
        %get3A_1973 = arith.index_cast %mul3A_1970 : i32 to index
        %get3A_1974 = tpu.vector_load %arg7[%get3A_1972, %get3A_1973] {strides = array<i32>} : memref<16x1000xf32, #tpu.memory_space<vmem>>, vector<16xf32>,
        %max3A_1975 = arith.maximumf %max3A_1861, %get3A_1974 : vector<16xf32>
        %mul3A_1976 = arith.constant 16 : i32
        %mul3A_1977 = arith.muli %scan3A_1940, %mul3A_1976 : i32
        %get3A_1978 = arith.constant 5 : i32
        %get3A_1979 = arith.index_cast %get3A_1978 : i32 to index
        %get3A_1980 = arith.index_cast %mul3A_1977 : i32 to index
        %get3A_1981 = tpu.vector_load %arg7[%get3A_1979, %get3A_1980] {strides = array<i32>} : memref<16x1000xf32, #tpu.memory_space<vmem>>, vector<16xf32>,
        %max3A_1982 = arith.maximumf %max3A_1868, %get3A_1981 : vector<16xf32>
        %mul3A_1983 = arith.constant 16 : i32
        %mul3A_1984 = arith.muli %scan3A_1940, %mul3A_1983 : i32
        %get3A_1985 = arith.constant 6 : i32
        %get3A_1986 = arith.index_cast %get3A_1985 : i32 to index
        %get3A_1987 = arith.index_cast %mul3A_1984 : i32 to index
        %get3A_1988 = tpu.vector_load %arg7[%get3A_1986, %get3A_1987] {strides = array<i32>} : memref<16x1000xf32, #tpu.memory_space<vmem>>, vector<16xf32>,
        %max3A_1989 = arith.maximumf %max3A_1875, %get3A_1988 : vector<16xf32>
        %mul3A_1990 = arith.constant 16 : i32
        %mul3A_1991 = arith.muli %scan3A_1940, %mul3A_1990 : i32
        %get3A_1992 = arith.constant 7 : i32
        %get3A_1993 = arith.index_cast %get3A_1992 : i32 to index
        %get3A_1994 = arith.index_cast %mul3A_1991 : i32 to index
        %get3A_1995 = tpu.vector_load %arg7[%get3A_1993, %get3A_1994] {strides = array<i32>} : memref<16x1000xf32, #tpu.memory_space<vmem>>, vector<16xf32>,
        %max3A_1996 = arith.maximumf %max3A_1882, %get3A_1995 : vector<16xf32>
        %mul3A_1997 = arith.constant 16 : i32
        %mul3A_1998 = arith.muli %scan3A_1940, %mul3A_1997 : i32
        %get3A_1999 = arith.constant 8 : i32
        %get3A_2000 = arith.index_cast %get3A_1999 : i32 to index
        %get3A_2001 = arith.index_cast %mul3A_1998 : i32 to index
        %get3A_2002 = tpu.vector_load %arg7[%get3A_2000, %get3A_2001] {strides = array<i32>} : memref<16x1000xf32, #tpu.memory_space<vmem>>, vector<16xf32>,
        %max3A_2003 = arith.maximumf %max3A_1889, %get3A_2002 : vector<16xf32>
        %mul3A_2004 = arith.constant 16 : i32
        %mul3A_2005 = arith.muli %scan3A_1940, %mul3A_2004 : i32
        %get3A_2006 = arith.constant 9 : i32
        %get3A_2007 = arith.index_cast %get3A_2006 : i32 to index
        %get3A_2008 = arith.index_cast %mul3A_2005 : i32 to index
        %get3A_2009 = tpu.vector_load %arg7[%get3A_2007, %get3A_2008] {strides = array<i32>} : memref<16x1000xf32, #tpu.memory_space<vmem>>, vector<16xf32>,
        %max3A_2010 = arith.maximumf %max3A_1896, %get3A_2009 : vector<16xf32>
        %mul3A_2011 = arith.constant 16 : i32
        %mul3A_2012 = arith.muli %scan3A_1940, %mul3A_2011 : i32
        %get3A_2013 = arith.constant 10 : i32
        %get3A_2014 = arith.index_cast %get3A_2013 : i32 to index
        %get3A_2015 = arith.index_cast %mul3A_2012 : i32 to index
        %get3A_2016 = tpu.vector_load %arg7[%get3A_2014, %get3A_2015] {strides = array<i32>} : memref<16x1000xf32, #tpu.memory_space<vmem>>, vector<16xf32>,
        %max3A_2017 = arith.maximumf %max3A_1903, %get3A_2016 : vector<16xf32>
        %mul3A_2018 = arith.constant 16 : i32
        %mul3A_2019 = arith.muli %scan3A_1940, %mul3A_2018 : i32
        %get3A_2020 = arith.constant 11 : i32
        %get3A_2021 = arith.index_cast %get3A_2020 : i32 to index
        %get3A_2022 = arith.index_cast %mul3A_2019 : i32 to index
        %get3A_2023 = tpu.vector_load %arg7[%get3A_2021, %get3A_2022] {strides = array<i32>} : memref<16x1000xf32, #tpu.memory_space<vmem>>, vector<16xf32>,
        %max3A_2024 = arith.maximumf %max3A_1910, %get3A_2023 : vector<16xf32>
        %mul3A_2025 = arith.constant 16 : i32
        %mul3A_2026 = arith.muli %scan3A_1940, %mul3A_2025 : i32
        %get3A_2027 = arith.constant 12 : i32
        %get3A_2028 = arith.index_cast %get3A_2027 : i32 to index
        %get3A_2029 = arith.index_cast %mul3A_2026 : i32 to index
        %get3A_2030 = tpu.vector_load %arg7[%get3A_2028, %get3A_2029] {strides = array<i32>} : memref<16x1000xf32, #tpu.memory_space<vmem>>, vector<16xf32>,
        %max3A_2031 = arith.maximumf %max3A_1917, %get3A_2030 : vector<16xf32>
        %mul3A_2032 = arith.constant 16 : i32
        %mul3A_2033 = arith.muli %scan3A_1940, %mul3A_2032 : i32
        %get3A_2034 = arith.constant 13 : i32
        %get3A_2035 = arith.index_cast %get3A_2034 : i32 to index
        %get3A_2036 = arith.index_cast %mul3A_2033 : i32 to index
        %get3A_2037 = tpu.vector_load %arg7[%get3A_2035, %get3A_2036] {strides = array<i32>} : memref<16x1000xf32, #tpu.memory_space<vmem>>, vector<16xf32>,
        %max3A_2038 = arith.maximumf %max3A_1924, %get3A_2037 : vector<16xf32>
        %mul3A_2039 = arith.constant 16 : i32
        %mul3A_2040 = arith.muli %scan3A_1940, %mul3A_2039 : i32
        %get3A_2041 = arith.constant 14 : i32
        %get3A_2042 = arith.index_cast %get3A_2041 : i32 to index
        %get3A_2043 = arith.index_cast %mul3A_2040 : i32 to index
        %get3A_2044 = tpu.vector_load %arg7[%get3A_2042, %get3A_2043] {strides = array<i32>} : memref<16x1000xf32, #tpu.memory_space<vmem>>, vector<16xf32>,
        %max3A_2045 = arith.maximumf %max3A_1931, %get3A_2044 : vector<16xf32>
        %mul3A_2046 = arith.constant 16 : i32
        %mul3A_2047 = arith.muli %scan3A_1940, %mul3A_2046 : i32
        %get3A_2048 = arith.constant 15 : i32
        %get3A_2049 = arith.index_cast %get3A_2048 : i32 to index
        %get3A_2050 = arith.index_cast %mul3A_2047 : i32 to index
        %get3A_2051 = tpu.vector_load %arg7[%get3A_2049, %get3A_2050] {strides = array<i32>} : memref<16x1000xf32, #tpu.memory_space<vmem>>, vector<16xf32>,
        %max3A_2052 = arith.maximumf %max3A_1938, %get3A_2051 : vector<16xf32>
        scf.yield %max3A_1947, %max3A_1954, %max3A_1961, %max3A_1968, %max3A_1975, %max3A_1982, %max3A_1989, %max3A_1996, %max3A_2003, %max3A_2010, %max3A_2017, %max3A_2024, %max3A_2031, %max3A_2038, %max3A_2045, %max3A_2052 : vector<16xf32>, vector<16xf32>, vector<16xf32>, vector<16xf32>, vector<16xf32>, vector<16xf32>, vector<16xf32>, vector<16xf32>, vector<16xf32>, vector<16xf32>, vector<16xf32>, vector<16xf32>, vector<16xf32>, vector<16xf32>, vector<16xf32>, vector<16xf32>
      }
      %scan3A_199 = arith.constant 62 : i32
      %get3A_200 = arith.constant 0 : i32
      %get3A_201 = arith.index_cast %get3A_200 : i32 to index
      %get3A_202 = arith.constant 984 : index
      %get3A_203 = tpu.vector_load %arg7[%get3A_201, %get3A_202] {strides = array<i32>} : memref<16x1000xf32, #tpu.memory_space<vmem>>, vector<16xf32>,
      %get3A_204 = arith.constant 1 : i32
      %get3A_205 = arith.index_cast %get3A_204 : i32 to index
      %get3A_206 = arith.constant 984 : index
      %get3A_207 = tpu.vector_load %arg7[%get3A_205, %get3A_206] {strides = array<i32>} : memref<16x1000xf32, #tpu.memory_space<vmem>>, vector<16xf32>,
      %get3A_208 = arith.constant 2 : i32
      %get3A_209 = arith.index_cast %get3A_208 : i32 to index
      %get3A_210 = arith.constant 984 : index
      %get3A_211 = tpu.vector_load %arg7[%get3A_209, %get3A_210] {strides = array<i32>} : memref<16x1000xf32, #tpu.memory_space<vmem>>, vector<16xf32>,
      %get3A_212 = arith.constant 3 : i32
      %get3A_213 = arith.index_cast %get3A_212 : i32 to index
      %get3A_214 = arith.constant 984 : index
      %get3A_215 = tpu.vector_load %arg7[%get3A_213, %get3A_214] {strides = array<i32>} : memref<16x1000xf32, #tpu.memory_space<vmem>>, vector<16xf32>,
      %get3A_216 = arith.constant 4 : i32
      %get3A_217 = arith.index_cast %get3A_216 : i32 to index
      %get3A_218 = arith.constant 984 : index
      %get3A_219 = tpu.vector_load %arg7[%get3A_217, %get3A_218] {strides = array<i32>} : memref<16x1000xf32, #tpu.memory_space<vmem>>, vector<16xf32>,
      %get3A_220 = arith.constant 5 : i32
      %get3A_221 = arith.index_cast %get3A_220 : i32 to index
      %get3A_222 = arith.constant 984 : index
      %get3A_223 = tpu.vector_load %arg7[%get3A_221, %get3A_222] {strides = array<i32>} : memref<16x1000xf32, #tpu.memory_space<vmem>>, vector<16xf32>,
      %get3A_224 = arith.constant 6 : i32
      %get3A_225 = arith.index_cast %get3A_224 : i32 to index
      %get3A_226 = arith.constant 984 : index
      %get3A_227 = tpu.vector_load %arg7[%get3A_225, %get3A_226] {strides = array<i32>} : memref<16x1000xf32, #tpu.memory_space<vmem>>, vector<16xf32>,
      %get3A_228 = arith.constant 7 : i32
      %get3A_229 = arith.index_cast %get3A_228 : i32 to index
      %get3A_230 = arith.constant 984 : index
      %get3A_231 = tpu.vector_load %arg7[%get3A_229, %get3A_230] {strides = array<i32>} : memref<16x1000xf32, #tpu.memory_space<vmem>>, vector<16xf32>,
      %get3A_232 = arith.constant 8 : i32
      %get3A_233 = arith.index_cast %get3A_232 : i32 to index
      %get3A_234 = arith.constant 984 : index
      %get3A_235 = tpu.vector_load %arg7[%get3A_233, %get3A_234] {strides = array<i32>} : memref<16x1000xf32, #tpu.memory_space<vmem>>, vector<16xf32>,
      %get3A_236 = arith.constant 9 : i32
      %get3A_237 = arith.index_cast %get3A_236 : i32 to index
      %get3A_238 = arith.constant 984 : index
      %get3A_239 = tpu.vector_load %arg7[%get3A_237, %get3A_238] {strides = array<i32>} : memref<16x1000xf32, #tpu.memory_space<vmem>>, vector<16xf32>,
      %get3A_240 = arith.constant 10 : i32
      %get3A_241 = arith.index_cast %get3A_240 : i32 to index
      %get3A_242 = arith.constant 984 : index
      %get3A_243 = tpu.vector_load %arg7[%get3A_241, %get3A_242] {strides = array<i32>} : memref<16x1000xf32, #tpu.memory_space<vmem>>, vector<16xf32>,
      %get3A_244 = arith.constant 11 : i32
      %get3A_245 = arith.index_cast %get3A_244 : i32 to index
      %get3A_246 = arith.constant 984 : index
      %get3A_247 = tpu.vector_load %arg7[%get3A_245, %get3A_246] {strides = array<i32>} : memref<16x1000xf32, #tpu.memory_space<vmem>>, vector<16xf32>,
      %get3A_248 = arith.constant 12 : i32
      %get3A_249 = arith.index_cast %get3A_248 : i32 to index
      %get3A_250 = arith.constant 984 : index
      %get3A_251 = tpu.vector_load %arg7[%get3A_249, %get3A_250] {strides = array<i32>} : memref<16x1000xf32, #tpu.memory_space<vmem>>, vector<16xf32>,
      %get3A_252 = arith.constant 13 : i32
      %get3A_253 = arith.index_cast %get3A_252 : i32 to index
      %get3A_254 = arith.constant 984 : index
      %get3A_255 = tpu.vector_load %arg7[%get3A_253, %get3A_254] {strides = array<i32>} : memref<16x1000xf32, #tpu.memory_space<vmem>>, vector<16xf32>,
      %get3A_256 = arith.constant 14 : i32
      %get3A_257 = arith.index_cast %get3A_256 : i32 to index
      %get3A_258 = arith.constant 984 : index
      %get3A_259 = tpu.vector_load %arg7[%get3A_257, %get3A_258] {strides = array<i32>} : memref<16x1000xf32, #tpu.memory_space<vmem>>, vector<16xf32>,
      %get3A_260 = arith.constant 15 : i32
      %get3A_261 = arith.index_cast %get3A_260 : i32 to index
      %get3A_262 = arith.constant 984 : index
      %get3A_263 = tpu.vector_load %arg7[%get3A_261, %get3A_262] {strides = array<i32>} : memref<16x1000xf32, #tpu.memory_space<vmem>>, vector<16xf32>,
      %max3A_264 = arith.maximumf %scan3A_198#0, %get3A_203 : vector<16xf32>
      %reduce_max3A_265 = arith.constant true
      %reduce_max3A_266 = vector.broadcast %reduce_max3A_265 : i1 to vector<16xi1>
      %reduce_max3A_267 = tpu.scan <max>, %max3A_264 masked %reduce_max3A_266 : vector<16xf32>, vector<16xi1> -> vector<16xf32>
      %reduce_max3A_268 = vector.extract %reduce_max3A_267[15] : f32 from vector<16xf32>
      %max3A_269 = arith.maximumf %scan3A_198#1, %get3A_207 : vector<16xf32>
      %reduce_max3A_270 = arith.constant true
      %reduce_max3A_271 = vector.broadcast %reduce_max3A_270 : i1 to vector<16xi1>
      %reduce_max3A_272 = tpu.scan <max>, %max3A_269 masked %reduce_max3A_271 : vector<16xf32>, vector<16xi1> -> vector<16xf32>
      %reduce_max3A_273 = vector.extract %reduce_max3A_272[15] : f32 from vector<16xf32>
      %max3A_274 = arith.maximumf %scan3A_198#2, %get3A_211 : vector<16xf32>
      %reduce_max3A_275 = arith.constant true
      %reduce_max3A_276 = vector.broadcast %reduce_max3A_275 : i1 to vector<16xi1>
      %reduce_max3A_277 = tpu.scan <max>, %max3A_274 masked %reduce_max3A_276 : vector<16xf32>, vector<16xi1> -> vector<16xf32>
      %reduce_max3A_278 = vector.extract %reduce_max3A_277[15] : f32 from vector<16xf32>
      %max3A_279 = arith.maximumf %scan3A_198#3, %get3A_215 : vector<16xf32>
      %reduce_max3A_280 = arith.constant true
      %reduce_max3A_281 = vector.broadcast %reduce_max3A_280 : i1 to vector<16xi1>
      %reduce_max3A_282 = tpu.scan <max>, %max3A_279 masked %reduce_max3A_281 : vector<16xf32>, vector<16xi1> -> vector<16xf32>
      %reduce_max3A_283 = vector.extract %reduce_max3A_282[15] : f32 from vector<16xf32>
      %max3A_284 = arith.maximumf %scan3A_198#4, %get3A_219 : vector<16xf32>
      %reduce_max3A_285 = arith.constant true
      %reduce_max3A_286 = vector.broadcast %reduce_max3A_285 : i1 to vector<16xi1>
      %reduce_max3A_287 = tpu.scan <max>, %max3A_284 masked %reduce_max3A_286 : vector<16xf32>, vector<16xi1> -> vector<16xf32>
      %reduce_max3A_288 = vector.extract %reduce_max3A_287[15] : f32 from vector<16xf32>
      %max3A_289 = arith.maximumf %scan3A_198#5, %get3A_223 : vector<16xf32>
      %reduce_max3A_290 = arith.constant true
      %reduce_max3A_291 = vector.broadcast %reduce_max3A_290 : i1 to vector<16xi1>
      %reduce_max3A_292 = tpu.scan <max>, %max3A_289 masked %reduce_max3A_291 : vector<16xf32>, vector<16xi1> -> vector<16xf32>
      %reduce_max3A_293 = vector.extract %reduce_max3A_292[15] : f32 from vector<16xf32>
      %max3A_294 = arith.maximumf %scan3A_198#6, %get3A_227 : vector<16xf32>
      %reduce_max3A_295 = arith.constant true
      %reduce_max3A_296 = vector.broadcast %reduce_max3A_295 : i1 to vector<16xi1>
      %reduce_max3A_297 = tpu.scan <max>, %max3A_294 masked %reduce_max3A_296 : vector<16xf32>, vector<16xi1> -> vector<16xf32>
      %reduce_max3A_298 = vector.extract %reduce_max3A_297[15] : f32 from vector<16xf32>
      %max3A_299 = arith.maximumf %scan3A_198#7, %get3A_231 : vector<16xf32>
      %reduce_max3A_300 = arith.constant true
      %reduce_max3A_301 = vector.broadcast %reduce_max3A_300 : i1 to vector<16xi1>
      %reduce_max3A_302 = tpu.scan <max>, %max3A_299 masked %reduce_max3A_301 : vector<16xf32>, vector<16xi1> -> vector<16xf32>
      %reduce_max3A_303 = vector.extract %reduce_max3A_302[15] : f32 from vector<16xf32>
      %max3A_304 = arith.maximumf %scan3A_198#8, %get3A_235 : vector<16xf32>
      %reduce_max3A_305 = arith.constant true
      %reduce_max3A_306 = vector.broadcast %reduce_max3A_305 : i1 to vector<16xi1>
      %reduce_max3A_307 = tpu.scan <max>, %max3A_304 masked %reduce_max3A_306 : vector<16xf32>, vector<16xi1> -> vector<16xf32>
      %reduce_max3A_308 = vector.extract %reduce_max3A_307[15] : f32 from vector<16xf32>
      %max3A_309 = arith.maximumf %scan3A_198#9, %get3A_239 : vector<16xf32>
      %reduce_max3A_310 = arith.constant true
      %reduce_max3A_311 = vector.broadcast %reduce_max3A_310 : i1 to vector<16xi1>
      %reduce_max3A_312 = tpu.scan <max>, %max3A_309 masked %reduce_max3A_311 : vector<16xf32>, vector<16xi1> -> vector<16xf32>
      %reduce_max3A_313 = vector.extract %reduce_max3A_312[15] : f32 from vector<16xf32>
      %max3A_314 = arith.maximumf %scan3A_198#10, %get3A_243 : vector<16xf32>
      %reduce_max3A_315 = arith.constant true
      %reduce_max3A_316 = vector.broadcast %reduce_max3A_315 : i1 to vector<16xi1>
      %reduce_max3A_317 = tpu.scan <max>, %max3A_314 masked %reduce_max3A_316 : vector<16xf32>, vector<16xi1> -> vector<16xf32>
      %reduce_max3A_318 = vector.extract %reduce_max3A_317[15] : f32 from vector<16xf32>
      %max3A_319 = arith.maximumf %scan3A_198#11, %get3A_247 : vector<16xf32>
      %reduce_max3A_320 = arith.constant true
      %reduce_max3A_321 = vector.broadcast %reduce_max3A_320 : i1 to vector<16xi1>
      %reduce_max3A_322 = tpu.scan <max>, %max3A_319 masked %reduce_max3A_321 : vector<16xf32>, vector<16xi1> -> vector<16xf32>
      %reduce_max3A_323 = vector.extract %reduce_max3A_322[15] : f32 from vector<16xf32>
      %max3A_324 = arith.maximumf %scan3A_198#12, %get3A_251 : vector<16xf32>
      %reduce_max3A_325 = arith.constant true
      %reduce_max3A_326 = vector.broadcast %reduce_max3A_325 : i1 to vector<16xi1>
      %reduce_max3A_327 = tpu.scan <max>, %max3A_324 masked %reduce_max3A_326 : vector<16xf32>, vector<16xi1> -> vector<16xf32>
      %reduce_max3A_328 = vector.extract %reduce_max3A_327[15] : f32 from vector<16xf32>
      %max3A_329 = arith.maximumf %scan3A_198#13, %get3A_255 : vector<16xf32>
      %reduce_max3A_330 = arith.constant true
      %reduce_max3A_331 = vector.broadcast %reduce_max3A_330 : i1 to vector<16xi1>
      %reduce_max3A_332 = tpu.scan <max>, %max3A_329 masked %reduce_max3A_331 : vector<16xf32>, vector<16xi1> -> vector<16xf32>
      %reduce_max3A_333 = vector.extract %reduce_max3A_332[15] : f32 from vector<16xf32>
      %max3A_334 = arith.maximumf %scan3A_198#14, %get3A_259 : vector<16xf32>
      %reduce_max3A_335 = arith.constant true
      %reduce_max3A_336 = vector.broadcast %reduce_max3A_335 : i1 to vector<16xi1>
      %reduce_max3A_337 = tpu.scan <max>, %max3A_334 masked %reduce_max3A_336 : vector<16xf32>, vector<16xi1> -> vector<16xf32>
      %reduce_max3A_338 = vector.extract %reduce_max3A_337[15] : f32 from vector<16xf32>
      %max3A_339 = arith.maximumf %scan3A_198#15, %get3A_263 : vector<16xf32>
      %reduce_max3A_340 = arith.constant true
      %reduce_max3A_341 = vector.broadcast %reduce_max3A_340 : i1 to vector<16xi1>
      %reduce_max3A_342 = tpu.scan <max>, %max3A_339 masked %reduce_max3A_341 : vector<16xf32>, vector<16xi1> -> vector<16xf32>
      %reduce_max3A_343 = vector.extract %reduce_max3A_342[15] : f32 from vector<16xf32>
      %broadcast_in_dim3A_344 = arith.constant 0.000000e+00 : f32
      %broadcast_in_dim3A_345 = vector.broadcast %broadcast_in_dim3A_344 : f32 to vector<16xf32>
      %scan3A_346 = arith.constant 0 : i32
      %scan3A_347 = arith.constant 62 : i32
      %scan3A_348 = arith.addi %scan3A_346, %scan3A_347 : i32
      %scan3A_349 = arith.constant 2 : i32
      %scan3A_350:32 = scf.for %scan3A_1810 = %scan3A_346 to %scan3A_348 step %scan3A_349 iter_args(%scan3A_1811 = %broadcast_in_dim3A_345, %scan3A_1812 = %broadcast_in_dim3A_345, %scan3A_1813 = %broadcast_in_dim3A_345, %scan3A_1814 = %broadcast_in_dim3A_345, %scan3A_1815 = %broadcast_in_dim3A_345, %scan3A_1816 = %broadcast_in_dim3A_345, %scan3A_1817 = %broadcast_in_dim3A_345, %scan3A_1818 = %broadcast_in_dim3A_345, %scan3A_1819 = %broadcast_in_dim3A_345, %scan3A_1820 = %broadcast_in_dim3A_345, %scan3A_1821 = %broadcast_in_dim3A_345, %scan3A_1822 = %broadcast_in_dim3A_345, %scan3A_1823 = %broadcast_in_dim3A_345, %scan3A_1824 = %broadcast_in_dim3A_345, %scan3A_1825 = %broadcast_in_dim3A_345, %scan3A_1826 = %broadcast_in_dim3A_345, %scan3A_1827 = %broadcast_in_dim3A_3, %scan3A_1828 = %broadcast_in_dim3A_3, %scan3A_1829 = %broadcast_in_dim3A_3, %scan3A_1830 = %broadcast_in_dim3A_3, %scan3A_1831 = %broadcast_in_dim3A_3, %scan3A_1832 = %broadcast_in_dim3A_3, %scan3A_1833 = %broadcast_in_dim3A_3, %scan3A_1834 = %broadcast_in_dim3A_3, %scan3A_1835 = %broadcast_in_dim3A_3, %scan3A_1836 = %broadcast_in_dim3A_3, %scan3A_1837 = %broadcast_in_dim3A_3, %scan3A_1838 = %broadcast_in_dim3A_3, %scan3A_1839 = %broadcast_in_dim3A_3, %scan3A_1840 = %broadcast_in_dim3A_3, %scan3A_1841 = %broadcast_in_dim3A_3, %scan3A_1842 = %broadcast_in_dim3A_3) -> (vector<16xf32>, vector<16xf32>, vector<16xf32>, vector<16xf32>, vector<16xf32>, vector<16xf32>, vector<16xf32>, vector<16xf32>, vector<16xf32>, vector<16xf32>, vector<16xf32>, vector<16xf32>, vector<16xf32>, vector<16xf32>, vector<16xf32>, vector<16xf32>, vector<16xf32>, vector<16xf32>, vector<16xf32>, vector<16xf32>, vector<16xf32>, vector<16xf32>, vector<16xf32>, vector<16xf32>, vector<16xf32>, vector<16xf32>, vector<16xf32>, vector<16xf32>, vector<16xf32>, vector<16xf32>, vector<16xf32>, vector<16xf32>)  : i32 {
        %mul3A_1843 = arith.constant 16 : i32
        %mul3A_1844 = arith.muli %scan3A_1810, %mul3A_1843 : i32
        %convert_element_type3A_1845 = arith.sitofp %mul3A_1844 : i32 to f32
        %add3A_1846 = vector.broadcast %convert_element_type3A_1845 : f32 to vector<16xf32>
        %add3A_1847 = arith.addf %add3A_1846, %convert_element_type3A : vector<16xf32>
        %mul3A_1848 = arith.constant 16 : i32
        %mul3A_1849 = arith.muli %scan3A_1810, %mul3A_1848 : i32
        %get3A_1850 = arith.constant 0 : i32
        %get3A_1851 = arith.index_cast %get3A_1850 : i32 to index
        %get3A_1852 = arith.index_cast %mul3A_1849 : i32 to index
        %get3A_1853 = tpu.vector_load %arg7[%get3A_1851, %get3A_1852] {strides = array<i32>} : memref<16x1000xf32, #tpu.memory_space<vmem>>, vector<16xf32>,
        %sub3A_1854 = vector.broadcast %reduce_max3A_268 : f32 to vector<16xf32>
        %sub3A_1855 = arith.subf %get3A_1853, %sub3A_1854 : vector<16xf32>
        %exp3A_1856 = math.exp %sub3A_1855 : vector<16xf32>
        %add3A_1857 = arith.addf %scan3A_1811, %exp3A_1856 : vector<16xf32>
        %eq3A_1858 = vector.broadcast %reduce_max3A_43 : f32 to vector<16xf32>
        %eq3A_1859 = arith.cmpf oeq, %add3A_1847, %eq3A_1858 : vector<16xf32>
        %select_n3A_1860 = arith.select %eq3A_1859, %get3A_1853, %scan3A_1827 : vector<16xi1>, vector<16xf32>
        %mul3A_1861 = arith.constant 16 : i32
        %mul3A_1862 = arith.muli %scan3A_1810, %mul3A_1861 : i32
        %get3A_1863 = arith.constant 1 : i32
        %get3A_1864 = arith.index_cast %get3A_1863 : i32 to index
        %get3A_1865 = arith.index_cast %mul3A_1862 : i32 to index
        %get3A_1866 = tpu.vector_load %arg7[%get3A_1864, %get3A_1865] {strides = array<i32>} : memref<16x1000xf32, #tpu.memory_space<vmem>>, vector<16xf32>,
        %sub3A_1867 = vector.broadcast %reduce_max3A_273 : f32 to vector<16xf32>
        %sub3A_1868 = arith.subf %get3A_1866, %sub3A_1867 : vector<16xf32>
        %exp3A_1869 = math.exp %sub3A_1868 : vector<16xf32>
        %add3A_1870 = arith.addf %scan3A_1812, %exp3A_1869 : vector<16xf32>
        %eq3A_1871 = vector.broadcast %reduce_max3A_53 : f32 to vector<16xf32>
        %eq3A_1872 = arith.cmpf oeq, %add3A_1847, %eq3A_1871 : vector<16xf32>
        %select_n3A_1873 = arith.select %eq3A_1872, %get3A_1866, %scan3A_1828 : vector<16xi1>, vector<16xf32>
        %mul3A_1874 = arith.constant 16 : i32
        %mul3A_1875 = arith.muli %scan3A_1810, %mul3A_1874 : i32
        %get3A_1876 = arith.constant 2 : i32
        %get3A_1877 = arith.index_cast %get3A_1876 : i32 to index
        %get3A_1878 = arith.index_cast %mul3A_1875 : i32 to index
        %get3A_1879 = tpu.vector_load %arg7[%get3A_1877, %get3A_1878] {strides = array<i32>} : memref<16x1000xf32, #tpu.memory_space<vmem>>, vector<16xf32>,
        %sub3A_1880 = vector.broadcast %reduce_max3A_278 : f32 to vector<16xf32>
        %sub3A_1881 = arith.subf %get3A_1879, %sub3A_1880 : vector<16xf32>
        %exp3A_1882 = math.exp %sub3A_1881 : vector<16xf32>
        %add3A_1883 = arith.addf %scan3A_1813, %exp3A_1882 : vector<16xf32>
        %eq3A_1884 = vector.broadcast %reduce_max3A_63 : f32 to vector<16xf32>
        %eq3A_1885 = arith.cmpf oeq, %add3A_1847, %eq3A_1884 : vector<16xf32>
        %select_n3A_1886 = arith.select %eq3A_1885, %get3A_1879, %scan3A_1829 : vector<16xi1>, vector<16xf32>
        %mul3A_1887 = arith.constant 16 : i32
        %mul3A_1888 = arith.muli %scan3A_1810, %mul3A_1887 : i32
        %get3A_1889 = arith.constant 3 : i32
        %get3A_1890 = arith.index_cast %get3A_1889 : i32 to index
        %get3A_1891 = arith.index_cast %mul3A_1888 : i32 to index
        %get3A_1892 = tpu.vector_load %arg7[%get3A_1890, %get3A_1891] {strides = array<i32>} : memref<16x1000xf32, #tpu.memory_space<vmem>>, vector<16xf32>,
        %sub3A_1893 = vector.broadcast %reduce_max3A_283 : f32 to vector<16xf32>
        %sub3A_1894 = arith.subf %get3A_1892, %sub3A_1893 : vector<16xf32>
        %exp3A_1895 = math.exp %sub3A_1894 : vector<16xf32>
        %add3A_1896 = arith.addf %scan3A_1814, %exp3A_1895 : vector<16xf32>
        %eq3A_1897 = vector.broadcast %reduce_max3A_73 : f32 to vector<16xf32>
        %eq3A_1898 = arith.cmpf oeq, %add3A_1847, %eq3A_1897 : vector<16xf32>
        %select_n3A_1899 = arith.select %eq3A_1898, %get3A_1892, %scan3A_1830 : vector<16xi1>, vector<16xf32>
        %mul3A_1900 = arith.constant 16 : i32
        %mul3A_1901 = arith.muli %scan3A_1810, %mul3A_1900 : i32
        %get3A_1902 = arith.constant 4 : i32
        %get3A_1903 = arith.index_cast %get3A_1902 : i32 to index
        %get3A_1904 = arith.index_cast %mul3A_1901 : i32 to index
        %get3A_1905 = tpu.vector_load %arg7[%get3A_1903, %get3A_1904] {strides = array<i32>} : memref<16x1000xf32, #tpu.memory_space<vmem>>, vector<16xf32>,
        %sub3A_1906 = vector.broadcast %reduce_max3A_288 : f32 to vector<16xf32>
        %sub3A_1907 = arith.subf %get3A_1905, %sub3A_1906 : vector<16xf32>
        %exp3A_1908 = math.exp %sub3A_1907 : vector<16xf32>
        %add3A_1909 = arith.addf %scan3A_1815, %exp3A_1908 : vector<16xf32>
        %eq3A_1910 = vector.broadcast %reduce_max3A_83 : f32 to vector<16xf32>
        %eq3A_1911 = arith.cmpf oeq, %add3A_1847, %eq3A_1910 : vector<16xf32>
        %select_n3A_1912 = arith.select %eq3A_1911, %get3A_1905, %scan3A_1831 : vector<16xi1>, vector<16xf32>
        %mul3A_1913 = arith.constant 16 : i32
        %mul3A_1914 = arith.muli %scan3A_1810, %mul3A_1913 : i32
        %get3A_1915 = arith.constant 5 : i32
        %get3A_1916 = arith.index_cast %get3A_1915 : i32 to index
        %get3A_1917 = arith.index_cast %mul3A_1914 : i32 to index
        %get3A_1918 = tpu.vector_load %arg7[%get3A_1916, %get3A_1917] {strides = array<i32>} : memref<16x1000xf32, #tpu.memory_space<vmem>>, vector<16xf32>,
        %sub3A_1919 = vector.broadcast %reduce_max3A_293 : f32 to vector<16xf32>
        %sub3A_1920 = arith.subf %get3A_1918, %sub3A_1919 : vector<16xf32>
        %exp3A_1921 = math.exp %sub3A_1920 : vector<16xf32>
        %add3A_1922 = arith.addf %scan3A_1816, %exp3A_1921 : vector<16xf32>
        %eq3A_1923 = vector.broadcast %reduce_max3A_93 : f32 to vector<16xf32>
        %eq3A_1924 = arith.cmpf oeq, %add3A_1847, %eq3A_1923 : vector<16xf32>
        %select_n3A_1925 = arith.select %eq3A_1924, %get3A_1918, %scan3A_1832 : vector<16xi1>, vector<16xf32>
        %mul3A_1926 = arith.constant 16 : i32
        %mul3A_1927 = arith.muli %scan3A_1810, %mul3A_1926 : i32
        %get3A_1928 = arith.constant 6 : i32
        %get3A_1929 = arith.index_cast %get3A_1928 : i32 to index
        %get3A_1930 = arith.index_cast %mul3A_1927 : i32 to index
        %get3A_1931 = tpu.vector_load %arg7[%get3A_1929, %get3A_1930] {strides = array<i32>} : memref<16x1000xf32, #tpu.memory_space<vmem>>, vector<16xf32>,
        %sub3A_1932 = vector.broadcast %reduce_max3A_298 : f32 to vector<16xf32>
        %sub3A_1933 = arith.subf %get3A_1931, %sub3A_1932 : vector<16xf32>
        %exp3A_1934 = math.exp %sub3A_1933 : vector<16xf32>
        %add3A_1935 = arith.addf %scan3A_1817, %exp3A_1934 : vector<16xf32>
        %eq3A_1936 = vector.broadcast %reduce_max3A_103 : f32 to vector<16xf32>
        %eq3A_1937 = arith.cmpf oeq, %add3A_1847, %eq3A_1936 : vector<16xf32>
        %select_n3A_1938 = arith.select %eq3A_1937, %get3A_1931, %scan3A_1833 : vector<16xi1>, vector<16xf32>
        %mul3A_1939 = arith.constant 16 : i32
        %mul3A_1940 = arith.muli %scan3A_1810, %mul3A_1939 : i32
        %get3A_1941 = arith.constant 7 : i32
        %get3A_1942 = arith.index_cast %get3A_1941 : i32 to index
        %get3A_1943 = arith.index_cast %mul3A_1940 : i32 to index
        %get3A_1944 = tpu.vector_load %arg7[%get3A_1942, %get3A_1943] {strides = array<i32>} : memref<16x1000xf32, #tpu.memory_space<vmem>>, vector<16xf32>,
        %sub3A_1945 = vector.broadcast %reduce_max3A_303 : f32 to vector<16xf32>
        %sub3A_1946 = arith.subf %get3A_1944, %sub3A_1945 : vector<16xf32>
        %exp3A_1947 = math.exp %sub3A_1946 : vector<16xf32>
        %add3A_1948 = arith.addf %scan3A_1818, %exp3A_1947 : vector<16xf32>
        %eq3A_1949 = vector.broadcast %reduce_max3A_113 : f32 to vector<16xf32>
        %eq3A_1950 = arith.cmpf oeq, %add3A_1847, %eq3A_1949 : vector<16xf32>
        %select_n3A_1951 = arith.select %eq3A_1950, %get3A_1944, %scan3A_1834 : vector<16xi1>, vector<16xf32>
        %mul3A_1952 = arith.constant 16 : i32
        %mul3A_1953 = arith.muli %scan3A_1810, %mul3A_1952 : i32
        %get3A_1954 = arith.constant 8 : i32
        %get3A_1955 = arith.index_cast %get3A_1954 : i32 to index
        %get3A_1956 = arith.index_cast %mul3A_1953 : i32 to index
        %get3A_1957 = tpu.vector_load %arg7[%get3A_1955, %get3A_1956] {strides = array<i32>} : memref<16x1000xf32, #tpu.memory_space<vmem>>, vector<16xf32>,
        %sub3A_1958 = vector.broadcast %reduce_max3A_308 : f32 to vector<16xf32>
        %sub3A_1959 = arith.subf %get3A_1957, %sub3A_1958 : vector<16xf32>
        %exp3A_1960 = math.exp %sub3A_1959 : vector<16xf32>
        %add3A_1961 = arith.addf %scan3A_1819, %exp3A_1960 : vector<16xf32>
        %eq3A_1962 = vector.broadcast %reduce_max3A_123 : f32 to vector<16xf32>
        %eq3A_1963 = arith.cmpf oeq, %add3A_1847, %eq3A_1962 : vector<16xf32>
        %select_n3A_1964 = arith.select %eq3A_1963, %get3A_1957, %scan3A_1835 : vector<16xi1>, vector<16xf32>
        %mul3A_1965 = arith.constant 16 : i32
        %mul3A_1966 = arith.muli %scan3A_1810, %mul3A_1965 : i32
        %get3A_1967 = arith.constant 9 : i32
        %get3A_1968 = arith.index_cast %get3A_1967 : i32 to index
        %get3A_1969 = arith.index_cast %mul3A_1966 : i32 to index
        %get3A_1970 = tpu.vector_load %arg7[%get3A_1968, %get3A_1969] {strides = array<i32>} : memref<16x1000xf32, #tpu.memory_space<vmem>>, vector<16xf32>,
        %sub3A_1971 = vector.broadcast %reduce_max3A_313 : f32 to vector<16xf32>
        %sub3A_1972 = arith.subf %get3A_1970, %sub3A_1971 : vector<16xf32>
        %exp3A_1973 = math.exp %sub3A_1972 : vector<16xf32>
        %add3A_1974 = arith.addf %scan3A_1820, %exp3A_1973 : vector<16xf32>
        %eq3A_1975 = vector.broadcast %reduce_max3A_133 : f32 to vector<16xf32>
        %eq3A_1976 = arith.cmpf oeq, %add3A_1847, %eq3A_1975 : vector<16xf32>
        %select_n3A_1977 = arith.select %eq3A_1976, %get3A_1970, %scan3A_1836 : vector<16xi1>, vector<16xf32>
        %mul3A_1978 = arith.constant 16 : i32
        %mul3A_1979 = arith.muli %scan3A_1810, %mul3A_1978 : i32
        %get3A_1980 = arith.constant 10 : i32
        %get3A_1981 = arith.index_cast %get3A_1980 : i32 to index
        %get3A_1982 = arith.index_cast %mul3A_1979 : i32 to index
        %get3A_1983 = tpu.vector_load %arg7[%get3A_1981, %get3A_1982] {strides = array<i32>} : memref<16x1000xf32, #tpu.memory_space<vmem>>, vector<16xf32>,
        %sub3A_1984 = vector.broadcast %reduce_max3A_318 : f32 to vector<16xf32>
        %sub3A_1985 = arith.subf %get3A_1983, %sub3A_1984 : vector<16xf32>
        %exp3A_1986 = math.exp %sub3A_1985 : vector<16xf32>
        %add3A_1987 = arith.addf %scan3A_1821, %exp3A_1986 : vector<16xf32>
        %eq3A_1988 = vector.broadcast %reduce_max3A_143 : f32 to vector<16xf32>
        %eq3A_1989 = arith.cmpf oeq, %add3A_1847, %eq3A_1988 : vector<16xf32>
        %select_n3A_1990 = arith.select %eq3A_1989, %get3A_1983, %scan3A_1837 : vector<16xi1>, vector<16xf32>
        %mul3A_1991 = arith.constant 16 : i32
        %mul3A_1992 = arith.muli %scan3A_1810, %mul3A_1991 : i32
        %get3A_1993 = arith.constant 11 : i32
        %get3A_1994 = arith.index_cast %get3A_1993 : i32 to index
        %get3A_1995 = arith.index_cast %mul3A_1992 : i32 to index
        %get3A_1996 = tpu.vector_load %arg7[%get3A_1994, %get3A_1995] {strides = array<i32>} : memref<16x1000xf32, #tpu.memory_space<vmem>>, vector<16xf32>,
        %sub3A_1997 = vector.broadcast %reduce_max3A_323 : f32 to vector<16xf32>
        %sub3A_1998 = arith.subf %get3A_1996, %sub3A_1997 : vector<16xf32>
        %exp3A_1999 = math.exp %sub3A_1998 : vector<16xf32>
        %add3A_2000 = arith.addf %scan3A_1822, %exp3A_1999 : vector<16xf32>
        %eq3A_2001 = vector.broadcast %reduce_max3A_153 : f32 to vector<16xf32>
        %eq3A_2002 = arith.cmpf oeq, %add3A_1847, %eq3A_2001 : vector<16xf32>
        %select_n3A_2003 = arith.select %eq3A_2002, %get3A_1996, %scan3A_1838 : vector<16xi1>, vector<16xf32>
        %mul3A_2004 = arith.constant 16 : i32
        %mul3A_2005 = arith.muli %scan3A_1810, %mul3A_2004 : i32
        %get3A_2006 = arith.constant 12 : i32
        %get3A_2007 = arith.index_cast %get3A_2006 : i32 to index
        %get3A_2008 = arith.index_cast %mul3A_2005 : i32 to index
        %get3A_2009 = tpu.vector_load %arg7[%get3A_2007, %get3A_2008] {strides = array<i32>} : memref<16x1000xf32, #tpu.memory_space<vmem>>, vector<16xf32>,
        %sub3A_2010 = vector.broadcast %reduce_max3A_328 : f32 to vector<16xf32>
        %sub3A_2011 = arith.subf %get3A_2009, %sub3A_2010 : vector<16xf32>
        %exp3A_2012 = math.exp %sub3A_2011 : vector<16xf32>
        %add3A_2013 = arith.addf %scan3A_1823, %exp3A_2012 : vector<16xf32>
        %eq3A_2014 = vector.broadcast %reduce_max3A_163 : f32 to vector<16xf32>
        %eq3A_2015 = arith.cmpf oeq, %add3A_1847, %eq3A_2014 : vector<16xf32>
        %select_n3A_2016 = arith.select %eq3A_2015, %get3A_2009, %scan3A_1839 : vector<16xi1>, vector<16xf32>
        %mul3A_2017 = arith.constant 16 : i32
        %mul3A_2018 = arith.muli %scan3A_1810, %mul3A_2017 : i32
        %get3A_2019 = arith.constant 13 : i32
        %get3A_2020 = arith.index_cast %get3A_2019 : i32 to index
        %get3A_2021 = arith.index_cast %mul3A_2018 : i32 to index
        %get3A_2022 = tpu.vector_load %arg7[%get3A_2020, %get3A_2021] {strides = array<i32>} : memref<16x1000xf32, #tpu.memory_space<vmem>>, vector<16xf32>,
        %sub3A_2023 = vector.broadcast %reduce_max3A_333 : f32 to vector<16xf32>
        %sub3A_2024 = arith.subf %get3A_2022, %sub3A_2023 : vector<16xf32>
        %exp3A_2025 = math.exp %sub3A_2024 : vector<16xf32>
        %add3A_2026 = arith.addf %scan3A_1824, %exp3A_2025 : vector<16xf32>
        %eq3A_2027 = vector.broadcast %reduce_max3A_173 : f32 to vector<16xf32>
        %eq3A_2028 = arith.cmpf oeq, %add3A_1847, %eq3A_2027 : vector<16xf32>
        %select_n3A_2029 = arith.select %eq3A_2028, %get3A_2022, %scan3A_1840 : vector<16xi1>, vector<16xf32>
        %mul3A_2030 = arith.constant 16 : i32
        %mul3A_2031 = arith.muli %scan3A_1810, %mul3A_2030 : i32
        %get3A_2032 = arith.constant 14 : i32
        %get3A_2033 = arith.index_cast %get3A_2032 : i32 to index
        %get3A_2034 = arith.index_cast %mul3A_2031 : i32 to index
        %get3A_2035 = tpu.vector_load %arg7[%get3A_2033, %get3A_2034] {strides = array<i32>} : memref<16x1000xf32, #tpu.memory_space<vmem>>, vector<16xf32>,
        %sub3A_2036 = vector.broadcast %reduce_max3A_338 : f32 to vector<16xf32>
        %sub3A_2037 = arith.subf %get3A_2035, %sub3A_2036 : vector<16xf32>
        %exp3A_2038 = math.exp %sub3A_2037 : vector<16xf32>
        %add3A_2039 = arith.addf %scan3A_1825, %exp3A_2038 : vector<16xf32>
        %eq3A_2040 = vector.broadcast %reduce_max3A_183 : f32 to vector<16xf32>
        %eq3A_2041 = arith.cmpf oeq, %add3A_1847, %eq3A_2040 : vector<16xf32>
        %select_n3A_2042 = arith.select %eq3A_2041, %get3A_2035, %scan3A_1841 : vector<16xi1>, vector<16xf32>
        %mul3A_2043 = arith.constant 16 : i32
        %mul3A_2044 = arith.muli %scan3A_1810, %mul3A_2043 : i32
        %get3A_2045 = arith.constant 15 : i32
        %get3A_2046 = arith.index_cast %get3A_2045 : i32 to index
        %get3A_2047 = arith.index_cast %mul3A_2044 : i32 to index
        %get3A_2048 = tpu.vector_load %arg7[%get3A_2046, %get3A_2047] {strides = array<i32>} : memref<16x1000xf32, #tpu.memory_space<vmem>>, vector<16xf32>,
        %sub3A_2049 = vector.broadcast %reduce_max3A_343 : f32 to vector<16xf32>
        %sub3A_2050 = arith.subf %get3A_2048, %sub3A_2049 : vector<16xf32>
        %exp3A_2051 = math.exp %sub3A_2050 : vector<16xf32>
        %add3A_2052 = arith.addf %scan3A_1826, %exp3A_2051 : vector<16xf32>
        %eq3A_2053 = vector.broadcast %reduce_max3A_193 : f32 to vector<16xf32>
        %eq3A_2054 = arith.cmpf oeq, %add3A_1847, %eq3A_2053 : vector<16xf32>
        %select_n3A_2055 = arith.select %eq3A_2054, %get3A_2048, %scan3A_1842 : vector<16xi1>, vector<16xf32>
        %scan3A_2056 = arith.constant 1 : i32
        %scan3A_2057 = arith.addi %scan3A_1810, %scan3A_2056 : i32
        %mul3A_2058 = arith.constant 16 : i32
        %mul3A_2059 = arith.muli %scan3A_2057, %mul3A_2058 : i32
        %convert_element_type3A_2060 = arith.sitofp %mul3A_2059 : i32 to f32
        %add3A_2061 = vector.broadcast %convert_element_type3A_2060 : f32 to vector<16xf32>
        %add3A_2062 = arith.addf %add3A_2061, %convert_element_type3A : vector<16xf32>
        %mul3A_2063 = arith.constant 16 : i32
        %mul3A_2064 = arith.muli %scan3A_2057, %mul3A_2063 : i32
        %get3A_2065 = arith.constant 0 : i32
        %get3A_2066 = arith.index_cast %get3A_2065 : i32 to index
        %get3A_2067 = arith.index_cast %mul3A_2064 : i32 to index
        %get3A_2068 = tpu.vector_load %arg7[%get3A_2066, %get3A_2067] {strides = array<i32>} : memref<16x1000xf32, #tpu.memory_space<vmem>>, vector<16xf32>,
        %sub3A_2069 = vector.broadcast %reduce_max3A_268 : f32 to vector<16xf32>
        %sub3A_2070 = arith.subf %get3A_2068, %sub3A_2069 : vector<16xf32>
        %exp3A_2071 = math.exp %sub3A_2070 : vector<16xf32>
        %add3A_2072 = arith.addf %add3A_1857, %exp3A_2071 : vector<16xf32>
        %eq3A_2073 = vector.broadcast %reduce_max3A_43 : f32 to vector<16xf32>
        %eq3A_2074 = arith.cmpf oeq, %add3A_2062, %eq3A_2073 : vector<16xf32>
        %select_n3A_2075 = arith.select %eq3A_2074, %get3A_2068, %select_n3A_1860 : vector<16xi1>, vector<16xf32>
        %mul3A_2076 = arith.constant 16 : i32
        %mul3A_2077 = arith.muli %scan3A_2057, %mul3A_2076 : i32
        %get3A_2078 = arith.constant 1 : i32
        %get3A_2079 = arith.index_cast %get3A_2078 : i32 to index
        %get3A_2080 = arith.index_cast %mul3A_2077 : i32 to index
        %get3A_2081 = tpu.vector_load %arg7[%get3A_2079, %get3A_2080] {strides = array<i32>} : memref<16x1000xf32, #tpu.memory_space<vmem>>, vector<16xf32>,
        %sub3A_2082 = vector.broadcast %reduce_max3A_273 : f32 to vector<16xf32>
        %sub3A_2083 = arith.subf %get3A_2081, %sub3A_2082 : vector<16xf32>
        %exp3A_2084 = math.exp %sub3A_2083 : vector<16xf32>
        %add3A_2085 = arith.addf %add3A_1870, %exp3A_2084 : vector<16xf32>
        %eq3A_2086 = vector.broadcast %reduce_max3A_53 : f32 to vector<16xf32>
        %eq3A_2087 = arith.cmpf oeq, %add3A_2062, %eq3A_2086 : vector<16xf32>
        %select_n3A_2088 = arith.select %eq3A_2087, %get3A_2081, %select_n3A_1873 : vector<16xi1>, vector<16xf32>
        %mul3A_2089 = arith.constant 16 : i32
        %mul3A_2090 = arith.muli %scan3A_2057, %mul3A_2089 : i32
        %get3A_2091 = arith.constant 2 : i32
        %get3A_2092 = arith.index_cast %get3A_2091 : i32 to index
        %get3A_2093 = arith.index_cast %mul3A_2090 : i32 to index
        %get3A_2094 = tpu.vector_load %arg7[%get3A_2092, %get3A_2093] {strides = array<i32>} : memref<16x1000xf32, #tpu.memory_space<vmem>>, vector<16xf32>,
        %sub3A_2095 = vector.broadcast %reduce_max3A_278 : f32 to vector<16xf32>
        %sub3A_2096 = arith.subf %get3A_2094, %sub3A_2095 : vector<16xf32>
        %exp3A_2097 = math.exp %sub3A_2096 : vector<16xf32>
        %add3A_2098 = arith.addf %add3A_1883, %exp3A_2097 : vector<16xf32>
        %eq3A_2099 = vector.broadcast %reduce_max3A_63 : f32 to vector<16xf32>
        %eq3A_2100 = arith.cmpf oeq, %add3A_2062, %eq3A_2099 : vector<16xf32>
        %select_n3A_2101 = arith.select %eq3A_2100, %get3A_2094, %select_n3A_1886 : vector<16xi1>, vector<16xf32>
        %mul3A_2102 = arith.constant 16 : i32
        %mul3A_2103 = arith.muli %scan3A_2057, %mul3A_2102 : i32
        %get3A_2104 = arith.constant 3 : i32
        %get3A_2105 = arith.index_cast %get3A_2104 : i32 to index
        %get3A_2106 = arith.index_cast %mul3A_2103 : i32 to index
        %get3A_2107 = tpu.vector_load %arg7[%get3A_2105, %get3A_2106] {strides = array<i32>} : memref<16x1000xf32, #tpu.memory_space<vmem>>, vector<16xf32>,
        %sub3A_2108 = vector.broadcast %reduce_max3A_283 : f32 to vector<16xf32>
        %sub3A_2109 = arith.subf %get3A_2107, %sub3A_2108 : vector<16xf32>
        %exp3A_2110 = math.exp %sub3A_2109 : vector<16xf32>
        %add3A_2111 = arith.addf %add3A_1896, %exp3A_2110 : vector<16xf32>
        %eq3A_2112 = vector.broadcast %reduce_max3A_73 : f32 to vector<16xf32>
        %eq3A_2113 = arith.cmpf oeq, %add3A_2062, %eq3A_2112 : vector<16xf32>
        %select_n3A_2114 = arith.select %eq3A_2113, %get3A_2107, %select_n3A_1899 : vector<16xi1>, vector<16xf32>
        %mul3A_2115 = arith.constant 16 : i32
        %mul3A_2116 = arith.muli %scan3A_2057, %mul3A_2115 : i32
        %get3A_2117 = arith.constant 4 : i32
        %get3A_2118 = arith.index_cast %get3A_2117 : i32 to index
        %get3A_2119 = arith.index_cast %mul3A_2116 : i32 to index
        %get3A_2120 = tpu.vector_load %arg7[%get3A_2118, %get3A_2119] {strides = array<i32>} : memref<16x1000xf32, #tpu.memory_space<vmem>>, vector<16xf32>,
        %sub3A_2121 = vector.broadcast %reduce_max3A_288 : f32 to vector<16xf32>
        %sub3A_2122 = arith.subf %get3A_2120, %sub3A_2121 : vector<16xf32>
        %exp3A_2123 = math.exp %sub3A_2122 : vector<16xf32>
        %add3A_2124 = arith.addf %add3A_1909, %exp3A_2123 : vector<16xf32>
        %eq3A_2125 = vector.broadcast %reduce_max3A_83 : f32 to vector<16xf32>
        %eq3A_2126 = arith.cmpf oeq, %add3A_2062, %eq3A_2125 : vector<16xf32>
        %select_n3A_2127 = arith.select %eq3A_2126, %get3A_2120, %select_n3A_1912 : vector<16xi1>, vector<16xf32>
        %mul3A_2128 = arith.constant 16 : i32
        %mul3A_2129 = arith.muli %scan3A_2057, %mul3A_2128 : i32
        %get3A_2130 = arith.constant 5 : i32
        %get3A_2131 = arith.index_cast %get3A_2130 : i32 to index
        %get3A_2132 = arith.index_cast %mul3A_2129 : i32 to index
        %get3A_2133 = tpu.vector_load %arg7[%get3A_2131, %get3A_2132] {strides = array<i32>} : memref<16x1000xf32, #tpu.memory_space<vmem>>, vector<16xf32>,
        %sub3A_2134 = vector.broadcast %reduce_max3A_293 : f32 to vector<16xf32>
        %sub3A_2135 = arith.subf %get3A_2133, %sub3A_2134 : vector<16xf32>
        %exp3A_2136 = math.exp %sub3A_2135 : vector<16xf32>
        %add3A_2137 = arith.addf %add3A_1922, %exp3A_2136 : vector<16xf32>
        %eq3A_2138 = vector.broadcast %reduce_max3A_93 : f32 to vector<16xf32>
        %eq3A_2139 = arith.cmpf oeq, %add3A_2062, %eq3A_2138 : vector<16xf32>
        %select_n3A_2140 = arith.select %eq3A_2139, %get3A_2133, %select_n3A_1925 : vector<16xi1>, vector<16xf32>
        %mul3A_2141 = arith.constant 16 : i32
        %mul3A_2142 = arith.muli %scan3A_2057, %mul3A_2141 : i32
        %get3A_2143 = arith.constant 6 : i32
        %get3A_2144 = arith.index_cast %get3A_2143 : i32 to index
        %get3A_2145 = arith.index_cast %mul3A_2142 : i32 to index
        %get3A_2146 = tpu.vector_load %arg7[%get3A_2144, %get3A_2145] {strides = array<i32>} : memref<16x1000xf32, #tpu.memory_space<vmem>>, vector<16xf32>,
        %sub3A_2147 = vector.broadcast %reduce_max3A_298 : f32 to vector<16xf32>
        %sub3A_2148 = arith.subf %get3A_2146, %sub3A_2147 : vector<16xf32>
        %exp3A_2149 = math.exp %sub3A_2148 : vector<16xf32>
        %add3A_2150 = arith.addf %add3A_1935, %exp3A_2149 : vector<16xf32>
        %eq3A_2151 = vector.broadcast %reduce_max3A_103 : f32 to vector<16xf32>
        %eq3A_2152 = arith.cmpf oeq, %add3A_2062, %eq3A_2151 : vector<16xf32>
        %select_n3A_2153 = arith.select %eq3A_2152, %get3A_2146, %select_n3A_1938 : vector<16xi1>, vector<16xf32>
        %mul3A_2154 = arith.constant 16 : i32
        %mul3A_2155 = arith.muli %scan3A_2057, %mul3A_2154 : i32
        %get3A_2156 = arith.constant 7 : i32
        %get3A_2157 = arith.index_cast %get3A_2156 : i32 to index
        %get3A_2158 = arith.index_cast %mul3A_2155 : i32 to index
        %get3A_2159 = tpu.vector_load %arg7[%get3A_2157, %get3A_2158] {strides = array<i32>} : memref<16x1000xf32, #tpu.memory_space<vmem>>, vector<16xf32>,
        %sub3A_2160 = vector.broadcast %reduce_max3A_303 : f32 to vector<16xf32>
        %sub3A_2161 = arith.subf %get3A_2159, %sub3A_2160 : vector<16xf32>
        %exp3A_2162 = math.exp %sub3A_2161 : vector<16xf32>
        %add3A_2163 = arith.addf %add3A_1948, %exp3A_2162 : vector<16xf32>
        %eq3A_2164 = vector.broadcast %reduce_max3A_113 : f32 to vector<16xf32>
        %eq3A_2165 = arith.cmpf oeq, %add3A_2062, %eq3A_2164 : vector<16xf32>
        %select_n3A_2166 = arith.select %eq3A_2165, %get3A_2159, %select_n3A_1951 : vector<16xi1>, vector<16xf32>
        %mul3A_2167 = arith.constant 16 : i32
        %mul3A_2168 = arith.muli %scan3A_2057, %mul3A_2167 : i32
        %get3A_2169 = arith.constant 8 : i32
        %get3A_2170 = arith.index_cast %get3A_2169 : i32 to index
        %get3A_2171 = arith.index_cast %mul3A_2168 : i32 to index
        %get3A_2172 = tpu.vector_load %arg7[%get3A_2170, %get3A_2171] {strides = array<i32>} : memref<16x1000xf32, #tpu.memory_space<vmem>>, vector<16xf32>,
        %sub3A_2173 = vector.broadcast %reduce_max3A_308 : f32 to vector<16xf32>
        %sub3A_2174 = arith.subf %get3A_2172, %sub3A_2173 : vector<16xf32>
        %exp3A_2175 = math.exp %sub3A_2174 : vector<16xf32>
        %add3A_2176 = arith.addf %add3A_1961, %exp3A_2175 : vector<16xf32>
        %eq3A_2177 = vector.broadcast %reduce_max3A_123 : f32 to vector<16xf32>
        %eq3A_2178 = arith.cmpf oeq, %add3A_2062, %eq3A_2177 : vector<16xf32>
        %select_n3A_2179 = arith.select %eq3A_2178, %get3A_2172, %select_n3A_1964 : vector<16xi1>, vector<16xf32>
        %mul3A_2180 = arith.constant 16 : i32
        %mul3A_2181 = arith.muli %scan3A_2057, %mul3A_2180 : i32
        %get3A_2182 = arith.constant 9 : i32
        %get3A_2183 = arith.index_cast %get3A_2182 : i32 to index
        %get3A_2184 = arith.index_cast %mul3A_2181 : i32 to index
        %get3A_2185 = tpu.vector_load %arg7[%get3A_2183, %get3A_2184] {strides = array<i32>} : memref<16x1000xf32, #tpu.memory_space<vmem>>, vector<16xf32>,
        %sub3A_2186 = vector.broadcast %reduce_max3A_313 : f32 to vector<16xf32>
        %sub3A_2187 = arith.subf %get3A_2185, %sub3A_2186 : vector<16xf32>
        %exp3A_2188 = math.exp %sub3A_2187 : vector<16xf32>
        %add3A_2189 = arith.addf %add3A_1974, %exp3A_2188 : vector<16xf32>
        %eq3A_2190 = vector.broadcast %reduce_max3A_133 : f32 to vector<16xf32>
        %eq3A_2191 = arith.cmpf oeq, %add3A_2062, %eq3A_2190 : vector<16xf32>
        %select_n3A_2192 = arith.select %eq3A_2191, %get3A_2185, %select_n3A_1977 : vector<16xi1>, vector<16xf32>
        %mul3A_2193 = arith.constant 16 : i32
        %mul3A_2194 = arith.muli %scan3A_2057, %mul3A_2193 : i32
        %get3A_2195 = arith.constant 10 : i32
        %get3A_2196 = arith.index_cast %get3A_2195 : i32 to index
        %get3A_2197 = arith.index_cast %mul3A_2194 : i32 to index
        %get3A_2198 = tpu.vector_load %arg7[%get3A_2196, %get3A_2197] {strides = array<i32>} : memref<16x1000xf32, #tpu.memory_space<vmem>>, vector<16xf32>,
        %sub3A_2199 = vector.broadcast %reduce_max3A_318 : f32 to vector<16xf32>
        %sub3A_2200 = arith.subf %get3A_2198, %sub3A_2199 : vector<16xf32>
        %exp3A_2201 = math.exp %sub3A_2200 : vector<16xf32>
        %add3A_2202 = arith.addf %add3A_1987, %exp3A_2201 : vector<16xf32>
        %eq3A_2203 = vector.broadcast %reduce_max3A_143 : f32 to vector<16xf32>
        %eq3A_2204 = arith.cmpf oeq, %add3A_2062, %eq3A_2203 : vector<16xf32>
        %select_n3A_2205 = arith.select %eq3A_2204, %get3A_2198, %select_n3A_1990 : vector<16xi1>, vector<16xf32>
        %mul3A_2206 = arith.constant 16 : i32
        %mul3A_2207 = arith.muli %scan3A_2057, %mul3A_2206 : i32
        %get3A_2208 = arith.constant 11 : i32
        %get3A_2209 = arith.index_cast %get3A_2208 : i32 to index
        %get3A_2210 = arith.index_cast %mul3A_2207 : i32 to index
        %get3A_2211 = tpu.vector_load %arg7[%get3A_2209, %get3A_2210] {strides = array<i32>} : memref<16x1000xf32, #tpu.memory_space<vmem>>, vector<16xf32>,
        %sub3A_2212 = vector.broadcast %reduce_max3A_323 : f32 to vector<16xf32>
        %sub3A_2213 = arith.subf %get3A_2211, %sub3A_2212 : vector<16xf32>
        %exp3A_2214 = math.exp %sub3A_2213 : vector<16xf32>
        %add3A_2215 = arith.addf %add3A_2000, %exp3A_2214 : vector<16xf32>
        %eq3A_2216 = vector.broadcast %reduce_max3A_153 : f32 to vector<16xf32>
        %eq3A_2217 = arith.cmpf oeq, %add3A_2062, %eq3A_2216 : vector<16xf32>
        %select_n3A_2218 = arith.select %eq3A_2217, %get3A_2211, %select_n3A_2003 : vector<16xi1>, vector<16xf32>
        %mul3A_2219 = arith.constant 16 : i32
        %mul3A_2220 = arith.muli %scan3A_2057, %mul3A_2219 : i32
        %get3A_2221 = arith.constant 12 : i32
        %get3A_2222 = arith.index_cast %get3A_2221 : i32 to index
        %get3A_2223 = arith.index_cast %mul3A_2220 : i32 to index
        %get3A_2224 = tpu.vector_load %arg7[%get3A_2222, %get3A_2223] {strides = array<i32>} : memref<16x1000xf32, #tpu.memory_space<vmem>>, vector<16xf32>,
        %sub3A_2225 = vector.broadcast %reduce_max3A_328 : f32 to vector<16xf32>
        %sub3A_2226 = arith.subf %get3A_2224, %sub3A_2225 : vector<16xf32>
        %exp3A_2227 = math.exp %sub3A_2226 : vector<16xf32>
        %add3A_2228 = arith.addf %add3A_2013, %exp3A_2227 : vector<16xf32>
        %eq3A_2229 = vector.broadcast %reduce_max3A_163 : f32 to vector<16xf32>
        %eq3A_2230 = arith.cmpf oeq, %add3A_2062, %eq3A_2229 : vector<16xf32>
        %select_n3A_2231 = arith.select %eq3A_2230, %get3A_2224, %select_n3A_2016 : vector<16xi1>, vector<16xf32>
        %mul3A_2232 = arith.constant 16 : i32
        %mul3A_2233 = arith.muli %scan3A_2057, %mul3A_2232 : i32
        %get3A_2234 = arith.constant 13 : i32
        %get3A_2235 = arith.index_cast %get3A_2234 : i32 to index
        %get3A_2236 = arith.index_cast %mul3A_2233 : i32 to index
        %get3A_2237 = tpu.vector_load %arg7[%get3A_2235, %get3A_2236] {strides = array<i32>} : memref<16x1000xf32, #tpu.memory_space<vmem>>, vector<16xf32>,
        %sub3A_2238 = vector.broadcast %reduce_max3A_333 : f32 to vector<16xf32>
        %sub3A_2239 = arith.subf %get3A_2237, %sub3A_2238 : vector<16xf32>
        %exp3A_2240 = math.exp %sub3A_2239 : vector<16xf32>
        %add3A_2241 = arith.addf %add3A_2026, %exp3A_2240 : vector<16xf32>
        %eq3A_2242 = vector.broadcast %reduce_max3A_173 : f32 to vector<16xf32>
        %eq3A_2243 = arith.cmpf oeq, %add3A_2062, %eq3A_2242 : vector<16xf32>
        %select_n3A_2244 = arith.select %eq3A_2243, %get3A_2237, %select_n3A_2029 : vector<16xi1>, vector<16xf32>
        %mul3A_2245 = arith.constant 16 : i32
        %mul3A_2246 = arith.muli %scan3A_2057, %mul3A_2245 : i32
        %get3A_2247 = arith.constant 14 : i32
        %get3A_2248 = arith.index_cast %get3A_2247 : i32 to index
        %get3A_2249 = arith.index_cast %mul3A_2246 : i32 to index
        %get3A_2250 = tpu.vector_load %arg7[%get3A_2248, %get3A_2249] {strides = array<i32>} : memref<16x1000xf32, #tpu.memory_space<vmem>>, vector<16xf32>,
        %sub3A_2251 = vector.broadcast %reduce_max3A_338 : f32 to vector<16xf32>
        %sub3A_2252 = arith.subf %get3A_2250, %sub3A_2251 : vector<16xf32>
        %exp3A_2253 = math.exp %sub3A_2252 : vector<16xf32>
        %add3A_2254 = arith.addf %add3A_2039, %exp3A_2253 : vector<16xf32>
        %eq3A_2255 = vector.broadcast %reduce_max3A_183 : f32 to vector<16xf32>
        %eq3A_2256 = arith.cmpf oeq, %add3A_2062, %eq3A_2255 : vector<16xf32>
        %select_n3A_2257 = arith.select %eq3A_2256, %get3A_2250, %select_n3A_2042 : vector<16xi1>, vector<16xf32>
        %mul3A_2258 = arith.constant 16 : i32
        %mul3A_2259 = arith.muli %scan3A_2057, %mul3A_2258 : i32
        %get3A_2260 = arith.constant 15 : i32
        %get3A_2261 = arith.index_cast %get3A_2260 : i32 to index
        %get3A_2262 = arith.index_cast %mul3A_2259 : i32 to index
        %get3A_2263 = tpu.vector_load %arg7[%get3A_2261, %get3A_2262] {strides = array<i32>} : memref<16x1000xf32, #tpu.memory_space<vmem>>, vector<16xf32>,
        %sub3A_2264 = vector.broadcast %reduce_max3A_343 : f32 to vector<16xf32>
        %sub3A_2265 = arith.subf %get3A_2263, %sub3A_2264 : vector<16xf32>
        %exp3A_2266 = math.exp %sub3A_2265 : vector<16xf32>
        %add3A_2267 = arith.addf %add3A_2052, %exp3A_2266 : vector<16xf32>
        %eq3A_2268 = vector.broadcast %reduce_max3A_193 : f32 to vector<16xf32>
        %eq3A_2269 = arith.cmpf oeq, %add3A_2062, %eq3A_2268 : vector<16xf32>
        %select_n3A_2270 = arith.select %eq3A_2269, %get3A_2263, %select_n3A_2055 : vector<16xi1>, vector<16xf32>
        scf.yield %add3A_2072, %add3A_2085, %add3A_2098, %add3A_2111, %add3A_2124, %add3A_2137, %add3A_2150, %add3A_2163, %add3A_2176, %add3A_2189, %add3A_2202, %add3A_2215, %add3A_2228, %add3A_2241, %add3A_2254, %add3A_2267, %select_n3A_2075, %select_n3A_2088, %select_n3A_2101, %select_n3A_2114, %select_n3A_2127, %select_n3A_2140, %select_n3A_2153, %select_n3A_2166, %select_n3A_2179, %select_n3A_2192, %select_n3A_2205, %select_n3A_2218, %select_n3A_2231, %select_n3A_2244, %select_n3A_2257, %select_n3A_2270 : vector<16xf32>, vector<16xf32>, vector<16xf32>, vector<16xf32>, vector<16xf32>, vector<16xf32>, vector<16xf32>, vector<16xf32>, vector<16xf32>, vector<16xf32>, vector<16xf32>, vector<16xf32>, vector<16xf32>, vector<16xf32>, vector<16xf32>, vector<16xf32>, vector<16xf32>, vector<16xf32>, vector<16xf32>, vector<16xf32>, vector<16xf32>, vector<16xf32>, vector<16xf32>, vector<16xf32>, vector<16xf32>, vector<16xf32>, vector<16xf32>, vector<16xf32>, vector<16xf32>, vector<16xf32>, vector<16xf32>, vector<16xf32>
      }
      %scan3A_351 = arith.constant 62 : i32
      %add3A_352 = arith.constant 9.840000e+02 : f32
      %add3A_353 = vector.broadcast %add3A_352 : f32 to vector<16xf32>
      %add3A_354 = arith.addf %add3A_353, %convert_element_type3A : vector<16xf32>
      %sub3A = vector.broadcast %reduce_max3A_268 : f32 to vector<16xf32>
      %sub3A_355 = arith.subf %get3A_203, %sub3A : vector<16xf32>
      %exp3A = math.exp %sub3A_355 : vector<16xf32>
      %jit3A_356 = arith.constant 0.000000e+00 : f32
      %broadcast_in_dim3A_357 = vector.broadcast %jit3A_356 : f32 to vector<16xf32>
      %select_n3A_358 = arith.select %ge3A_5, %exp3A, %broadcast_in_dim3A_357 : vector<16xi1>, vector<16xf32>
      %add3A_359 = arith.addf %scan3A_350#0, %select_n3A_358 : vector<16xf32>
      %eq3A_360 = vector.broadcast %reduce_max3A_43 : f32 to vector<16xf32>
      %eq3A_361 = arith.cmpf oeq, %add3A_354, %eq3A_360 : vector<16xf32>
      %and3A = arith.andi %eq3A_361, %ge3A_5 : vector<16xi1>
      %select_n3A_362 = arith.select %and3A, %get3A_203, %scan3A_350#16 : vector<16xi1>, vector<16xf32>
      %eq3A_363 = arith.constant 0 : i32
      %eq3A_364 = vector.broadcast %eq3A_363 : i32 to vector<16xi32>
      %eq3A_365 = arith.cmpi eq, %iota3A, %eq3A_364 : vector<16xi32>
      %broadcast_in_dim3A_366 = vector.broadcast %reduce_max3A_268 : f32 to vector<16xf32>
      %select_n3A_367 = arith.select %eq3A_365, %broadcast_in_dim3A_366, %broadcast_in_dim3A_345 : vector<16xi1>, vector<16xf32>
      %eq3A_368 = arith.constant 0 : i32
      %eq3A_369 = vector.broadcast %eq3A_368 : i32 to vector<16xi32>
      %eq3A_370 = arith.cmpi eq, %iota3A, %eq3A_369 : vector<16xi32>
      %reduce_sum3A = arith.constant true
      %reduce_sum3A_371 = vector.broadcast %reduce_sum3A : i1 to vector<16xi1>
      %reduce_sum3A_372 = tpu.scan <sum>, %add3A_359 masked %reduce_sum3A_371 : vector<16xf32>, vector<16xi1> -> vector<16xf32>
      %reduce_sum3A_373 = vector.extract %reduce_sum3A_372[15] : f32 from vector<16xf32>
      %broadcast_in_dim3A_374 = vector.broadcast %reduce_sum3A_373 : f32 to vector<16xf32>
      %select_n3A_375 = arith.select %eq3A_370, %broadcast_in_dim3A_374, %broadcast_in_dim3A_345 : vector<16xi1>, vector<16xf32>
      %eq3A_376 = arith.constant 0 : i32
      %eq3A_377 = vector.broadcast %eq3A_376 : i32 to vector<16xi32>
      %eq3A_378 = arith.cmpi eq, %iota3A, %eq3A_377 : vector<16xi32>
      %reduce_max3A_379 = arith.constant true
      %reduce_max3A_380 = vector.broadcast %reduce_max3A_379 : i1 to vector<16xi1>
      %reduce_max3A_381 = tpu.scan <max>, %select_n3A_362 masked %reduce_max3A_380 : vector<16xf32>, vector<16xi1> -> vector<16xf32>
      %reduce_max3A_382 = vector.extract %reduce_max3A_381[15] : f32 from vector<16xf32>
      %broadcast_in_dim3A_383 = vector.broadcast %reduce_max3A_382 : f32 to vector<16xf32>
      %select_n3A_384 = arith.select %eq3A_378, %broadcast_in_dim3A_383, %broadcast_in_dim3A_345 : vector<16xi1>, vector<16xf32>
      %sub3A_385 = vector.broadcast %reduce_max3A_273 : f32 to vector<16xf32>
      %sub3A_386 = arith.subf %get3A_207, %sub3A_385 : vector<16xf32>
      %exp3A_387 = math.exp %sub3A_386 : vector<16xf32>
      %jit3A_388 = arith.constant 0.000000e+00 : f32
      %broadcast_in_dim3A_389 = vector.broadcast %jit3A_388 : f32 to vector<16xf32>
      %select_n3A_390 = arith.select %ge3A_5, %exp3A_387, %broadcast_in_dim3A_389 : vector<16xi1>, vector<16xf32>
      %add3A_391 = arith.addf %scan3A_350#1, %select_n3A_390 : vector<16xf32>
      %eq3A_392 = vector.broadcast %reduce_max3A_53 : f32 to vector<16xf32>
      %eq3A_393 = arith.cmpf oeq, %add3A_354, %eq3A_392 : vector<16xf32>
      %and3A_394 = arith.andi %eq3A_393, %ge3A_5 : vector<16xi1>
      %select_n3A_395 = arith.select %and3A_394, %get3A_207, %scan3A_350#17 : vector<16xi1>, vector<16xf32>
      %eq3A_396 = arith.constant 1 : i32
      %eq3A_397 = vector.broadcast %eq3A_396 : i32 to vector<16xi32>
      %eq3A_398 = arith.cmpi eq, %iota3A, %eq3A_397 : vector<16xi32>
      %broadcast_in_dim3A_399 = vector.broadcast %reduce_max3A_273 : f32 to vector<16xf32>
      %select_n3A_400 = arith.select %eq3A_398, %broadcast_in_dim3A_399, %select_n3A_367 : vector<16xi1>, vector<16xf32>
      %eq3A_401 = arith.constant 1 : i32
      %eq3A_402 = vector.broadcast %eq3A_401 : i32 to vector<16xi32>
      %eq3A_403 = arith.cmpi eq, %iota3A, %eq3A_402 : vector<16xi32>
      %reduce_sum3A_404 = arith.constant true
      %reduce_sum3A_405 = vector.broadcast %reduce_sum3A_404 : i1 to vector<16xi1>
      %reduce_sum3A_406 = tpu.scan <sum>, %add3A_391 masked %reduce_sum3A_405 : vector<16xf32>, vector<16xi1> -> vector<16xf32>
      %reduce_sum3A_407 = vector.extract %reduce_sum3A_406[15] : f32 from vector<16xf32>
      %broadcast_in_dim3A_408 = vector.broadcast %reduce_sum3A_407 : f32 to vector<16xf32>
      %select_n3A_409 = arith.select %eq3A_403, %broadcast_in_dim3A_408, %select_n3A_375 : vector<16xi1>, vector<16xf32>
      %eq3A_410 = arith.constant 1 : i32
      %eq3A_411 = vector.broadcast %eq3A_410 : i32 to vector<16xi32>
      %eq3A_412 = arith.cmpi eq, %iota3A, %eq3A_411 : vector<16xi32>
      %reduce_max3A_413 = arith.constant true
      %reduce_max3A_414 = vector.broadcast %reduce_max3A_413 : i1 to vector<16xi1>
      %reduce_max3A_415 = tpu.scan <max>, %select_n3A_395 masked %reduce_max3A_414 : vector<16xf32>, vector<16xi1> -> vector<16xf32>
      %reduce_max3A_416 = vector.extract %reduce_max3A_415[15] : f32 from vector<16xf32>
      %broadcast_in_dim3A_417 = vector.broadcast %reduce_max3A_416 : f32 to vector<16xf32>
      %select_n3A_418 = arith.select %eq3A_412, %broadcast_in_dim3A_417, %select_n3A_384 : vector<16xi1>, vector<16xf32>
      %sub3A_419 = vector.broadcast %reduce_max3A_278 : f32 to vector<16xf32>
      %sub3A_420 = arith.subf %get3A_211, %sub3A_419 : vector<16xf32>
      %exp3A_421 = math.exp %sub3A_420 : vector<16xf32>
      %jit3A_422 = arith.constant 0.000000e+00 : f32
      %broadcast_in_dim3A_423 = vector.broadcast %jit3A_422 : f32 to vector<16xf32>
      %select_n3A_424 = arith.select %ge3A_5, %exp3A_421, %broadcast_in_dim3A_423 : vector<16xi1>, vector<16xf32>
      %add3A_425 = arith.addf %scan3A_350#2, %select_n3A_424 : vector<16xf32>
      %eq3A_426 = vector.broadcast %reduce_max3A_63 : f32 to vector<16xf32>
      %eq3A_427 = arith.cmpf oeq, %add3A_354, %eq3A_426 : vector<16xf32>
      %and3A_428 = arith.andi %eq3A_427, %ge3A_5 : vector<16xi1>
      %select_n3A_429 = arith.select %and3A_428, %get3A_211, %scan3A_350#18 : vector<16xi1>, vector<16xf32>
      %eq3A_430 = arith.constant 2 : i32
      %eq3A_431 = vector.broadcast %eq3A_430 : i32 to vector<16xi32>
      %eq3A_432 = arith.cmpi eq, %iota3A, %eq3A_431 : vector<16xi32>
      %broadcast_in_dim3A_433 = vector.broadcast %reduce_max3A_278 : f32 to vector<16xf32>
      %select_n3A_434 = arith.select %eq3A_432, %broadcast_in_dim3A_433, %select_n3A_400 : vector<16xi1>, vector<16xf32>
      %eq3A_435 = arith.constant 2 : i32
      %eq3A_436 = vector.broadcast %eq3A_435 : i32 to vector<16xi32>
      %eq3A_437 = arith.cmpi eq, %iota3A, %eq3A_436 : vector<16xi32>
      %reduce_sum3A_438 = arith.constant true
      %reduce_sum3A_439 = vector.broadcast %reduce_sum3A_438 : i1 to vector<16xi1>
      %reduce_sum3A_440 = tpu.scan <sum>, %add3A_425 masked %reduce_sum3A_439 : vector<16xf32>, vector<16xi1> -> vector<16xf32>
      %reduce_sum3A_441 = vector.extract %reduce_sum3A_440[15] : f32 from vector<16xf32>
      %broadcast_in_dim3A_442 = vector.broadcast %reduce_sum3A_441 : f32 to vector<16xf32>
      %select_n3A_443 = arith.select %eq3A_437, %broadcast_in_dim3A_442, %select_n3A_409 : vector<16xi1>, vector<16xf32>
      %eq3A_444 = arith.constant 2 : i32
      %eq3A_445 = vector.broadcast %eq3A_444 : i32 to vector<16xi32>
      %eq3A_446 = arith.cmpi eq, %iota3A, %eq3A_445 : vector<16xi32>
      %reduce_max3A_447 = arith.constant true
      %reduce_max3A_448 = vector.broadcast %reduce_max3A_447 : i1 to vector<16xi1>
      %reduce_max3A_449 = tpu.scan <max>, %select_n3A_429 masked %reduce_max3A_448 : vector<16xf32>, vector<16xi1> -> vector<16xf32>
      %reduce_max3A_450 = vector.extract %reduce_max3A_449[15] : f32 from vector<16xf32>
      %broadcast_in_dim3A_451 = vector.broadcast %reduce_max3A_450 : f32 to vector<16xf32>
      %select_n3A_452 = arith.select %eq3A_446, %broadcast_in_dim3A_451, %select_n3A_418 : vector<16xi1>, vector<16xf32>
      %sub3A_453 = vector.broadcast %reduce_max3A_283 : f32 to vector<16xf32>
      %sub3A_454 = arith.subf %get3A_215, %sub3A_453 : vector<16xf32>
      %exp3A_455 = math.exp %sub3A_454 : vector<16xf32>
      %jit3A_456 = arith.constant 0.000000e+00 : f32
      %broadcast_in_dim3A_457 = vector.broadcast %jit3A_456 : f32 to vector<16xf32>
      %select_n3A_458 = arith.select %ge3A_5, %exp3A_455, %broadcast_in_dim3A_457 : vector<16xi1>, vector<16xf32>
      %add3A_459 = arith.addf %scan3A_350#3, %select_n3A_458 : vector<16xf32>
      %eq3A_460 = vector.broadcast %reduce_max3A_73 : f32 to vector<16xf32>
      %eq3A_461 = arith.cmpf oeq, %add3A_354, %eq3A_460 : vector<16xf32>
      %and3A_462 = arith.andi %eq3A_461, %ge3A_5 : vector<16xi1>
      %select_n3A_463 = arith.select %and3A_462, %get3A_215, %scan3A_350#19 : vector<16xi1>, vector<16xf32>
      %eq3A_464 = arith.constant 3 : i32
      %eq3A_465 = vector.broadcast %eq3A_464 : i32 to vector<16xi32>
      %eq3A_466 = arith.cmpi eq, %iota3A, %eq3A_465 : vector<16xi32>
      %broadcast_in_dim3A_467 = vector.broadcast %reduce_max3A_283 : f32 to vector<16xf32>
      %select_n3A_468 = arith.select %eq3A_466, %broadcast_in_dim3A_467, %select_n3A_434 : vector<16xi1>, vector<16xf32>
      %eq3A_469 = arith.constant 3 : i32
      %eq3A_470 = vector.broadcast %eq3A_469 : i32 to vector<16xi32>
      %eq3A_471 = arith.cmpi eq, %iota3A, %eq3A_470 : vector<16xi32>
      %reduce_sum3A_472 = arith.constant true
      %reduce_sum3A_473 = vector.broadcast %reduce_sum3A_472 : i1 to vector<16xi1>
      %reduce_sum3A_474 = tpu.scan <sum>, %add3A_459 masked %reduce_sum3A_473 : vector<16xf32>, vector<16xi1> -> vector<16xf32>
      %reduce_sum3A_475 = vector.extract %reduce_sum3A_474[15] : f32 from vector<16xf32>
      %broadcast_in_dim3A_476 = vector.broadcast %reduce_sum3A_475 : f32 to vector<16xf32>
      %select_n3A_477 = arith.select %eq3A_471, %broadcast_in_dim3A_476, %select_n3A_443 : vector<16xi1>, vector<16xf32>
      %eq3A_478 = arith.constant 3 : i32
      %eq3A_479 = vector.broadcast %eq3A_478 : i32 to vector<16xi32>
      %eq3A_480 = arith.cmpi eq, %iota3A, %eq3A_479 : vector<16xi32>
      %reduce_max3A_481 = arith.constant true
      %reduce_max3A_482 = vector.broadcast %reduce_max3A_481 : i1 to vector<16xi1>
      %reduce_max3A_483 = tpu.scan <max>, %select_n3A_463 masked %reduce_max3A_482 : vector<16xf32>, vector<16xi1> -> vector<16xf32>
      %reduce_max3A_484 = vector.extract %reduce_max3A_483[15] : f32 from vector<16xf32>
      %broadcast_in_dim3A_485 = vector.broadcast %reduce_max3A_484 : f32 to vector<16xf32>
      %select_n3A_486 = arith.select %eq3A_480, %broadcast_in_dim3A_485, %select_n3A_452 : vector<16xi1>, vector<16xf32>
      %sub3A_487 = vector.broadcast %reduce_max3A_288 : f32 to vector<16xf32>
      %sub3A_488 = arith.subf %get3A_219, %sub3A_487 : vector<16xf32>
      %exp3A_489 = math.exp %sub3A_488 : vector<16xf32>
      %jit3A_490 = arith.constant 0.000000e+00 : f32
      %broadcast_in_dim3A_491 = vector.broadcast %jit3A_490 : f32 to vector<16xf32>
      %select_n3A_492 = arith.select %ge3A_5, %exp3A_489, %broadcast_in_dim3A_491 : vector<16xi1>, vector<16xf32>
      %add3A_493 = arith.addf %scan3A_350#4, %select_n3A_492 : vector<16xf32>
      %eq3A_494 = vector.broadcast %reduce_max3A_83 : f32 to vector<16xf32>
      %eq3A_495 = arith.cmpf oeq, %add3A_354, %eq3A_494 : vector<16xf32>
      %and3A_496 = arith.andi %eq3A_495, %ge3A_5 : vector<16xi1>
      %select_n3A_497 = arith.select %and3A_496, %get3A_219, %scan3A_350#20 : vector<16xi1>, vector<16xf32>
      %eq3A_498 = arith.constant 4 : i32
      %eq3A_499 = vector.broadcast %eq3A_498 : i32 to vector<16xi32>
      %eq3A_500 = arith.cmpi eq, %iota3A, %eq3A_499 : vector<16xi32>
      %broadcast_in_dim3A_501 = vector.broadcast %reduce_max3A_288 : f32 to vector<16xf32>
      %select_n3A_502 = arith.select %eq3A_500, %broadcast_in_dim3A_501, %select_n3A_468 : vector<16xi1>, vector<16xf32>
      %eq3A_503 = arith.constant 4 : i32
      %eq3A_504 = vector.broadcast %eq3A_503 : i32 to vector<16xi32>
      %eq3A_505 = arith.cmpi eq, %iota3A, %eq3A_504 : vector<16xi32>
      %reduce_sum3A_506 = arith.constant true
      %reduce_sum3A_507 = vector.broadcast %reduce_sum3A_506 : i1 to vector<16xi1>
      %reduce_sum3A_508 = tpu.scan <sum>, %add3A_493 masked %reduce_sum3A_507 : vector<16xf32>, vector<16xi1> -> vector<16xf32>
      %reduce_sum3A_509 = vector.extract %reduce_sum3A_508[15] : f32 from vector<16xf32>
      %broadcast_in_dim3A_510 = vector.broadcast %reduce_sum3A_509 : f32 to vector<16xf32>
      %select_n3A_511 = arith.select %eq3A_505, %broadcast_in_dim3A_510, %select_n3A_477 : vector<16xi1>, vector<16xf32>
      %eq3A_512 = arith.constant 4 : i32
      %eq3A_513 = vector.broadcast %eq3A_512 : i32 to vector<16xi32>
      %eq3A_514 = arith.cmpi eq, %iota3A, %eq3A_513 : vector<16xi32>
      %reduce_max3A_515 = arith.constant true
      %reduce_max3A_516 = vector.broadcast %reduce_max3A_515 : i1 to vector<16xi1>
      %reduce_max3A_517 = tpu.scan <max>, %select_n3A_497 masked %reduce_max3A_516 : vector<16xf32>, vector<16xi1> -> vector<16xf32>
      %reduce_max3A_518 = vector.extract %reduce_max3A_517[15] : f32 from vector<16xf32>
      %broadcast_in_dim3A_519 = vector.broadcast %reduce_max3A_518 : f32 to vector<16xf32>
      %select_n3A_520 = arith.select %eq3A_514, %broadcast_in_dim3A_519, %select_n3A_486 : vector<16xi1>, vector<16xf32>
      %sub3A_521 = vector.broadcast %reduce_max3A_293 : f32 to vector<16xf32>
      %sub3A_522 = arith.subf %get3A_223, %sub3A_521 : vector<16xf32>
      %exp3A_523 = math.exp %sub3A_522 : vector<16xf32>
      %jit3A_524 = arith.constant 0.000000e+00 : f32
      %broadcast_in_dim3A_525 = vector.broadcast %jit3A_524 : f32 to vector<16xf32>
      %select_n3A_526 = arith.select %ge3A_5, %exp3A_523, %broadcast_in_dim3A_525 : vector<16xi1>, vector<16xf32>
      %add3A_527 = arith.addf %scan3A_350#5, %select_n3A_526 : vector<16xf32>
      %eq3A_528 = vector.broadcast %reduce_max3A_93 : f32 to vector<16xf32>
      %eq3A_529 = arith.cmpf oeq, %add3A_354, %eq3A_528 : vector<16xf32>
      %and3A_530 = arith.andi %eq3A_529, %ge3A_5 : vector<16xi1>
      %select_n3A_531 = arith.select %and3A_530, %get3A_223, %scan3A_350#21 : vector<16xi1>, vector<16xf32>
      %eq3A_532 = arith.constant 5 : i32
      %eq3A_533 = vector.broadcast %eq3A_532 : i32 to vector<16xi32>
      %eq3A_534 = arith.cmpi eq, %iota3A, %eq3A_533 : vector<16xi32>
      %broadcast_in_dim3A_535 = vector.broadcast %reduce_max3A_293 : f32 to vector<16xf32>
      %select_n3A_536 = arith.select %eq3A_534, %broadcast_in_dim3A_535, %select_n3A_502 : vector<16xi1>, vector<16xf32>
      %eq3A_537 = arith.constant 5 : i32
      %eq3A_538 = vector.broadcast %eq3A_537 : i32 to vector<16xi32>
      %eq3A_539 = arith.cmpi eq, %iota3A, %eq3A_538 : vector<16xi32>
      %reduce_sum3A_540 = arith.constant true
      %reduce_sum3A_541 = vector.broadcast %reduce_sum3A_540 : i1 to vector<16xi1>
      %reduce_sum3A_542 = tpu.scan <sum>, %add3A_527 masked %reduce_sum3A_541 : vector<16xf32>, vector<16xi1> -> vector<16xf32>
      %reduce_sum3A_543 = vector.extract %reduce_sum3A_542[15] : f32 from vector<16xf32>
      %broadcast_in_dim3A_544 = vector.broadcast %reduce_sum3A_543 : f32 to vector<16xf32>
      %select_n3A_545 = arith.select %eq3A_539, %broadcast_in_dim3A_544, %select_n3A_511 : vector<16xi1>, vector<16xf32>
      %eq3A_546 = arith.constant 5 : i32
      %eq3A_547 = vector.broadcast %eq3A_546 : i32 to vector<16xi32>
      %eq3A_548 = arith.cmpi eq, %iota3A, %eq3A_547 : vector<16xi32>
      %reduce_max3A_549 = arith.constant true
      %reduce_max3A_550 = vector.broadcast %reduce_max3A_549 : i1 to vector<16xi1>
      %reduce_max3A_551 = tpu.scan <max>, %select_n3A_531 masked %reduce_max3A_550 : vector<16xf32>, vector<16xi1> -> vector<16xf32>
      %reduce_max3A_552 = vector.extract %reduce_max3A_551[15] : f32 from vector<16xf32>
      %broadcast_in_dim3A_553 = vector.broadcast %reduce_max3A_552 : f32 to vector<16xf32>
      %select_n3A_554 = arith.select %eq3A_548, %broadcast_in_dim3A_553, %select_n3A_520 : vector<16xi1>, vector<16xf32>
      %sub3A_555 = vector.broadcast %reduce_max3A_298 : f32 to vector<16xf32>
      %sub3A_556 = arith.subf %get3A_227, %sub3A_555 : vector<16xf32>
      %exp3A_557 = math.exp %sub3A_556 : vector<16xf32>
      %jit3A_558 = arith.constant 0.000000e+00 : f32
      %broadcast_in_dim3A_559 = vector.broadcast %jit3A_558 : f32 to vector<16xf32>
      %select_n3A_560 = arith.select %ge3A_5, %exp3A_557, %broadcast_in_dim3A_559 : vector<16xi1>, vector<16xf32>
      %add3A_561 = arith.addf %scan3A_350#6, %select_n3A_560 : vector<16xf32>
      %eq3A_562 = vector.broadcast %reduce_max3A_103 : f32 to vector<16xf32>
      %eq3A_563 = arith.cmpf oeq, %add3A_354, %eq3A_562 : vector<16xf32>
      %and3A_564 = arith.andi %eq3A_563, %ge3A_5 : vector<16xi1>
      %select_n3A_565 = arith.select %and3A_564, %get3A_227, %scan3A_350#22 : vector<16xi1>, vector<16xf32>
      %eq3A_566 = arith.constant 6 : i32
      %eq3A_567 = vector.broadcast %eq3A_566 : i32 to vector<16xi32>
      %eq3A_568 = arith.cmpi eq, %iota3A, %eq3A_567 : vector<16xi32>
      %broadcast_in_dim3A_569 = vector.broadcast %reduce_max3A_298 : f32 to vector<16xf32>
      %select_n3A_570 = arith.select %eq3A_568, %broadcast_in_dim3A_569, %select_n3A_536 : vector<16xi1>, vector<16xf32>
      %eq3A_571 = arith.constant 6 : i32
      %eq3A_572 = vector.broadcast %eq3A_571 : i32 to vector<16xi32>
      %eq3A_573 = arith.cmpi eq, %iota3A, %eq3A_572 : vector<16xi32>
      %reduce_sum3A_574 = arith.constant true
      %reduce_sum3A_575 = vector.broadcast %reduce_sum3A_574 : i1 to vector<16xi1>
      %reduce_sum3A_576 = tpu.scan <sum>, %add3A_561 masked %reduce_sum3A_575 : vector<16xf32>, vector<16xi1> -> vector<16xf32>
      %reduce_sum3A_577 = vector.extract %reduce_sum3A_576[15] : f32 from vector<16xf32>
      %broadcast_in_dim3A_578 = vector.broadcast %reduce_sum3A_577 : f32 to vector<16xf32>
      %select_n3A_579 = arith.select %eq3A_573, %broadcast_in_dim3A_578, %select_n3A_545 : vector<16xi1>, vector<16xf32>
      %eq3A_580 = arith.constant 6 : i32
      %eq3A_581 = vector.broadcast %eq3A_580 : i32 to vector<16xi32>
      %eq3A_582 = arith.cmpi eq, %iota3A, %eq3A_581 : vector<16xi32>
      %reduce_max3A_583 = arith.constant true
      %reduce_max3A_584 = vector.broadcast %reduce_max3A_583 : i1 to vector<16xi1>
      %reduce_max3A_585 = tpu.scan <max>, %select_n3A_565 masked %reduce_max3A_584 : vector<16xf32>, vector<16xi1> -> vector<16xf32>
      %reduce_max3A_586 = vector.extract %reduce_max3A_585[15] : f32 from vector<16xf32>
      %broadcast_in_dim3A_587 = vector.broadcast %reduce_max3A_586 : f32 to vector<16xf32>
      %select_n3A_588 = arith.select %eq3A_582, %broadcast_in_dim3A_587, %select_n3A_554 : vector<16xi1>, vector<16xf32>
      %sub3A_589 = vector.broadcast %reduce_max3A_303 : f32 to vector<16xf32>
      %sub3A_590 = arith.subf %get3A_231, %sub3A_589 : vector<16xf32>
      %exp3A_591 = math.exp %sub3A_590 : vector<16xf32>
      %jit3A_592 = arith.constant 0.000000e+00 : f32
      %broadcast_in_dim3A_593 = vector.broadcast %jit3A_592 : f32 to vector<16xf32>
      %select_n3A_594 = arith.select %ge3A_5, %exp3A_591, %broadcast_in_dim3A_593 : vector<16xi1>, vector<16xf32>
      %add3A_595 = arith.addf %scan3A_350#7, %select_n3A_594 : vector<16xf32>
      %eq3A_596 = vector.broadcast %reduce_max3A_113 : f32 to vector<16xf32>
      %eq3A_597 = arith.cmpf oeq, %add3A_354, %eq3A_596 : vector<16xf32>
      %and3A_598 = arith.andi %eq3A_597, %ge3A_5 : vector<16xi1>
      %select_n3A_599 = arith.select %and3A_598, %get3A_231, %scan3A_350#23 : vector<16xi1>, vector<16xf32>
      %eq3A_600 = arith.constant 7 : i32
      %eq3A_601 = vector.broadcast %eq3A_600 : i32 to vector<16xi32>
      %eq3A_602 = arith.cmpi eq, %iota3A, %eq3A_601 : vector<16xi32>
      %broadcast_in_dim3A_603 = vector.broadcast %reduce_max3A_303 : f32 to vector<16xf32>
      %select_n3A_604 = arith.select %eq3A_602, %broadcast_in_dim3A_603, %select_n3A_570 : vector<16xi1>, vector<16xf32>
      %eq3A_605 = arith.constant 7 : i32
      %eq3A_606 = vector.broadcast %eq3A_605 : i32 to vector<16xi32>
      %eq3A_607 = arith.cmpi eq, %iota3A, %eq3A_606 : vector<16xi32>
      %reduce_sum3A_608 = arith.constant true
      %reduce_sum3A_609 = vector.broadcast %reduce_sum3A_608 : i1 to vector<16xi1>
      %reduce_sum3A_610 = tpu.scan <sum>, %add3A_595 masked %reduce_sum3A_609 : vector<16xf32>, vector<16xi1> -> vector<16xf32>
      %reduce_sum3A_611 = vector.extract %reduce_sum3A_610[15] : f32 from vector<16xf32>
      %broadcast_in_dim3A_612 = vector.broadcast %reduce_sum3A_611 : f32 to vector<16xf32>
      %select_n3A_613 = arith.select %eq3A_607, %broadcast_in_dim3A_612, %select_n3A_579 : vector<16xi1>, vector<16xf32>
      %eq3A_614 = arith.constant 7 : i32
      %eq3A_615 = vector.broadcast %eq3A_614 : i32 to vector<16xi32>
      %eq3A_616 = arith.cmpi eq, %iota3A, %eq3A_615 : vector<16xi32>
      %reduce_max3A_617 = arith.constant true
      %reduce_max3A_618 = vector.broadcast %reduce_max3A_617 : i1 to vector<16xi1>
      %reduce_max3A_619 = tpu.scan <max>, %select_n3A_599 masked %reduce_max3A_618 : vector<16xf32>, vector<16xi1> -> vector<16xf32>
      %reduce_max3A_620 = vector.extract %reduce_max3A_619[15] : f32 from vector<16xf32>
      %broadcast_in_dim3A_621 = vector.broadcast %reduce_max3A_620 : f32 to vector<16xf32>
      %select_n3A_622 = arith.select %eq3A_616, %broadcast_in_dim3A_621, %select_n3A_588 : vector<16xi1>, vector<16xf32>
      %sub3A_623 = vector.broadcast %reduce_max3A_308 : f32 to vector<16xf32>
      %sub3A_624 = arith.subf %get3A_235, %sub3A_623 : vector<16xf32>
      %exp3A_625 = math.exp %sub3A_624 : vector<16xf32>
      %jit3A_626 = arith.constant 0.000000e+00 : f32
      %broadcast_in_dim3A_627 = vector.broadcast %jit3A_626 : f32 to vector<16xf32>
      %select_n3A_628 = arith.select %ge3A_5, %exp3A_625, %broadcast_in_dim3A_627 : vector<16xi1>, vector<16xf32>
      %add3A_629 = arith.addf %scan3A_350#8, %select_n3A_628 : vector<16xf32>
      %eq3A_630 = vector.broadcast %reduce_max3A_123 : f32 to vector<16xf32>
      %eq3A_631 = arith.cmpf oeq, %add3A_354, %eq3A_630 : vector<16xf32>
      %and3A_632 = arith.andi %eq3A_631, %ge3A_5 : vector<16xi1>
      %select_n3A_633 = arith.select %and3A_632, %get3A_235, %scan3A_350#24 : vector<16xi1>, vector<16xf32>
      %eq3A_634 = arith.constant 8 : i32
      %eq3A_635 = vector.broadcast %eq3A_634 : i32 to vector<16xi32>
      %eq3A_636 = arith.cmpi eq, %iota3A, %eq3A_635 : vector<16xi32>
      %broadcast_in_dim3A_637 = vector.broadcast %reduce_max3A_308 : f32 to vector<16xf32>
      %select_n3A_638 = arith.select %eq3A_636, %broadcast_in_dim3A_637, %select_n3A_604 : vector<16xi1>, vector<16xf32>
      %eq3A_639 = arith.constant 8 : i32
      %eq3A_640 = vector.broadcast %eq3A_639 : i32 to vector<16xi32>
      %eq3A_641 = arith.cmpi eq, %iota3A, %eq3A_640 : vector<16xi32>
      %reduce_sum3A_642 = arith.constant true
      %reduce_sum3A_643 = vector.broadcast %reduce_sum3A_642 : i1 to vector<16xi1>
      %reduce_sum3A_644 = tpu.scan <sum>, %add3A_629 masked %reduce_sum3A_643 : vector<16xf32>, vector<16xi1> -> vector<16xf32>
      %reduce_sum3A_645 = vector.extract %reduce_sum3A_644[15] : f32 from vector<16xf32>
      %broadcast_in_dim3A_646 = vector.broadcast %reduce_sum3A_645 : f32 to vector<16xf32>
      %select_n3A_647 = arith.select %eq3A_641, %broadcast_in_dim3A_646, %select_n3A_613 : vector<16xi1>, vector<16xf32>
      %eq3A_648 = arith.constant 8 : i32
      %eq3A_649 = vector.broadcast %eq3A_648 : i32 to vector<16xi32>
      %eq3A_650 = arith.cmpi eq, %iota3A, %eq3A_649 : vector<16xi32>
      %reduce_max3A_651 = arith.constant true
      %reduce_max3A_652 = vector.broadcast %reduce_max3A_651 : i1 to vector<16xi1>
      %reduce_max3A_653 = tpu.scan <max>, %select_n3A_633 masked %reduce_max3A_652 : vector<16xf32>, vector<16xi1> -> vector<16xf32>
      %reduce_max3A_654 = vector.extract %reduce_max3A_653[15] : f32 from vector<16xf32>
      %broadcast_in_dim3A_655 = vector.broadcast %reduce_max3A_654 : f32 to vector<16xf32>
      %select_n3A_656 = arith.select %eq3A_650, %broadcast_in_dim3A_655, %select_n3A_622 : vector<16xi1>, vector<16xf32>
      %sub3A_657 = vector.broadcast %reduce_max3A_313 : f32 to vector<16xf32>
      %sub3A_658 = arith.subf %get3A_239, %sub3A_657 : vector<16xf32>
      %exp3A_659 = math.exp %sub3A_658 : vector<16xf32>
      %jit3A_660 = arith.constant 0.000000e+00 : f32
      %broadcast_in_dim3A_661 = vector.broadcast %jit3A_660 : f32 to vector<16xf32>
      %select_n3A_662 = arith.select %ge3A_5, %exp3A_659, %broadcast_in_dim3A_661 : vector<16xi1>, vector<16xf32>
      %add3A_663 = arith.addf %scan3A_350#9, %select_n3A_662 : vector<16xf32>
      %eq3A_664 = vector.broadcast %reduce_max3A_133 : f32 to vector<16xf32>
      %eq3A_665 = arith.cmpf oeq, %add3A_354, %eq3A_664 : vector<16xf32>
      %and3A_666 = arith.andi %eq3A_665, %ge3A_5 : vector<16xi1>
      %select_n3A_667 = arith.select %and3A_666, %get3A_239, %scan3A_350#25 : vector<16xi1>, vector<16xf32>
      %eq3A_668 = arith.constant 9 : i32
      %eq3A_669 = vector.broadcast %eq3A_668 : i32 to vector<16xi32>
      %eq3A_670 = arith.cmpi eq, %iota3A, %eq3A_669 : vector<16xi32>
      %broadcast_in_dim3A_671 = vector.broadcast %reduce_max3A_313 : f32 to vector<16xf32>
      %select_n3A_672 = arith.select %eq3A_670, %broadcast_in_dim3A_671, %select_n3A_638 : vector<16xi1>, vector<16xf32>
      %eq3A_673 = arith.constant 9 : i32
      %eq3A_674 = vector.broadcast %eq3A_673 : i32 to vector<16xi32>
      %eq3A_675 = arith.cmpi eq, %iota3A, %eq3A_674 : vector<16xi32>
      %reduce_sum3A_676 = arith.constant true
      %reduce_sum3A_677 = vector.broadcast %reduce_sum3A_676 : i1 to vector<16xi1>
      %reduce_sum3A_678 = tpu.scan <sum>, %add3A_663 masked %reduce_sum3A_677 : vector<16xf32>, vector<16xi1> -> vector<16xf32>
      %reduce_sum3A_679 = vector.extract %reduce_sum3A_678[15] : f32 from vector<16xf32>
      %broadcast_in_dim3A_680 = vector.broadcast %reduce_sum3A_679 : f32 to vector<16xf32>
      %select_n3A_681 = arith.select %eq3A_675, %broadcast_in_dim3A_680, %select_n3A_647 : vector<16xi1>, vector<16xf32>
      %eq3A_682 = arith.constant 9 : i32
      %eq3A_683 = vector.broadcast %eq3A_682 : i32 to vector<16xi32>
      %eq3A_684 = arith.cmpi eq, %iota3A, %eq3A_683 : vector<16xi32>
      %reduce_max3A_685 = arith.constant true
      %reduce_max3A_686 = vector.broadcast %reduce_max3A_685 : i1 to vector<16xi1>
      %reduce_max3A_687 = tpu.scan <max>, %select_n3A_667 masked %reduce_max3A_686 : vector<16xf32>, vector<16xi1> -> vector<16xf32>
      %reduce_max3A_688 = vector.extract %reduce_max3A_687[15] : f32 from vector<16xf32>
      %broadcast_in_dim3A_689 = vector.broadcast %reduce_max3A_688 : f32 to vector<16xf32>
      %select_n3A_690 = arith.select %eq3A_684, %broadcast_in_dim3A_689, %select_n3A_656 : vector<16xi1>, vector<16xf32>
      %sub3A_691 = vector.broadcast %reduce_max3A_318 : f32 to vector<16xf32>
      %sub3A_692 = arith.subf %get3A_243, %sub3A_691 : vector<16xf32>
      %exp3A_693 = math.exp %sub3A_692 : vector<16xf32>
      %jit3A_694 = arith.constant 0.000000e+00 : f32
      %broadcast_in_dim3A_695 = vector.broadcast %jit3A_694 : f32 to vector<16xf32>
      %select_n3A_696 = arith.select %ge3A_5, %exp3A_693, %broadcast_in_dim3A_695 : vector<16xi1>, vector<16xf32>
      %add3A_697 = arith.addf %scan3A_350#10, %select_n3A_696 : vector<16xf32>
      %eq3A_698 = vector.broadcast %reduce_max3A_143 : f32 to vector<16xf32>
      %eq3A_699 = arith.cmpf oeq, %add3A_354, %eq3A_698 : vector<16xf32>
      %and3A_700 = arith.andi %eq3A_699, %ge3A_5 : vector<16xi1>
      %select_n3A_701 = arith.select %and3A_700, %get3A_243, %scan3A_350#26 : vector<16xi1>, vector<16xf32>
      %eq3A_702 = arith.constant 10 : i32
      %eq3A_703 = vector.broadcast %eq3A_702 : i32 to vector<16xi32>
      %eq3A_704 = arith.cmpi eq, %iota3A, %eq3A_703 : vector<16xi32>
      %broadcast_in_dim3A_705 = vector.broadcast %reduce_max3A_318 : f32 to vector<16xf32>
      %select_n3A_706 = arith.select %eq3A_704, %broadcast_in_dim3A_705, %select_n3A_672 : vector<16xi1>, vector<16xf32>
      %eq3A_707 = arith.constant 10 : i32
      %eq3A_708 = vector.broadcast %eq3A_707 : i32 to vector<16xi32>
      %eq3A_709 = arith.cmpi eq, %iota3A, %eq3A_708 : vector<16xi32>
      %reduce_sum3A_710 = arith.constant true
      %reduce_sum3A_711 = vector.broadcast %reduce_sum3A_710 : i1 to vector<16xi1>
      %reduce_sum3A_712 = tpu.scan <sum>, %add3A_697 masked %reduce_sum3A_711 : vector<16xf32>, vector<16xi1> -> vector<16xf32>
      %reduce_sum3A_713 = vector.extract %reduce_sum3A_712[15] : f32 from vector<16xf32>
      %broadcast_in_dim3A_714 = vector.broadcast %reduce_sum3A_713 : f32 to vector<16xf32>
      %select_n3A_715 = arith.select %eq3A_709, %broadcast_in_dim3A_714, %select_n3A_681 : vector<16xi1>, vector<16xf32>
      %eq3A_716 = arith.constant 10 : i32
      %eq3A_717 = vector.broadcast %eq3A_716 : i32 to vector<16xi32>
      %eq3A_718 = arith.cmpi eq, %iota3A, %eq3A_717 : vector<16xi32>
      %reduce_max3A_719 = arith.constant true
      %reduce_max3A_720 = vector.broadcast %reduce_max3A_719 : i1 to vector<16xi1>
      %reduce_max3A_721 = tpu.scan <max>, %select_n3A_701 masked %reduce_max3A_720 : vector<16xf32>, vector<16xi1> -> vector<16xf32>
      %reduce_max3A_722 = vector.extract %reduce_max3A_721[15] : f32 from vector<16xf32>
      %broadcast_in_dim3A_723 = vector.broadcast %reduce_max3A_722 : f32 to vector<16xf32>
      %select_n3A_724 = arith.select %eq3A_718, %broadcast_in_dim3A_723, %select_n3A_690 : vector<16xi1>, vector<16xf32>
      %sub3A_725 = vector.broadcast %reduce_max3A_323 : f32 to vector<16xf32>
      %sub3A_726 = arith.subf %get3A_247, %sub3A_725 : vector<16xf32>
      %exp3A_727 = math.exp %sub3A_726 : vector<16xf32>
      %jit3A_728 = arith.constant 0.000000e+00 : f32
      %broadcast_in_dim3A_729 = vector.broadcast %jit3A_728 : f32 to vector<16xf32>
      %select_n3A_730 = arith.select %ge3A_5, %exp3A_727, %broadcast_in_dim3A_729 : vector<16xi1>, vector<16xf32>
      %add3A_731 = arith.addf %scan3A_350#11, %select_n3A_730 : vector<16xf32>
      %eq3A_732 = vector.broadcast %reduce_max3A_153 : f32 to vector<16xf32>
      %eq3A_733 = arith.cmpf oeq, %add3A_354, %eq3A_732 : vector<16xf32>
      %and3A_734 = arith.andi %eq3A_733, %ge3A_5 : vector<16xi1>
      %select_n3A_735 = arith.select %and3A_734, %get3A_247, %scan3A_350#27 : vector<16xi1>, vector<16xf32>
      %eq3A_736 = arith.constant 11 : i32
      %eq3A_737 = vector.broadcast %eq3A_736 : i32 to vector<16xi32>
      %eq3A_738 = arith.cmpi eq, %iota3A, %eq3A_737 : vector<16xi32>
      %broadcast_in_dim3A_739 = vector.broadcast %reduce_max3A_323 : f32 to vector<16xf32>
      %select_n3A_740 = arith.select %eq3A_738, %broadcast_in_dim3A_739, %select_n3A_706 : vector<16xi1>, vector<16xf32>
      %eq3A_741 = arith.constant 11 : i32
      %eq3A_742 = vector.broadcast %eq3A_741 : i32 to vector<16xi32>
      %eq3A_743 = arith.cmpi eq, %iota3A, %eq3A_742 : vector<16xi32>
      %reduce_sum3A_744 = arith.constant true
      %reduce_sum3A_745 = vector.broadcast %reduce_sum3A_744 : i1 to vector<16xi1>
      %reduce_sum3A_746 = tpu.scan <sum>, %add3A_731 masked %reduce_sum3A_745 : vector<16xf32>, vector<16xi1> -> vector<16xf32>
      %reduce_sum3A_747 = vector.extract %reduce_sum3A_746[15] : f32 from vector<16xf32>
      %broadcast_in_dim3A_748 = vector.broadcast %reduce_sum3A_747 : f32 to vector<16xf32>
      %select_n3A_749 = arith.select %eq3A_743, %broadcast_in_dim3A_748, %select_n3A_715 : vector<16xi1>, vector<16xf32>
      %eq3A_750 = arith.constant 11 : i32
      %eq3A_751 = vector.broadcast %eq3A_750 : i32 to vector<16xi32>
      %eq3A_752 = arith.cmpi eq, %iota3A, %eq3A_751 : vector<16xi32>
      %reduce_max3A_753 = arith.constant true
      %reduce_max3A_754 = vector.broadcast %reduce_max3A_753 : i1 to vector<16xi1>
      %reduce_max3A_755 = tpu.scan <max>, %select_n3A_735 masked %reduce_max3A_754 : vector<16xf32>, vector<16xi1> -> vector<16xf32>
      %reduce_max3A_756 = vector.extract %reduce_max3A_755[15] : f32 from vector<16xf32>
      %broadcast_in_dim3A_757 = vector.broadcast %reduce_max3A_756 : f32 to vector<16xf32>
      %select_n3A_758 = arith.select %eq3A_752, %broadcast_in_dim3A_757, %select_n3A_724 : vector<16xi1>, vector<16xf32>
      %sub3A_759 = vector.broadcast %reduce_max3A_328 : f32 to vector<16xf32>
      %sub3A_760 = arith.subf %get3A_251, %sub3A_759 : vector<16xf32>
      %exp3A_761 = math.exp %sub3A_760 : vector<16xf32>
      %jit3A_762 = arith.constant 0.000000e+00 : f32
      %broadcast_in_dim3A_763 = vector.broadcast %jit3A_762 : f32 to vector<16xf32>
      %select_n3A_764 = arith.select %ge3A_5, %exp3A_761, %broadcast_in_dim3A_763 : vector<16xi1>, vector<16xf32>
      %add3A_765 = arith.addf %scan3A_350#12, %select_n3A_764 : vector<16xf32>
      %eq3A_766 = vector.broadcast %reduce_max3A_163 : f32 to vector<16xf32>
      %eq3A_767 = arith.cmpf oeq, %add3A_354, %eq3A_766 : vector<16xf32>
      %and3A_768 = arith.andi %eq3A_767, %ge3A_5 : vector<16xi1>
      %select_n3A_769 = arith.select %and3A_768, %get3A_251, %scan3A_350#28 : vector<16xi1>, vector<16xf32>
      %eq3A_770 = arith.constant 12 : i32
      %eq3A_771 = vector.broadcast %eq3A_770 : i32 to vector<16xi32>
      %eq3A_772 = arith.cmpi eq, %iota3A, %eq3A_771 : vector<16xi32>
      %broadcast_in_dim3A_773 = vector.broadcast %reduce_max3A_328 : f32 to vector<16xf32>
      %select_n3A_774 = arith.select %eq3A_772, %broadcast_in_dim3A_773, %select_n3A_740 : vector<16xi1>, vector<16xf32>
      %eq3A_775 = arith.constant 12 : i32
      %eq3A_776 = vector.broadcast %eq3A_775 : i32 to vector<16xi32>
      %eq3A_777 = arith.cmpi eq, %iota3A, %eq3A_776 : vector<16xi32>
      %reduce_sum3A_778 = arith.constant true
      %reduce_sum3A_779 = vector.broadcast %reduce_sum3A_778 : i1 to vector<16xi1>
      %reduce_sum3A_780 = tpu.scan <sum>, %add3A_765 masked %reduce_sum3A_779 : vector<16xf32>, vector<16xi1> -> vector<16xf32>
      %reduce_sum3A_781 = vector.extract %reduce_sum3A_780[15] : f32 from vector<16xf32>
      %broadcast_in_dim3A_782 = vector.broadcast %reduce_sum3A_781 : f32 to vector<16xf32>
      %select_n3A_783 = arith.select %eq3A_777, %broadcast_in_dim3A_782, %select_n3A_749 : vector<16xi1>, vector<16xf32>
      %eq3A_784 = arith.constant 12 : i32
      %eq3A_785 = vector.broadcast %eq3A_784 : i32 to vector<16xi32>
      %eq3A_786 = arith.cmpi eq, %iota3A, %eq3A_785 : vector<16xi32>
      %reduce_max3A_787 = arith.constant true
      %reduce_max3A_788 = vector.broadcast %reduce_max3A_787 : i1 to vector<16xi1>
      %reduce_max3A_789 = tpu.scan <max>, %select_n3A_769 masked %reduce_max3A_788 : vector<16xf32>, vector<16xi1> -> vector<16xf32>
      %reduce_max3A_790 = vector.extract %reduce_max3A_789[15] : f32 from vector<16xf32>
      %broadcast_in_dim3A_791 = vector.broadcast %reduce_max3A_790 : f32 to vector<16xf32>
      %select_n3A_792 = arith.select %eq3A_786, %broadcast_in_dim3A_791, %select_n3A_758 : vector<16xi1>, vector<16xf32>
      %sub3A_793 = vector.broadcast %reduce_max3A_333 : f32 to vector<16xf32>
      %sub3A_794 = arith.subf %get3A_255, %sub3A_793 : vector<16xf32>
      %exp3A_795 = math.exp %sub3A_794 : vector<16xf32>
      %jit3A_796 = arith.constant 0.000000e+00 : f32
      %broadcast_in_dim3A_797 = vector.broadcast %jit3A_796 : f32 to vector<16xf32>
      %select_n3A_798 = arith.select %ge3A_5, %exp3A_795, %broadcast_in_dim3A_797 : vector<16xi1>, vector<16xf32>
      %add3A_799 = arith.addf %scan3A_350#13, %select_n3A_798 : vector<16xf32>
      %eq3A_800 = vector.broadcast %reduce_max3A_173 : f32 to vector<16xf32>
      %eq3A_801 = arith.cmpf oeq, %add3A_354, %eq3A_800 : vector<16xf32>
      %and3A_802 = arith.andi %eq3A_801, %ge3A_5 : vector<16xi1>
      %select_n3A_803 = arith.select %and3A_802, %get3A_255, %scan3A_350#29 : vector<16xi1>, vector<16xf32>
      %eq3A_804 = arith.constant 13 : i32
      %eq3A_805 = vector.broadcast %eq3A_804 : i32 to vector<16xi32>
      %eq3A_806 = arith.cmpi eq, %iota3A, %eq3A_805 : vector<16xi32>
      %broadcast_in_dim3A_807 = vector.broadcast %reduce_max3A_333 : f32 to vector<16xf32>
      %select_n3A_808 = arith.select %eq3A_806, %broadcast_in_dim3A_807, %select_n3A_774 : vector<16xi1>, vector<16xf32>
      %eq3A_809 = arith.constant 13 : i32
      %eq3A_810 = vector.broadcast %eq3A_809 : i32 to vector<16xi32>
      %eq3A_811 = arith.cmpi eq, %iota3A, %eq3A_810 : vector<16xi32>
      %reduce_sum3A_812 = arith.constant true
      %reduce_sum3A_813 = vector.broadcast %reduce_sum3A_812 : i1 to vector<16xi1>
      %reduce_sum3A_814 = tpu.scan <sum>, %add3A_799 masked %reduce_sum3A_813 : vector<16xf32>, vector<16xi1> -> vector<16xf32>
      %reduce_sum3A_815 = vector.extract %reduce_sum3A_814[15] : f32 from vector<16xf32>
      %broadcast_in_dim3A_816 = vector.broadcast %reduce_sum3A_815 : f32 to vector<16xf32>
      %select_n3A_817 = arith.select %eq3A_811, %broadcast_in_dim3A_816, %select_n3A_783 : vector<16xi1>, vector<16xf32>
      %eq3A_818 = arith.constant 13 : i32
      %eq3A_819 = vector.broadcast %eq3A_818 : i32 to vector<16xi32>
      %eq3A_820 = arith.cmpi eq, %iota3A, %eq3A_819 : vector<16xi32>
      %reduce_max3A_821 = arith.constant true
      %reduce_max3A_822 = vector.broadcast %reduce_max3A_821 : i1 to vector<16xi1>
      %reduce_max3A_823 = tpu.scan <max>, %select_n3A_803 masked %reduce_max3A_822 : vector<16xf32>, vector<16xi1> -> vector<16xf32>
      %reduce_max3A_824 = vector.extract %reduce_max3A_823[15] : f32 from vector<16xf32>
      %broadcast_in_dim3A_825 = vector.broadcast %reduce_max3A_824 : f32 to vector<16xf32>
      %select_n3A_826 = arith.select %eq3A_820, %broadcast_in_dim3A_825, %select_n3A_792 : vector<16xi1>, vector<16xf32>
      %sub3A_827 = vector.broadcast %reduce_max3A_338 : f32 to vector<16xf32>
      %sub3A_828 = arith.subf %get3A_259, %sub3A_827 : vector<16xf32>
      %exp3A_829 = math.exp %sub3A_828 : vector<16xf32>
      %jit3A_830 = arith.constant 0.000000e+00 : f32
      %broadcast_in_dim3A_831 = vector.broadcast %jit3A_830 : f32 to vector<16xf32>
      %select_n3A_832 = arith.select %ge3A_5, %exp3A_829, %broadcast_in_dim3A_831 : vector<16xi1>, vector<16xf32>
      %add3A_833 = arith.addf %scan3A_350#14, %select_n3A_832 : vector<16xf32>
      %eq3A_834 = vector.broadcast %reduce_max3A_183 : f32 to vector<16xf32>
      %eq3A_835 = arith.cmpf oeq, %add3A_354, %eq3A_834 : vector<16xf32>
      %and3A_836 = arith.andi %eq3A_835, %ge3A_5 : vector<16xi1>
      %select_n3A_837 = arith.select %and3A_836, %get3A_259, %scan3A_350#30 : vector<16xi1>, vector<16xf32>
      %eq3A_838 = arith.constant 14 : i32
      %eq3A_839 = vector.broadcast %eq3A_838 : i32 to vector<16xi32>
      %eq3A_840 = arith.cmpi eq, %iota3A, %eq3A_839 : vector<16xi32>
      %broadcast_in_dim3A_841 = vector.broadcast %reduce_max3A_338 : f32 to vector<16xf32>
      %select_n3A_842 = arith.select %eq3A_840, %broadcast_in_dim3A_841, %select_n3A_808 : vector<16xi1>, vector<16xf32>
      %eq3A_843 = arith.constant 14 : i32
      %eq3A_844 = vector.broadcast %eq3A_843 : i32 to vector<16xi32>
      %eq3A_845 = arith.cmpi eq, %iota3A, %eq3A_844 : vector<16xi32>
      %reduce_sum3A_846 = arith.constant true
      %reduce_sum3A_847 = vector.broadcast %reduce_sum3A_846 : i1 to vector<16xi1>
      %reduce_sum3A_848 = tpu.scan <sum>, %add3A_833 masked %reduce_sum3A_847 : vector<16xf32>, vector<16xi1> -> vector<16xf32>
      %reduce_sum3A_849 = vector.extract %reduce_sum3A_848[15] : f32 from vector<16xf32>
      %broadcast_in_dim3A_850 = vector.broadcast %reduce_sum3A_849 : f32 to vector<16xf32>
      %select_n3A_851 = arith.select %eq3A_845, %broadcast_in_dim3A_850, %select_n3A_817 : vector<16xi1>, vector<16xf32>
      %eq3A_852 = arith.constant 14 : i32
      %eq3A_853 = vector.broadcast %eq3A_852 : i32 to vector<16xi32>
      %eq3A_854 = arith.cmpi eq, %iota3A, %eq3A_853 : vector<16xi32>
      %reduce_max3A_855 = arith.constant true
      %reduce_max3A_856 = vector.broadcast %reduce_max3A_855 : i1 to vector<16xi1>
      %reduce_max3A_857 = tpu.scan <max>, %select_n3A_837 masked %reduce_max3A_856 : vector<16xf32>, vector<16xi1> -> vector<16xf32>
      %reduce_max3A_858 = vector.extract %reduce_max3A_857[15] : f32 from vector<16xf32>
      %broadcast_in_dim3A_859 = vector.broadcast %reduce_max3A_858 : f32 to vector<16xf32>
      %select_n3A_860 = arith.select %eq3A_854, %broadcast_in_dim3A_859, %select_n3A_826 : vector<16xi1>, vector<16xf32>
      %sub3A_861 = vector.broadcast %reduce_max3A_343 : f32 to vector<16xf32>
      %sub3A_862 = arith.subf %get3A_263, %sub3A_861 : vector<16xf32>
      %exp3A_863 = math.exp %sub3A_862 : vector<16xf32>
      %jit3A_864 = arith.constant 0.000000e+00 : f32
      %broadcast_in_dim3A_865 = vector.broadcast %jit3A_864 : f32 to vector<16xf32>
      %select_n3A_866 = arith.select %ge3A_5, %exp3A_863, %broadcast_in_dim3A_865 : vector<16xi1>, vector<16xf32>
      %add3A_867 = arith.addf %scan3A_350#15, %select_n3A_866 : vector<16xf32>
      %eq3A_868 = vector.broadcast %reduce_max3A_193 : f32 to vector<16xf32>
      %eq3A_869 = arith.cmpf oeq, %add3A_354, %eq3A_868 : vector<16xf32>
      %and3A_870 = arith.andi %eq3A_869, %ge3A_5 : vector<16xi1>
      %select_n3A_871 = arith.select %and3A_870, %get3A_263, %scan3A_350#31 : vector<16xi1>, vector<16xf32>
      %eq3A_872 = arith.constant 15 : i32
      %eq3A_873 = vector.broadcast %eq3A_872 : i32 to vector<16xi32>
      %eq3A_874 = arith.cmpi eq, %iota3A, %eq3A_873 : vector<16xi32>
      %broadcast_in_dim3A_875 = vector.broadcast %reduce_max3A_343 : f32 to vector<16xf32>
      %select_n3A_876 = arith.select %eq3A_874, %broadcast_in_dim3A_875, %select_n3A_842 : vector<16xi1>, vector<16xf32>
      %eq3A_877 = arith.constant 15 : i32
      %eq3A_878 = vector.broadcast %eq3A_877 : i32 to vector<16xi32>
      %eq3A_879 = arith.cmpi eq, %iota3A, %eq3A_878 : vector<16xi32>
      %reduce_sum3A_880 = arith.constant true
      %reduce_sum3A_881 = vector.broadcast %reduce_sum3A_880 : i1 to vector<16xi1>
      %reduce_sum3A_882 = tpu.scan <sum>, %add3A_867 masked %reduce_sum3A_881 : vector<16xf32>, vector<16xi1> -> vector<16xf32>
      %reduce_sum3A_883 = vector.extract %reduce_sum3A_882[15] : f32 from vector<16xf32>
      %broadcast_in_dim3A_884 = vector.broadcast %reduce_sum3A_883 : f32 to vector<16xf32>
      %select_n3A_885 = arith.select %eq3A_879, %broadcast_in_dim3A_884, %select_n3A_851 : vector<16xi1>, vector<16xf32>
      %eq3A_886 = arith.constant 15 : i32
      %eq3A_887 = vector.broadcast %eq3A_886 : i32 to vector<16xi32>
      %eq3A_888 = arith.cmpi eq, %iota3A, %eq3A_887 : vector<16xi32>
      %reduce_max3A_889 = arith.constant true
      %reduce_max3A_890 = vector.broadcast %reduce_max3A_889 : i1 to vector<16xi1>
      %reduce_max3A_891 = tpu.scan <max>, %select_n3A_871 masked %reduce_max3A_890 : vector<16xf32>, vector<16xi1> -> vector<16xf32>
      %reduce_max3A_892 = vector.extract %reduce_max3A_891[15] : f32 from vector<16xf32>
      %broadcast_in_dim3A_893 = vector.broadcast %reduce_max3A_892 : f32 to vector<16xf32>
      %select_n3A_894 = arith.select %eq3A_888, %broadcast_in_dim3A_893, %select_n3A_860 : vector<16xi1>, vector<16xf32>
      %mul3A_895 = arith.constant 16 : i32
      %mul3A_896 = arith.muli %mul3A_22, %mul3A_895 : i32
      %swap3A = arith.index_cast %mul3A_896 : i32 to index
      %swap3A_897 = tpu.vector_load %arg10[%swap3A] {strides = array<i32>} : memref<224xf32, #tpu.memory_space<vmem>>, vector<16xf32>,
      tpu.vector_store %arg10[%swap3A], %select_n3A_876 {strides = array<i32>} : memref<224xf32, #tpu.memory_space<vmem>>, vector<16xf32>,
      %mul3A_898 = arith.constant 16 : i32
      %mul3A_899 = arith.muli %mul3A_22, %mul3A_898 : i32
      %swap3A_900 = arith.index_cast %mul3A_899 : i32 to index
      %swap3A_901 = tpu.vector_load %arg11[%swap3A_900] {strides = array<i32>} : memref<224xf32, #tpu.memory_space<vmem>>, vector<16xf32>,
      tpu.vector_store %arg11[%swap3A_900], %select_n3A_885 {strides = array<i32>} : memref<224xf32, #tpu.memory_space<vmem>>, vector<16xf32>,
      %mul3A_902 = arith.constant 16 : i32
      %mul3A_903 = arith.muli %mul3A_22, %mul3A_902 : i32
      %swap3A_904 = arith.index_cast %mul3A_903 : i32 to index
      %swap3A_905 = tpu.vector_load %arg12[%swap3A_904] {strides = array<i32>} : memref<224xf32, #tpu.memory_space<vmem>>, vector<16xf32>,
      tpu.vector_store %arg12[%swap3A_904], %select_n3A_894 {strides = array<i32>} : memref<224xf32, #tpu.memory_space<vmem>>, vector<16xf32>,
      %add3A_906 = arith.constant 2 : i32
      %add3A_907 = arith.addi %mul3A_22, %add3A_906 : i32
      %lt3A = arith.constant 14 : i32
      %lt3A_908 = arith.cmpi slt, %add3A_907, %lt3A : i32
      %convert_element_type3A_909 = arith.extui %lt3A_908 : i1 to i32
      %cond3A = arith.constant 0 : i32
      %cond3A_910 = arith.cmpi ne, %convert_element_type3A_909, %cond3A : i32
      scf.if %cond3A_910 {
        %add3A_1810 = arith.constant 2 : i32
        %add3A_1811 = arith.addi %mul3A_22, %add3A_1810 : i32
        %mul3A_1812 = arith.constant 16 : i32
        %mul3A_1813 = arith.muli %add3A_1811, %mul3A_1812 : i32
        %add3A_1814 = arith.addi %mul3A_2, %mul3A_1813 : i32
        %dma_start3A_1815 = arith.constant 0 : i32
        %dma_start3A_1816 = tpu.memref_slice %arg2[%add3A_1814, %dma_start3A_1815] : memref<16384x1000xf32, #tpu.memory_space<hbm>> -> memref<16x1000xf32, #tpu.memory_space<hbm>>
        %dma_start3A_1817 = arith.constant 0 : i32
        %dma_start3A_1818 = tpu.memref_slice %arg2[%add3A_1814, %dma_start3A_1817] : memref<16384x1000xf32, #tpu.memory_space<hbm>> -> memref<16x1000xf32, #tpu.memory_space<hbm>>
        tpu.enqueue_dma source(%dma_start3A_1818 : memref<16x1000xf32, #tpu.memory_space<hbm>>) target(%arg7 : memref<16x1000xf32, #tpu.memory_space<vmem>>) target_semaphore(%arg13 : memref<!tpu.dma_semaphore, #tpu.memory_space<semaphore_mem>>)
      } else {
      }
      %dma_wait3A_911 = arith.constant 0 : i32
      %dma_wait3A_912 = tpu.memref_slice %arg2[%mul3A_2, %dma_wait3A_911] : memref<16384x1000xf32, #tpu.memory_space<hbm>> -> memref<16x1000xf32, #tpu.memory_space<hbm>>
      %dma_wait3A_913 = arith.constant 0 : i32
      %dma_wait3A_914 = tpu.memref_slice %arg2[%mul3A_2, %dma_wait3A_913] : memref<16384x1000xf32, #tpu.memory_space<hbm>> -> memref<16x1000xf32, #tpu.memory_space<hbm>>
      tpu.wait_dma2 semaphore(%arg14 : memref<!tpu.dma_semaphore, #tpu.memory_space<semaphore_mem>>) src(%dma_wait3A_914 : memref<16x1000xf32, #tpu.memory_space<hbm>>) dst(%arg8 : memref<16x1000xf32, #tpu.memory_space<vmem>>)
      %mul3A_915 = arith.constant 16 : i32
      %mul3A_916 = arith.muli %add3A_26, %mul3A_915 : i32
      %get3A_917 = arith.index_cast %mul3A_916 : i32 to index
      %get3A_918 = tpu.vector_load %arg9[%get3A_917] {strides = array<i32>} : memref<224xi32, #tpu.memory_space<vmem>>, vector<16xi32>,
      %jit3A_919 = arith.constant 0 : i32
      %jit3A_920 = arith.constant 999 : i32
      %max3A_921 = vector.broadcast %jit3A_919 : i32 to vector<16xi32>
      %max3A_922 = arith.maxsi %max3A_921, %get3A_918 : vector<16xi32>
      %min3A_923 = vector.broadcast %jit3A_920 : i32 to vector<16xi32>
      %min3A_924 = arith.minsi %min3A_923, %max3A_922 : vector<16xi32>
      %convert_element_type3A_925 = arith.sitofp %min3A_924 : vector<16xi32> to vector<16xf32>
      %eq3A_926 = arith.constant 0 : i32
      %eq3A_927 = vector.broadcast %eq3A_926 : i32 to vector<16xi32>
      %eq3A_928 = arith.cmpi eq, %iota3A, %eq3A_927 : vector<16xi32>
      %jit3A_929 = arith.constant -1.000000e+00 : f32
      %broadcast_in_dim3A_930 = vector.broadcast %jit3A_929 : f32 to vector<16xf32>
      %select_n3A_931 = arith.select %eq3A_928, %convert_element_type3A_925, %broadcast_in_dim3A_930 : vector<16xi1>, vector<16xf32>
      %reduce_max3A_932 = arith.constant true
      %reduce_max3A_933 = vector.broadcast %reduce_max3A_932 : i1 to vector<16xi1>
      %reduce_max3A_934 = tpu.scan <max>, %select_n3A_931 masked %reduce_max3A_933 : vector<16xf32>, vector<16xi1> -> vector<16xf32>
      %reduce_max3A_935 = vector.extract %reduce_max3A_934[15] : f32 from vector<16xf32>
      %eq3A_936 = arith.constant 1 : i32
      %eq3A_937 = vector.broadcast %eq3A_936 : i32 to vector<16xi32>
      %eq3A_938 = arith.cmpi eq, %iota3A, %eq3A_937 : vector<16xi32>
      %jit3A_939 = arith.constant -1.000000e+00 : f32
      %broadcast_in_dim3A_940 = vector.broadcast %jit3A_939 : f32 to vector<16xf32>
      %select_n3A_941 = arith.select %eq3A_938, %convert_element_type3A_925, %broadcast_in_dim3A_940 : vector<16xi1>, vector<16xf32>
      %reduce_max3A_942 = arith.constant true
      %reduce_max3A_943 = vector.broadcast %reduce_max3A_942 : i1 to vector<16xi1>
      %reduce_max3A_944 = tpu.scan <max>, %select_n3A_941 masked %reduce_max3A_943 : vector<16xf32>, vector<16xi1> -> vector<16xf32>
      %reduce_max3A_945 = vector.extract %reduce_max3A_944[15] : f32 from vector<16xf32>
      %eq3A_946 = arith.constant 2 : i32
      %eq3A_947 = vector.broadcast %eq3A_946 : i32 to vector<16xi32>
      %eq3A_948 = arith.cmpi eq, %iota3A, %eq3A_947 : vector<16xi32>
      %jit3A_949 = arith.constant -1.000000e+00 : f32
      %broadcast_in_dim3A_950 = vector.broadcast %jit3A_949 : f32 to vector<16xf32>
      %select_n3A_951 = arith.select %eq3A_948, %convert_element_type3A_925, %broadcast_in_dim3A_950 : vector<16xi1>, vector<16xf32>
      %reduce_max3A_952 = arith.constant true
      %reduce_max3A_953 = vector.broadcast %reduce_max3A_952 : i1 to vector<16xi1>
      %reduce_max3A_954 = tpu.scan <max>, %select_n3A_951 masked %reduce_max3A_953 : vector<16xf32>, vector<16xi1> -> vector<16xf32>
      %reduce_max3A_955 = vector.extract %reduce_max3A_954[15] : f32 from vector<16xf32>
      %eq3A_956 = arith.constant 3 : i32
      %eq3A_957 = vector.broadcast %eq3A_956 : i32 to vector<16xi32>
      %eq3A_958 = arith.cmpi eq, %iota3A, %eq3A_957 : vector<16xi32>
      %jit3A_959 = arith.constant -1.000000e+00 : f32
      %broadcast_in_dim3A_960 = vector.broadcast %jit3A_959 : f32 to vector<16xf32>
      %select_n3A_961 = arith.select %eq3A_958, %convert_element_type3A_925, %broadcast_in_dim3A_960 : vector<16xi1>, vector<16xf32>
      %reduce_max3A_962 = arith.constant true
      %reduce_max3A_963 = vector.broadcast %reduce_max3A_962 : i1 to vector<16xi1>
      %reduce_max3A_964 = tpu.scan <max>, %select_n3A_961 masked %reduce_max3A_963 : vector<16xf32>, vector<16xi1> -> vector<16xf32>
      %reduce_max3A_965 = vector.extract %reduce_max3A_964[15] : f32 from vector<16xf32>
      %eq3A_966 = arith.constant 4 : i32
      %eq3A_967 = vector.broadcast %eq3A_966 : i32 to vector<16xi32>
      %eq3A_968 = arith.cmpi eq, %iota3A, %eq3A_967 : vector<16xi32>
      %jit3A_969 = arith.constant -1.000000e+00 : f32
      %broadcast_in_dim3A_970 = vector.broadcast %jit3A_969 : f32 to vector<16xf32>
      %select_n3A_971 = arith.select %eq3A_968, %convert_element_type3A_925, %broadcast_in_dim3A_970 : vector<16xi1>, vector<16xf32>
      %reduce_max3A_972 = arith.constant true
      %reduce_max3A_973 = vector.broadcast %reduce_max3A_972 : i1 to vector<16xi1>
      %reduce_max3A_974 = tpu.scan <max>, %select_n3A_971 masked %reduce_max3A_973 : vector<16xf32>, vector<16xi1> -> vector<16xf32>
      %reduce_max3A_975 = vector.extract %reduce_max3A_974[15] : f32 from vector<16xf32>
      %eq3A_976 = arith.constant 5 : i32
      %eq3A_977 = vector.broadcast %eq3A_976 : i32 to vector<16xi32>
      %eq3A_978 = arith.cmpi eq, %iota3A, %eq3A_977 : vector<16xi32>
      %jit3A_979 = arith.constant -1.000000e+00 : f32
      %broadcast_in_dim3A_980 = vector.broadcast %jit3A_979 : f32 to vector<16xf32>
      %select_n3A_981 = arith.select %eq3A_978, %convert_element_type3A_925, %broadcast_in_dim3A_980 : vector<16xi1>, vector<16xf32>
      %reduce_max3A_982 = arith.constant true
      %reduce_max3A_983 = vector.broadcast %reduce_max3A_982 : i1 to vector<16xi1>
      %reduce_max3A_984 = tpu.scan <max>, %select_n3A_981 masked %reduce_max3A_983 : vector<16xf32>, vector<16xi1> -> vector<16xf32>
      %reduce_max3A_985 = vector.extract %reduce_max3A_984[15] : f32 from vector<16xf32>
      %eq3A_986 = arith.constant 6 : i32
      %eq3A_987 = vector.broadcast %eq3A_986 : i32 to vector<16xi32>
      %eq3A_988 = arith.cmpi eq, %iota3A, %eq3A_987 : vector<16xi32>
      %jit3A_989 = arith.constant -1.000000e+00 : f32
      %broadcast_in_dim3A_990 = vector.broadcast %jit3A_989 : f32 to vector<16xf32>
      %select_n3A_991 = arith.select %eq3A_988, %convert_element_type3A_925, %broadcast_in_dim3A_990 : vector<16xi1>, vector<16xf32>
      %reduce_max3A_992 = arith.constant true
      %reduce_max3A_993 = vector.broadcast %reduce_max3A_992 : i1 to vector<16xi1>
      %reduce_max3A_994 = tpu.scan <max>, %select_n3A_991 masked %reduce_max3A_993 : vector<16xf32>, vector<16xi1> -> vector<16xf32>
      %reduce_max3A_995 = vector.extract %reduce_max3A_994[15] : f32 from vector<16xf32>
      %eq3A_996 = arith.constant 7 : i32
      %eq3A_997 = vector.broadcast %eq3A_996 : i32 to vector<16xi32>
      %eq3A_998 = arith.cmpi eq, %iota3A, %eq3A_997 : vector<16xi32>
      %jit3A_999 = arith.constant -1.000000e+00 : f32
      %broadcast_in_dim3A_1000 = vector.broadcast %jit3A_999 : f32 to vector<16xf32>
      %select_n3A_1001 = arith.select %eq3A_998, %convert_element_type3A_925, %broadcast_in_dim3A_1000 : vector<16xi1>, vector<16xf32>
      %reduce_max3A_1002 = arith.constant true
      %reduce_max3A_1003 = vector.broadcast %reduce_max3A_1002 : i1 to vector<16xi1>
      %reduce_max3A_1004 = tpu.scan <max>, %select_n3A_1001 masked %reduce_max3A_1003 : vector<16xf32>, vector<16xi1> -> vector<16xf32>
      %reduce_max3A_1005 = vector.extract %reduce_max3A_1004[15] : f32 from vector<16xf32>
      %eq3A_1006 = arith.constant 8 : i32
      %eq3A_1007 = vector.broadcast %eq3A_1006 : i32 to vector<16xi32>
      %eq3A_1008 = arith.cmpi eq, %iota3A, %eq3A_1007 : vector<16xi32>
      %jit3A_1009 = arith.constant -1.000000e+00 : f32
      %broadcast_in_dim3A_1010 = vector.broadcast %jit3A_1009 : f32 to vector<16xf32>
      %select_n3A_1011 = arith.select %eq3A_1008, %convert_element_type3A_925, %broadcast_in_dim3A_1010 : vector<16xi1>, vector<16xf32>
      %reduce_max3A_1012 = arith.constant true
      %reduce_max3A_1013 = vector.broadcast %reduce_max3A_1012 : i1 to vector<16xi1>
      %reduce_max3A_1014 = tpu.scan <max>, %select_n3A_1011 masked %reduce_max3A_1013 : vector<16xf32>, vector<16xi1> -> vector<16xf32>
      %reduce_max3A_1015 = vector.extract %reduce_max3A_1014[15] : f32 from vector<16xf32>
      %eq3A_1016 = arith.constant 9 : i32
      %eq3A_1017 = vector.broadcast %eq3A_1016 : i32 to vector<16xi32>
      %eq3A_1018 = arith.cmpi eq, %iota3A, %eq3A_1017 : vector<16xi32>
      %jit3A_1019 = arith.constant -1.000000e+00 : f32
      %broadcast_in_dim3A_1020 = vector.broadcast %jit3A_1019 : f32 to vector<16xf32>
      %select_n3A_1021 = arith.select %eq3A_1018, %convert_element_type3A_925, %broadcast_in_dim3A_1020 : vector<16xi1>, vector<16xf32>
      %reduce_max3A_1022 = arith.constant true
      %reduce_max3A_1023 = vector.broadcast %reduce_max3A_1022 : i1 to vector<16xi1>
      %reduce_max3A_1024 = tpu.scan <max>, %select_n3A_1021 masked %reduce_max3A_1023 : vector<16xf32>, vector<16xi1> -> vector<16xf32>
      %reduce_max3A_1025 = vector.extract %reduce_max3A_1024[15] : f32 from vector<16xf32>
      %eq3A_1026 = arith.constant 10 : i32
      %eq3A_1027 = vector.broadcast %eq3A_1026 : i32 to vector<16xi32>
      %eq3A_1028 = arith.cmpi eq, %iota3A, %eq3A_1027 : vector<16xi32>
      %jit3A_1029 = arith.constant -1.000000e+00 : f32
      %broadcast_in_dim3A_1030 = vector.broadcast %jit3A_1029 : f32 to vector<16xf32>
      %select_n3A_1031 = arith.select %eq3A_1028, %convert_element_type3A_925, %broadcast_in_dim3A_1030 : vector<16xi1>, vector<16xf32>
      %reduce_max3A_1032 = arith.constant true
      %reduce_max3A_1033 = vector.broadcast %reduce_max3A_1032 : i1 to vector<16xi1>
      %reduce_max3A_1034 = tpu.scan <max>, %select_n3A_1031 masked %reduce_max3A_1033 : vector<16xf32>, vector<16xi1> -> vector<16xf32>
      %reduce_max3A_1035 = vector.extract %reduce_max3A_1034[15] : f32 from vector<16xf32>
      %eq3A_1036 = arith.constant 11 : i32
      %eq3A_1037 = vector.broadcast %eq3A_1036 : i32 to vector<16xi32>
      %eq3A_1038 = arith.cmpi eq, %iota3A, %eq3A_1037 : vector<16xi32>
      %jit3A_1039 = arith.constant -1.000000e+00 : f32
      %broadcast_in_dim3A_1040 = vector.broadcast %jit3A_1039 : f32 to vector<16xf32>
      %select_n3A_1041 = arith.select %eq3A_1038, %convert_element_type3A_925, %broadcast_in_dim3A_1040 : vector<16xi1>, vector<16xf32>
      %reduce_max3A_1042 = arith.constant true
      %reduce_max3A_1043 = vector.broadcast %reduce_max3A_1042 : i1 to vector<16xi1>
      %reduce_max3A_1044 = tpu.scan <max>, %select_n3A_1041 masked %reduce_max3A_1043 : vector<16xf32>, vector<16xi1> -> vector<16xf32>
      %reduce_max3A_1045 = vector.extract %reduce_max3A_1044[15] : f32 from vector<16xf32>
      %eq3A_1046 = arith.constant 12 : i32
      %eq3A_1047 = vector.broadcast %eq3A_1046 : i32 to vector<16xi32>
      %eq3A_1048 = arith.cmpi eq, %iota3A, %eq3A_1047 : vector<16xi32>
      %jit3A_1049 = arith.constant -1.000000e+00 : f32
      %broadcast_in_dim3A_1050 = vector.broadcast %jit3A_1049 : f32 to vector<16xf32>
      %select_n3A_1051 = arith.select %eq3A_1048, %convert_element_type3A_925, %broadcast_in_dim3A_1050 : vector<16xi1>, vector<16xf32>
      %reduce_max3A_1052 = arith.constant true
      %reduce_max3A_1053 = vector.broadcast %reduce_max3A_1052 : i1 to vector<16xi1>
      %reduce_max3A_1054 = tpu.scan <max>, %select_n3A_1051 masked %reduce_max3A_1053 : vector<16xf32>, vector<16xi1> -> vector<16xf32>
      %reduce_max3A_1055 = vector.extract %reduce_max3A_1054[15] : f32 from vector<16xf32>
      %eq3A_1056 = arith.constant 13 : i32
      %eq3A_1057 = vector.broadcast %eq3A_1056 : i32 to vector<16xi32>
      %eq3A_1058 = arith.cmpi eq, %iota3A, %eq3A_1057 : vector<16xi32>
      %jit3A_1059 = arith.constant -1.000000e+00 : f32
      %broadcast_in_dim3A_1060 = vector.broadcast %jit3A_1059 : f32 to vector<16xf32>
      %select_n3A_1061 = arith.select %eq3A_1058, %convert_element_type3A_925, %broadcast_in_dim3A_1060 : vector<16xi1>, vector<16xf32>
      %reduce_max3A_1062 = arith.constant true
      %reduce_max3A_1063 = vector.broadcast %reduce_max3A_1062 : i1 to vector<16xi1>
      %reduce_max3A_1064 = tpu.scan <max>, %select_n3A_1061 masked %reduce_max3A_1063 : vector<16xf32>, vector<16xi1> -> vector<16xf32>
      %reduce_max3A_1065 = vector.extract %reduce_max3A_1064[15] : f32 from vector<16xf32>
      %eq3A_1066 = arith.constant 14 : i32
      %eq3A_1067 = vector.broadcast %eq3A_1066 : i32 to vector<16xi32>
      %eq3A_1068 = arith.cmpi eq, %iota3A, %eq3A_1067 : vector<16xi32>
      %jit3A_1069 = arith.constant -1.000000e+00 : f32
      %broadcast_in_dim3A_1070 = vector.broadcast %jit3A_1069 : f32 to vector<16xf32>
      %select_n3A_1071 = arith.select %eq3A_1068, %convert_element_type3A_925, %broadcast_in_dim3A_1070 : vector<16xi1>, vector<16xf32>
      %reduce_max3A_1072 = arith.constant true
      %reduce_max3A_1073 = vector.broadcast %reduce_max3A_1072 : i1 to vector<16xi1>
      %reduce_max3A_1074 = tpu.scan <max>, %select_n3A_1071 masked %reduce_max3A_1073 : vector<16xf32>, vector<16xi1> -> vector<16xf32>
      %reduce_max3A_1075 = vector.extract %reduce_max3A_1074[15] : f32 from vector<16xf32>
      %eq3A_1076 = arith.constant 15 : i32
      %eq3A_1077 = vector.broadcast %eq3A_1076 : i32 to vector<16xi32>
      %eq3A_1078 = arith.cmpi eq, %iota3A, %eq3A_1077 : vector<16xi32>
      %jit3A_1079 = arith.constant -1.000000e+00 : f32
      %broadcast_in_dim3A_1080 = vector.broadcast %jit3A_1079 : f32 to vector<16xf32>
      %select_n3A_1081 = arith.select %eq3A_1078, %convert_element_type3A_925, %broadcast_in_dim3A_1080 : vector<16xi1>, vector<16xf32>
      %reduce_max3A_1082 = arith.constant true
      %reduce_max3A_1083 = vector.broadcast %reduce_max3A_1082 : i1 to vector<16xi1>
      %reduce_max3A_1084 = tpu.scan <max>, %select_n3A_1081 masked %reduce_max3A_1083 : vector<16xf32>, vector<16xi1> -> vector<16xf32>
      %reduce_max3A_1085 = vector.extract %reduce_max3A_1084[15] : f32 from vector<16xf32>
      %scan3A_1086 = arith.constant 0 : i32
      %scan3A_1087 = arith.constant 62 : i32
      %scan3A_1088 = arith.addi %scan3A_1086, %scan3A_1087 : i32
      %scan3A_1089 = arith.constant 2 : i32
      %scan3A_1090:16 = scf.for %scan3A_1810 = %scan3A_1086 to %scan3A_1088 step %scan3A_1089 iter_args(%scan3A_1811 = %broadcast_in_dim3A_3, %scan3A_1812 = %broadcast_in_dim3A_3, %scan3A_1813 = %broadcast_in_dim3A_3, %scan3A_1814 = %broadcast_in_dim3A_3, %scan3A_1815 = %broadcast_in_dim3A_3, %scan3A_1816 = %broadcast_in_dim3A_3, %scan3A_1817 = %broadcast_in_dim3A_3, %scan3A_1818 = %broadcast_in_dim3A_3, %scan3A_1819 = %broadcast_in_dim3A_3, %scan3A_1820 = %broadcast_in_dim3A_3, %scan3A_1821 = %broadcast_in_dim3A_3, %scan3A_1822 = %broadcast_in_dim3A_3, %scan3A_1823 = %broadcast_in_dim3A_3, %scan3A_1824 = %broadcast_in_dim3A_3, %scan3A_1825 = %broadcast_in_dim3A_3, %scan3A_1826 = %broadcast_in_dim3A_3) -> (vector<16xf32>, vector<16xf32>, vector<16xf32>, vector<16xf32>, vector<16xf32>, vector<16xf32>, vector<16xf32>, vector<16xf32>, vector<16xf32>, vector<16xf32>, vector<16xf32>, vector<16xf32>, vector<16xf32>, vector<16xf32>, vector<16xf32>, vector<16xf32>)  : i32 {
        %mul3A_1827 = arith.constant 16 : i32
        %mul3A_1828 = arith.muli %scan3A_1810, %mul3A_1827 : i32
        %get3A_1829 = arith.constant 0 : i32
        %get3A_1830 = arith.index_cast %get3A_1829 : i32 to index
        %get3A_1831 = arith.index_cast %mul3A_1828 : i32 to index
        %get3A_1832 = tpu.vector_load %arg8[%get3A_1830, %get3A_1831] {strides = array<i32>} : memref<16x1000xf32, #tpu.memory_space<vmem>>, vector<16xf32>,
        %max3A_1833 = arith.maximumf %scan3A_1811, %get3A_1832 : vector<16xf32>
        %mul3A_1834 = arith.constant 16 : i32
        %mul3A_1835 = arith.muli %scan3A_1810, %mul3A_1834 : i32
        %get3A_1836 = arith.constant 1 : i32
        %get3A_1837 = arith.index_cast %get3A_1836 : i32 to index
        %get3A_1838 = arith.index_cast %mul3A_1835 : i32 to index
        %get3A_1839 = tpu.vector_load %arg8[%get3A_1837, %get3A_1838] {strides = array<i32>} : memref<16x1000xf32, #tpu.memory_space<vmem>>, vector<16xf32>,
        %max3A_1840 = arith.maximumf %scan3A_1812, %get3A_1839 : vector<16xf32>
        %mul3A_1841 = arith.constant 16 : i32
        %mul3A_1842 = arith.muli %scan3A_1810, %mul3A_1841 : i32
        %get3A_1843 = arith.constant 2 : i32
        %get3A_1844 = arith.index_cast %get3A_1843 : i32 to index
        %get3A_1845 = arith.index_cast %mul3A_1842 : i32 to index
        %get3A_1846 = tpu.vector_load %arg8[%get3A_1844, %get3A_1845] {strides = array<i32>} : memref<16x1000xf32, #tpu.memory_space<vmem>>, vector<16xf32>,
        %max3A_1847 = arith.maximumf %scan3A_1813, %get3A_1846 : vector<16xf32>
        %mul3A_1848 = arith.constant 16 : i32
        %mul3A_1849 = arith.muli %scan3A_1810, %mul3A_1848 : i32
        %get3A_1850 = arith.constant 3 : i32
        %get3A_1851 = arith.index_cast %get3A_1850 : i32 to index
        %get3A_1852 = arith.index_cast %mul3A_1849 : i32 to index
        %get3A_1853 = tpu.vector_load %arg8[%get3A_1851, %get3A_1852] {strides = array<i32>} : memref<16x1000xf32, #tpu.memory_space<vmem>>, vector<16xf32>,
        %max3A_1854 = arith.maximumf %scan3A_1814, %get3A_1853 : vector<16xf32>
        %mul3A_1855 = arith.constant 16 : i32
        %mul3A_1856 = arith.muli %scan3A_1810, %mul3A_1855 : i32
        %get3A_1857 = arith.constant 4 : i32
        %get3A_1858 = arith.index_cast %get3A_1857 : i32 to index
        %get3A_1859 = arith.index_cast %mul3A_1856 : i32 to index
        %get3A_1860 = tpu.vector_load %arg8[%get3A_1858, %get3A_1859] {strides = array<i32>} : memref<16x1000xf32, #tpu.memory_space<vmem>>, vector<16xf32>,
        %max3A_1861 = arith.maximumf %scan3A_1815, %get3A_1860 : vector<16xf32>
        %mul3A_1862 = arith.constant 16 : i32
        %mul3A_1863 = arith.muli %scan3A_1810, %mul3A_1862 : i32
        %get3A_1864 = arith.constant 5 : i32
        %get3A_1865 = arith.index_cast %get3A_1864 : i32 to index
        %get3A_1866 = arith.index_cast %mul3A_1863 : i32 to index
        %get3A_1867 = tpu.vector_load %arg8[%get3A_1865, %get3A_1866] {strides = array<i32>} : memref<16x1000xf32, #tpu.memory_space<vmem>>, vector<16xf32>,
        %max3A_1868 = arith.maximumf %scan3A_1816, %get3A_1867 : vector<16xf32>
        %mul3A_1869 = arith.constant 16 : i32
        %mul3A_1870 = arith.muli %scan3A_1810, %mul3A_1869 : i32
        %get3A_1871 = arith.constant 6 : i32
        %get3A_1872 = arith.index_cast %get3A_1871 : i32 to index
        %get3A_1873 = arith.index_cast %mul3A_1870 : i32 to index
        %get3A_1874 = tpu.vector_load %arg8[%get3A_1872, %get3A_1873] {strides = array<i32>} : memref<16x1000xf32, #tpu.memory_space<vmem>>, vector<16xf32>,
        %max3A_1875 = arith.maximumf %scan3A_1817, %get3A_1874 : vector<16xf32>
        %mul3A_1876 = arith.constant 16 : i32
        %mul3A_1877 = arith.muli %scan3A_1810, %mul3A_1876 : i32
        %get3A_1878 = arith.constant 7 : i32
        %get3A_1879 = arith.index_cast %get3A_1878 : i32 to index
        %get3A_1880 = arith.index_cast %mul3A_1877 : i32 to index
        %get3A_1881 = tpu.vector_load %arg8[%get3A_1879, %get3A_1880] {strides = array<i32>} : memref<16x1000xf32, #tpu.memory_space<vmem>>, vector<16xf32>,
        %max3A_1882 = arith.maximumf %scan3A_1818, %get3A_1881 : vector<16xf32>
        %mul3A_1883 = arith.constant 16 : i32
        %mul3A_1884 = arith.muli %scan3A_1810, %mul3A_1883 : i32
        %get3A_1885 = arith.constant 8 : i32
        %get3A_1886 = arith.index_cast %get3A_1885 : i32 to index
        %get3A_1887 = arith.index_cast %mul3A_1884 : i32 to index
        %get3A_1888 = tpu.vector_load %arg8[%get3A_1886, %get3A_1887] {strides = array<i32>} : memref<16x1000xf32, #tpu.memory_space<vmem>>, vector<16xf32>,
        %max3A_1889 = arith.maximumf %scan3A_1819, %get3A_1888 : vector<16xf32>
        %mul3A_1890 = arith.constant 16 : i32
        %mul3A_1891 = arith.muli %scan3A_1810, %mul3A_1890 : i32
        %get3A_1892 = arith.constant 9 : i32
        %get3A_1893 = arith.index_cast %get3A_1892 : i32 to index
        %get3A_1894 = arith.index_cast %mul3A_1891 : i32 to index
        %get3A_1895 = tpu.vector_load %arg8[%get3A_1893, %get3A_1894] {strides = array<i32>} : memref<16x1000xf32, #tpu.memory_space<vmem>>, vector<16xf32>,
        %max3A_1896 = arith.maximumf %scan3A_1820, %get3A_1895 : vector<16xf32>
        %mul3A_1897 = arith.constant 16 : i32
        %mul3A_1898 = arith.muli %scan3A_1810, %mul3A_1897 : i32
        %get3A_1899 = arith.constant 10 : i32
        %get3A_1900 = arith.index_cast %get3A_1899 : i32 to index
        %get3A_1901 = arith.index_cast %mul3A_1898 : i32 to index
        %get3A_1902 = tpu.vector_load %arg8[%get3A_1900, %get3A_1901] {strides = array<i32>} : memref<16x1000xf32, #tpu.memory_space<vmem>>, vector<16xf32>,
        %max3A_1903 = arith.maximumf %scan3A_1821, %get3A_1902 : vector<16xf32>
        %mul3A_1904 = arith.constant 16 : i32
        %mul3A_1905 = arith.muli %scan3A_1810, %mul3A_1904 : i32
        %get3A_1906 = arith.constant 11 : i32
        %get3A_1907 = arith.index_cast %get3A_1906 : i32 to index
        %get3A_1908 = arith.index_cast %mul3A_1905 : i32 to index
        %get3A_1909 = tpu.vector_load %arg8[%get3A_1907, %get3A_1908] {strides = array<i32>} : memref<16x1000xf32, #tpu.memory_space<vmem>>, vector<16xf32>,
        %max3A_1910 = arith.maximumf %scan3A_1822, %get3A_1909 : vector<16xf32>
        %mul3A_1911 = arith.constant 16 : i32
        %mul3A_1912 = arith.muli %scan3A_1810, %mul3A_1911 : i32
        %get3A_1913 = arith.constant 12 : i32
        %get3A_1914 = arith.index_cast %get3A_1913 : i32 to index
        %get3A_1915 = arith.index_cast %mul3A_1912 : i32 to index
        %get3A_1916 = tpu.vector_load %arg8[%get3A_1914, %get3A_1915] {strides = array<i32>} : memref<16x1000xf32, #tpu.memory_space<vmem>>, vector<16xf32>,
        %max3A_1917 = arith.maximumf %scan3A_1823, %get3A_1916 : vector<16xf32>
        %mul3A_1918 = arith.constant 16 : i32
        %mul3A_1919 = arith.muli %scan3A_1810, %mul3A_1918 : i32
        %get3A_1920 = arith.constant 13 : i32
        %get3A_1921 = arith.index_cast %get3A_1920 : i32 to index
        %get3A_1922 = arith.index_cast %mul3A_1919 : i32 to index
        %get3A_1923 = tpu.vector_load %arg8[%get3A_1921, %get3A_1922] {strides = array<i32>} : memref<16x1000xf32, #tpu.memory_space<vmem>>, vector<16xf32>,
        %max3A_1924 = arith.maximumf %scan3A_1824, %get3A_1923 : vector<16xf32>
        %mul3A_1925 = arith.constant 16 : i32
        %mul3A_1926 = arith.muli %scan3A_1810, %mul3A_1925 : i32
        %get3A_1927 = arith.constant 14 : i32
        %get3A_1928 = arith.index_cast %get3A_1927 : i32 to index
        %get3A_1929 = arith.index_cast %mul3A_1926 : i32 to index
        %get3A_1930 = tpu.vector_load %arg8[%get3A_1928, %get3A_1929] {strides = array<i32>} : memref<16x1000xf32, #tpu.memory_space<vmem>>, vector<16xf32>,
        %max3A_1931 = arith.maximumf %scan3A_1825, %get3A_1930 : vector<16xf32>
        %mul3A_1932 = arith.constant 16 : i32
        %mul3A_1933 = arith.muli %scan3A_1810, %mul3A_1932 : i32
        %get3A_1934 = arith.constant 15 : i32
        %get3A_1935 = arith.index_cast %get3A_1934 : i32 to index
        %get3A_1936 = arith.index_cast %mul3A_1933 : i32 to index
        %get3A_1937 = tpu.vector_load %arg8[%get3A_1935, %get3A_1936] {strides = array<i32>} : memref<16x1000xf32, #tpu.memory_space<vmem>>, vector<16xf32>,
        %max3A_1938 = arith.maximumf %scan3A_1826, %get3A_1937 : vector<16xf32>
        %scan3A_1939 = arith.constant 1 : i32
        %scan3A_1940 = arith.addi %scan3A_1810, %scan3A_1939 : i32
        %mul3A_1941 = arith.constant 16 : i32
        %mul3A_1942 = arith.muli %scan3A_1940, %mul3A_1941 : i32
        %get3A_1943 = arith.constant 0 : i32
        %get3A_1944 = arith.index_cast %get3A_1943 : i32 to index
        %get3A_1945 = arith.index_cast %mul3A_1942 : i32 to index
        %get3A_1946 = tpu.vector_load %arg8[%get3A_1944, %get3A_1945] {strides = array<i32>} : memref<16x1000xf32, #tpu.memory_space<vmem>>, vector<16xf32>,
        %max3A_1947 = arith.maximumf %max3A_1833, %get3A_1946 : vector<16xf32>
        %mul3A_1948 = arith.constant 16 : i32
        %mul3A_1949 = arith.muli %scan3A_1940, %mul3A_1948 : i32
        %get3A_1950 = arith.constant 1 : i32
        %get3A_1951 = arith.index_cast %get3A_1950 : i32 to index
        %get3A_1952 = arith.index_cast %mul3A_1949 : i32 to index
        %get3A_1953 = tpu.vector_load %arg8[%get3A_1951, %get3A_1952] {strides = array<i32>} : memref<16x1000xf32, #tpu.memory_space<vmem>>, vector<16xf32>,
        %max3A_1954 = arith.maximumf %max3A_1840, %get3A_1953 : vector<16xf32>
        %mul3A_1955 = arith.constant 16 : i32
        %mul3A_1956 = arith.muli %scan3A_1940, %mul3A_1955 : i32
        %get3A_1957 = arith.constant 2 : i32
        %get3A_1958 = arith.index_cast %get3A_1957 : i32 to index
        %get3A_1959 = arith.index_cast %mul3A_1956 : i32 to index
        %get3A_1960 = tpu.vector_load %arg8[%get3A_1958, %get3A_1959] {strides = array<i32>} : memref<16x1000xf32, #tpu.memory_space<vmem>>, vector<16xf32>,
        %max3A_1961 = arith.maximumf %max3A_1847, %get3A_1960 : vector<16xf32>
        %mul3A_1962 = arith.constant 16 : i32
        %mul3A_1963 = arith.muli %scan3A_1940, %mul3A_1962 : i32
        %get3A_1964 = arith.constant 3 : i32
        %get3A_1965 = arith.index_cast %get3A_1964 : i32 to index
        %get3A_1966 = arith.index_cast %mul3A_1963 : i32 to index
        %get3A_1967 = tpu.vector_load %arg8[%get3A_1965, %get3A_1966] {strides = array<i32>} : memref<16x1000xf32, #tpu.memory_space<vmem>>, vector<16xf32>,
        %max3A_1968 = arith.maximumf %max3A_1854, %get3A_1967 : vector<16xf32>
        %mul3A_1969 = arith.constant 16 : i32
        %mul3A_1970 = arith.muli %scan3A_1940, %mul3A_1969 : i32
        %get3A_1971 = arith.constant 4 : i32
        %get3A_1972 = arith.index_cast %get3A_1971 : i32 to index
        %get3A_1973 = arith.index_cast %mul3A_1970 : i32 to index
        %get3A_1974 = tpu.vector_load %arg8[%get3A_1972, %get3A_1973] {strides = array<i32>} : memref<16x1000xf32, #tpu.memory_space<vmem>>, vector<16xf32>,
        %max3A_1975 = arith.maximumf %max3A_1861, %get3A_1974 : vector<16xf32>
        %mul3A_1976 = arith.constant 16 : i32
        %mul3A_1977 = arith.muli %scan3A_1940, %mul3A_1976 : i32
        %get3A_1978 = arith.constant 5 : i32
        %get3A_1979 = arith.index_cast %get3A_1978 : i32 to index
        %get3A_1980 = arith.index_cast %mul3A_1977 : i32 to index
        %get3A_1981 = tpu.vector_load %arg8[%get3A_1979, %get3A_1980] {strides = array<i32>} : memref<16x1000xf32, #tpu.memory_space<vmem>>, vector<16xf32>,
        %max3A_1982 = arith.maximumf %max3A_1868, %get3A_1981 : vector<16xf32>
        %mul3A_1983 = arith.constant 16 : i32
        %mul3A_1984 = arith.muli %scan3A_1940, %mul3A_1983 : i32
        %get3A_1985 = arith.constant 6 : i32
        %get3A_1986 = arith.index_cast %get3A_1985 : i32 to index
        %get3A_1987 = arith.index_cast %mul3A_1984 : i32 to index
        %get3A_1988 = tpu.vector_load %arg8[%get3A_1986, %get3A_1987] {strides = array<i32>} : memref<16x1000xf32, #tpu.memory_space<vmem>>, vector<16xf32>,
        %max3A_1989 = arith.maximumf %max3A_1875, %get3A_1988 : vector<16xf32>
        %mul3A_1990 = arith.constant 16 : i32
        %mul3A_1991 = arith.muli %scan3A_1940, %mul3A_1990 : i32
        %get3A_1992 = arith.constant 7 : i32
        %get3A_1993 = arith.index_cast %get3A_1992 : i32 to index
        %get3A_1994 = arith.index_cast %mul3A_1991 : i32 to index
        %get3A_1995 = tpu.vector_load %arg8[%get3A_1993, %get3A_1994] {strides = array<i32>} : memref<16x1000xf32, #tpu.memory_space<vmem>>, vector<16xf32>,
        %max3A_1996 = arith.maximumf %max3A_1882, %get3A_1995 : vector<16xf32>
        %mul3A_1997 = arith.constant 16 : i32
        %mul3A_1998 = arith.muli %scan3A_1940, %mul3A_1997 : i32
        %get3A_1999 = arith.constant 8 : i32
        %get3A_2000 = arith.index_cast %get3A_1999 : i32 to index
        %get3A_2001 = arith.index_cast %mul3A_1998 : i32 to index
        %get3A_2002 = tpu.vector_load %arg8[%get3A_2000, %get3A_2001] {strides = array<i32>} : memref<16x1000xf32, #tpu.memory_space<vmem>>, vector<16xf32>,
        %max3A_2003 = arith.maximumf %max3A_1889, %get3A_2002 : vector<16xf32>
        %mul3A_2004 = arith.constant 16 : i32
        %mul3A_2005 = arith.muli %scan3A_1940, %mul3A_2004 : i32
        %get3A_2006 = arith.constant 9 : i32
        %get3A_2007 = arith.index_cast %get3A_2006 : i32 to index
        %get3A_2008 = arith.index_cast %mul3A_2005 : i32 to index
        %get3A_2009 = tpu.vector_load %arg8[%get3A_2007, %get3A_2008] {strides = array<i32>} : memref<16x1000xf32, #tpu.memory_space<vmem>>, vector<16xf32>,
        %max3A_2010 = arith.maximumf %max3A_1896, %get3A_2009 : vector<16xf32>
        %mul3A_2011 = arith.constant 16 : i32
        %mul3A_2012 = arith.muli %scan3A_1940, %mul3A_2011 : i32
        %get3A_2013 = arith.constant 10 : i32
        %get3A_2014 = arith.index_cast %get3A_2013 : i32 to index
        %get3A_2015 = arith.index_cast %mul3A_2012 : i32 to index
        %get3A_2016 = tpu.vector_load %arg8[%get3A_2014, %get3A_2015] {strides = array<i32>} : memref<16x1000xf32, #tpu.memory_space<vmem>>, vector<16xf32>,
        %max3A_2017 = arith.maximumf %max3A_1903, %get3A_2016 : vector<16xf32>
        %mul3A_2018 = arith.constant 16 : i32
        %mul3A_2019 = arith.muli %scan3A_1940, %mul3A_2018 : i32
        %get3A_2020 = arith.constant 11 : i32
        %get3A_2021 = arith.index_cast %get3A_2020 : i32 to index
        %get3A_2022 = arith.index_cast %mul3A_2019 : i32 to index
        %get3A_2023 = tpu.vector_load %arg8[%get3A_2021, %get3A_2022] {strides = array<i32>} : memref<16x1000xf32, #tpu.memory_space<vmem>>, vector<16xf32>,
        %max3A_2024 = arith.maximumf %max3A_1910, %get3A_2023 : vector<16xf32>
        %mul3A_2025 = arith.constant 16 : i32
        %mul3A_2026 = arith.muli %scan3A_1940, %mul3A_2025 : i32
        %get3A_2027 = arith.constant 12 : i32
        %get3A_2028 = arith.index_cast %get3A_2027 : i32 to index
        %get3A_2029 = arith.index_cast %mul3A_2026 : i32 to index
        %get3A_2030 = tpu.vector_load %arg8[%get3A_2028, %get3A_2029] {strides = array<i32>} : memref<16x1000xf32, #tpu.memory_space<vmem>>, vector<16xf32>,
        %max3A_2031 = arith.maximumf %max3A_1917, %get3A_2030 : vector<16xf32>
        %mul3A_2032 = arith.constant 16 : i32
        %mul3A_2033 = arith.muli %scan3A_1940, %mul3A_2032 : i32
        %get3A_2034 = arith.constant 13 : i32
        %get3A_2035 = arith.index_cast %get3A_2034 : i32 to index
        %get3A_2036 = arith.index_cast %mul3A_2033 : i32 to index
        %get3A_2037 = tpu.vector_load %arg8[%get3A_2035, %get3A_2036] {strides = array<i32>} : memref<16x1000xf32, #tpu.memory_space<vmem>>, vector<16xf32>,
        %max3A_2038 = arith.maximumf %max3A_1924, %get3A_2037 : vector<16xf32>
        %mul3A_2039 = arith.constant 16 : i32
        %mul3A_2040 = arith.muli %scan3A_1940, %mul3A_2039 : i32
        %get3A_2041 = arith.constant 14 : i32
        %get3A_2042 = arith.index_cast %get3A_2041 : i32 to index
        %get3A_2043 = arith.index_cast %mul3A_2040 : i32 to index
        %get3A_2044 = tpu.vector_load %arg8[%get3A_2042, %get3A_2043] {strides = array<i32>} : memref<16x1000xf32, #tpu.memory_space<vmem>>, vector<16xf32>,
        %max3A_2045 = arith.maximumf %max3A_1931, %get3A_2044 : vector<16xf32>
        %mul3A_2046 = arith.constant 16 : i32
        %mul3A_2047 = arith.muli %scan3A_1940, %mul3A_2046 : i32
        %get3A_2048 = arith.constant 15 : i32
        %get3A_2049 = arith.index_cast %get3A_2048 : i32 to index
        %get3A_2050 = arith.index_cast %mul3A_2047 : i32 to index
        %get3A_2051 = tpu.vector_load %arg8[%get3A_2049, %get3A_2050] {strides = array<i32>} : memref<16x1000xf32, #tpu.memory_space<vmem>>, vector<16xf32>,
        %max3A_2052 = arith.maximumf %max3A_1938, %get3A_2051 : vector<16xf32>
        scf.yield %max3A_1947, %max3A_1954, %max3A_1961, %max3A_1968, %max3A_1975, %max3A_1982, %max3A_1989, %max3A_1996, %max3A_2003, %max3A_2010, %max3A_2017, %max3A_2024, %max3A_2031, %max3A_2038, %max3A_2045, %max3A_2052 : vector<16xf32>, vector<16xf32>, vector<16xf32>, vector<16xf32>, vector<16xf32>, vector<16xf32>, vector<16xf32>, vector<16xf32>, vector<16xf32>, vector<16xf32>, vector<16xf32>, vector<16xf32>, vector<16xf32>, vector<16xf32>, vector<16xf32>, vector<16xf32>
      }
      %scan3A_1091 = arith.constant 62 : i32
      %get3A_1092 = arith.constant 0 : i32
      %get3A_1093 = arith.index_cast %get3A_1092 : i32 to index
      %get3A_1094 = arith.constant 984 : index
      %get3A_1095 = tpu.vector_load %arg8[%get3A_1093, %get3A_1094] {strides = array<i32>} : memref<16x1000xf32, #tpu.memory_space<vmem>>, vector<16xf32>,
      %get3A_1096 = arith.constant 1 : i32
      %get3A_1097 = arith.index_cast %get3A_1096 : i32 to index
      %get3A_1098 = arith.constant 984 : index
      %get3A_1099 = tpu.vector_load %arg8[%get3A_1097, %get3A_1098] {strides = array<i32>} : memref<16x1000xf32, #tpu.memory_space<vmem>>, vector<16xf32>,
      %get3A_1100 = arith.constant 2 : i32
      %get3A_1101 = arith.index_cast %get3A_1100 : i32 to index
      %get3A_1102 = arith.constant 984 : index
      %get3A_1103 = tpu.vector_load %arg8[%get3A_1101, %get3A_1102] {strides = array<i32>} : memref<16x1000xf32, #tpu.memory_space<vmem>>, vector<16xf32>,
      %get3A_1104 = arith.constant 3 : i32
      %get3A_1105 = arith.index_cast %get3A_1104 : i32 to index
      %get3A_1106 = arith.constant 984 : index
      %get3A_1107 = tpu.vector_load %arg8[%get3A_1105, %get3A_1106] {strides = array<i32>} : memref<16x1000xf32, #tpu.memory_space<vmem>>, vector<16xf32>,
      %get3A_1108 = arith.constant 4 : i32
      %get3A_1109 = arith.index_cast %get3A_1108 : i32 to index
      %get3A_1110 = arith.constant 984 : index
      %get3A_1111 = tpu.vector_load %arg8[%get3A_1109, %get3A_1110] {strides = array<i32>} : memref<16x1000xf32, #tpu.memory_space<vmem>>, vector<16xf32>,
      %get3A_1112 = arith.constant 5 : i32
      %get3A_1113 = arith.index_cast %get3A_1112 : i32 to index
      %get3A_1114 = arith.constant 984 : index
      %get3A_1115 = tpu.vector_load %arg8[%get3A_1113, %get3A_1114] {strides = array<i32>} : memref<16x1000xf32, #tpu.memory_space<vmem>>, vector<16xf32>,
      %get3A_1116 = arith.constant 6 : i32
      %get3A_1117 = arith.index_cast %get3A_1116 : i32 to index
      %get3A_1118 = arith.constant 984 : index
      %get3A_1119 = tpu.vector_load %arg8[%get3A_1117, %get3A_1118] {strides = array<i32>} : memref<16x1000xf32, #tpu.memory_space<vmem>>, vector<16xf32>,
      %get3A_1120 = arith.constant 7 : i32
      %get3A_1121 = arith.index_cast %get3A_1120 : i32 to index
      %get3A_1122 = arith.constant 984 : index
      %get3A_1123 = tpu.vector_load %arg8[%get3A_1121, %get3A_1122] {strides = array<i32>} : memref<16x1000xf32, #tpu.memory_space<vmem>>, vector<16xf32>,
      %get3A_1124 = arith.constant 8 : i32
      %get3A_1125 = arith.index_cast %get3A_1124 : i32 to index
      %get3A_1126 = arith.constant 984 : index
      %get3A_1127 = tpu.vector_load %arg8[%get3A_1125, %get3A_1126] {strides = array<i32>} : memref<16x1000xf32, #tpu.memory_space<vmem>>, vector<16xf32>,
      %get3A_1128 = arith.constant 9 : i32
      %get3A_1129 = arith.index_cast %get3A_1128 : i32 to index
      %get3A_1130 = arith.constant 984 : index
      %get3A_1131 = tpu.vector_load %arg8[%get3A_1129, %get3A_1130] {strides = array<i32>} : memref<16x1000xf32, #tpu.memory_space<vmem>>, vector<16xf32>,
      %get3A_1132 = arith.constant 10 : i32
      %get3A_1133 = arith.index_cast %get3A_1132 : i32 to index
      %get3A_1134 = arith.constant 984 : index
      %get3A_1135 = tpu.vector_load %arg8[%get3A_1133, %get3A_1134] {strides = array<i32>} : memref<16x1000xf32, #tpu.memory_space<vmem>>, vector<16xf32>,
      %get3A_1136 = arith.constant 11 : i32
      %get3A_1137 = arith.index_cast %get3A_1136 : i32 to index
      %get3A_1138 = arith.constant 984 : index
      %get3A_1139 = tpu.vector_load %arg8[%get3A_1137, %get3A_1138] {strides = array<i32>} : memref<16x1000xf32, #tpu.memory_space<vmem>>, vector<16xf32>,
      %get3A_1140 = arith.constant 12 : i32
      %get3A_1141 = arith.index_cast %get3A_1140 : i32 to index
      %get3A_1142 = arith.constant 984 : index
      %get3A_1143 = tpu.vector_load %arg8[%get3A_1141, %get3A_1142] {strides = array<i32>} : memref<16x1000xf32, #tpu.memory_space<vmem>>, vector<16xf32>,
      %get3A_1144 = arith.constant 13 : i32
      %get3A_1145 = arith.index_cast %get3A_1144 : i32 to index
      %get3A_1146 = arith.constant 984 : index
      %get3A_1147 = tpu.vector_load %arg8[%get3A_1145, %get3A_1146] {strides = array<i32>} : memref<16x1000xf32, #tpu.memory_space<vmem>>, vector<16xf32>,
      %get3A_1148 = arith.constant 14 : i32
      %get3A_1149 = arith.index_cast %get3A_1148 : i32 to index
      %get3A_1150 = arith.constant 984 : index
      %get3A_1151 = tpu.vector_load %arg8[%get3A_1149, %get3A_1150] {strides = array<i32>} : memref<16x1000xf32, #tpu.memory_space<vmem>>, vector<16xf32>,
      %get3A_1152 = arith.constant 15 : i32
      %get3A_1153 = arith.index_cast %get3A_1152 : i32 to index
      %get3A_1154 = arith.constant 984 : index
      %get3A_1155 = tpu.vector_load %arg8[%get3A_1153, %get3A_1154] {strides = array<i32>} : memref<16x1000xf32, #tpu.memory_space<vmem>>, vector<16xf32>,
      %max3A_1156 = arith.maximumf %scan3A_1090#0, %get3A_1095 : vector<16xf32>
      %reduce_max3A_1157 = arith.constant true
      %reduce_max3A_1158 = vector.broadcast %reduce_max3A_1157 : i1 to vector<16xi1>
      %reduce_max3A_1159 = tpu.scan <max>, %max3A_1156 masked %reduce_max3A_1158 : vector<16xf32>, vector<16xi1> -> vector<16xf32>
      %reduce_max3A_1160 = vector.extract %reduce_max3A_1159[15] : f32 from vector<16xf32>
      %max3A_1161 = arith.maximumf %scan3A_1090#1, %get3A_1099 : vector<16xf32>
      %reduce_max3A_1162 = arith.constant true
      %reduce_max3A_1163 = vector.broadcast %reduce_max3A_1162 : i1 to vector<16xi1>
      %reduce_max3A_1164 = tpu.scan <max>, %max3A_1161 masked %reduce_max3A_1163 : vector<16xf32>, vector<16xi1> -> vector<16xf32>
      %reduce_max3A_1165 = vector.extract %reduce_max3A_1164[15] : f32 from vector<16xf32>
      %max3A_1166 = arith.maximumf %scan3A_1090#2, %get3A_1103 : vector<16xf32>
      %reduce_max3A_1167 = arith.constant true
      %reduce_max3A_1168 = vector.broadcast %reduce_max3A_1167 : i1 to vector<16xi1>
      %reduce_max3A_1169 = tpu.scan <max>, %max3A_1166 masked %reduce_max3A_1168 : vector<16xf32>, vector<16xi1> -> vector<16xf32>
      %reduce_max3A_1170 = vector.extract %reduce_max3A_1169[15] : f32 from vector<16xf32>
      %max3A_1171 = arith.maximumf %scan3A_1090#3, %get3A_1107 : vector<16xf32>
      %reduce_max3A_1172 = arith.constant true
      %reduce_max3A_1173 = vector.broadcast %reduce_max3A_1172 : i1 to vector<16xi1>
      %reduce_max3A_1174 = tpu.scan <max>, %max3A_1171 masked %reduce_max3A_1173 : vector<16xf32>, vector<16xi1> -> vector<16xf32>
      %reduce_max3A_1175 = vector.extract %reduce_max3A_1174[15] : f32 from vector<16xf32>
      %max3A_1176 = arith.maximumf %scan3A_1090#4, %get3A_1111 : vector<16xf32>
      %reduce_max3A_1177 = arith.constant true
      %reduce_max3A_1178 = vector.broadcast %reduce_max3A_1177 : i1 to vector<16xi1>
      %reduce_max3A_1179 = tpu.scan <max>, %max3A_1176 masked %reduce_max3A_1178 : vector<16xf32>, vector<16xi1> -> vector<16xf32>
      %reduce_max3A_1180 = vector.extract %reduce_max3A_1179[15] : f32 from vector<16xf32>
      %max3A_1181 = arith.maximumf %scan3A_1090#5, %get3A_1115 : vector<16xf32>
      %reduce_max3A_1182 = arith.constant true
      %reduce_max3A_1183 = vector.broadcast %reduce_max3A_1182 : i1 to vector<16xi1>
      %reduce_max3A_1184 = tpu.scan <max>, %max3A_1181 masked %reduce_max3A_1183 : vector<16xf32>, vector<16xi1> -> vector<16xf32>
      %reduce_max3A_1185 = vector.extract %reduce_max3A_1184[15] : f32 from vector<16xf32>
      %max3A_1186 = arith.maximumf %scan3A_1090#6, %get3A_1119 : vector<16xf32>
      %reduce_max3A_1187 = arith.constant true
      %reduce_max3A_1188 = vector.broadcast %reduce_max3A_1187 : i1 to vector<16xi1>
      %reduce_max3A_1189 = tpu.scan <max>, %max3A_1186 masked %reduce_max3A_1188 : vector<16xf32>, vector<16xi1> -> vector<16xf32>
      %reduce_max3A_1190 = vector.extract %reduce_max3A_1189[15] : f32 from vector<16xf32>
      %max3A_1191 = arith.maximumf %scan3A_1090#7, %get3A_1123 : vector<16xf32>
      %reduce_max3A_1192 = arith.constant true
      %reduce_max3A_1193 = vector.broadcast %reduce_max3A_1192 : i1 to vector<16xi1>
      %reduce_max3A_1194 = tpu.scan <max>, %max3A_1191 masked %reduce_max3A_1193 : vector<16xf32>, vector<16xi1> -> vector<16xf32>
      %reduce_max3A_1195 = vector.extract %reduce_max3A_1194[15] : f32 from vector<16xf32>
      %max3A_1196 = arith.maximumf %scan3A_1090#8, %get3A_1127 : vector<16xf32>
      %reduce_max3A_1197 = arith.constant true
      %reduce_max3A_1198 = vector.broadcast %reduce_max3A_1197 : i1 to vector<16xi1>
      %reduce_max3A_1199 = tpu.scan <max>, %max3A_1196 masked %reduce_max3A_1198 : vector<16xf32>, vector<16xi1> -> vector<16xf32>
      %reduce_max3A_1200 = vector.extract %reduce_max3A_1199[15] : f32 from vector<16xf32>
      %max3A_1201 = arith.maximumf %scan3A_1090#9, %get3A_1131 : vector<16xf32>
      %reduce_max3A_1202 = arith.constant true
      %reduce_max3A_1203 = vector.broadcast %reduce_max3A_1202 : i1 to vector<16xi1>
      %reduce_max3A_1204 = tpu.scan <max>, %max3A_1201 masked %reduce_max3A_1203 : vector<16xf32>, vector<16xi1> -> vector<16xf32>
      %reduce_max3A_1205 = vector.extract %reduce_max3A_1204[15] : f32 from vector<16xf32>
      %max3A_1206 = arith.maximumf %scan3A_1090#10, %get3A_1135 : vector<16xf32>
      %reduce_max3A_1207 = arith.constant true
      %reduce_max3A_1208 = vector.broadcast %reduce_max3A_1207 : i1 to vector<16xi1>
      %reduce_max3A_1209 = tpu.scan <max>, %max3A_1206 masked %reduce_max3A_1208 : vector<16xf32>, vector<16xi1> -> vector<16xf32>
      %reduce_max3A_1210 = vector.extract %reduce_max3A_1209[15] : f32 from vector<16xf32>
      %max3A_1211 = arith.maximumf %scan3A_1090#11, %get3A_1139 : vector<16xf32>
      %reduce_max3A_1212 = arith.constant true
      %reduce_max3A_1213 = vector.broadcast %reduce_max3A_1212 : i1 to vector<16xi1>
      %reduce_max3A_1214 = tpu.scan <max>, %max3A_1211 masked %reduce_max3A_1213 : vector<16xf32>, vector<16xi1> -> vector<16xf32>
      %reduce_max3A_1215 = vector.extract %reduce_max3A_1214[15] : f32 from vector<16xf32>
      %max3A_1216 = arith.maximumf %scan3A_1090#12, %get3A_1143 : vector<16xf32>
      %reduce_max3A_1217 = arith.constant true
      %reduce_max3A_1218 = vector.broadcast %reduce_max3A_1217 : i1 to vector<16xi1>
      %reduce_max3A_1219 = tpu.scan <max>, %max3A_1216 masked %reduce_max3A_1218 : vector<16xf32>, vector<16xi1> -> vector<16xf32>
      %reduce_max3A_1220 = vector.extract %reduce_max3A_1219[15] : f32 from vector<16xf32>
      %max3A_1221 = arith.maximumf %scan3A_1090#13, %get3A_1147 : vector<16xf32>
      %reduce_max3A_1222 = arith.constant true
      %reduce_max3A_1223 = vector.broadcast %reduce_max3A_1222 : i1 to vector<16xi1>
      %reduce_max3A_1224 = tpu.scan <max>, %max3A_1221 masked %reduce_max3A_1223 : vector<16xf32>, vector<16xi1> -> vector<16xf32>
      %reduce_max3A_1225 = vector.extract %reduce_max3A_1224[15] : f32 from vector<16xf32>
      %max3A_1226 = arith.maximumf %scan3A_1090#14, %get3A_1151 : vector<16xf32>
      %reduce_max3A_1227 = arith.constant true
      %reduce_max3A_1228 = vector.broadcast %reduce_max3A_1227 : i1 to vector<16xi1>
      %reduce_max3A_1229 = tpu.scan <max>, %max3A_1226 masked %reduce_max3A_1228 : vector<16xf32>, vector<16xi1> -> vector<16xf32>
      %reduce_max3A_1230 = vector.extract %reduce_max3A_1229[15] : f32 from vector<16xf32>
      %max3A_1231 = arith.maximumf %scan3A_1090#15, %get3A_1155 : vector<16xf32>
      %reduce_max3A_1232 = arith.constant true
      %reduce_max3A_1233 = vector.broadcast %reduce_max3A_1232 : i1 to vector<16xi1>
      %reduce_max3A_1234 = tpu.scan <max>, %max3A_1231 masked %reduce_max3A_1233 : vector<16xf32>, vector<16xi1> -> vector<16xf32>
      %reduce_max3A_1235 = vector.extract %reduce_max3A_1234[15] : f32 from vector<16xf32>
      %broadcast_in_dim3A_1236 = arith.constant 0.000000e+00 : f32
      %broadcast_in_dim3A_1237 = vector.broadcast %broadcast_in_dim3A_1236 : f32 to vector<16xf32>
      %scan3A_1238 = arith.constant 0 : i32
      %scan3A_1239 = arith.constant 62 : i32
      %scan3A_1240 = arith.addi %scan3A_1238, %scan3A_1239 : i32
      %scan3A_1241 = arith.constant 2 : i32
      %scan3A_1242:32 = scf.for %scan3A_1810 = %scan3A_1238 to %scan3A_1240 step %scan3A_1241 iter_args(%scan3A_1811 = %broadcast_in_dim3A_1237, %scan3A_1812 = %broadcast_in_dim3A_1237, %scan3A_1813 = %broadcast_in_dim3A_1237, %scan3A_1814 = %broadcast_in_dim3A_1237, %scan3A_1815 = %broadcast_in_dim3A_1237, %scan3A_1816 = %broadcast_in_dim3A_1237, %scan3A_1817 = %broadcast_in_dim3A_1237, %scan3A_1818 = %broadcast_in_dim3A_1237, %scan3A_1819 = %broadcast_in_dim3A_1237, %scan3A_1820 = %broadcast_in_dim3A_1237, %scan3A_1821 = %broadcast_in_dim3A_1237, %scan3A_1822 = %broadcast_in_dim3A_1237, %scan3A_1823 = %broadcast_in_dim3A_1237, %scan3A_1824 = %broadcast_in_dim3A_1237, %scan3A_1825 = %broadcast_in_dim3A_1237, %scan3A_1826 = %broadcast_in_dim3A_1237, %scan3A_1827 = %broadcast_in_dim3A_3, %scan3A_1828 = %broadcast_in_dim3A_3, %scan3A_1829 = %broadcast_in_dim3A_3, %scan3A_1830 = %broadcast_in_dim3A_3, %scan3A_1831 = %broadcast_in_dim3A_3, %scan3A_1832 = %broadcast_in_dim3A_3, %scan3A_1833 = %broadcast_in_dim3A_3, %scan3A_1834 = %broadcast_in_dim3A_3, %scan3A_1835 = %broadcast_in_dim3A_3, %scan3A_1836 = %broadcast_in_dim3A_3, %scan3A_1837 = %broadcast_in_dim3A_3, %scan3A_1838 = %broadcast_in_dim3A_3, %scan3A_1839 = %broadcast_in_dim3A_3, %scan3A_1840 = %broadcast_in_dim3A_3, %scan3A_1841 = %broadcast_in_dim3A_3, %scan3A_1842 = %broadcast_in_dim3A_3) -> (vector<16xf32>, vector<16xf32>, vector<16xf32>, vector<16xf32>, vector<16xf32>, vector<16xf32>, vector<16xf32>, vector<16xf32>, vector<16xf32>, vector<16xf32>, vector<16xf32>, vector<16xf32>, vector<16xf32>, vector<16xf32>, vector<16xf32>, vector<16xf32>, vector<16xf32>, vector<16xf32>, vector<16xf32>, vector<16xf32>, vector<16xf32>, vector<16xf32>, vector<16xf32>, vector<16xf32>, vector<16xf32>, vector<16xf32>, vector<16xf32>, vector<16xf32>, vector<16xf32>, vector<16xf32>, vector<16xf32>, vector<16xf32>)  : i32 {
        %mul3A_1843 = arith.constant 16 : i32
        %mul3A_1844 = arith.muli %scan3A_1810, %mul3A_1843 : i32
        %convert_element_type3A_1845 = arith.sitofp %mul3A_1844 : i32 to f32
        %add3A_1846 = vector.broadcast %convert_element_type3A_1845 : f32 to vector<16xf32>
        %add3A_1847 = arith.addf %add3A_1846, %convert_element_type3A : vector<16xf32>
        %mul3A_1848 = arith.constant 16 : i32
        %mul3A_1849 = arith.muli %scan3A_1810, %mul3A_1848 : i32
        %get3A_1850 = arith.constant 0 : i32
        %get3A_1851 = arith.index_cast %get3A_1850 : i32 to index
        %get3A_1852 = arith.index_cast %mul3A_1849 : i32 to index
        %get3A_1853 = tpu.vector_load %arg8[%get3A_1851, %get3A_1852] {strides = array<i32>} : memref<16x1000xf32, #tpu.memory_space<vmem>>, vector<16xf32>,
        %sub3A_1854 = vector.broadcast %reduce_max3A_1160 : f32 to vector<16xf32>
        %sub3A_1855 = arith.subf %get3A_1853, %sub3A_1854 : vector<16xf32>
        %exp3A_1856 = math.exp %sub3A_1855 : vector<16xf32>
        %add3A_1857 = arith.addf %scan3A_1811, %exp3A_1856 : vector<16xf32>
        %eq3A_1858 = vector.broadcast %reduce_max3A_935 : f32 to vector<16xf32>
        %eq3A_1859 = arith.cmpf oeq, %add3A_1847, %eq3A_1858 : vector<16xf32>
        %select_n3A_1860 = arith.select %eq3A_1859, %get3A_1853, %scan3A_1827 : vector<16xi1>, vector<16xf32>
        %mul3A_1861 = arith.constant 16 : i32
        %mul3A_1862 = arith.muli %scan3A_1810, %mul3A_1861 : i32
        %get3A_1863 = arith.constant 1 : i32
        %get3A_1864 = arith.index_cast %get3A_1863 : i32 to index
        %get3A_1865 = arith.index_cast %mul3A_1862 : i32 to index
        %get3A_1866 = tpu.vector_load %arg8[%get3A_1864, %get3A_1865] {strides = array<i32>} : memref<16x1000xf32, #tpu.memory_space<vmem>>, vector<16xf32>,
        %sub3A_1867 = vector.broadcast %reduce_max3A_1165 : f32 to vector<16xf32>
        %sub3A_1868 = arith.subf %get3A_1866, %sub3A_1867 : vector<16xf32>
        %exp3A_1869 = math.exp %sub3A_1868 : vector<16xf32>
        %add3A_1870 = arith.addf %scan3A_1812, %exp3A_1869 : vector<16xf32>
        %eq3A_1871 = vector.broadcast %reduce_max3A_945 : f32 to vector<16xf32>
        %eq3A_1872 = arith.cmpf oeq, %add3A_1847, %eq3A_1871 : vector<16xf32>
        %select_n3A_1873 = arith.select %eq3A_1872, %get3A_1866, %scan3A_1828 : vector<16xi1>, vector<16xf32>
        %mul3A_1874 = arith.constant 16 : i32
        %mul3A_1875 = arith.muli %scan3A_1810, %mul3A_1874 : i32
        %get3A_1876 = arith.constant 2 : i32
        %get3A_1877 = arith.index_cast %get3A_1876 : i32 to index
        %get3A_1878 = arith.index_cast %mul3A_1875 : i32 to index
        %get3A_1879 = tpu.vector_load %arg8[%get3A_1877, %get3A_1878] {strides = array<i32>} : memref<16x1000xf32, #tpu.memory_space<vmem>>, vector<16xf32>,
        %sub3A_1880 = vector.broadcast %reduce_max3A_1170 : f32 to vector<16xf32>
        %sub3A_1881 = arith.subf %get3A_1879, %sub3A_1880 : vector<16xf32>
        %exp3A_1882 = math.exp %sub3A_1881 : vector<16xf32>
        %add3A_1883 = arith.addf %scan3A_1813, %exp3A_1882 : vector<16xf32>
        %eq3A_1884 = vector.broadcast %reduce_max3A_955 : f32 to vector<16xf32>
        %eq3A_1885 = arith.cmpf oeq, %add3A_1847, %eq3A_1884 : vector<16xf32>
        %select_n3A_1886 = arith.select %eq3A_1885, %get3A_1879, %scan3A_1829 : vector<16xi1>, vector<16xf32>
        %mul3A_1887 = arith.constant 16 : i32
        %mul3A_1888 = arith.muli %scan3A_1810, %mul3A_1887 : i32
        %get3A_1889 = arith.constant 3 : i32
        %get3A_1890 = arith.index_cast %get3A_1889 : i32 to index
        %get3A_1891 = arith.index_cast %mul3A_1888 : i32 to index
        %get3A_1892 = tpu.vector_load %arg8[%get3A_1890, %get3A_1891] {strides = array<i32>} : memref<16x1000xf32, #tpu.memory_space<vmem>>, vector<16xf32>,
        %sub3A_1893 = vector.broadcast %reduce_max3A_1175 : f32 to vector<16xf32>
        %sub3A_1894 = arith.subf %get3A_1892, %sub3A_1893 : vector<16xf32>
        %exp3A_1895 = math.exp %sub3A_1894 : vector<16xf32>
        %add3A_1896 = arith.addf %scan3A_1814, %exp3A_1895 : vector<16xf32>
        %eq3A_1897 = vector.broadcast %reduce_max3A_965 : f32 to vector<16xf32>
        %eq3A_1898 = arith.cmpf oeq, %add3A_1847, %eq3A_1897 : vector<16xf32>
        %select_n3A_1899 = arith.select %eq3A_1898, %get3A_1892, %scan3A_1830 : vector<16xi1>, vector<16xf32>
        %mul3A_1900 = arith.constant 16 : i32
        %mul3A_1901 = arith.muli %scan3A_1810, %mul3A_1900 : i32
        %get3A_1902 = arith.constant 4 : i32
        %get3A_1903 = arith.index_cast %get3A_1902 : i32 to index
        %get3A_1904 = arith.index_cast %mul3A_1901 : i32 to index
        %get3A_1905 = tpu.vector_load %arg8[%get3A_1903, %get3A_1904] {strides = array<i32>} : memref<16x1000xf32, #tpu.memory_space<vmem>>, vector<16xf32>,
        %sub3A_1906 = vector.broadcast %reduce_max3A_1180 : f32 to vector<16xf32>
        %sub3A_1907 = arith.subf %get3A_1905, %sub3A_1906 : vector<16xf32>
        %exp3A_1908 = math.exp %sub3A_1907 : vector<16xf32>
        %add3A_1909 = arith.addf %scan3A_1815, %exp3A_1908 : vector<16xf32>
        %eq3A_1910 = vector.broadcast %reduce_max3A_975 : f32 to vector<16xf32>
        %eq3A_1911 = arith.cmpf oeq, %add3A_1847, %eq3A_1910 : vector<16xf32>
        %select_n3A_1912 = arith.select %eq3A_1911, %get3A_1905, %scan3A_1831 : vector<16xi1>, vector<16xf32>
        %mul3A_1913 = arith.constant 16 : i32
        %mul3A_1914 = arith.muli %scan3A_1810, %mul3A_1913 : i32
        %get3A_1915 = arith.constant 5 : i32
        %get3A_1916 = arith.index_cast %get3A_1915 : i32 to index
        %get3A_1917 = arith.index_cast %mul3A_1914 : i32 to index
        %get3A_1918 = tpu.vector_load %arg8[%get3A_1916, %get3A_1917] {strides = array<i32>} : memref<16x1000xf32, #tpu.memory_space<vmem>>, vector<16xf32>,
        %sub3A_1919 = vector.broadcast %reduce_max3A_1185 : f32 to vector<16xf32>
        %sub3A_1920 = arith.subf %get3A_1918, %sub3A_1919 : vector<16xf32>
        %exp3A_1921 = math.exp %sub3A_1920 : vector<16xf32>
        %add3A_1922 = arith.addf %scan3A_1816, %exp3A_1921 : vector<16xf32>
        %eq3A_1923 = vector.broadcast %reduce_max3A_985 : f32 to vector<16xf32>
        %eq3A_1924 = arith.cmpf oeq, %add3A_1847, %eq3A_1923 : vector<16xf32>
        %select_n3A_1925 = arith.select %eq3A_1924, %get3A_1918, %scan3A_1832 : vector<16xi1>, vector<16xf32>
        %mul3A_1926 = arith.constant 16 : i32
        %mul3A_1927 = arith.muli %scan3A_1810, %mul3A_1926 : i32
        %get3A_1928 = arith.constant 6 : i32
        %get3A_1929 = arith.index_cast %get3A_1928 : i32 to index
        %get3A_1930 = arith.index_cast %mul3A_1927 : i32 to index
        %get3A_1931 = tpu.vector_load %arg8[%get3A_1929, %get3A_1930] {strides = array<i32>} : memref<16x1000xf32, #tpu.memory_space<vmem>>, vector<16xf32>,
        %sub3A_1932 = vector.broadcast %reduce_max3A_1190 : f32 to vector<16xf32>
        %sub3A_1933 = arith.subf %get3A_1931, %sub3A_1932 : vector<16xf32>
        %exp3A_1934 = math.exp %sub3A_1933 : vector<16xf32>
        %add3A_1935 = arith.addf %scan3A_1817, %exp3A_1934 : vector<16xf32>
        %eq3A_1936 = vector.broadcast %reduce_max3A_995 : f32 to vector<16xf32>
        %eq3A_1937 = arith.cmpf oeq, %add3A_1847, %eq3A_1936 : vector<16xf32>
        %select_n3A_1938 = arith.select %eq3A_1937, %get3A_1931, %scan3A_1833 : vector<16xi1>, vector<16xf32>
        %mul3A_1939 = arith.constant 16 : i32
        %mul3A_1940 = arith.muli %scan3A_1810, %mul3A_1939 : i32
        %get3A_1941 = arith.constant 7 : i32
        %get3A_1942 = arith.index_cast %get3A_1941 : i32 to index
        %get3A_1943 = arith.index_cast %mul3A_1940 : i32 to index
        %get3A_1944 = tpu.vector_load %arg8[%get3A_1942, %get3A_1943] {strides = array<i32>} : memref<16x1000xf32, #tpu.memory_space<vmem>>, vector<16xf32>,
        %sub3A_1945 = vector.broadcast %reduce_max3A_1195 : f32 to vector<16xf32>
        %sub3A_1946 = arith.subf %get3A_1944, %sub3A_1945 : vector<16xf32>
        %exp3A_1947 = math.exp %sub3A_1946 : vector<16xf32>
        %add3A_1948 = arith.addf %scan3A_1818, %exp3A_1947 : vector<16xf32>
        %eq3A_1949 = vector.broadcast %reduce_max3A_1005 : f32 to vector<16xf32>
        %eq3A_1950 = arith.cmpf oeq, %add3A_1847, %eq3A_1949 : vector<16xf32>
        %select_n3A_1951 = arith.select %eq3A_1950, %get3A_1944, %scan3A_1834 : vector<16xi1>, vector<16xf32>
        %mul3A_1952 = arith.constant 16 : i32
        %mul3A_1953 = arith.muli %scan3A_1810, %mul3A_1952 : i32
        %get3A_1954 = arith.constant 8 : i32
        %get3A_1955 = arith.index_cast %get3A_1954 : i32 to index
        %get3A_1956 = arith.index_cast %mul3A_1953 : i32 to index
        %get3A_1957 = tpu.vector_load %arg8[%get3A_1955, %get3A_1956] {strides = array<i32>} : memref<16x1000xf32, #tpu.memory_space<vmem>>, vector<16xf32>,
        %sub3A_1958 = vector.broadcast %reduce_max3A_1200 : f32 to vector<16xf32>
        %sub3A_1959 = arith.subf %get3A_1957, %sub3A_1958 : vector<16xf32>
        %exp3A_1960 = math.exp %sub3A_1959 : vector<16xf32>
        %add3A_1961 = arith.addf %scan3A_1819, %exp3A_1960 : vector<16xf32>
        %eq3A_1962 = vector.broadcast %reduce_max3A_1015 : f32 to vector<16xf32>
        %eq3A_1963 = arith.cmpf oeq, %add3A_1847, %eq3A_1962 : vector<16xf32>
        %select_n3A_1964 = arith.select %eq3A_1963, %get3A_1957, %scan3A_1835 : vector<16xi1>, vector<16xf32>
        %mul3A_1965 = arith.constant 16 : i32
        %mul3A_1966 = arith.muli %scan3A_1810, %mul3A_1965 : i32
        %get3A_1967 = arith.constant 9 : i32
        %get3A_1968 = arith.index_cast %get3A_1967 : i32 to index
        %get3A_1969 = arith.index_cast %mul3A_1966 : i32 to index
        %get3A_1970 = tpu.vector_load %arg8[%get3A_1968, %get3A_1969] {strides = array<i32>} : memref<16x1000xf32, #tpu.memory_space<vmem>>, vector<16xf32>,
        %sub3A_1971 = vector.broadcast %reduce_max3A_1205 : f32 to vector<16xf32>
        %sub3A_1972 = arith.subf %get3A_1970, %sub3A_1971 : vector<16xf32>
        %exp3A_1973 = math.exp %sub3A_1972 : vector<16xf32>
        %add3A_1974 = arith.addf %scan3A_1820, %exp3A_1973 : vector<16xf32>
        %eq3A_1975 = vector.broadcast %reduce_max3A_1025 : f32 to vector<16xf32>
        %eq3A_1976 = arith.cmpf oeq, %add3A_1847, %eq3A_1975 : vector<16xf32>
        %select_n3A_1977 = arith.select %eq3A_1976, %get3A_1970, %scan3A_1836 : vector<16xi1>, vector<16xf32>
        %mul3A_1978 = arith.constant 16 : i32
        %mul3A_1979 = arith.muli %scan3A_1810, %mul3A_1978 : i32
        %get3A_1980 = arith.constant 10 : i32
        %get3A_1981 = arith.index_cast %get3A_1980 : i32 to index
        %get3A_1982 = arith.index_cast %mul3A_1979 : i32 to index
        %get3A_1983 = tpu.vector_load %arg8[%get3A_1981, %get3A_1982] {strides = array<i32>} : memref<16x1000xf32, #tpu.memory_space<vmem>>, vector<16xf32>,
        %sub3A_1984 = vector.broadcast %reduce_max3A_1210 : f32 to vector<16xf32>
        %sub3A_1985 = arith.subf %get3A_1983, %sub3A_1984 : vector<16xf32>
        %exp3A_1986 = math.exp %sub3A_1985 : vector<16xf32>
        %add3A_1987 = arith.addf %scan3A_1821, %exp3A_1986 : vector<16xf32>
        %eq3A_1988 = vector.broadcast %reduce_max3A_1035 : f32 to vector<16xf32>
        %eq3A_1989 = arith.cmpf oeq, %add3A_1847, %eq3A_1988 : vector<16xf32>
        %select_n3A_1990 = arith.select %eq3A_1989, %get3A_1983, %scan3A_1837 : vector<16xi1>, vector<16xf32>
        %mul3A_1991 = arith.constant 16 : i32
        %mul3A_1992 = arith.muli %scan3A_1810, %mul3A_1991 : i32
        %get3A_1993 = arith.constant 11 : i32
        %get3A_1994 = arith.index_cast %get3A_1993 : i32 to index
        %get3A_1995 = arith.index_cast %mul3A_1992 : i32 to index
        %get3A_1996 = tpu.vector_load %arg8[%get3A_1994, %get3A_1995] {strides = array<i32>} : memref<16x1000xf32, #tpu.memory_space<vmem>>, vector<16xf32>,
        %sub3A_1997 = vector.broadcast %reduce_max3A_1215 : f32 to vector<16xf32>
        %sub3A_1998 = arith.subf %get3A_1996, %sub3A_1997 : vector<16xf32>
        %exp3A_1999 = math.exp %sub3A_1998 : vector<16xf32>
        %add3A_2000 = arith.addf %scan3A_1822, %exp3A_1999 : vector<16xf32>
        %eq3A_2001 = vector.broadcast %reduce_max3A_1045 : f32 to vector<16xf32>
        %eq3A_2002 = arith.cmpf oeq, %add3A_1847, %eq3A_2001 : vector<16xf32>
        %select_n3A_2003 = arith.select %eq3A_2002, %get3A_1996, %scan3A_1838 : vector<16xi1>, vector<16xf32>
        %mul3A_2004 = arith.constant 16 : i32
        %mul3A_2005 = arith.muli %scan3A_1810, %mul3A_2004 : i32
        %get3A_2006 = arith.constant 12 : i32
        %get3A_2007 = arith.index_cast %get3A_2006 : i32 to index
        %get3A_2008 = arith.index_cast %mul3A_2005 : i32 to index
        %get3A_2009 = tpu.vector_load %arg8[%get3A_2007, %get3A_2008] {strides = array<i32>} : memref<16x1000xf32, #tpu.memory_space<vmem>>, vector<16xf32>,
        %sub3A_2010 = vector.broadcast %reduce_max3A_1220 : f32 to vector<16xf32>
        %sub3A_2011 = arith.subf %get3A_2009, %sub3A_2010 : vector<16xf32>
        %exp3A_2012 = math.exp %sub3A_2011 : vector<16xf32>
        %add3A_2013 = arith.addf %scan3A_1823, %exp3A_2012 : vector<16xf32>
        %eq3A_2014 = vector.broadcast %reduce_max3A_1055 : f32 to vector<16xf32>
        %eq3A_2015 = arith.cmpf oeq, %add3A_1847, %eq3A_2014 : vector<16xf32>
        %select_n3A_2016 = arith.select %eq3A_2015, %get3A_2009, %scan3A_1839 : vector<16xi1>, vector<16xf32>
        %mul3A_2017 = arith.constant 16 : i32
        %mul3A_2018 = arith.muli %scan3A_1810, %mul3A_2017 : i32
        %get3A_2019 = arith.constant 13 : i32
        %get3A_2020 = arith.index_cast %get3A_2019 : i32 to index
        %get3A_2021 = arith.index_cast %mul3A_2018 : i32 to index
        %get3A_2022 = tpu.vector_load %arg8[%get3A_2020, %get3A_2021] {strides = array<i32>} : memref<16x1000xf32, #tpu.memory_space<vmem>>, vector<16xf32>,
        %sub3A_2023 = vector.broadcast %reduce_max3A_1225 : f32 to vector<16xf32>
        %sub3A_2024 = arith.subf %get3A_2022, %sub3A_2023 : vector<16xf32>
        %exp3A_2025 = math.exp %sub3A_2024 : vector<16xf32>
        %add3A_2026 = arith.addf %scan3A_1824, %exp3A_2025 : vector<16xf32>
        %eq3A_2027 = vector.broadcast %reduce_max3A_1065 : f32 to vector<16xf32>
        %eq3A_2028 = arith.cmpf oeq, %add3A_1847, %eq3A_2027 : vector<16xf32>
        %select_n3A_2029 = arith.select %eq3A_2028, %get3A_2022, %scan3A_1840 : vector<16xi1>, vector<16xf32>
        %mul3A_2030 = arith.constant 16 : i32
        %mul3A_2031 = arith.muli %scan3A_1810, %mul3A_2030 : i32
        %get3A_2032 = arith.constant 14 : i32
        %get3A_2033 = arith.index_cast %get3A_2032 : i32 to index
        %get3A_2034 = arith.index_cast %mul3A_2031 : i32 to index
        %get3A_2035 = tpu.vector_load %arg8[%get3A_2033, %get3A_2034] {strides = array<i32>} : memref<16x1000xf32, #tpu.memory_space<vmem>>, vector<16xf32>,
        %sub3A_2036 = vector.broadcast %reduce_max3A_1230 : f32 to vector<16xf32>
        %sub3A_2037 = arith.subf %get3A_2035, %sub3A_2036 : vector<16xf32>
        %exp3A_2038 = math.exp %sub3A_2037 : vector<16xf32>
        %add3A_2039 = arith.addf %scan3A_1825, %exp3A_2038 : vector<16xf32>
        %eq3A_2040 = vector.broadcast %reduce_max3A_1075 : f32 to vector<16xf32>
        %eq3A_2041 = arith.cmpf oeq, %add3A_1847, %eq3A_2040 : vector<16xf32>
        %select_n3A_2042 = arith.select %eq3A_2041, %get3A_2035, %scan3A_1841 : vector<16xi1>, vector<16xf32>
        %mul3A_2043 = arith.constant 16 : i32
        %mul3A_2044 = arith.muli %scan3A_1810, %mul3A_2043 : i32
        %get3A_2045 = arith.constant 15 : i32
        %get3A_2046 = arith.index_cast %get3A_2045 : i32 to index
        %get3A_2047 = arith.index_cast %mul3A_2044 : i32 to index
        %get3A_2048 = tpu.vector_load %arg8[%get3A_2046, %get3A_2047] {strides = array<i32>} : memref<16x1000xf32, #tpu.memory_space<vmem>>, vector<16xf32>,
        %sub3A_2049 = vector.broadcast %reduce_max3A_1235 : f32 to vector<16xf32>
        %sub3A_2050 = arith.subf %get3A_2048, %sub3A_2049 : vector<16xf32>
        %exp3A_2051 = math.exp %sub3A_2050 : vector<16xf32>
        %add3A_2052 = arith.addf %scan3A_1826, %exp3A_2051 : vector<16xf32>
        %eq3A_2053 = vector.broadcast %reduce_max3A_1085 : f32 to vector<16xf32>
        %eq3A_2054 = arith.cmpf oeq, %add3A_1847, %eq3A_2053 : vector<16xf32>
        %select_n3A_2055 = arith.select %eq3A_2054, %get3A_2048, %scan3A_1842 : vector<16xi1>, vector<16xf32>
        %scan3A_2056 = arith.constant 1 : i32
        %scan3A_2057 = arith.addi %scan3A_1810, %scan3A_2056 : i32
        %mul3A_2058 = arith.constant 16 : i32
        %mul3A_2059 = arith.muli %scan3A_2057, %mul3A_2058 : i32
        %convert_element_type3A_2060 = arith.sitofp %mul3A_2059 : i32 to f32
        %add3A_2061 = vector.broadcast %convert_element_type3A_2060 : f32 to vector<16xf32>
        %add3A_2062 = arith.addf %add3A_2061, %convert_element_type3A : vector<16xf32>
        %mul3A_2063 = arith.constant 16 : i32
        %mul3A_2064 = arith.muli %scan3A_2057, %mul3A_2063 : i32
        %get3A_2065 = arith.constant 0 : i32
        %get3A_2066 = arith.index_cast %get3A_2065 : i32 to index
        %get3A_2067 = arith.index_cast %mul3A_2064 : i32 to index
        %get3A_2068 = tpu.vector_load %arg8[%get3A_2066, %get3A_2067] {strides = array<i32>} : memref<16x1000xf32, #tpu.memory_space<vmem>>, vector<16xf32>,
        %sub3A_2069 = vector.broadcast %reduce_max3A_1160 : f32 to vector<16xf32>
        %sub3A_2070 = arith.subf %get3A_2068, %sub3A_2069 : vector<16xf32>
        %exp3A_2071 = math.exp %sub3A_2070 : vector<16xf32>
        %add3A_2072 = arith.addf %add3A_1857, %exp3A_2071 : vector<16xf32>
        %eq3A_2073 = vector.broadcast %reduce_max3A_935 : f32 to vector<16xf32>
        %eq3A_2074 = arith.cmpf oeq, %add3A_2062, %eq3A_2073 : vector<16xf32>
        %select_n3A_2075 = arith.select %eq3A_2074, %get3A_2068, %select_n3A_1860 : vector<16xi1>, vector<16xf32>
        %mul3A_2076 = arith.constant 16 : i32
        %mul3A_2077 = arith.muli %scan3A_2057, %mul3A_2076 : i32
        %get3A_2078 = arith.constant 1 : i32
        %get3A_2079 = arith.index_cast %get3A_2078 : i32 to index
        %get3A_2080 = arith.index_cast %mul3A_2077 : i32 to index
        %get3A_2081 = tpu.vector_load %arg8[%get3A_2079, %get3A_2080] {strides = array<i32>} : memref<16x1000xf32, #tpu.memory_space<vmem>>, vector<16xf32>,
        %sub3A_2082 = vector.broadcast %reduce_max3A_1165 : f32 to vector<16xf32>
        %sub3A_2083 = arith.subf %get3A_2081, %sub3A_2082 : vector<16xf32>
        %exp3A_2084 = math.exp %sub3A_2083 : vector<16xf32>
        %add3A_2085 = arith.addf %add3A_1870, %exp3A_2084 : vector<16xf32>
        %eq3A_2086 = vector.broadcast %reduce_max3A_945 : f32 to vector<16xf32>
        %eq3A_2087 = arith.cmpf oeq, %add3A_2062, %eq3A_2086 : vector<16xf32>
        %select_n3A_2088 = arith.select %eq3A_2087, %get3A_2081, %select_n3A_1873 : vector<16xi1>, vector<16xf32>
        %mul3A_2089 = arith.constant 16 : i32
        %mul3A_2090 = arith.muli %scan3A_2057, %mul3A_2089 : i32
        %get3A_2091 = arith.constant 2 : i32
        %get3A_2092 = arith.index_cast %get3A_2091 : i32 to index
        %get3A_2093 = arith.index_cast %mul3A_2090 : i32 to index
        %get3A_2094 = tpu.vector_load %arg8[%get3A_2092, %get3A_2093] {strides = array<i32>} : memref<16x1000xf32, #tpu.memory_space<vmem>>, vector<16xf32>,
        %sub3A_2095 = vector.broadcast %reduce_max3A_1170 : f32 to vector<16xf32>
        %sub3A_2096 = arith.subf %get3A_2094, %sub3A_2095 : vector<16xf32>
        %exp3A_2097 = math.exp %sub3A_2096 : vector<16xf32>
        %add3A_2098 = arith.addf %add3A_1883, %exp3A_2097 : vector<16xf32>
        %eq3A_2099 = vector.broadcast %reduce_max3A_955 : f32 to vector<16xf32>
        %eq3A_2100 = arith.cmpf oeq, %add3A_2062, %eq3A_2099 : vector<16xf32>
        %select_n3A_2101 = arith.select %eq3A_2100, %get3A_2094, %select_n3A_1886 : vector<16xi1>, vector<16xf32>
        %mul3A_2102 = arith.constant 16 : i32
        %mul3A_2103 = arith.muli %scan3A_2057, %mul3A_2102 : i32
        %get3A_2104 = arith.constant 3 : i32
        %get3A_2105 = arith.index_cast %get3A_2104 : i32 to index
        %get3A_2106 = arith.index_cast %mul3A_2103 : i32 to index
        %get3A_2107 = tpu.vector_load %arg8[%get3A_2105, %get3A_2106] {strides = array<i32>} : memref<16x1000xf32, #tpu.memory_space<vmem>>, vector<16xf32>,
        %sub3A_2108 = vector.broadcast %reduce_max3A_1175 : f32 to vector<16xf32>
        %sub3A_2109 = arith.subf %get3A_2107, %sub3A_2108 : vector<16xf32>
        %exp3A_2110 = math.exp %sub3A_2109 : vector<16xf32>
        %add3A_2111 = arith.addf %add3A_1896, %exp3A_2110 : vector<16xf32>
        %eq3A_2112 = vector.broadcast %reduce_max3A_965 : f32 to vector<16xf32>
        %eq3A_2113 = arith.cmpf oeq, %add3A_2062, %eq3A_2112 : vector<16xf32>
        %select_n3A_2114 = arith.select %eq3A_2113, %get3A_2107, %select_n3A_1899 : vector<16xi1>, vector<16xf32>
        %mul3A_2115 = arith.constant 16 : i32
        %mul3A_2116 = arith.muli %scan3A_2057, %mul3A_2115 : i32
        %get3A_2117 = arith.constant 4 : i32
        %get3A_2118 = arith.index_cast %get3A_2117 : i32 to index
        %get3A_2119 = arith.index_cast %mul3A_2116 : i32 to index
        %get3A_2120 = tpu.vector_load %arg8[%get3A_2118, %get3A_2119] {strides = array<i32>} : memref<16x1000xf32, #tpu.memory_space<vmem>>, vector<16xf32>,
        %sub3A_2121 = vector.broadcast %reduce_max3A_1180 : f32 to vector<16xf32>
        %sub3A_2122 = arith.subf %get3A_2120, %sub3A_2121 : vector<16xf32>
        %exp3A_2123 = math.exp %sub3A_2122 : vector<16xf32>
        %add3A_2124 = arith.addf %add3A_1909, %exp3A_2123 : vector<16xf32>
        %eq3A_2125 = vector.broadcast %reduce_max3A_975 : f32 to vector<16xf32>
        %eq3A_2126 = arith.cmpf oeq, %add3A_2062, %eq3A_2125 : vector<16xf32>
        %select_n3A_2127 = arith.select %eq3A_2126, %get3A_2120, %select_n3A_1912 : vector<16xi1>, vector<16xf32>
        %mul3A_2128 = arith.constant 16 : i32
        %mul3A_2129 = arith.muli %scan3A_2057, %mul3A_2128 : i32
        %get3A_2130 = arith.constant 5 : i32
        %get3A_2131 = arith.index_cast %get3A_2130 : i32 to index
        %get3A_2132 = arith.index_cast %mul3A_2129 : i32 to index
        %get3A_2133 = tpu.vector_load %arg8[%get3A_2131, %get3A_2132] {strides = array<i32>} : memref<16x1000xf32, #tpu.memory_space<vmem>>, vector<16xf32>,
        %sub3A_2134 = vector.broadcast %reduce_max3A_1185 : f32 to vector<16xf32>
        %sub3A_2135 = arith.subf %get3A_2133, %sub3A_2134 : vector<16xf32>
        %exp3A_2136 = math.exp %sub3A_2135 : vector<16xf32>
        %add3A_2137 = arith.addf %add3A_1922, %exp3A_2136 : vector<16xf32>
        %eq3A_2138 = vector.broadcast %reduce_max3A_985 : f32 to vector<16xf32>
        %eq3A_2139 = arith.cmpf oeq, %add3A_2062, %eq3A_2138 : vector<16xf32>
        %select_n3A_2140 = arith.select %eq3A_2139, %get3A_2133, %select_n3A_1925 : vector<16xi1>, vector<16xf32>
        %mul3A_2141 = arith.constant 16 : i32
        %mul3A_2142 = arith.muli %scan3A_2057, %mul3A_2141 : i32
        %get3A_2143 = arith.constant 6 : i32
        %get3A_2144 = arith.index_cast %get3A_2143 : i32 to index
        %get3A_2145 = arith.index_cast %mul3A_2142 : i32 to index
        %get3A_2146 = tpu.vector_load %arg8[%get3A_2144, %get3A_2145] {strides = array<i32>} : memref<16x1000xf32, #tpu.memory_space<vmem>>, vector<16xf32>,
        %sub3A_2147 = vector.broadcast %reduce_max3A_1190 : f32 to vector<16xf32>
        %sub3A_2148 = arith.subf %get3A_2146, %sub3A_2147 : vector<16xf32>
        %exp3A_2149 = math.exp %sub3A_2148 : vector<16xf32>
        %add3A_2150 = arith.addf %add3A_1935, %exp3A_2149 : vector<16xf32>
        %eq3A_2151 = vector.broadcast %reduce_max3A_995 : f32 to vector<16xf32>
        %eq3A_2152 = arith.cmpf oeq, %add3A_2062, %eq3A_2151 : vector<16xf32>
        %select_n3A_2153 = arith.select %eq3A_2152, %get3A_2146, %select_n3A_1938 : vector<16xi1>, vector<16xf32>
        %mul3A_2154 = arith.constant 16 : i32
        %mul3A_2155 = arith.muli %scan3A_2057, %mul3A_2154 : i32
        %get3A_2156 = arith.constant 7 : i32
        %get3A_2157 = arith.index_cast %get3A_2156 : i32 to index
        %get3A_2158 = arith.index_cast %mul3A_2155 : i32 to index
        %get3A_2159 = tpu.vector_load %arg8[%get3A_2157, %get3A_2158] {strides = array<i32>} : memref<16x1000xf32, #tpu.memory_space<vmem>>, vector<16xf32>,
        %sub3A_2160 = vector.broadcast %reduce_max3A_1195 : f32 to vector<16xf32>
        %sub3A_2161 = arith.subf %get3A_2159, %sub3A_2160 : vector<16xf32>
        %exp3A_2162 = math.exp %sub3A_2161 : vector<16xf32>
        %add3A_2163 = arith.addf %add3A_1948, %exp3A_2162 : vector<16xf32>
        %eq3A_2164 = vector.broadcast %reduce_max3A_1005 : f32 to vector<16xf32>
        %eq3A_2165 = arith.cmpf oeq, %add3A_2062, %eq3A_2164 : vector<16xf32>
        %select_n3A_2166 = arith.select %eq3A_2165, %get3A_2159, %select_n3A_1951 : vector<16xi1>, vector<16xf32>
        %mul3A_2167 = arith.constant 16 : i32
        %mul3A_2168 = arith.muli %scan3A_2057, %mul3A_2167 : i32
        %get3A_2169 = arith.constant 8 : i32
        %get3A_2170 = arith.index_cast %get3A_2169 : i32 to index
        %get3A_2171 = arith.index_cast %mul3A_2168 : i32 to index
        %get3A_2172 = tpu.vector_load %arg8[%get3A_2170, %get3A_2171] {strides = array<i32>} : memref<16x1000xf32, #tpu.memory_space<vmem>>, vector<16xf32>,
        %sub3A_2173 = vector.broadcast %reduce_max3A_1200 : f32 to vector<16xf32>
        %sub3A_2174 = arith.subf %get3A_2172, %sub3A_2173 : vector<16xf32>
        %exp3A_2175 = math.exp %sub3A_2174 : vector<16xf32>
        %add3A_2176 = arith.addf %add3A_1961, %exp3A_2175 : vector<16xf32>
        %eq3A_2177 = vector.broadcast %reduce_max3A_1015 : f32 to vector<16xf32>
        %eq3A_2178 = arith.cmpf oeq, %add3A_2062, %eq3A_2177 : vector<16xf32>
        %select_n3A_2179 = arith.select %eq3A_2178, %get3A_2172, %select_n3A_1964 : vector<16xi1>, vector<16xf32>
        %mul3A_2180 = arith.constant 16 : i32
        %mul3A_2181 = arith.muli %scan3A_2057, %mul3A_2180 : i32
        %get3A_2182 = arith.constant 9 : i32
        %get3A_2183 = arith.index_cast %get3A_2182 : i32 to index
        %get3A_2184 = arith.index_cast %mul3A_2181 : i32 to index
        %get3A_2185 = tpu.vector_load %arg8[%get3A_2183, %get3A_2184] {strides = array<i32>} : memref<16x1000xf32, #tpu.memory_space<vmem>>, vector<16xf32>,
        %sub3A_2186 = vector.broadcast %reduce_max3A_1205 : f32 to vector<16xf32>
        %sub3A_2187 = arith.subf %get3A_2185, %sub3A_2186 : vector<16xf32>
        %exp3A_2188 = math.exp %sub3A_2187 : vector<16xf32>
        %add3A_2189 = arith.addf %add3A_1974, %exp3A_2188 : vector<16xf32>
        %eq3A_2190 = vector.broadcast %reduce_max3A_1025 : f32 to vector<16xf32>
        %eq3A_2191 = arith.cmpf oeq, %add3A_2062, %eq3A_2190 : vector<16xf32>
        %select_n3A_2192 = arith.select %eq3A_2191, %get3A_2185, %select_n3A_1977 : vector<16xi1>, vector<16xf32>
        %mul3A_2193 = arith.constant 16 : i32
        %mul3A_2194 = arith.muli %scan3A_2057, %mul3A_2193 : i32
        %get3A_2195 = arith.constant 10 : i32
        %get3A_2196 = arith.index_cast %get3A_2195 : i32 to index
        %get3A_2197 = arith.index_cast %mul3A_2194 : i32 to index
        %get3A_2198 = tpu.vector_load %arg8[%get3A_2196, %get3A_2197] {strides = array<i32>} : memref<16x1000xf32, #tpu.memory_space<vmem>>, vector<16xf32>,
        %sub3A_2199 = vector.broadcast %reduce_max3A_1210 : f32 to vector<16xf32>
        %sub3A_2200 = arith.subf %get3A_2198, %sub3A_2199 : vector<16xf32>
        %exp3A_2201 = math.exp %sub3A_2200 : vector<16xf32>
        %add3A_2202 = arith.addf %add3A_1987, %exp3A_2201 : vector<16xf32>
        %eq3A_2203 = vector.broadcast %reduce_max3A_1035 : f32 to vector<16xf32>
        %eq3A_2204 = arith.cmpf oeq, %add3A_2062, %eq3A_2203 : vector<16xf32>
        %select_n3A_2205 = arith.select %eq3A_2204, %get3A_2198, %select_n3A_1990 : vector<16xi1>, vector<16xf32>
        %mul3A_2206 = arith.constant 16 : i32
        %mul3A_2207 = arith.muli %scan3A_2057, %mul3A_2206 : i32
        %get3A_2208 = arith.constant 11 : i32
        %get3A_2209 = arith.index_cast %get3A_2208 : i32 to index
        %get3A_2210 = arith.index_cast %mul3A_2207 : i32 to index
        %get3A_2211 = tpu.vector_load %arg8[%get3A_2209, %get3A_2210] {strides = array<i32>} : memref<16x1000xf32, #tpu.memory_space<vmem>>, vector<16xf32>,
        %sub3A_2212 = vector.broadcast %reduce_max3A_1215 : f32 to vector<16xf32>
        %sub3A_2213 = arith.subf %get3A_2211, %sub3A_2212 : vector<16xf32>
        %exp3A_2214 = math.exp %sub3A_2213 : vector<16xf32>
        %add3A_2215 = arith.addf %add3A_2000, %exp3A_2214 : vector<16xf32>
        %eq3A_2216 = vector.broadcast %reduce_max3A_1045 : f32 to vector<16xf32>
        %eq3A_2217 = arith.cmpf oeq, %add3A_2062, %eq3A_2216 : vector<16xf32>
        %select_n3A_2218 = arith.select %eq3A_2217, %get3A_2211, %select_n3A_2003 : vector<16xi1>, vector<16xf32>
        %mul3A_2219 = arith.constant 16 : i32
        %mul3A_2220 = arith.muli %scan3A_2057, %mul3A_2219 : i32
        %get3A_2221 = arith.constant 12 : i32
        %get3A_2222 = arith.index_cast %get3A_2221 : i32 to index
        %get3A_2223 = arith.index_cast %mul3A_2220 : i32 to index
        %get3A_2224 = tpu.vector_load %arg8[%get3A_2222, %get3A_2223] {strides = array<i32>} : memref<16x1000xf32, #tpu.memory_space<vmem>>, vector<16xf32>,
        %sub3A_2225 = vector.broadcast %reduce_max3A_1220 : f32 to vector<16xf32>
        %sub3A_2226 = arith.subf %get3A_2224, %sub3A_2225 : vector<16xf32>
        %exp3A_2227 = math.exp %sub3A_2226 : vector<16xf32>
        %add3A_2228 = arith.addf %add3A_2013, %exp3A_2227 : vector<16xf32>
        %eq3A_2229 = vector.broadcast %reduce_max3A_1055 : f32 to vector<16xf32>
        %eq3A_2230 = arith.cmpf oeq, %add3A_2062, %eq3A_2229 : vector<16xf32>
        %select_n3A_2231 = arith.select %eq3A_2230, %get3A_2224, %select_n3A_2016 : vector<16xi1>, vector<16xf32>
        %mul3A_2232 = arith.constant 16 : i32
        %mul3A_2233 = arith.muli %scan3A_2057, %mul3A_2232 : i32
        %get3A_2234 = arith.constant 13 : i32
        %get3A_2235 = arith.index_cast %get3A_2234 : i32 to index
        %get3A_2236 = arith.index_cast %mul3A_2233 : i32 to index
        %get3A_2237 = tpu.vector_load %arg8[%get3A_2235, %get3A_2236] {strides = array<i32>} : memref<16x1000xf32, #tpu.memory_space<vmem>>, vector<16xf32>,
        %sub3A_2238 = vector.broadcast %reduce_max3A_1225 : f32 to vector<16xf32>
        %sub3A_2239 = arith.subf %get3A_2237, %sub3A_2238 : vector<16xf32>
        %exp3A_2240 = math.exp %sub3A_2239 : vector<16xf32>
        %add3A_2241 = arith.addf %add3A_2026, %exp3A_2240 : vector<16xf32>
        %eq3A_2242 = vector.broadcast %reduce_max3A_1065 : f32 to vector<16xf32>
        %eq3A_2243 = arith.cmpf oeq, %add3A_2062, %eq3A_2242 : vector<16xf32>
        %select_n3A_2244 = arith.select %eq3A_2243, %get3A_2237, %select_n3A_2029 : vector<16xi1>, vector<16xf32>
        %mul3A_2245 = arith.constant 16 : i32
        %mul3A_2246 = arith.muli %scan3A_2057, %mul3A_2245 : i32
        %get3A_2247 = arith.constant 14 : i32
        %get3A_2248 = arith.index_cast %get3A_2247 : i32 to index
        %get3A_2249 = arith.index_cast %mul3A_2246 : i32 to index
        %get3A_2250 = tpu.vector_load %arg8[%get3A_2248, %get3A_2249] {strides = array<i32>} : memref<16x1000xf32, #tpu.memory_space<vmem>>, vector<16xf32>,
        %sub3A_2251 = vector.broadcast %reduce_max3A_1230 : f32 to vector<16xf32>
        %sub3A_2252 = arith.subf %get3A_2250, %sub3A_2251 : vector<16xf32>
        %exp3A_2253 = math.exp %sub3A_2252 : vector<16xf32>
        %add3A_2254 = arith.addf %add3A_2039, %exp3A_2253 : vector<16xf32>
        %eq3A_2255 = vector.broadcast %reduce_max3A_1075 : f32 to vector<16xf32>
        %eq3A_2256 = arith.cmpf oeq, %add3A_2062, %eq3A_2255 : vector<16xf32>
        %select_n3A_2257 = arith.select %eq3A_2256, %get3A_2250, %select_n3A_2042 : vector<16xi1>, vector<16xf32>
        %mul3A_2258 = arith.constant 16 : i32
        %mul3A_2259 = arith.muli %scan3A_2057, %mul3A_2258 : i32
        %get3A_2260 = arith.constant 15 : i32
        %get3A_2261 = arith.index_cast %get3A_2260 : i32 to index
        %get3A_2262 = arith.index_cast %mul3A_2259 : i32 to index
        %get3A_2263 = tpu.vector_load %arg8[%get3A_2261, %get3A_2262] {strides = array<i32>} : memref<16x1000xf32, #tpu.memory_space<vmem>>, vector<16xf32>,
        %sub3A_2264 = vector.broadcast %reduce_max3A_1235 : f32 to vector<16xf32>
        %sub3A_2265 = arith.subf %get3A_2263, %sub3A_2264 : vector<16xf32>
        %exp3A_2266 = math.exp %sub3A_2265 : vector<16xf32>
        %add3A_2267 = arith.addf %add3A_2052, %exp3A_2266 : vector<16xf32>
        %eq3A_2268 = vector.broadcast %reduce_max3A_1085 : f32 to vector<16xf32>
        %eq3A_2269 = arith.cmpf oeq, %add3A_2062, %eq3A_2268 : vector<16xf32>
        %select_n3A_2270 = arith.select %eq3A_2269, %get3A_2263, %select_n3A_2055 : vector<16xi1>, vector<16xf32>
        scf.yield %add3A_2072, %add3A_2085, %add3A_2098, %add3A_2111, %add3A_2124, %add3A_2137, %add3A_2150, %add3A_2163, %add3A_2176, %add3A_2189, %add3A_2202, %add3A_2215, %add3A_2228, %add3A_2241, %add3A_2254, %add3A_2267, %select_n3A_2075, %select_n3A_2088, %select_n3A_2101, %select_n3A_2114, %select_n3A_2127, %select_n3A_2140, %select_n3A_2153, %select_n3A_2166, %select_n3A_2179, %select_n3A_2192, %select_n3A_2205, %select_n3A_2218, %select_n3A_2231, %select_n3A_2244, %select_n3A_2257, %select_n3A_2270 : vector<16xf32>, vector<16xf32>, vector<16xf32>, vector<16xf32>, vector<16xf32>, vector<16xf32>, vector<16xf32>, vector<16xf32>, vector<16xf32>, vector<16xf32>, vector<16xf32>, vector<16xf32>, vector<16xf32>, vector<16xf32>, vector<16xf32>, vector<16xf32>, vector<16xf32>, vector<16xf32>, vector<16xf32>, vector<16xf32>, vector<16xf32>, vector<16xf32>, vector<16xf32>, vector<16xf32>, vector<16xf32>, vector<16xf32>, vector<16xf32>, vector<16xf32>, vector<16xf32>, vector<16xf32>, vector<16xf32>, vector<16xf32>
      }
      %scan3A_1243 = arith.constant 62 : i32
      %add3A_1244 = arith.constant 9.840000e+02 : f32
      %add3A_1245 = vector.broadcast %add3A_1244 : f32 to vector<16xf32>
      %add3A_1246 = arith.addf %add3A_1245, %convert_element_type3A : vector<16xf32>
      %sub3A_1247 = vector.broadcast %reduce_max3A_1160 : f32 to vector<16xf32>
      %sub3A_1248 = arith.subf %get3A_1095, %sub3A_1247 : vector<16xf32>
      %exp3A_1249 = math.exp %sub3A_1248 : vector<16xf32>
      %jit3A_1250 = arith.constant 0.000000e+00 : f32
      %broadcast_in_dim3A_1251 = vector.broadcast %jit3A_1250 : f32 to vector<16xf32>
      %select_n3A_1252 = arith.select %ge3A_5, %exp3A_1249, %broadcast_in_dim3A_1251 : vector<16xi1>, vector<16xf32>
      %add3A_1253 = arith.addf %scan3A_1242#0, %select_n3A_1252 : vector<16xf32>
      %eq3A_1254 = vector.broadcast %reduce_max3A_935 : f32 to vector<16xf32>
      %eq3A_1255 = arith.cmpf oeq, %add3A_1246, %eq3A_1254 : vector<16xf32>
      %and3A_1256 = arith.andi %eq3A_1255, %ge3A_5 : vector<16xi1>
      %select_n3A_1257 = arith.select %and3A_1256, %get3A_1095, %scan3A_1242#16 : vector<16xi1>, vector<16xf32>
      %eq3A_1258 = arith.constant 0 : i32
      %eq3A_1259 = vector.broadcast %eq3A_1258 : i32 to vector<16xi32>
      %eq3A_1260 = arith.cmpi eq, %iota3A, %eq3A_1259 : vector<16xi32>
      %broadcast_in_dim3A_1261 = vector.broadcast %reduce_max3A_1160 : f32 to vector<16xf32>
      %select_n3A_1262 = arith.select %eq3A_1260, %broadcast_in_dim3A_1261, %broadcast_in_dim3A_1237 : vector<16xi1>, vector<16xf32>
      %eq3A_1263 = arith.constant 0 : i32
      %eq3A_1264 = vector.broadcast %eq3A_1263 : i32 to vector<16xi32>
      %eq3A_1265 = arith.cmpi eq, %iota3A, %eq3A_1264 : vector<16xi32>
      %reduce_sum3A_1266 = arith.constant true
      %reduce_sum3A_1267 = vector.broadcast %reduce_sum3A_1266 : i1 to vector<16xi1>
      %reduce_sum3A_1268 = tpu.scan <sum>, %add3A_1253 masked %reduce_sum3A_1267 : vector<16xf32>, vector<16xi1> -> vector<16xf32>
      %reduce_sum3A_1269 = vector.extract %reduce_sum3A_1268[15] : f32 from vector<16xf32>
      %broadcast_in_dim3A_1270 = vector.broadcast %reduce_sum3A_1269 : f32 to vector<16xf32>
      %select_n3A_1271 = arith.select %eq3A_1265, %broadcast_in_dim3A_1270, %broadcast_in_dim3A_1237 : vector<16xi1>, vector<16xf32>
      %eq3A_1272 = arith.constant 0 : i32
      %eq3A_1273 = vector.broadcast %eq3A_1272 : i32 to vector<16xi32>
      %eq3A_1274 = arith.cmpi eq, %iota3A, %eq3A_1273 : vector<16xi32>
      %reduce_max3A_1275 = arith.constant true
      %reduce_max3A_1276 = vector.broadcast %reduce_max3A_1275 : i1 to vector<16xi1>
      %reduce_max3A_1277 = tpu.scan <max>, %select_n3A_1257 masked %reduce_max3A_1276 : vector<16xf32>, vector<16xi1> -> vector<16xf32>
      %reduce_max3A_1278 = vector.extract %reduce_max3A_1277[15] : f32 from vector<16xf32>
      %broadcast_in_dim3A_1279 = vector.broadcast %reduce_max3A_1278 : f32 to vector<16xf32>
      %select_n3A_1280 = arith.select %eq3A_1274, %broadcast_in_dim3A_1279, %broadcast_in_dim3A_1237 : vector<16xi1>, vector<16xf32>
      %sub3A_1281 = vector.broadcast %reduce_max3A_1165 : f32 to vector<16xf32>
      %sub3A_1282 = arith.subf %get3A_1099, %sub3A_1281 : vector<16xf32>
      %exp3A_1283 = math.exp %sub3A_1282 : vector<16xf32>
      %jit3A_1284 = arith.constant 0.000000e+00 : f32
      %broadcast_in_dim3A_1285 = vector.broadcast %jit3A_1284 : f32 to vector<16xf32>
      %select_n3A_1286 = arith.select %ge3A_5, %exp3A_1283, %broadcast_in_dim3A_1285 : vector<16xi1>, vector<16xf32>
      %add3A_1287 = arith.addf %scan3A_1242#1, %select_n3A_1286 : vector<16xf32>
      %eq3A_1288 = vector.broadcast %reduce_max3A_945 : f32 to vector<16xf32>
      %eq3A_1289 = arith.cmpf oeq, %add3A_1246, %eq3A_1288 : vector<16xf32>
      %and3A_1290 = arith.andi %eq3A_1289, %ge3A_5 : vector<16xi1>
      %select_n3A_1291 = arith.select %and3A_1290, %get3A_1099, %scan3A_1242#17 : vector<16xi1>, vector<16xf32>
      %eq3A_1292 = arith.constant 1 : i32
      %eq3A_1293 = vector.broadcast %eq3A_1292 : i32 to vector<16xi32>
      %eq3A_1294 = arith.cmpi eq, %iota3A, %eq3A_1293 : vector<16xi32>
      %broadcast_in_dim3A_1295 = vector.broadcast %reduce_max3A_1165 : f32 to vector<16xf32>
      %select_n3A_1296 = arith.select %eq3A_1294, %broadcast_in_dim3A_1295, %select_n3A_1262 : vector<16xi1>, vector<16xf32>
      %eq3A_1297 = arith.constant 1 : i32
      %eq3A_1298 = vector.broadcast %eq3A_1297 : i32 to vector<16xi32>
      %eq3A_1299 = arith.cmpi eq, %iota3A, %eq3A_1298 : vector<16xi32>
      %reduce_sum3A_1300 = arith.constant true
      %reduce_sum3A_1301 = vector.broadcast %reduce_sum3A_1300 : i1 to vector<16xi1>
      %reduce_sum3A_1302 = tpu.scan <sum>, %add3A_1287 masked %reduce_sum3A_1301 : vector<16xf32>, vector<16xi1> -> vector<16xf32>
      %reduce_sum3A_1303 = vector.extract %reduce_sum3A_1302[15] : f32 from vector<16xf32>
      %broadcast_in_dim3A_1304 = vector.broadcast %reduce_sum3A_1303 : f32 to vector<16xf32>
      %select_n3A_1305 = arith.select %eq3A_1299, %broadcast_in_dim3A_1304, %select_n3A_1271 : vector<16xi1>, vector<16xf32>
      %eq3A_1306 = arith.constant 1 : i32
      %eq3A_1307 = vector.broadcast %eq3A_1306 : i32 to vector<16xi32>
      %eq3A_1308 = arith.cmpi eq, %iota3A, %eq3A_1307 : vector<16xi32>
      %reduce_max3A_1309 = arith.constant true
      %reduce_max3A_1310 = vector.broadcast %reduce_max3A_1309 : i1 to vector<16xi1>
      %reduce_max3A_1311 = tpu.scan <max>, %select_n3A_1291 masked %reduce_max3A_1310 : vector<16xf32>, vector<16xi1> -> vector<16xf32>
      %reduce_max3A_1312 = vector.extract %reduce_max3A_1311[15] : f32 from vector<16xf32>
      %broadcast_in_dim3A_1313 = vector.broadcast %reduce_max3A_1312 : f32 to vector<16xf32>
      %select_n3A_1314 = arith.select %eq3A_1308, %broadcast_in_dim3A_1313, %select_n3A_1280 : vector<16xi1>, vector<16xf32>
      %sub3A_1315 = vector.broadcast %reduce_max3A_1170 : f32 to vector<16xf32>
      %sub3A_1316 = arith.subf %get3A_1103, %sub3A_1315 : vector<16xf32>
      %exp3A_1317 = math.exp %sub3A_1316 : vector<16xf32>
      %jit3A_1318 = arith.constant 0.000000e+00 : f32
      %broadcast_in_dim3A_1319 = vector.broadcast %jit3A_1318 : f32 to vector<16xf32>
      %select_n3A_1320 = arith.select %ge3A_5, %exp3A_1317, %broadcast_in_dim3A_1319 : vector<16xi1>, vector<16xf32>
      %add3A_1321 = arith.addf %scan3A_1242#2, %select_n3A_1320 : vector<16xf32>
      %eq3A_1322 = vector.broadcast %reduce_max3A_955 : f32 to vector<16xf32>
      %eq3A_1323 = arith.cmpf oeq, %add3A_1246, %eq3A_1322 : vector<16xf32>
      %and3A_1324 = arith.andi %eq3A_1323, %ge3A_5 : vector<16xi1>
      %select_n3A_1325 = arith.select %and3A_1324, %get3A_1103, %scan3A_1242#18 : vector<16xi1>, vector<16xf32>
      %eq3A_1326 = arith.constant 2 : i32
      %eq3A_1327 = vector.broadcast %eq3A_1326 : i32 to vector<16xi32>
      %eq3A_1328 = arith.cmpi eq, %iota3A, %eq3A_1327 : vector<16xi32>
      %broadcast_in_dim3A_1329 = vector.broadcast %reduce_max3A_1170 : f32 to vector<16xf32>
      %select_n3A_1330 = arith.select %eq3A_1328, %broadcast_in_dim3A_1329, %select_n3A_1296 : vector<16xi1>, vector<16xf32>
      %eq3A_1331 = arith.constant 2 : i32
      %eq3A_1332 = vector.broadcast %eq3A_1331 : i32 to vector<16xi32>
      %eq3A_1333 = arith.cmpi eq, %iota3A, %eq3A_1332 : vector<16xi32>
      %reduce_sum3A_1334 = arith.constant true
      %reduce_sum3A_1335 = vector.broadcast %reduce_sum3A_1334 : i1 to vector<16xi1>
      %reduce_sum3A_1336 = tpu.scan <sum>, %add3A_1321 masked %reduce_sum3A_1335 : vector<16xf32>, vector<16xi1> -> vector<16xf32>
      %reduce_sum3A_1337 = vector.extract %reduce_sum3A_1336[15] : f32 from vector<16xf32>
      %broadcast_in_dim3A_1338 = vector.broadcast %reduce_sum3A_1337 : f32 to vector<16xf32>
      %select_n3A_1339 = arith.select %eq3A_1333, %broadcast_in_dim3A_1338, %select_n3A_1305 : vector<16xi1>, vector<16xf32>
      %eq3A_1340 = arith.constant 2 : i32
      %eq3A_1341 = vector.broadcast %eq3A_1340 : i32 to vector<16xi32>
      %eq3A_1342 = arith.cmpi eq, %iota3A, %eq3A_1341 : vector<16xi32>
      %reduce_max3A_1343 = arith.constant true
      %reduce_max3A_1344 = vector.broadcast %reduce_max3A_1343 : i1 to vector<16xi1>
      %reduce_max3A_1345 = tpu.scan <max>, %select_n3A_1325 masked %reduce_max3A_1344 : vector<16xf32>, vector<16xi1> -> vector<16xf32>
      %reduce_max3A_1346 = vector.extract %reduce_max3A_1345[15] : f32 from vector<16xf32>
      %broadcast_in_dim3A_1347 = vector.broadcast %reduce_max3A_1346 : f32 to vector<16xf32>
      %select_n3A_1348 = arith.select %eq3A_1342, %broadcast_in_dim3A_1347, %select_n3A_1314 : vector<16xi1>, vector<16xf32>
      %sub3A_1349 = vector.broadcast %reduce_max3A_1175 : f32 to vector<16xf32>
      %sub3A_1350 = arith.subf %get3A_1107, %sub3A_1349 : vector<16xf32>
      %exp3A_1351 = math.exp %sub3A_1350 : vector<16xf32>
      %jit3A_1352 = arith.constant 0.000000e+00 : f32
      %broadcast_in_dim3A_1353 = vector.broadcast %jit3A_1352 : f32 to vector<16xf32>
      %select_n3A_1354 = arith.select %ge3A_5, %exp3A_1351, %broadcast_in_dim3A_1353 : vector<16xi1>, vector<16xf32>
      %add3A_1355 = arith.addf %scan3A_1242#3, %select_n3A_1354 : vector<16xf32>
      %eq3A_1356 = vector.broadcast %reduce_max3A_965 : f32 to vector<16xf32>
      %eq3A_1357 = arith.cmpf oeq, %add3A_1246, %eq3A_1356 : vector<16xf32>
      %and3A_1358 = arith.andi %eq3A_1357, %ge3A_5 : vector<16xi1>
      %select_n3A_1359 = arith.select %and3A_1358, %get3A_1107, %scan3A_1242#19 : vector<16xi1>, vector<16xf32>
      %eq3A_1360 = arith.constant 3 : i32
      %eq3A_1361 = vector.broadcast %eq3A_1360 : i32 to vector<16xi32>
      %eq3A_1362 = arith.cmpi eq, %iota3A, %eq3A_1361 : vector<16xi32>
      %broadcast_in_dim3A_1363 = vector.broadcast %reduce_max3A_1175 : f32 to vector<16xf32>
      %select_n3A_1364 = arith.select %eq3A_1362, %broadcast_in_dim3A_1363, %select_n3A_1330 : vector<16xi1>, vector<16xf32>
      %eq3A_1365 = arith.constant 3 : i32
      %eq3A_1366 = vector.broadcast %eq3A_1365 : i32 to vector<16xi32>
      %eq3A_1367 = arith.cmpi eq, %iota3A, %eq3A_1366 : vector<16xi32>
      %reduce_sum3A_1368 = arith.constant true
      %reduce_sum3A_1369 = vector.broadcast %reduce_sum3A_1368 : i1 to vector<16xi1>
      %reduce_sum3A_1370 = tpu.scan <sum>, %add3A_1355 masked %reduce_sum3A_1369 : vector<16xf32>, vector<16xi1> -> vector<16xf32>
      %reduce_sum3A_1371 = vector.extract %reduce_sum3A_1370[15] : f32 from vector<16xf32>
      %broadcast_in_dim3A_1372 = vector.broadcast %reduce_sum3A_1371 : f32 to vector<16xf32>
      %select_n3A_1373 = arith.select %eq3A_1367, %broadcast_in_dim3A_1372, %select_n3A_1339 : vector<16xi1>, vector<16xf32>
      %eq3A_1374 = arith.constant 3 : i32
      %eq3A_1375 = vector.broadcast %eq3A_1374 : i32 to vector<16xi32>
      %eq3A_1376 = arith.cmpi eq, %iota3A, %eq3A_1375 : vector<16xi32>
      %reduce_max3A_1377 = arith.constant true
      %reduce_max3A_1378 = vector.broadcast %reduce_max3A_1377 : i1 to vector<16xi1>
      %reduce_max3A_1379 = tpu.scan <max>, %select_n3A_1359 masked %reduce_max3A_1378 : vector<16xf32>, vector<16xi1> -> vector<16xf32>
      %reduce_max3A_1380 = vector.extract %reduce_max3A_1379[15] : f32 from vector<16xf32>
      %broadcast_in_dim3A_1381 = vector.broadcast %reduce_max3A_1380 : f32 to vector<16xf32>
      %select_n3A_1382 = arith.select %eq3A_1376, %broadcast_in_dim3A_1381, %select_n3A_1348 : vector<16xi1>, vector<16xf32>
      %sub3A_1383 = vector.broadcast %reduce_max3A_1180 : f32 to vector<16xf32>
      %sub3A_1384 = arith.subf %get3A_1111, %sub3A_1383 : vector<16xf32>
      %exp3A_1385 = math.exp %sub3A_1384 : vector<16xf32>
      %jit3A_1386 = arith.constant 0.000000e+00 : f32
      %broadcast_in_dim3A_1387 = vector.broadcast %jit3A_1386 : f32 to vector<16xf32>
      %select_n3A_1388 = arith.select %ge3A_5, %exp3A_1385, %broadcast_in_dim3A_1387 : vector<16xi1>, vector<16xf32>
      %add3A_1389 = arith.addf %scan3A_1242#4, %select_n3A_1388 : vector<16xf32>
      %eq3A_1390 = vector.broadcast %reduce_max3A_975 : f32 to vector<16xf32>
      %eq3A_1391 = arith.cmpf oeq, %add3A_1246, %eq3A_1390 : vector<16xf32>
      %and3A_1392 = arith.andi %eq3A_1391, %ge3A_5 : vector<16xi1>
      %select_n3A_1393 = arith.select %and3A_1392, %get3A_1111, %scan3A_1242#20 : vector<16xi1>, vector<16xf32>
      %eq3A_1394 = arith.constant 4 : i32
      %eq3A_1395 = vector.broadcast %eq3A_1394 : i32 to vector<16xi32>
      %eq3A_1396 = arith.cmpi eq, %iota3A, %eq3A_1395 : vector<16xi32>
      %broadcast_in_dim3A_1397 = vector.broadcast %reduce_max3A_1180 : f32 to vector<16xf32>
      %select_n3A_1398 = arith.select %eq3A_1396, %broadcast_in_dim3A_1397, %select_n3A_1364 : vector<16xi1>, vector<16xf32>
      %eq3A_1399 = arith.constant 4 : i32
      %eq3A_1400 = vector.broadcast %eq3A_1399 : i32 to vector<16xi32>
      %eq3A_1401 = arith.cmpi eq, %iota3A, %eq3A_1400 : vector<16xi32>
      %reduce_sum3A_1402 = arith.constant true
      %reduce_sum3A_1403 = vector.broadcast %reduce_sum3A_1402 : i1 to vector<16xi1>
      %reduce_sum3A_1404 = tpu.scan <sum>, %add3A_1389 masked %reduce_sum3A_1403 : vector<16xf32>, vector<16xi1> -> vector<16xf32>
      %reduce_sum3A_1405 = vector.extract %reduce_sum3A_1404[15] : f32 from vector<16xf32>
      %broadcast_in_dim3A_1406 = vector.broadcast %reduce_sum3A_1405 : f32 to vector<16xf32>
      %select_n3A_1407 = arith.select %eq3A_1401, %broadcast_in_dim3A_1406, %select_n3A_1373 : vector<16xi1>, vector<16xf32>
      %eq3A_1408 = arith.constant 4 : i32
      %eq3A_1409 = vector.broadcast %eq3A_1408 : i32 to vector<16xi32>
      %eq3A_1410 = arith.cmpi eq, %iota3A, %eq3A_1409 : vector<16xi32>
      %reduce_max3A_1411 = arith.constant true
      %reduce_max3A_1412 = vector.broadcast %reduce_max3A_1411 : i1 to vector<16xi1>
      %reduce_max3A_1413 = tpu.scan <max>, %select_n3A_1393 masked %reduce_max3A_1412 : vector<16xf32>, vector<16xi1> -> vector<16xf32>
      %reduce_max3A_1414 = vector.extract %reduce_max3A_1413[15] : f32 from vector<16xf32>
      %broadcast_in_dim3A_1415 = vector.broadcast %reduce_max3A_1414 : f32 to vector<16xf32>
      %select_n3A_1416 = arith.select %eq3A_1410, %broadcast_in_dim3A_1415, %select_n3A_1382 : vector<16xi1>, vector<16xf32>
      %sub3A_1417 = vector.broadcast %reduce_max3A_1185 : f32 to vector<16xf32>
      %sub3A_1418 = arith.subf %get3A_1115, %sub3A_1417 : vector<16xf32>
      %exp3A_1419 = math.exp %sub3A_1418 : vector<16xf32>
      %jit3A_1420 = arith.constant 0.000000e+00 : f32
      %broadcast_in_dim3A_1421 = vector.broadcast %jit3A_1420 : f32 to vector<16xf32>
      %select_n3A_1422 = arith.select %ge3A_5, %exp3A_1419, %broadcast_in_dim3A_1421 : vector<16xi1>, vector<16xf32>
      %add3A_1423 = arith.addf %scan3A_1242#5, %select_n3A_1422 : vector<16xf32>
      %eq3A_1424 = vector.broadcast %reduce_max3A_985 : f32 to vector<16xf32>
      %eq3A_1425 = arith.cmpf oeq, %add3A_1246, %eq3A_1424 : vector<16xf32>
      %and3A_1426 = arith.andi %eq3A_1425, %ge3A_5 : vector<16xi1>
      %select_n3A_1427 = arith.select %and3A_1426, %get3A_1115, %scan3A_1242#21 : vector<16xi1>, vector<16xf32>
      %eq3A_1428 = arith.constant 5 : i32
      %eq3A_1429 = vector.broadcast %eq3A_1428 : i32 to vector<16xi32>
      %eq3A_1430 = arith.cmpi eq, %iota3A, %eq3A_1429 : vector<16xi32>
      %broadcast_in_dim3A_1431 = vector.broadcast %reduce_max3A_1185 : f32 to vector<16xf32>
      %select_n3A_1432 = arith.select %eq3A_1430, %broadcast_in_dim3A_1431, %select_n3A_1398 : vector<16xi1>, vector<16xf32>
      %eq3A_1433 = arith.constant 5 : i32
      %eq3A_1434 = vector.broadcast %eq3A_1433 : i32 to vector<16xi32>
      %eq3A_1435 = arith.cmpi eq, %iota3A, %eq3A_1434 : vector<16xi32>
      %reduce_sum3A_1436 = arith.constant true
      %reduce_sum3A_1437 = vector.broadcast %reduce_sum3A_1436 : i1 to vector<16xi1>
      %reduce_sum3A_1438 = tpu.scan <sum>, %add3A_1423 masked %reduce_sum3A_1437 : vector<16xf32>, vector<16xi1> -> vector<16xf32>
      %reduce_sum3A_1439 = vector.extract %reduce_sum3A_1438[15] : f32 from vector<16xf32>
      %broadcast_in_dim3A_1440 = vector.broadcast %reduce_sum3A_1439 : f32 to vector<16xf32>
      %select_n3A_1441 = arith.select %eq3A_1435, %broadcast_in_dim3A_1440, %select_n3A_1407 : vector<16xi1>, vector<16xf32>
      %eq3A_1442 = arith.constant 5 : i32
      %eq3A_1443 = vector.broadcast %eq3A_1442 : i32 to vector<16xi32>
      %eq3A_1444 = arith.cmpi eq, %iota3A, %eq3A_1443 : vector<16xi32>
      %reduce_max3A_1445 = arith.constant true
      %reduce_max3A_1446 = vector.broadcast %reduce_max3A_1445 : i1 to vector<16xi1>
      %reduce_max3A_1447 = tpu.scan <max>, %select_n3A_1427 masked %reduce_max3A_1446 : vector<16xf32>, vector<16xi1> -> vector<16xf32>
      %reduce_max3A_1448 = vector.extract %reduce_max3A_1447[15] : f32 from vector<16xf32>
      %broadcast_in_dim3A_1449 = vector.broadcast %reduce_max3A_1448 : f32 to vector<16xf32>
      %select_n3A_1450 = arith.select %eq3A_1444, %broadcast_in_dim3A_1449, %select_n3A_1416 : vector<16xi1>, vector<16xf32>
      %sub3A_1451 = vector.broadcast %reduce_max3A_1190 : f32 to vector<16xf32>
      %sub3A_1452 = arith.subf %get3A_1119, %sub3A_1451 : vector<16xf32>
      %exp3A_1453 = math.exp %sub3A_1452 : vector<16xf32>
      %jit3A_1454 = arith.constant 0.000000e+00 : f32
      %broadcast_in_dim3A_1455 = vector.broadcast %jit3A_1454 : f32 to vector<16xf32>
      %select_n3A_1456 = arith.select %ge3A_5, %exp3A_1453, %broadcast_in_dim3A_1455 : vector<16xi1>, vector<16xf32>
      %add3A_1457 = arith.addf %scan3A_1242#6, %select_n3A_1456 : vector<16xf32>
      %eq3A_1458 = vector.broadcast %reduce_max3A_995 : f32 to vector<16xf32>
      %eq3A_1459 = arith.cmpf oeq, %add3A_1246, %eq3A_1458 : vector<16xf32>
      %and3A_1460 = arith.andi %eq3A_1459, %ge3A_5 : vector<16xi1>
      %select_n3A_1461 = arith.select %and3A_1460, %get3A_1119, %scan3A_1242#22 : vector<16xi1>, vector<16xf32>
      %eq3A_1462 = arith.constant 6 : i32
      %eq3A_1463 = vector.broadcast %eq3A_1462 : i32 to vector<16xi32>
      %eq3A_1464 = arith.cmpi eq, %iota3A, %eq3A_1463 : vector<16xi32>
      %broadcast_in_dim3A_1465 = vector.broadcast %reduce_max3A_1190 : f32 to vector<16xf32>
      %select_n3A_1466 = arith.select %eq3A_1464, %broadcast_in_dim3A_1465, %select_n3A_1432 : vector<16xi1>, vector<16xf32>
      %eq3A_1467 = arith.constant 6 : i32
      %eq3A_1468 = vector.broadcast %eq3A_1467 : i32 to vector<16xi32>
      %eq3A_1469 = arith.cmpi eq, %iota3A, %eq3A_1468 : vector<16xi32>
      %reduce_sum3A_1470 = arith.constant true
      %reduce_sum3A_1471 = vector.broadcast %reduce_sum3A_1470 : i1 to vector<16xi1>
      %reduce_sum3A_1472 = tpu.scan <sum>, %add3A_1457 masked %reduce_sum3A_1471 : vector<16xf32>, vector<16xi1> -> vector<16xf32>
      %reduce_sum3A_1473 = vector.extract %reduce_sum3A_1472[15] : f32 from vector<16xf32>
      %broadcast_in_dim3A_1474 = vector.broadcast %reduce_sum3A_1473 : f32 to vector<16xf32>
      %select_n3A_1475 = arith.select %eq3A_1469, %broadcast_in_dim3A_1474, %select_n3A_1441 : vector<16xi1>, vector<16xf32>
      %eq3A_1476 = arith.constant 6 : i32
      %eq3A_1477 = vector.broadcast %eq3A_1476 : i32 to vector<16xi32>
      %eq3A_1478 = arith.cmpi eq, %iota3A, %eq3A_1477 : vector<16xi32>
      %reduce_max3A_1479 = arith.constant true
      %reduce_max3A_1480 = vector.broadcast %reduce_max3A_1479 : i1 to vector<16xi1>
      %reduce_max3A_1481 = tpu.scan <max>, %select_n3A_1461 masked %reduce_max3A_1480 : vector<16xf32>, vector<16xi1> -> vector<16xf32>
      %reduce_max3A_1482 = vector.extract %reduce_max3A_1481[15] : f32 from vector<16xf32>
      %broadcast_in_dim3A_1483 = vector.broadcast %reduce_max3A_1482 : f32 to vector<16xf32>
      %select_n3A_1484 = arith.select %eq3A_1478, %broadcast_in_dim3A_1483, %select_n3A_1450 : vector<16xi1>, vector<16xf32>
      %sub3A_1485 = vector.broadcast %reduce_max3A_1195 : f32 to vector<16xf32>
      %sub3A_1486 = arith.subf %get3A_1123, %sub3A_1485 : vector<16xf32>
      %exp3A_1487 = math.exp %sub3A_1486 : vector<16xf32>
      %jit3A_1488 = arith.constant 0.000000e+00 : f32
      %broadcast_in_dim3A_1489 = vector.broadcast %jit3A_1488 : f32 to vector<16xf32>
      %select_n3A_1490 = arith.select %ge3A_5, %exp3A_1487, %broadcast_in_dim3A_1489 : vector<16xi1>, vector<16xf32>
      %add3A_1491 = arith.addf %scan3A_1242#7, %select_n3A_1490 : vector<16xf32>
      %eq3A_1492 = vector.broadcast %reduce_max3A_1005 : f32 to vector<16xf32>
      %eq3A_1493 = arith.cmpf oeq, %add3A_1246, %eq3A_1492 : vector<16xf32>
      %and3A_1494 = arith.andi %eq3A_1493, %ge3A_5 : vector<16xi1>
      %select_n3A_1495 = arith.select %and3A_1494, %get3A_1123, %scan3A_1242#23 : vector<16xi1>, vector<16xf32>
      %eq3A_1496 = arith.constant 7 : i32
      %eq3A_1497 = vector.broadcast %eq3A_1496 : i32 to vector<16xi32>
      %eq3A_1498 = arith.cmpi eq, %iota3A, %eq3A_1497 : vector<16xi32>
      %broadcast_in_dim3A_1499 = vector.broadcast %reduce_max3A_1195 : f32 to vector<16xf32>
      %select_n3A_1500 = arith.select %eq3A_1498, %broadcast_in_dim3A_1499, %select_n3A_1466 : vector<16xi1>, vector<16xf32>
      %eq3A_1501 = arith.constant 7 : i32
      %eq3A_1502 = vector.broadcast %eq3A_1501 : i32 to vector<16xi32>
      %eq3A_1503 = arith.cmpi eq, %iota3A, %eq3A_1502 : vector<16xi32>
      %reduce_sum3A_1504 = arith.constant true
      %reduce_sum3A_1505 = vector.broadcast %reduce_sum3A_1504 : i1 to vector<16xi1>
      %reduce_sum3A_1506 = tpu.scan <sum>, %add3A_1491 masked %reduce_sum3A_1505 : vector<16xf32>, vector<16xi1> -> vector<16xf32>
      %reduce_sum3A_1507 = vector.extract %reduce_sum3A_1506[15] : f32 from vector<16xf32>
      %broadcast_in_dim3A_1508 = vector.broadcast %reduce_sum3A_1507 : f32 to vector<16xf32>
      %select_n3A_1509 = arith.select %eq3A_1503, %broadcast_in_dim3A_1508, %select_n3A_1475 : vector<16xi1>, vector<16xf32>
      %eq3A_1510 = arith.constant 7 : i32
      %eq3A_1511 = vector.broadcast %eq3A_1510 : i32 to vector<16xi32>
      %eq3A_1512 = arith.cmpi eq, %iota3A, %eq3A_1511 : vector<16xi32>
      %reduce_max3A_1513 = arith.constant true
      %reduce_max3A_1514 = vector.broadcast %reduce_max3A_1513 : i1 to vector<16xi1>
      %reduce_max3A_1515 = tpu.scan <max>, %select_n3A_1495 masked %reduce_max3A_1514 : vector<16xf32>, vector<16xi1> -> vector<16xf32>
      %reduce_max3A_1516 = vector.extract %reduce_max3A_1515[15] : f32 from vector<16xf32>
      %broadcast_in_dim3A_1517 = vector.broadcast %reduce_max3A_1516 : f32 to vector<16xf32>
      %select_n3A_1518 = arith.select %eq3A_1512, %broadcast_in_dim3A_1517, %select_n3A_1484 : vector<16xi1>, vector<16xf32>
      %sub3A_1519 = vector.broadcast %reduce_max3A_1200 : f32 to vector<16xf32>
      %sub3A_1520 = arith.subf %get3A_1127, %sub3A_1519 : vector<16xf32>
      %exp3A_1521 = math.exp %sub3A_1520 : vector<16xf32>
      %jit3A_1522 = arith.constant 0.000000e+00 : f32
      %broadcast_in_dim3A_1523 = vector.broadcast %jit3A_1522 : f32 to vector<16xf32>
      %select_n3A_1524 = arith.select %ge3A_5, %exp3A_1521, %broadcast_in_dim3A_1523 : vector<16xi1>, vector<16xf32>
      %add3A_1525 = arith.addf %scan3A_1242#8, %select_n3A_1524 : vector<16xf32>
      %eq3A_1526 = vector.broadcast %reduce_max3A_1015 : f32 to vector<16xf32>
      %eq3A_1527 = arith.cmpf oeq, %add3A_1246, %eq3A_1526 : vector<16xf32>
      %and3A_1528 = arith.andi %eq3A_1527, %ge3A_5 : vector<16xi1>
      %select_n3A_1529 = arith.select %and3A_1528, %get3A_1127, %scan3A_1242#24 : vector<16xi1>, vector<16xf32>
      %eq3A_1530 = arith.constant 8 : i32
      %eq3A_1531 = vector.broadcast %eq3A_1530 : i32 to vector<16xi32>
      %eq3A_1532 = arith.cmpi eq, %iota3A, %eq3A_1531 : vector<16xi32>
      %broadcast_in_dim3A_1533 = vector.broadcast %reduce_max3A_1200 : f32 to vector<16xf32>
      %select_n3A_1534 = arith.select %eq3A_1532, %broadcast_in_dim3A_1533, %select_n3A_1500 : vector<16xi1>, vector<16xf32>
      %eq3A_1535 = arith.constant 8 : i32
      %eq3A_1536 = vector.broadcast %eq3A_1535 : i32 to vector<16xi32>
      %eq3A_1537 = arith.cmpi eq, %iota3A, %eq3A_1536 : vector<16xi32>
      %reduce_sum3A_1538 = arith.constant true
      %reduce_sum3A_1539 = vector.broadcast %reduce_sum3A_1538 : i1 to vector<16xi1>
      %reduce_sum3A_1540 = tpu.scan <sum>, %add3A_1525 masked %reduce_sum3A_1539 : vector<16xf32>, vector<16xi1> -> vector<16xf32>
      %reduce_sum3A_1541 = vector.extract %reduce_sum3A_1540[15] : f32 from vector<16xf32>
      %broadcast_in_dim3A_1542 = vector.broadcast %reduce_sum3A_1541 : f32 to vector<16xf32>
      %select_n3A_1543 = arith.select %eq3A_1537, %broadcast_in_dim3A_1542, %select_n3A_1509 : vector<16xi1>, vector<16xf32>
      %eq3A_1544 = arith.constant 8 : i32
      %eq3A_1545 = vector.broadcast %eq3A_1544 : i32 to vector<16xi32>
      %eq3A_1546 = arith.cmpi eq, %iota3A, %eq3A_1545 : vector<16xi32>
      %reduce_max3A_1547 = arith.constant true
      %reduce_max3A_1548 = vector.broadcast %reduce_max3A_1547 : i1 to vector<16xi1>
      %reduce_max3A_1549 = tpu.scan <max>, %select_n3A_1529 masked %reduce_max3A_1548 : vector<16xf32>, vector<16xi1> -> vector<16xf32>
      %reduce_max3A_1550 = vector.extract %reduce_max3A_1549[15] : f32 from vector<16xf32>
      %broadcast_in_dim3A_1551 = vector.broadcast %reduce_max3A_1550 : f32 to vector<16xf32>
      %select_n3A_1552 = arith.select %eq3A_1546, %broadcast_in_dim3A_1551, %select_n3A_1518 : vector<16xi1>, vector<16xf32>
      %sub3A_1553 = vector.broadcast %reduce_max3A_1205 : f32 to vector<16xf32>
      %sub3A_1554 = arith.subf %get3A_1131, %sub3A_1553 : vector<16xf32>
      %exp3A_1555 = math.exp %sub3A_1554 : vector<16xf32>
      %jit3A_1556 = arith.constant 0.000000e+00 : f32
      %broadcast_in_dim3A_1557 = vector.broadcast %jit3A_1556 : f32 to vector<16xf32>
      %select_n3A_1558 = arith.select %ge3A_5, %exp3A_1555, %broadcast_in_dim3A_1557 : vector<16xi1>, vector<16xf32>
      %add3A_1559 = arith.addf %scan3A_1242#9, %select_n3A_1558 : vector<16xf32>
      %eq3A_1560 = vector.broadcast %reduce_max3A_1025 : f32 to vector<16xf32>
      %eq3A_1561 = arith.cmpf oeq, %add3A_1246, %eq3A_1560 : vector<16xf32>
      %and3A_1562 = arith.andi %eq3A_1561, %ge3A_5 : vector<16xi1>
      %select_n3A_1563 = arith.select %and3A_1562, %get3A_1131, %scan3A_1242#25 : vector<16xi1>, vector<16xf32>
      %eq3A_1564 = arith.constant 9 : i32
      %eq3A_1565 = vector.broadcast %eq3A_1564 : i32 to vector<16xi32>
      %eq3A_1566 = arith.cmpi eq, %iota3A, %eq3A_1565 : vector<16xi32>
      %broadcast_in_dim3A_1567 = vector.broadcast %reduce_max3A_1205 : f32 to vector<16xf32>
      %select_n3A_1568 = arith.select %eq3A_1566, %broadcast_in_dim3A_1567, %select_n3A_1534 : vector<16xi1>, vector<16xf32>
      %eq3A_1569 = arith.constant 9 : i32
      %eq3A_1570 = vector.broadcast %eq3A_1569 : i32 to vector<16xi32>
      %eq3A_1571 = arith.cmpi eq, %iota3A, %eq3A_1570 : vector<16xi32>
      %reduce_sum3A_1572 = arith.constant true
      %reduce_sum3A_1573 = vector.broadcast %reduce_sum3A_1572 : i1 to vector<16xi1>
      %reduce_sum3A_1574 = tpu.scan <sum>, %add3A_1559 masked %reduce_sum3A_1573 : vector<16xf32>, vector<16xi1> -> vector<16xf32>
      %reduce_sum3A_1575 = vector.extract %reduce_sum3A_1574[15] : f32 from vector<16xf32>
      %broadcast_in_dim3A_1576 = vector.broadcast %reduce_sum3A_1575 : f32 to vector<16xf32>
      %select_n3A_1577 = arith.select %eq3A_1571, %broadcast_in_dim3A_1576, %select_n3A_1543 : vector<16xi1>, vector<16xf32>
      %eq3A_1578 = arith.constant 9 : i32
      %eq3A_1579 = vector.broadcast %eq3A_1578 : i32 to vector<16xi32>
      %eq3A_1580 = arith.cmpi eq, %iota3A, %eq3A_1579 : vector<16xi32>
      %reduce_max3A_1581 = arith.constant true
      %reduce_max3A_1582 = vector.broadcast %reduce_max3A_1581 : i1 to vector<16xi1>
      %reduce_max3A_1583 = tpu.scan <max>, %select_n3A_1563 masked %reduce_max3A_1582 : vector<16xf32>, vector<16xi1> -> vector<16xf32>
      %reduce_max3A_1584 = vector.extract %reduce_max3A_1583[15] : f32 from vector<16xf32>
      %broadcast_in_dim3A_1585 = vector.broadcast %reduce_max3A_1584 : f32 to vector<16xf32>
      %select_n3A_1586 = arith.select %eq3A_1580, %broadcast_in_dim3A_1585, %select_n3A_1552 : vector<16xi1>, vector<16xf32>
      %sub3A_1587 = vector.broadcast %reduce_max3A_1210 : f32 to vector<16xf32>
      %sub3A_1588 = arith.subf %get3A_1135, %sub3A_1587 : vector<16xf32>
      %exp3A_1589 = math.exp %sub3A_1588 : vector<16xf32>
      %jit3A_1590 = arith.constant 0.000000e+00 : f32
      %broadcast_in_dim3A_1591 = vector.broadcast %jit3A_1590 : f32 to vector<16xf32>
      %select_n3A_1592 = arith.select %ge3A_5, %exp3A_1589, %broadcast_in_dim3A_1591 : vector<16xi1>, vector<16xf32>
      %add3A_1593 = arith.addf %scan3A_1242#10, %select_n3A_1592 : vector<16xf32>
      %eq3A_1594 = vector.broadcast %reduce_max3A_1035 : f32 to vector<16xf32>
      %eq3A_1595 = arith.cmpf oeq, %add3A_1246, %eq3A_1594 : vector<16xf32>
      %and3A_1596 = arith.andi %eq3A_1595, %ge3A_5 : vector<16xi1>
      %select_n3A_1597 = arith.select %and3A_1596, %get3A_1135, %scan3A_1242#26 : vector<16xi1>, vector<16xf32>
      %eq3A_1598 = arith.constant 10 : i32
      %eq3A_1599 = vector.broadcast %eq3A_1598 : i32 to vector<16xi32>
      %eq3A_1600 = arith.cmpi eq, %iota3A, %eq3A_1599 : vector<16xi32>
      %broadcast_in_dim3A_1601 = vector.broadcast %reduce_max3A_1210 : f32 to vector<16xf32>
      %select_n3A_1602 = arith.select %eq3A_1600, %broadcast_in_dim3A_1601, %select_n3A_1568 : vector<16xi1>, vector<16xf32>
      %eq3A_1603 = arith.constant 10 : i32
      %eq3A_1604 = vector.broadcast %eq3A_1603 : i32 to vector<16xi32>
      %eq3A_1605 = arith.cmpi eq, %iota3A, %eq3A_1604 : vector<16xi32>
      %reduce_sum3A_1606 = arith.constant true
      %reduce_sum3A_1607 = vector.broadcast %reduce_sum3A_1606 : i1 to vector<16xi1>
      %reduce_sum3A_1608 = tpu.scan <sum>, %add3A_1593 masked %reduce_sum3A_1607 : vector<16xf32>, vector<16xi1> -> vector<16xf32>
      %reduce_sum3A_1609 = vector.extract %reduce_sum3A_1608[15] : f32 from vector<16xf32>
      %broadcast_in_dim3A_1610 = vector.broadcast %reduce_sum3A_1609 : f32 to vector<16xf32>
      %select_n3A_1611 = arith.select %eq3A_1605, %broadcast_in_dim3A_1610, %select_n3A_1577 : vector<16xi1>, vector<16xf32>
      %eq3A_1612 = arith.constant 10 : i32
      %eq3A_1613 = vector.broadcast %eq3A_1612 : i32 to vector<16xi32>
      %eq3A_1614 = arith.cmpi eq, %iota3A, %eq3A_1613 : vector<16xi32>
      %reduce_max3A_1615 = arith.constant true
      %reduce_max3A_1616 = vector.broadcast %reduce_max3A_1615 : i1 to vector<16xi1>
      %reduce_max3A_1617 = tpu.scan <max>, %select_n3A_1597 masked %reduce_max3A_1616 : vector<16xf32>, vector<16xi1> -> vector<16xf32>
      %reduce_max3A_1618 = vector.extract %reduce_max3A_1617[15] : f32 from vector<16xf32>
      %broadcast_in_dim3A_1619 = vector.broadcast %reduce_max3A_1618 : f32 to vector<16xf32>
      %select_n3A_1620 = arith.select %eq3A_1614, %broadcast_in_dim3A_1619, %select_n3A_1586 : vector<16xi1>, vector<16xf32>
      %sub3A_1621 = vector.broadcast %reduce_max3A_1215 : f32 to vector<16xf32>
      %sub3A_1622 = arith.subf %get3A_1139, %sub3A_1621 : vector<16xf32>
      %exp3A_1623 = math.exp %sub3A_1622 : vector<16xf32>
      %jit3A_1624 = arith.constant 0.000000e+00 : f32
      %broadcast_in_dim3A_1625 = vector.broadcast %jit3A_1624 : f32 to vector<16xf32>
      %select_n3A_1626 = arith.select %ge3A_5, %exp3A_1623, %broadcast_in_dim3A_1625 : vector<16xi1>, vector<16xf32>
      %add3A_1627 = arith.addf %scan3A_1242#11, %select_n3A_1626 : vector<16xf32>
      %eq3A_1628 = vector.broadcast %reduce_max3A_1045 : f32 to vector<16xf32>
      %eq3A_1629 = arith.cmpf oeq, %add3A_1246, %eq3A_1628 : vector<16xf32>
      %and3A_1630 = arith.andi %eq3A_1629, %ge3A_5 : vector<16xi1>
      %select_n3A_1631 = arith.select %and3A_1630, %get3A_1139, %scan3A_1242#27 : vector<16xi1>, vector<16xf32>
      %eq3A_1632 = arith.constant 11 : i32
      %eq3A_1633 = vector.broadcast %eq3A_1632 : i32 to vector<16xi32>
      %eq3A_1634 = arith.cmpi eq, %iota3A, %eq3A_1633 : vector<16xi32>
      %broadcast_in_dim3A_1635 = vector.broadcast %reduce_max3A_1215 : f32 to vector<16xf32>
      %select_n3A_1636 = arith.select %eq3A_1634, %broadcast_in_dim3A_1635, %select_n3A_1602 : vector<16xi1>, vector<16xf32>
      %eq3A_1637 = arith.constant 11 : i32
      %eq3A_1638 = vector.broadcast %eq3A_1637 : i32 to vector<16xi32>
      %eq3A_1639 = arith.cmpi eq, %iota3A, %eq3A_1638 : vector<16xi32>
      %reduce_sum3A_1640 = arith.constant true
      %reduce_sum3A_1641 = vector.broadcast %reduce_sum3A_1640 : i1 to vector<16xi1>
      %reduce_sum3A_1642 = tpu.scan <sum>, %add3A_1627 masked %reduce_sum3A_1641 : vector<16xf32>, vector<16xi1> -> vector<16xf32>
      %reduce_sum3A_1643 = vector.extract %reduce_sum3A_1642[15] : f32 from vector<16xf32>
      %broadcast_in_dim3A_1644 = vector.broadcast %reduce_sum3A_1643 : f32 to vector<16xf32>
      %select_n3A_1645 = arith.select %eq3A_1639, %broadcast_in_dim3A_1644, %select_n3A_1611 : vector<16xi1>, vector<16xf32>
      %eq3A_1646 = arith.constant 11 : i32
      %eq3A_1647 = vector.broadcast %eq3A_1646 : i32 to vector<16xi32>
      %eq3A_1648 = arith.cmpi eq, %iota3A, %eq3A_1647 : vector<16xi32>
      %reduce_max3A_1649 = arith.constant true
      %reduce_max3A_1650 = vector.broadcast %reduce_max3A_1649 : i1 to vector<16xi1>
      %reduce_max3A_1651 = tpu.scan <max>, %select_n3A_1631 masked %reduce_max3A_1650 : vector<16xf32>, vector<16xi1> -> vector<16xf32>
      %reduce_max3A_1652 = vector.extract %reduce_max3A_1651[15] : f32 from vector<16xf32>
      %broadcast_in_dim3A_1653 = vector.broadcast %reduce_max3A_1652 : f32 to vector<16xf32>
      %select_n3A_1654 = arith.select %eq3A_1648, %broadcast_in_dim3A_1653, %select_n3A_1620 : vector<16xi1>, vector<16xf32>
      %sub3A_1655 = vector.broadcast %reduce_max3A_1220 : f32 to vector<16xf32>
      %sub3A_1656 = arith.subf %get3A_1143, %sub3A_1655 : vector<16xf32>
      %exp3A_1657 = math.exp %sub3A_1656 : vector<16xf32>
      %jit3A_1658 = arith.constant 0.000000e+00 : f32
      %broadcast_in_dim3A_1659 = vector.broadcast %jit3A_1658 : f32 to vector<16xf32>
      %select_n3A_1660 = arith.select %ge3A_5, %exp3A_1657, %broadcast_in_dim3A_1659 : vector<16xi1>, vector<16xf32>
      %add3A_1661 = arith.addf %scan3A_1242#12, %select_n3A_1660 : vector<16xf32>
      %eq3A_1662 = vector.broadcast %reduce_max3A_1055 : f32 to vector<16xf32>
      %eq3A_1663 = arith.cmpf oeq, %add3A_1246, %eq3A_1662 : vector<16xf32>
      %and3A_1664 = arith.andi %eq3A_1663, %ge3A_5 : vector<16xi1>
      %select_n3A_1665 = arith.select %and3A_1664, %get3A_1143, %scan3A_1242#28 : vector<16xi1>, vector<16xf32>
      %eq3A_1666 = arith.constant 12 : i32
      %eq3A_1667 = vector.broadcast %eq3A_1666 : i32 to vector<16xi32>
      %eq3A_1668 = arith.cmpi eq, %iota3A, %eq3A_1667 : vector<16xi32>
      %broadcast_in_dim3A_1669 = vector.broadcast %reduce_max3A_1220 : f32 to vector<16xf32>
      %select_n3A_1670 = arith.select %eq3A_1668, %broadcast_in_dim3A_1669, %select_n3A_1636 : vector<16xi1>, vector<16xf32>
      %eq3A_1671 = arith.constant 12 : i32
      %eq3A_1672 = vector.broadcast %eq3A_1671 : i32 to vector<16xi32>
      %eq3A_1673 = arith.cmpi eq, %iota3A, %eq3A_1672 : vector<16xi32>
      %reduce_sum3A_1674 = arith.constant true
      %reduce_sum3A_1675 = vector.broadcast %reduce_sum3A_1674 : i1 to vector<16xi1>
      %reduce_sum3A_1676 = tpu.scan <sum>, %add3A_1661 masked %reduce_sum3A_1675 : vector<16xf32>, vector<16xi1> -> vector<16xf32>
      %reduce_sum3A_1677 = vector.extract %reduce_sum3A_1676[15] : f32 from vector<16xf32>
      %broadcast_in_dim3A_1678 = vector.broadcast %reduce_sum3A_1677 : f32 to vector<16xf32>
      %select_n3A_1679 = arith.select %eq3A_1673, %broadcast_in_dim3A_1678, %select_n3A_1645 : vector<16xi1>, vector<16xf32>
      %eq3A_1680 = arith.constant 12 : i32
      %eq3A_1681 = vector.broadcast %eq3A_1680 : i32 to vector<16xi32>
      %eq3A_1682 = arith.cmpi eq, %iota3A, %eq3A_1681 : vector<16xi32>
      %reduce_max3A_1683 = arith.constant true
      %reduce_max3A_1684 = vector.broadcast %reduce_max3A_1683 : i1 to vector<16xi1>
      %reduce_max3A_1685 = tpu.scan <max>, %select_n3A_1665 masked %reduce_max3A_1684 : vector<16xf32>, vector<16xi1> -> vector<16xf32>
      %reduce_max3A_1686 = vector.extract %reduce_max3A_1685[15] : f32 from vector<16xf32>
      %broadcast_in_dim3A_1687 = vector.broadcast %reduce_max3A_1686 : f32 to vector<16xf32>
      %select_n3A_1688 = arith.select %eq3A_1682, %broadcast_in_dim3A_1687, %select_n3A_1654 : vector<16xi1>, vector<16xf32>
      %sub3A_1689 = vector.broadcast %reduce_max3A_1225 : f32 to vector<16xf32>
      %sub3A_1690 = arith.subf %get3A_1147, %sub3A_1689 : vector<16xf32>
      %exp3A_1691 = math.exp %sub3A_1690 : vector<16xf32>
      %jit3A_1692 = arith.constant 0.000000e+00 : f32
      %broadcast_in_dim3A_1693 = vector.broadcast %jit3A_1692 : f32 to vector<16xf32>
      %select_n3A_1694 = arith.select %ge3A_5, %exp3A_1691, %broadcast_in_dim3A_1693 : vector<16xi1>, vector<16xf32>
      %add3A_1695 = arith.addf %scan3A_1242#13, %select_n3A_1694 : vector<16xf32>
      %eq3A_1696 = vector.broadcast %reduce_max3A_1065 : f32 to vector<16xf32>
      %eq3A_1697 = arith.cmpf oeq, %add3A_1246, %eq3A_1696 : vector<16xf32>
      %and3A_1698 = arith.andi %eq3A_1697, %ge3A_5 : vector<16xi1>
      %select_n3A_1699 = arith.select %and3A_1698, %get3A_1147, %scan3A_1242#29 : vector<16xi1>, vector<16xf32>
      %eq3A_1700 = arith.constant 13 : i32
      %eq3A_1701 = vector.broadcast %eq3A_1700 : i32 to vector<16xi32>
      %eq3A_1702 = arith.cmpi eq, %iota3A, %eq3A_1701 : vector<16xi32>
      %broadcast_in_dim3A_1703 = vector.broadcast %reduce_max3A_1225 : f32 to vector<16xf32>
      %select_n3A_1704 = arith.select %eq3A_1702, %broadcast_in_dim3A_1703, %select_n3A_1670 : vector<16xi1>, vector<16xf32>
      %eq3A_1705 = arith.constant 13 : i32
      %eq3A_1706 = vector.broadcast %eq3A_1705 : i32 to vector<16xi32>
      %eq3A_1707 = arith.cmpi eq, %iota3A, %eq3A_1706 : vector<16xi32>
      %reduce_sum3A_1708 = arith.constant true
      %reduce_sum3A_1709 = vector.broadcast %reduce_sum3A_1708 : i1 to vector<16xi1>
      %reduce_sum3A_1710 = tpu.scan <sum>, %add3A_1695 masked %reduce_sum3A_1709 : vector<16xf32>, vector<16xi1> -> vector<16xf32>
      %reduce_sum3A_1711 = vector.extract %reduce_sum3A_1710[15] : f32 from vector<16xf32>
      %broadcast_in_dim3A_1712 = vector.broadcast %reduce_sum3A_1711 : f32 to vector<16xf32>
      %select_n3A_1713 = arith.select %eq3A_1707, %broadcast_in_dim3A_1712, %select_n3A_1679 : vector<16xi1>, vector<16xf32>
      %eq3A_1714 = arith.constant 13 : i32
      %eq3A_1715 = vector.broadcast %eq3A_1714 : i32 to vector<16xi32>
      %eq3A_1716 = arith.cmpi eq, %iota3A, %eq3A_1715 : vector<16xi32>
      %reduce_max3A_1717 = arith.constant true
      %reduce_max3A_1718 = vector.broadcast %reduce_max3A_1717 : i1 to vector<16xi1>
      %reduce_max3A_1719 = tpu.scan <max>, %select_n3A_1699 masked %reduce_max3A_1718 : vector<16xf32>, vector<16xi1> -> vector<16xf32>
      %reduce_max3A_1720 = vector.extract %reduce_max3A_1719[15] : f32 from vector<16xf32>
      %broadcast_in_dim3A_1721 = vector.broadcast %reduce_max3A_1720 : f32 to vector<16xf32>
      %select_n3A_1722 = arith.select %eq3A_1716, %broadcast_in_dim3A_1721, %select_n3A_1688 : vector<16xi1>, vector<16xf32>
      %sub3A_1723 = vector.broadcast %reduce_max3A_1230 : f32 to vector<16xf32>
      %sub3A_1724 = arith.subf %get3A_1151, %sub3A_1723 : vector<16xf32>
      %exp3A_1725 = math.exp %sub3A_1724 : vector<16xf32>
      %jit3A_1726 = arith.constant 0.000000e+00 : f32
      %broadcast_in_dim3A_1727 = vector.broadcast %jit3A_1726 : f32 to vector<16xf32>
      %select_n3A_1728 = arith.select %ge3A_5, %exp3A_1725, %broadcast_in_dim3A_1727 : vector<16xi1>, vector<16xf32>
      %add3A_1729 = arith.addf %scan3A_1242#14, %select_n3A_1728 : vector<16xf32>
      %eq3A_1730 = vector.broadcast %reduce_max3A_1075 : f32 to vector<16xf32>
      %eq3A_1731 = arith.cmpf oeq, %add3A_1246, %eq3A_1730 : vector<16xf32>
      %and3A_1732 = arith.andi %eq3A_1731, %ge3A_5 : vector<16xi1>
      %select_n3A_1733 = arith.select %and3A_1732, %get3A_1151, %scan3A_1242#30 : vector<16xi1>, vector<16xf32>
      %eq3A_1734 = arith.constant 14 : i32
      %eq3A_1735 = vector.broadcast %eq3A_1734 : i32 to vector<16xi32>
      %eq3A_1736 = arith.cmpi eq, %iota3A, %eq3A_1735 : vector<16xi32>
      %broadcast_in_dim3A_1737 = vector.broadcast %reduce_max3A_1230 : f32 to vector<16xf32>
      %select_n3A_1738 = arith.select %eq3A_1736, %broadcast_in_dim3A_1737, %select_n3A_1704 : vector<16xi1>, vector<16xf32>
      %eq3A_1739 = arith.constant 14 : i32
      %eq3A_1740 = vector.broadcast %eq3A_1739 : i32 to vector<16xi32>
      %eq3A_1741 = arith.cmpi eq, %iota3A, %eq3A_1740 : vector<16xi32>
      %reduce_sum3A_1742 = arith.constant true
      %reduce_sum3A_1743 = vector.broadcast %reduce_sum3A_1742 : i1 to vector<16xi1>
      %reduce_sum3A_1744 = tpu.scan <sum>, %add3A_1729 masked %reduce_sum3A_1743 : vector<16xf32>, vector<16xi1> -> vector<16xf32>
      %reduce_sum3A_1745 = vector.extract %reduce_sum3A_1744[15] : f32 from vector<16xf32>
      %broadcast_in_dim3A_1746 = vector.broadcast %reduce_sum3A_1745 : f32 to vector<16xf32>
      %select_n3A_1747 = arith.select %eq3A_1741, %broadcast_in_dim3A_1746, %select_n3A_1713 : vector<16xi1>, vector<16xf32>
      %eq3A_1748 = arith.constant 14 : i32
      %eq3A_1749 = vector.broadcast %eq3A_1748 : i32 to vector<16xi32>
      %eq3A_1750 = arith.cmpi eq, %iota3A, %eq3A_1749 : vector<16xi32>
      %reduce_max3A_1751 = arith.constant true
      %reduce_max3A_1752 = vector.broadcast %reduce_max3A_1751 : i1 to vector<16xi1>
      %reduce_max3A_1753 = tpu.scan <max>, %select_n3A_1733 masked %reduce_max3A_1752 : vector<16xf32>, vector<16xi1> -> vector<16xf32>
      %reduce_max3A_1754 = vector.extract %reduce_max3A_1753[15] : f32 from vector<16xf32>
      %broadcast_in_dim3A_1755 = vector.broadcast %reduce_max3A_1754 : f32 to vector<16xf32>
      %select_n3A_1756 = arith.select %eq3A_1750, %broadcast_in_dim3A_1755, %select_n3A_1722 : vector<16xi1>, vector<16xf32>
      %sub3A_1757 = vector.broadcast %reduce_max3A_1235 : f32 to vector<16xf32>
      %sub3A_1758 = arith.subf %get3A_1155, %sub3A_1757 : vector<16xf32>
      %exp3A_1759 = math.exp %sub3A_1758 : vector<16xf32>
      %jit3A_1760 = arith.constant 0.000000e+00 : f32
      %broadcast_in_dim3A_1761 = vector.broadcast %jit3A_1760 : f32 to vector<16xf32>
      %select_n3A_1762 = arith.select %ge3A_5, %exp3A_1759, %broadcast_in_dim3A_1761 : vector<16xi1>, vector<16xf32>
      %add3A_1763 = arith.addf %scan3A_1242#15, %select_n3A_1762 : vector<16xf32>
      %eq3A_1764 = vector.broadcast %reduce_max3A_1085 : f32 to vector<16xf32>
      %eq3A_1765 = arith.cmpf oeq, %add3A_1246, %eq3A_1764 : vector<16xf32>
      %and3A_1766 = arith.andi %eq3A_1765, %ge3A_5 : vector<16xi1>
      %select_n3A_1767 = arith.select %and3A_1766, %get3A_1155, %scan3A_1242#31 : vector<16xi1>, vector<16xf32>
      %eq3A_1768 = arith.constant 15 : i32
      %eq3A_1769 = vector.broadcast %eq3A_1768 : i32 to vector<16xi32>
      %eq3A_1770 = arith.cmpi eq, %iota3A, %eq3A_1769 : vector<16xi32>
      %broadcast_in_dim3A_1771 = vector.broadcast %reduce_max3A_1235 : f32 to vector<16xf32>
      %select_n3A_1772 = arith.select %eq3A_1770, %broadcast_in_dim3A_1771, %select_n3A_1738 : vector<16xi1>, vector<16xf32>
      %eq3A_1773 = arith.constant 15 : i32
      %eq3A_1774 = vector.broadcast %eq3A_1773 : i32 to vector<16xi32>
      %eq3A_1775 = arith.cmpi eq, %iota3A, %eq3A_1774 : vector<16xi32>
      %reduce_sum3A_1776 = arith.constant true
      %reduce_sum3A_1777 = vector.broadcast %reduce_sum3A_1776 : i1 to vector<16xi1>
      %reduce_sum3A_1778 = tpu.scan <sum>, %add3A_1763 masked %reduce_sum3A_1777 : vector<16xf32>, vector<16xi1> -> vector<16xf32>
      %reduce_sum3A_1779 = vector.extract %reduce_sum3A_1778[15] : f32 from vector<16xf32>
      %broadcast_in_dim3A_1780 = vector.broadcast %reduce_sum3A_1779 : f32 to vector<16xf32>
      %select_n3A_1781 = arith.select %eq3A_1775, %broadcast_in_dim3A_1780, %select_n3A_1747 : vector<16xi1>, vector<16xf32>
      %eq3A_1782 = arith.constant 15 : i32
      %eq3A_1783 = vector.broadcast %eq3A_1782 : i32 to vector<16xi32>
      %eq3A_1784 = arith.cmpi eq, %iota3A, %eq3A_1783 : vector<16xi32>
      %reduce_max3A_1785 = arith.constant true
      %reduce_max3A_1786 = vector.broadcast %reduce_max3A_1785 : i1 to vector<16xi1>
      %reduce_max3A_1787 = tpu.scan <max>, %select_n3A_1767 masked %reduce_max3A_1786 : vector<16xf32>, vector<16xi1> -> vector<16xf32>
      %reduce_max3A_1788 = vector.extract %reduce_max3A_1787[15] : f32 from vector<16xf32>
      %broadcast_in_dim3A_1789 = vector.broadcast %reduce_max3A_1788 : f32 to vector<16xf32>
      %select_n3A_1790 = arith.select %eq3A_1784, %broadcast_in_dim3A_1789, %select_n3A_1756 : vector<16xi1>, vector<16xf32>
      %mul3A_1791 = arith.constant 16 : i32
      %mul3A_1792 = arith.muli %add3A_26, %mul3A_1791 : i32
      %swap3A_1793 = arith.index_cast %mul3A_1792 : i32 to index
      %swap3A_1794 = tpu.vector_load %arg10[%swap3A_1793] {strides = array<i32>} : memref<224xf32, #tpu.memory_space<vmem>>, vector<16xf32>,
      tpu.vector_store %arg10[%swap3A_1793], %select_n3A_1772 {strides = array<i32>} : memref<224xf32, #tpu.memory_space<vmem>>, vector<16xf32>,
      %mul3A_1795 = arith.constant 16 : i32
      %mul3A_1796 = arith.muli %add3A_26, %mul3A_1795 : i32
      %swap3A_1797 = arith.index_cast %mul3A_1796 : i32 to index
      %swap3A_1798 = tpu.vector_load %arg11[%swap3A_1797] {strides = array<i32>} : memref<224xf32, #tpu.memory_space<vmem>>, vector<16xf32>,
      tpu.vector_store %arg11[%swap3A_1797], %select_n3A_1781 {strides = array<i32>} : memref<224xf32, #tpu.memory_space<vmem>>, vector<16xf32>,
      %mul3A_1799 = arith.constant 16 : i32
      %mul3A_1800 = arith.muli %add3A_26, %mul3A_1799 : i32
      %swap3A_1801 = arith.index_cast %mul3A_1800 : i32 to index
      %swap3A_1802 = tpu.vector_load %arg12[%swap3A_1801] {strides = array<i32>} : memref<224xf32, #tpu.memory_space<vmem>>, vector<16xf32>,
      tpu.vector_store %arg12[%swap3A_1801], %select_n3A_1790 {strides = array<i32>} : memref<224xf32, #tpu.memory_space<vmem>>, vector<16xf32>,
      %add3A_1803 = arith.constant 2 : i32
      %add3A_1804 = arith.addi %add3A_26, %add3A_1803 : i32
      %lt3A_1805 = arith.constant 14 : i32
      %lt3A_1806 = arith.cmpi slt, %add3A_1804, %lt3A_1805 : i32
      %convert_element_type3A_1807 = arith.extui %lt3A_1806 : i1 to i32
      %cond3A_1808 = arith.constant 0 : i32
      %cond3A_1809 = arith.cmpi ne, %convert_element_type3A_1807, %cond3A_1808 : i32
      scf.if %cond3A_1809 {
        %add3A_1810 = arith.constant 2 : i32
        %add3A_1811 = arith.addi %add3A_26, %add3A_1810 : i32
        %mul3A_1812 = arith.constant 16 : i32
        %mul3A_1813 = arith.muli %add3A_1811, %mul3A_1812 : i32
        %add3A_1814 = arith.addi %mul3A_2, %mul3A_1813 : i32
        %dma_start3A_1815 = arith.constant 0 : i32
        %dma_start3A_1816 = tpu.memref_slice %arg2[%add3A_1814, %dma_start3A_1815] : memref<16384x1000xf32, #tpu.memory_space<hbm>> -> memref<16x1000xf32, #tpu.memory_space<hbm>>
        %dma_start3A_1817 = arith.constant 0 : i32
        %dma_start3A_1818 = tpu.memref_slice %arg2[%add3A_1814, %dma_start3A_1817] : memref<16384x1000xf32, #tpu.memory_space<hbm>> -> memref<16x1000xf32, #tpu.memory_space<hbm>>
        tpu.enqueue_dma source(%dma_start3A_1818 : memref<16x1000xf32, #tpu.memory_space<hbm>>) target(%arg8 : memref<16x1000xf32, #tpu.memory_space<vmem>>) target_semaphore(%arg14 : memref<!tpu.dma_semaphore, #tpu.memory_space<semaphore_mem>>)
      } else {
      }
    }
    %scan3A_19 = arith.constant 7 : i32
    "tpu.region"() ({
      %run_scoped3A = tpu.sem_alloc : memref<!tpu.dma_semaphore, #tpu.memory_space<semaphore_mem>>
      %dma_start3A_20 = tpu.memref_slice %arg4[%mul3A_2] : memref<7168xf32, #tpu.memory_space<hbm>> -> memref<224xf32, #tpu.memory_space<hbm>>
      %dma_start3A_21 = tpu.memref_slice %arg4[%mul3A_2] : memref<7168xf32, #tpu.memory_space<hbm>> -> memref<224xf32, #tpu.memory_space<hbm>>
      tpu.enqueue_dma source(%arg10 : memref<224xf32, #tpu.memory_space<vmem>>) target(%dma_start3A_21 : memref<224xf32, #tpu.memory_space<hbm>>) target_semaphore(%run_scoped3A : memref<!tpu.dma_semaphore, #tpu.memory_space<semaphore_mem>>)
      %dma_wait3A = tpu.memref_slice %arg4[%mul3A_2] : memref<7168xf32, #tpu.memory_space<hbm>> -> memref<224xf32, #tpu.memory_space<hbm>>
      %dma_wait3A_22 = tpu.memref_slice %arg4[%mul3A_2] : memref<7168xf32, #tpu.memory_space<hbm>> -> memref<224xf32, #tpu.memory_space<hbm>>
      tpu.wait_dma2 semaphore(%run_scoped3A : memref<!tpu.dma_semaphore, #tpu.memory_space<semaphore_mem>>) src(%arg10 : memref<224xf32, #tpu.memory_space<vmem>>) dst(%dma_wait3A_22 : memref<224xf32, #tpu.memory_space<hbm>>)
      tpu.yield
    }) : () -> ()
    "tpu.region"() ({
      %run_scoped3A = tpu.sem_alloc : memref<!tpu.dma_semaphore, #tpu.memory_space<semaphore_mem>>
      %dma_start3A_20 = tpu.memref_slice %arg5[%mul3A_2] : memref<7168xf32, #tpu.memory_space<hbm>> -> memref<224xf32, #tpu.memory_space<hbm>>
      %dma_start3A_21 = tpu.memref_slice %arg5[%mul3A_2] : memref<7168xf32, #tpu.memory_space<hbm>> -> memref<224xf32, #tpu.memory_space<hbm>>
      tpu.enqueue_dma source(%arg11 : memref<224xf32, #tpu.memory_space<vmem>>) target(%dma_start3A_21 : memref<224xf32, #tpu.memory_space<hbm>>) target_semaphore(%run_scoped3A : memref<!tpu.dma_semaphore, #tpu.memory_space<semaphore_mem>>)
      %dma_wait3A = tpu.memref_slice %arg5[%mul3A_2] : memref<7168xf32, #tpu.memory_space<hbm>> -> memref<224xf32, #tpu.memory_space<hbm>>
      %dma_wait3A_22 = tpu.memref_slice %arg5[%mul3A_2] : memref<7168xf32, #tpu.memory_space<hbm>> -> memref<224xf32, #tpu.memory_space<hbm>>
      tpu.wait_dma2 semaphore(%run_scoped3A : memref<!tpu.dma_semaphore, #tpu.memory_space<semaphore_mem>>) src(%arg11 : memref<224xf32, #tpu.memory_space<vmem>>) dst(%dma_wait3A_22 : memref<224xf32, #tpu.memory_space<hbm>>)
      tpu.yield
    }) : () -> ()
    "tpu.region"() ({
      %run_scoped3A = tpu.sem_alloc : memref<!tpu.dma_semaphore, #tpu.memory_space<semaphore_mem>>
      %dma_start3A_20 = tpu.memref_slice %arg6[%mul3A_2] : memref<7168xf32, #tpu.memory_space<hbm>> -> memref<224xf32, #tpu.memory_space<hbm>>
      %dma_start3A_21 = tpu.memref_slice %arg6[%mul3A_2] : memref<7168xf32, #tpu.memory_space<hbm>> -> memref<224xf32, #tpu.memory_space<hbm>>
      tpu.enqueue_dma source(%arg12 : memref<224xf32, #tpu.memory_space<vmem>>) target(%dma_start3A_21 : memref<224xf32, #tpu.memory_space<hbm>>) target_semaphore(%run_scoped3A : memref<!tpu.dma_semaphore, #tpu.memory_space<semaphore_mem>>)
      %dma_wait3A = tpu.memref_slice %arg6[%mul3A_2] : memref<7168xf32, #tpu.memory_space<hbm>> -> memref<224xf32, #tpu.memory_space<hbm>>
      %dma_wait3A_22 = tpu.memref_slice %arg6[%mul3A_2] : memref<7168xf32, #tpu.memory_space<hbm>> -> memref<224xf32, #tpu.memory_space<hbm>>
      tpu.wait_dma2 semaphore(%run_scoped3A : memref<!tpu.dma_semaphore, #tpu.memory_space<semaphore_mem>>) src(%arg12 : memref<224xf32, #tpu.memory_space<vmem>>) dst(%dma_wait3A_22 : memref<224xf32, #tpu.memory_space<hbm>>)
      tpu.yield
    }) : () -> ()
    return
  }
}

module attributes {stable_mosaic.version = 14 : i64} {
  func.func @_ce_kernel(%arg0: i32, %arg1: memref<1024x1000xf32, #tpu.memory_space<vmem>>, %arg2: memref<1024x1xi32, #tpu.memory_space<vmem>>, %arg3: memref<1024x1xf32, #tpu.memory_space<vmem>>) attributes {dimension_semantics = [#tpu.dimension_semantics<arbitrary>], iteration_bounds = array<i64: 9>, scalar_prefetch = 0 : i64, scratch_operands = 0 : i64, tpu.core_type = #tpu.core_type<tc>, window_params = [{transform_indices = @transform_0, window_bounds = array<i64: 1024, 1000>}, {transform_indices = @transform_1, window_bounds = array<i64: 1024, 1>}, {transform_indices = @transform_2, window_bounds = array<i64: 1024, 1>}]} {
    %get3A = arith.constant 0 : index
    %get3A_0 = arith.constant 0 : index
    %get3A_1 = vector.load %arg1[%get3A, %get3A_0] : memref<1024x1000xf32, #tpu.memory_space<vmem>>, vector<1024x1000xf32>
    %get3A_2 = arith.constant 0 : index
    %get3A_3 = arith.constant 0 : index
    %get3A_4 = vector.load %arg2[%get3A_2, %get3A_3] : memref<1024x1xi32, #tpu.memory_space<vmem>>, vector<1024x1xi32>
    %reduce_max3A = arith.constant dense<0xFF800000> : vector<1024xf32>
    %reduce_max3A_5 = vector.multi_reduction <maximumf>, %get3A_1, %reduce_max3A [1] : vector<1024x1000xf32> to vector<1024xf32>
    %broadcast_in_dim3A = vector.shape_cast %reduce_max3A_5 : vector<1024xf32> to vector<1024x1xf32>
    %sub3A = vector.broadcast %broadcast_in_dim3A : vector<1024x1xf32> to vector<1024x1000xf32>
    %sub3A_6 = arith.subf %get3A_1, %sub3A : vector<1024x1000xf32>
    %exp3A = math.exp %sub3A_6 : vector<1024x1000xf32>
    %reduce_sum3A = arith.constant dense<0.000000e+00> : vector<1024xf32>
    %reduce_sum3A_7 = vector.multi_reduction <add>, %exp3A, %reduce_sum3A [1] : vector<1024x1000xf32> to vector<1024xf32>
    %broadcast_in_dim3A_8 = vector.shape_cast %reduce_sum3A_7 : vector<1024xf32> to vector<1024x1xf32>
    %log3A = math.log %broadcast_in_dim3A_8 : vector<1024x1xf32>
    %add3A = arith.addf %broadcast_in_dim3A, %log3A : vector<1024x1xf32>
    %iota3A = tpu.iota {dimensions = array<i32: 1>} : vector<1024x1000xi32>
    %jit3A = arith.constant 0 : i32
    %jit3A_9 = arith.constant 999 : i32
    %max3A = vector.broadcast %jit3A : i32 to vector<1024x1xi32>
    %max3A_10 = arith.maxsi %max3A, %get3A_4 : vector<1024x1xi32>
    %min3A = vector.broadcast %jit3A_9 : i32 to vector<1024x1xi32>
    %min3A_11 = arith.minsi %min3A, %max3A_10 : vector<1024x1xi32>
    %eq3A = vector.broadcast %min3A_11 : vector<1024x1xi32> to vector<1024x1000xi32>
    %eq3A_12 = arith.cmpi eq, %iota3A, %eq3A : vector<1024x1000xi32>
    %jit3A_13 = arith.constant 0.000000e+00 : f32
    %broadcast_in_dim3A_14 = vector.broadcast %jit3A_13 : f32 to vector<1024x1000xf32>
    %select_n3A = arith.select %eq3A_12, %get3A_1, %broadcast_in_dim3A_14 : vector<1024x1000xi1>, vector<1024x1000xf32>
    %reduce_sum3A_15 = arith.constant dense<0.000000e+00> : vector<1024xf32>
    %reduce_sum3A_16 = vector.multi_reduction <add>, %select_n3A, %reduce_sum3A_15 [1] : vector<1024x1000xf32> to vector<1024xf32>
    %broadcast_in_dim3A_17 = vector.shape_cast %reduce_sum3A_16 : vector<1024xf32> to vector<1024x1xf32>
    %sub3A_18 = arith.subf %add3A, %broadcast_in_dim3A_17 : vector<1024x1xf32>
    %eq3A_19 = arith.constant -1 : i32
    %eq3A_20 = vector.broadcast %eq3A_19 : i32 to vector<1024x1xi32>
    %eq3A_21 = arith.cmpi eq, %get3A_4, %eq3A_20 : vector<1024x1xi32>
    %jit3A_22 = arith.constant 0.000000e+00 : f32
    %broadcast_in_dim3A_23 = vector.broadcast %jit3A_22 : f32 to vector<1024x1xf32>
    %select_n3A_24 = arith.select %eq3A_21, %broadcast_in_dim3A_23, %sub3A_18 : vector<1024x1xi1>, vector<1024x1xf32>
    %swap3A = arith.constant 0 : index
    %swap3A_25 = arith.constant 0 : index
    %swap3A_26 = vector.load %arg3[%swap3A, %swap3A_25] : memref<1024x1xf32, #tpu.memory_space<vmem>>, vector<1024x1xf32>
    tpu.vector_store %arg3[%swap3A, %swap3A_25], %select_n3A_24 {strides = array<i32>} : memref<1024x1xf32, #tpu.memory_space<vmem>>, vector<1024x1xf32>,
    return
  }
  func.func @transform_0(%arg0: i32) -> (i32, i32) {
    %add3A = arith.constant 7 : i32
    %add3A_0 = arith.addi %arg0, %add3A : i32
    %c0_i32 = arith.constant 0 : i32
    %c0_i32_1 = arith.constant 0 : i32
    return %add3A_0, %c0_i32 : i32, i32
  }
  func.func @transform_1(%arg0: i32) -> (i32, i32) {
    %add3A = arith.constant 7 : i32
    %add3A_0 = arith.addi %arg0, %add3A : i32
    %c0_i32 = arith.constant 0 : i32
    %c0_i32_1 = arith.constant 0 : i32
    return %add3A_0, %c0_i32 : i32, i32
  }
  func.func @transform_2(%arg0: i32) -> (i32, i32) {
    %c0_i32 = arith.constant 0 : i32
    %c0_i32_0 = arith.constant 0 : i32
    return %arg0, %c0_i32 : i32, i32
  }
}

module attributes {stable_mosaic.version = 14 : i64} {
  func.func @_topk_kernel(%arg0: memref<56x128xf32, #tpu.memory_space<vmem>>, %arg1: memref<56x128xf32, #tpu.memory_space<vmem>>, %arg2: memref<56x128xf32, #tpu.memory_space<vmem>>, %arg3: memref<56x128xi32, #tpu.memory_space<vmem>>, %arg4: memref<72x128xf32, #tpu.memory_space<vmem>>, %arg5: memref<1x1xf32, #tpu.memory_space<vmem>>) attributes {dimension_semantics = [], scalar_prefetch = 0 : i64, scratch_operands = 0 : i64, tpu.core_type = #tpu.core_type<tc>} {
    %get3A = arith.constant 0 : index
    %get3A_0 = arith.constant 0 : index
    %get3A_1 = vector.load %arg0[%get3A, %get3A_0] : memref<56x128xf32, #tpu.memory_space<vmem>>, vector<56x128xf32>
    %get3A_2 = arith.constant 0 : index
    %get3A_3 = arith.constant 0 : index
    %get3A_4 = vector.load %arg1[%get3A_2, %get3A_3] : memref<56x128xf32, #tpu.memory_space<vmem>>, vector<56x128xf32>
    %log3A = math.log %get3A_4 : vector<56x128xf32>
    %add3A = arith.addf %get3A_1, %log3A : vector<56x128xf32>
    %get3A_5 = arith.constant 0 : index
    %get3A_6 = arith.constant 0 : index
    %get3A_7 = vector.load %arg2[%get3A_5, %get3A_6] : memref<56x128xf32, #tpu.memory_space<vmem>>, vector<56x128xf32>
    %sub3A = arith.subf %add3A, %get3A_7 : vector<56x128xf32>
    %get3A_8 = arith.constant 0 : index
    %get3A_9 = arith.constant 0 : index
    %get3A_10 = vector.load %arg3[%get3A_8, %get3A_9] : memref<56x128xi32, #tpu.memory_space<vmem>>, vector<56x128xi32>
    %eq3A = arith.constant -1 : i32
    %eq3A_11 = vector.broadcast %eq3A : i32 to vector<56x128xi32>
    %eq3A_12 = arith.cmpi eq, %get3A_10, %eq3A_11 : vector<56x128xi32>
    %jit3A = arith.constant 0.000000e+00 : f32
    %broadcast_in_dim3A = vector.broadcast %jit3A : f32 to vector<56x128xf32>
    %select_n3A = arith.select %eq3A_12, %broadcast_in_dim3A, %sub3A : vector<56x128xi1>, vector<56x128xf32>
    %get3A_13 = arith.constant 0 : index
    %get3A_14 = arith.constant 0 : index
    %get3A_15 = vector.load %arg4[%get3A_13, %get3A_14] : memref<72x128xf32, #tpu.memory_space<vmem>>, vector<72x128xf32>
    %scan3A = arith.constant 0 : i32
    %scan3A_16 = arith.constant 2139095040 : i32
    %scan3A_17 = arith.constant 0 : i32
    %scan3A_18 = arith.constant 32 : i32
    %scan3A_19 = arith.addi %scan3A_17, %scan3A_18 : i32
    %scan3A_20 = arith.constant 1 : i32
    %scan3A_21:2 = scf.for %scan3A_65 = %scan3A_17 to %scan3A_19 step %scan3A_20 iter_args(%scan3A_66 = %scan3A, %scan3A_67 = %scan3A_16) -> (i32, i32)  : i32 {
      %sub3A_68 = arith.subi %scan3A_67, %scan3A_66 : i32
      %jit3A_69 = arith.constant 2 : i32
      %div3A_70 = arith.divsi %sub3A_68, %jit3A_69 : i32
      %sign3A = arith.constant 0 : i32
      %sign3A_71 = arith.cmpi sgt, %sub3A_68, %sign3A : i32
      %sign3A_72 = arith.extui %sign3A_71 : i1 to i32
      %sign3A_73 = arith.constant 0 : i32
      %sign3A_74 = arith.cmpi slt, %sub3A_68, %sign3A_73 : i32
      %sign3A_75 = arith.extui %sign3A_74 : i1 to i32
      %sign3A_76 = arith.subi %sign3A_72, %sign3A_75 : i32
      %sign3A_77 = arith.constant 0 : i32
      %sign3A_78 = arith.cmpi sgt, %jit3A_69, %sign3A_77 : i32
      %sign3A_79 = arith.extui %sign3A_78 : i1 to i32
      %sign3A_80 = arith.constant 0 : i32
      %sign3A_81 = arith.cmpi slt, %jit3A_69, %sign3A_80 : i32
      %sign3A_82 = arith.extui %sign3A_81 : i1 to i32
      %sign3A_83 = arith.subi %sign3A_79, %sign3A_82 : i32
      %ne3A = arith.cmpi ne, %sign3A_76, %sign3A_83 : i32
      %rem3A = arith.remsi %sub3A_68, %jit3A_69 : i32
      %ne3A_84 = arith.constant 0 : i32
      %ne3A_85 = arith.cmpi ne, %rem3A, %ne3A_84 : i32
      %and3A = arith.andi %ne3A, %ne3A_85 : i1
      %sub3A_86 = arith.constant 1 : i32
      %sub3A_87 = arith.subi %div3A_70, %sub3A_86 : i32
      %select_n3A_88 = arith.select %and3A, %sub3A_87, %div3A_70 : i32
      %add3A_89 = arith.addi %scan3A_66, %select_n3A_88 : i32
      %bitcast_convert_type3A_90 = arith.bitcast %add3A_89 : i32 to f32
      %ge3A = vector.broadcast %bitcast_convert_type3A_90 : f32 to vector<56x128xf32>
      %ge3A_91 = arith.cmpf oge, %select_n3A, %ge3A : vector<56x128xf32>
      %convert_element_type3A_92 = arith.extui %ge3A_91 : vector<56x128xi1> to vector<56x128xi32>
      %reduce_sum3A_93 = vector.shape_cast %convert_element_type3A_92 : vector<56x128xi32> to vector<1x56x128xi32>
      %reduce_sum3A_94 = arith.constant dense<0> : vector<1xi32>
      %reduce_sum3A_95 = vector.multi_reduction <add>, %reduce_sum3A_93, %reduce_sum3A_94 [1, 2] : vector<1x56x128xi32> to vector<1xi32>
      %reduce_sum3A_96 = vector.shape_cast %reduce_sum3A_95 : vector<1xi32> to vector<1x1x1xi32>
      %reduce_sum3A_97 = vector.extract %reduce_sum3A_96[0, 0, 0] : i32 from vector<1x1x1xi32>
      %ge3A_98 = vector.broadcast %bitcast_convert_type3A_90 : f32 to vector<72x128xf32>
      %ge3A_99 = arith.cmpf oge, %get3A_15, %ge3A_98 : vector<72x128xf32>
      %convert_element_type3A_100 = arith.extui %ge3A_99 : vector<72x128xi1> to vector<72x128xi32>
      %reduce_sum3A_101 = vector.shape_cast %convert_element_type3A_100 : vector<72x128xi32> to vector<1x72x128xi32>
      %reduce_sum3A_102 = arith.constant dense<0> : vector<1xi32>
      %reduce_sum3A_103 = vector.multi_reduction <add>, %reduce_sum3A_101, %reduce_sum3A_102 [1, 2] : vector<1x72x128xi32> to vector<1xi32>
      %reduce_sum3A_104 = vector.shape_cast %reduce_sum3A_103 : vector<1xi32> to vector<1x1x1xi32>
      %reduce_sum3A_105 = vector.extract %reduce_sum3A_104[0, 0, 0] : i32 from vector<1x1x1xi32>
      %add3A_106 = arith.addi %reduce_sum3A_97, %reduce_sum3A_105 : i32
      %ge3A_107 = arith.constant 11468 : i32
      %ge3A_108 = arith.cmpi sge, %add3A_106, %ge3A_107 : i32
      %select_n3A_109 = arith.select %ge3A_108, %add3A_89, %scan3A_66 : i32
      %select_n3A_110 = arith.select %ge3A_108, %scan3A_67, %add3A_89 : i32
      scf.yield %select_n3A_109, %select_n3A_110 : i32, i32
    }
    %bitcast_convert_type3A = arith.bitcast %scan3A_21#0 : i32 to f32
    %gt3A = vector.broadcast %bitcast_convert_type3A : f32 to vector<56x128xf32>
    %gt3A_22 = arith.cmpf ogt, %select_n3A, %gt3A : vector<56x128xf32>
    %convert_element_type3A = arith.extui %gt3A_22 : vector<56x128xi1> to vector<56x128xi32>
    %reduce_sum3A = vector.shape_cast %convert_element_type3A : vector<56x128xi32> to vector<1x56x128xi32>
    %reduce_sum3A_23 = arith.constant dense<0> : vector<1xi32>
    %reduce_sum3A_24 = vector.multi_reduction <add>, %reduce_sum3A, %reduce_sum3A_23 [1, 2] : vector<1x56x128xi32> to vector<1xi32>
    %reduce_sum3A_25 = vector.shape_cast %reduce_sum3A_24 : vector<1xi32> to vector<1x1x1xi32>
    %reduce_sum3A_26 = vector.extract %reduce_sum3A_25[0, 0, 0] : i32 from vector<1x1x1xi32>
    %gt3A_27 = vector.broadcast %bitcast_convert_type3A : f32 to vector<56x128xf32>
    %gt3A_28 = arith.cmpf ogt, %select_n3A, %gt3A_27 : vector<56x128xf32>
    %jit3A_29 = arith.constant 0.000000e+00 : f32
    %broadcast_in_dim3A_30 = vector.broadcast %jit3A_29 : f32 to vector<56x128xf32>
    %select_n3A_31 = arith.select %gt3A_28, %select_n3A, %broadcast_in_dim3A_30 : vector<56x128xi1>, vector<56x128xf32>
    %reduce_sum3A_32 = vector.shape_cast %select_n3A_31 : vector<56x128xf32> to vector<1x56x128xf32>
    %reduce_sum3A_33 = arith.constant dense<0.000000e+00> : vector<1xf32>
    %reduce_sum3A_34 = vector.multi_reduction <add>, %reduce_sum3A_32, %reduce_sum3A_33 [1, 2] : vector<1x56x128xf32> to vector<1xf32>
    %reduce_sum3A_35 = vector.shape_cast %reduce_sum3A_34 : vector<1xf32> to vector<1x1x1xf32>
    %reduce_sum3A_36 = vector.extract %reduce_sum3A_35[0, 0, 0] : f32 from vector<1x1x1xf32>
    %gt3A_37 = vector.broadcast %bitcast_convert_type3A : f32 to vector<72x128xf32>
    %gt3A_38 = arith.cmpf ogt, %get3A_15, %gt3A_37 : vector<72x128xf32>
    %convert_element_type3A_39 = arith.extui %gt3A_38 : vector<72x128xi1> to vector<72x128xi32>
    %reduce_sum3A_40 = vector.shape_cast %convert_element_type3A_39 : vector<72x128xi32> to vector<1x72x128xi32>
    %reduce_sum3A_41 = arith.constant dense<0> : vector<1xi32>
    %reduce_sum3A_42 = vector.multi_reduction <add>, %reduce_sum3A_40, %reduce_sum3A_41 [1, 2] : vector<1x72x128xi32> to vector<1xi32>
    %reduce_sum3A_43 = vector.shape_cast %reduce_sum3A_42 : vector<1xi32> to vector<1x1x1xi32>
    %reduce_sum3A_44 = vector.extract %reduce_sum3A_43[0, 0, 0] : i32 from vector<1x1x1xi32>
    %add3A_45 = arith.addi %reduce_sum3A_26, %reduce_sum3A_44 : i32
    %gt3A_46 = vector.broadcast %bitcast_convert_type3A : f32 to vector<72x128xf32>
    %gt3A_47 = arith.cmpf ogt, %get3A_15, %gt3A_46 : vector<72x128xf32>
    %jit3A_48 = arith.constant 0.000000e+00 : f32
    %broadcast_in_dim3A_49 = vector.broadcast %jit3A_48 : f32 to vector<72x128xf32>
    %select_n3A_50 = arith.select %gt3A_47, %get3A_15, %broadcast_in_dim3A_49 : vector<72x128xi1>, vector<72x128xf32>
    %reduce_sum3A_51 = vector.shape_cast %select_n3A_50 : vector<72x128xf32> to vector<1x72x128xf32>
    %reduce_sum3A_52 = arith.constant dense<0.000000e+00> : vector<1xf32>
    %reduce_sum3A_53 = vector.multi_reduction <add>, %reduce_sum3A_51, %reduce_sum3A_52 [1, 2] : vector<1x72x128xf32> to vector<1xf32>
    %reduce_sum3A_54 = vector.shape_cast %reduce_sum3A_53 : vector<1xf32> to vector<1x1x1xf32>
    %reduce_sum3A_55 = vector.extract %reduce_sum3A_54[0, 0, 0] : f32 from vector<1x1x1xf32>
    %add3A_56 = arith.addf %reduce_sum3A_36, %reduce_sum3A_55 : f32
    %sub3A_57 = arith.constant 11468 : i32
    %sub3A_58 = arith.subi %sub3A_57, %add3A_45 : i32
    %convert_element_type3A_59 = arith.sitofp %sub3A_58 : i32 to f32
    %mul3A = arith.mulf %convert_element_type3A_59, %bitcast_convert_type3A : f32
    %add3A_60 = arith.addf %add3A_56, %mul3A : f32
    %div3A = arith.constant 1.146800e+04 : f32
    %div3A_61 = arith.divf %add3A_60, %div3A : f32
    %broadcast_in_dim3A_62 = vector.broadcast %div3A_61 : f32 to vector<1x1xf32>
    %swap3A = arith.constant 0 : index
    %swap3A_63 = arith.constant 0 : index
    %swap3A_64 = vector.load %arg5[%swap3A, %swap3A_63] : memref<1x1xf32, #tpu.memory_space<vmem>>, vector<1x1xf32>
    tpu.vector_store %arg5[%swap3A, %swap3A_63], %broadcast_in_dim3A_62 {strides = array<i32>} : memref<1x1xf32, #tpu.memory_space<vmem>>, vector<1x1xf32>,
    return
  }
}

</mosaic_0001>

<sc_bundles>
// kernel: kernel.5.cloned.1.call-start
scs
__scs_entry_jumppad:
0x0: {  	(pc) =	sbr.rel $0x88, $3  }
0x1: {  	(tag) =	ssettag $0x0;
	lr =	simm.s32 $0x1  }
0x2: {  	[smem:$0x3F9F] =	sst lr;
	_ =	strace $0xD0000000  }
0x3: {  	_ = 	snop  }
0x4: {  	_ = 	snop  }
0x5: {  	_ = 	snop  }
0x6: {  	_ = 	snop  }
0x7: {  	_ = 	snop  }
__scs_overlays_trampoline_lowered:
0x8: {  	[smem:$0x3FAE] =	sst s0  }
0x9: {  	[smem:$0x3FAF] =	sst s1  }
0xa: {  	[smem:$0x3FB0] =	sst s2  }
0xb: {  	[smem:$0x3FB1] =	sst s3  }
0xc: {  	[smem:$0x3FB2] =	sst s4  }
0xd: {  	[smem:$0x3FB3] =	sst s5  }
0xe: {  	[smem:$0x3FB4] =	sst s6  }
0xf: {  	[smem:$0x3FB5] =	sst s7  }
0x10: {  	[smem:$0x3FB6] =	sst s8  }
0x11: {  	[smem:$0x3FB7] =	sst s9;
	s0 =	simm.s32 @!p0 $0x0  }
0x12: {  	s1 =	sld [smem:$0x3F9D];
	s0 =	simm.s32 @p0 $0x1  }
0x13: {  	[smem:$0x3FB8] =	sst s0;
	s0 =	simm.s32 @!p1 $0x0  }
0x14: {  	s2 =	sld [smem:$0x3F9C];
	s0 =	simm.s32 @p1 $0x1  }
0x15: {  	[smem:$0x3FB9] =	sst s0;
	s0 =	simm.s32 @!p2 $0x0  }
0x16: {  	s3 =	sld [smem:$0x3FDB];
	s0 =	simm.s32 @p2 $0x1  }
0x17: {  	s4 =	simm.s32 $0x1BF5;
	[smem:$0x3FBB] =	sst s0  }
0x18: {  	s0 =	sld [smem:$0x3F9E];
	_ =	swait.ge [sflag:s4], $0x0  }
0x19: {  	s7 =	sld [smem:$0x3F9F]  }
0x1a: {  	s8 =	sadd.s32 $0xFFFFE003, lr  }
0x1b: {  	s9 =	sadd.s32 $0xFFFFFEF7, lr;
	s5 =	simm.s32 $0xFFFFFFFF;
	p2 =	slt.u32 s8, $0xFFFFF086  }
0x1c: {  	p1 =	slt.u32 s9, $0xF7A;
	s5 =	simm.s32 @!p2 $0x0  }
0x1d: {  	s5 =	simm.s32 @p1 $0x1;
	p0 =	seq.s32 s7, s2  }
0x1e: {  	s7 =	smul.u32 @!p0 $0xF7A, s2;
	p2 =	seq.s32 @!p0 s5, $0x0  }
0x1f: {  	s9 =	smul.u32 $0xF7A, s1;
	s8 =	simm.s32 @!p0 $0x1BF5;
	p2 =	por !p2, p0  }
0x20: {  	[sflag:s8] =	ssyncset.s32 @!p0 $0xFFFFF086;
	s6 =	sadd.s32 @!p0 s3, s7;
	s7 =	simm.s32 @!p0 $0x108  }
0x21: {  	s3 =	sadd.s32 s3, s9;
	s6 =	sadd.s32 @!p0 $0x88, s6;
	s7 =	simm.s32 @p2 $0x1082  }
0x22: {  	[simem:s7], [sflag:s8] =	dma.local @!p0 [hbm:s6], $0xF7A  }
0x23: {  	s9 =	sor.u32 $0xD0000000, s2;
	s6 =	simm.s32 $0x108;
	_ =	swait.ge @!p0 [sflag:s8], $0x0  }
0x24: {  	s3 =	sadd.s32 $0x88, s3;
	s6 =	simm.s32 @!p1 $0x1082;
	[sflag:s4] =	ssyncset.s32 $0xFFFFF086  }
0x25: {  	[simem:s6], [sflag:s4] =	dma.local [hbm:s3], $0xF7A  }
0x26: {  	[smem:$0x3F9F] =	sst s1;
	(tag) =	ssettag s2;
	_ =	strace s9  }
0x27: {  	s1 =	sld [smem:$0x3FAF]  }
0x28: {  	s2 =	sld [smem:$0x3FB0]  }
0x29: {  	s4 =	sld [smem:$0x3FB2]  }
0x2a: {  	p0 =	seq.s32 s5, $0x0;
	s5 =	sld [smem:$0x3FB3]  }
0x2b: {  	s6 =	sld [smem:$0x3FB4]  }
0x2c: {  	s7 =	sld [smem:$0x3FB5]  }
0x2d: {  	s3 =	simm.s32 $0x108;
	s8 =	sld [smem:$0x3FB6]  }
0x2e: {  	s3 =	simm.s32 @!p0 $0x1082;
	s9 =	sld [smem:$0x3FB7]  }
0x2f: {  	lr =	sadd.s32 s0, s3;
	s0 =	sld [smem:$0x3FAE]  }
0x30: {  	s3 =	sld [smem:$0x3FB1]  }
0x31: {  	[smem:$0x3FBA] =	sst s10  }
0x32: {  	s10 =	sld [smem:$0x3FB8];
	_ =	sdelay $0x3  }
0x33: {  	p0 =	seq.s32 s10, $0x1;
	s10 =	sld [smem:$0x3FBA];
	_ =	sdelay $0x3  }
0x34: {  	[smem:$0x3FBA] =	sst s10  }
0x35: {  	s10 =	sld [smem:$0x3FB9];
	_ =	sdelay $0x3  }
0x36: {  	p1 =	seq.s32 s10, $0x1;
	s10 =	sld [smem:$0x3FBA];
	_ =	sdelay $0x3  }
0x37: {  	[smem:$0x3FBA] =	sst s10  }
0x38: {  	s10 =	sld [smem:$0x3FBB]  }
0x39: {  	_ = 	snop;
	(pc) =	sbr.ind lr, $3  }
0x3a: {  	_ = 	snop  }
0x3b: {  	_ = 	snop  }
0x3c: {  	p2 =	seq.s32 s10, $0x1;
	s10 =	sld [smem:$0x3FBA]  }
0x3d: {  	_ =	shalt  }
0x3e: {  	_ =	shalt  }
0x3f: {  	_ =	shalt  }
0x40: {  	_ =	shalt  }
0x41: {  	_ =	shalt  }
0x42: {  	_ =	shalt  }
0x43: {  	_ =	shalt  }
0x44: {  	_ =	shalt  }
0x45: {  	_ =	shalt  }
0x46: {  	_ =	shalt  }
0x47: {  	_ =	shalt  }
0x48: {  	_ =	shalt  }
0x49: {  	_ =	shalt  }
0x4a: {  	_ =	shalt  }
0x4b: {  	_ =	shalt  }
0x4c: {  	_ =	shalt  }
0x4d: {  	_ =	shalt  }
0x4e: {  	_ =	shalt  }
0x4f: {  	_ =	shalt  }
0x50: {  	_ =	shalt  }
0x51: {  	_ =	shalt  }
0x52: {  	_ =	shalt  }
0x53: {  	_ =	shalt  }
0x54: {  	_ =	shalt  }
0x55: {  	_ =	shalt  }
0x56: {  	_ =	shalt  }
0x57: {  	_ =	shalt  }
0x58: {  	_ =	shalt  }
0x59: {  	_ =	shalt  }
0x5a: {  	_ =	shalt  }
0x5b: {  	_ =	shalt  }
0x5c: {  	_ =	shalt  }
0x5d: {  	_ =	shalt  }
0x5e: {  	_ =	shalt  }
0x5f: {  	_ =	shalt  }
0x60: {  	_ =	shalt  }
0x61: {  	_ =	shalt  }
0x62: {  	_ =	shalt  }
0x63: {  	_ =	shalt  }
0x64: {  	_ =	shalt  }
0x65: {  	_ =	shalt  }
0x66: {  	_ =	shalt  }
0x67: {  	_ =	shalt  }
0x68: {  	_ =	shalt  }
0x69: {  	_ =	shalt  }
0x6a: {  	_ =	shalt  }
0x6b: {  	_ =	shalt  }
0x6c: {  	_ =	shalt  }
0x6d: {  	_ =	shalt  }
0x6e: {  	_ =	shalt  }
0x6f: {  	_ =	shalt  }
0x70: {  	_ =	shalt  }
0x71: {  	_ =	shalt  }
0x72: {  	_ =	shalt  }
0x73: {  	_ =	shalt  }
0x74: {  	_ =	shalt  }
0x75: {  	_ =	shalt  }
0x76: {  	_ =	shalt  }
0x77: {  	_ =	shalt  }
0x78: {  	_ =	shalt  }
0x79: {  	_ =	shalt  }
0x7a: {  	_ =	shalt  }
0x7b: {  	_ =	shalt  }
0x7c: {  	_ =	shalt  }
0x7d: {  	_ =	shalt  }
0x7e: {  	_ =	shalt  }
0x7f: {  	_ =	shalt  }
0x80: {  	_ =	shalt  }
0x81: {  	_ =	shalt  }
0x82: {  	_ =	shalt  }
0x83: {  	_ =	shalt  }
0x84: {  	_ =	shalt  }
0x85: {  	_ =	shalt  }
0x86: {  	_ =	shalt  }
0x87: {  	_ =	shalt  }
.Lfunc_end0:
.L_simem_size_0:
called_computation_lowered:
.L_overlay_start_0:
0x88: {  	s2 =	sld [smem:$0x3FD9]  }
0x89: {  	s3 =	sld [smem:$0x3FFE];
	_ =	sdelay $0x1  }
0x8a: {  	s1 =	srdreg.scid  }
0x8b: {  	s0 =	sand.u32 $0x1, s1  }
0x8c: {  	s17 =	sshll.u32 s0, $0xA;
	s2 =	sadd.s32 s3, s2  }
0x8d: {  	s2 =	sadd.s32 s2, s17  }
0x8e: {  	[smem:$0x3FC6] =	sst s2  }
0x8f: {  	_ = 	snop  }
0x90: {  	s2 =	sld [smem:$0x3FC8];
	(tm) =	ssettm $0x1  }
0x91: {  	s18 =	sld [smem:$0x3FFB];
	_ =	sdelay $0x3  }
0x92: {  	_ =	strace s18  }
0x93: {  	s3 =	sld [smem:$0x3FFC];
	_ =	sdelay $0x3  }
0x94: {  	_ =	strace s3  }
0x95: {  	s3 =	sld [smem:$0x3FFD];
	_ =	sdelay $0x3  }
0x96: {  	_ =	strace s3  }
0x97: {  	_ =	strace $0x8FFFFFFF  }
0x98: {  	s19 =	sld [smem:$0x3FDB];
	_ =	sdelay $0x1  }
0x99: {  	s4 =	simm.s32 $_scs_section_size  }
0x9a: {  	s5 =	simm.s32 $_size__tile_overlayer_lowered;
	s6 =	simm.s32 $_tile_overlayer_lowered  }
0x9b: {  	s22 =	simm.s32 $0x1BFF;
	s21 =	sshll.u32 s6, $0x1;
	s3 =	sadd.s32 s4, s19  }
0x9c: {  	s7 =	simm.s32 $0x0;
	s20 =	sshll.u32 s5, $0x1;
	s5 =	sadd.s32 s21, s3  }
0x9d: {  	[timem:s7], [sflag:s22] =	dma.local [hbm:s5], s20  }
0x9e: {  	_ =	swait.ge [sflag:s22], s20  }
0x9f: {  	s4 =	ssub.s32 $0x0, s20;
	[sflag:s22] =	ssyncset.done $0x0  }
0xa0: {  	[sflag:s22] =	ssyncadd.s32 s4;
	_ =	sdelay $0x1  }
0xa1: {  	s23 =	simm.s32 $0x1B8B  }
0xa2: {  	_ =	swait.ge [sflag:s23], $0x1  }
0xa3: {  	[sflag:s23] =	ssyncset.done $0x0  }
0xa4: {  	s25 =	simm.s32 $0x1B8E;
	s24 =	sld [smem:$0x3FFE];
	[sflag:s23] =	ssyncadd.s32 $0xFFFFFFFF  }
0xa5: {  	s26 =	simm.s32 $execute0_lowered;
	[smem:$0x3FD2] =	sst s25  }
0xa6: {  	s5 =	sshll.u32 s26, $0x1;
	_ =	strace $0x80000046;
	[dreg:$0x1] =	wrdreg $0xFFFFFFFF  }
0xa7: {  	s28 =	simm.s32 $_size_execute0_lowered;
	s3 =	sadd.s32 s3, s5;
	[dreg:$0x0] =	wrdreg $0x0  }
0xa8: {  	s5 =	sshll.u32 s28, $0x1;
	[dreg:$0x2] =	wrdreg s3  }
0xa9: {  	[dreg:$0x3] =	wrdreg s5  }
0xaa: {  	[dreg:$0x4] =	wrdreg $0xC0  }
0xab: {  	_ =	task [dreg:s7], $0x5FFFF  }
0xac: {  	[dreg:$0x1] =	wrdreg $0xFFFFFFFF  }
0xad: {  	[dreg:$0x0] =	wrdreg $0x60  }
0xae: {  	[dreg:$0x2] =	wrdreg s24  }
0xaf: {  	[dreg:$0x3] =	wrdreg s2  }
0xb0: {  	[dreg:$0x4] =	wrdreg $0x9  }
0xb1: {  	_ =	task.clear_ibuf [dreg:s7], $0x5FFFF;
	_ =	strace $0x90000046  }
0xb2: {  	s29 =	simm.s32 $0x9;
	_ =	strace $0x80000048  }
0xb3: {  	_ =	swait.ge [sflag:s29], $0x1  }
0xb4: {  	[sflag:s29] =	ssyncadd.s32 $0xFFFFFFFF  }
0xb5: {  	_ =	strace $0x90000048  }
0xb6: {  	_ =	sfence  }
0xb7: {  	s30 =	sld [smem:$0x0];
	_ =	sdelay $0x2  }
0xb8: {  	s31 =	sshll.u32 s1, $0xD;
	s1 =	sshrl.u32 s1, $0x2  }
0xb9: {  	s3 =	sand.u32 $0x4000, s31;
	s1 =	sadd.s32 s1, s30  }
0xba: {  	s0 =	sor.u32 s3, s0;
	s1 =	sshll.u32 s1, $0x11  }
0xbb: {  	s0 =	sor.u32 s1, s0  }
0xbc: {  	s0 =	sadd.s32 $0x8F2B, s0  }
0xbd: {  	[sflag:s0] =	ssyncadd.remote.s32 $0x1  }
0xbe: {  	_ =	sfence.sel $0xFFFF  }
0xbf: {  	[dreg:$0x0] =	wrdreg $0xFFFFFFFF;
	(pc) =	sbr.abs _section_cstart, $3  }
0xc0: {  	[dreg:$0x1] =	wrdreg $0xFFFFFFFF  }
0xc1: {  	_ =	task.clear_ibuf [dreg:s7], $0x2FFFF;
	_ =	strace $0x9FFFFFFF  }
0xc2: {  	(tm) =	ssettm $0x7FFFFFFF  }
0xc3: {  	_ =	shalt  }
tec
execute0_lowered:
.L_overlay_start_1:
0x0: {  	(tag) =	ssettag $0x1  }
0x1: {  	vm2 =	vmmov $0x1;
	vm0 =	vcmask $0x300;
	v1 =	vimm.f32 $9.990000000e+02  }
0x2: {  	v0 =	vimm.f32 $1.500000000e+01;
	vm1 =	vcmask $0x704;
	v1 =	vsel vm0, $0x44760000, v1  }
0x3: {  	v0 =	vsel vm0, $0x0, v0;
	vm0 =	vcmask $0xB08;
	v1 =	vsel vm1, $0x44764000, v1  }
0x4: {  	v0 =	vsel vm1, $0x3F800000, v0;
	vm1 =	vcmask $0xF0C;
	v1 =	vsel vm0, $0x44768000, v1  }
0x5: {  	v0 =	vsel vm0, $0x40000000, v0;
	vm0 =	vcmask $0x1310;
	v1 =	vsel vm1, $0x4476C000, v1  }
0x6: {  	v0 =	vsel vm1, $0x40400000, v0;
	vm1 =	vcmask $0x1714;
	v1 =	vsel vm0, $0x44770000, v1  }
0x7: {  	v0 =	vsel vm0, $0x40800000, v0;
	vm0 =	vcmask $0x1B18;
	v1 =	vsel vm1, $0x44774000, v1  }
0x8: {  	s0 =	rddreg [dreg:$0x0];
	s1 =	srdreg.scid;
	v0 =	vsel vm1, $0x40A00000, v0;
	vm1 =	vcmask $0x1F1C;
	v1 =	vsel vm0, $0x44778000, v1  }
0x9: {  	s2 =	stileid.u32;
	s5 =	rddreg [dreg:$0x1];
	s14 =	simm.s32 $0x3;
	v0 =	vsel vm0, $0x40C00000, v0;
	vm0 =	vcmask $0x2320;
	v1 =	vsel vm1, $0x4477C000, v1  }
0xa: {  	s15 =	simm.s32 $0x4000;
	s1 =	sand.u32 $0x1, s1;
	s3 =	sshll.u32 s2, $0x1;
	v0 =	vsel vm1, $0x40E00000, v0;
	vm1 =	vcmask $0x2724;
	v1 =	vsel vm0, $0x44780000, v1  }
0xb: {  	s16 =	simm.s32 $0x1;
	s17 =	simm.s32 $0x2;
	s4 =	sor.u32 s1, s3;
	v0 =	vsel vm0, $0x41000000, v0;
	vm0 =	vcmask $0x2B28;
	v1 =	vsel vm1, $0x44784000, v1  }
0xc: {  	s21 =	simm.s32 $0x0;
	s2 =	simm.s32 $0x0;
	s7 =	smul.u32 $0x1C, s4;
	v0 =	vsel vm1, $0x41100000, v0;
	vm1 =	vcmask $0x2F2C;
	v1 =	vsel vm0, $0x44788000, v1  }
0xd: {  	[smem:$0x7FF] =	sst s2;
	s3 =	sadd.s32 $0xC00, s0;
	s6 =	smul.u32 $0x7000, s4;
	v0 =	vsel vm0, $0x41200000, v0;
	vm0 =	vcmask $0x3330;
	v1 =	vsel vm1, $0x4478C000, v1  }
0xe: {  	s1 =	ssub.s32 $0x2, s1;
	_ =	strace $0x80000047;
	s8 =	smul.u32 $0x38000, s4;
	v0 =	vsel vm1, $0x41300000, v0;
	vm1 =	vcmask $0x3734;
	v1 =	vsel vm0, $0x44790000, v1  }
0xf: {  	s0 =	sadd.s32 s7, s0;
	s4 =	sadd.s32 s3, s6;
	s5 =	sadd.s32 s5, s7;
	v0 =	vsel vm0, $0x41400000, v0;
	vm0 =	vcmask $0x3B38;
	v1 =	vsel vm1, $0x44794000, v1  }
.Ltmp0:
0x10: {  	v62 =	vimm.s32 $0x0;
	s6 =	sadd.s32 $0x800, s4;
	[dreg:$0x4] =	wrdreg s5;
	v0 =	vsel vm1, $0x41500000, v0;
	v61 =	vsel vm0, $0x44798000, v1;
	(pc) =	sbr.rel .LBB2_1-.Ltmp0, $4  }
0x11: {  	s9 =	sshrl.u32 s1, $0x1;
	s30 =	sadd.s32 $0x200C00, s0;
	[dreg:$0x3] =	wrdreg s6;
	v22 =	vsel vm0, $0x41600000, v0;
	v0 =	vsel vm2, $0xFFFFFFFF, v62;
	[tilespmem:$0x1FFC0] =	vst v61  }
0x12: {  	v63 =	vimm.s32 $0x0;
	s1 =	ssub.s32 s1, s9;
	s31 =	sadd.s32 $0x201000, s0;
	[dreg:$0x5] =	wrdreg s30;
	vm1 =	vmmov $0x7fff;
	[tilespmem:$0x1FFD0] =	vst v0  }
0x13: {  	s12 =	smax.u32 s1, $0x1;
	s0 =	sadd.s32 $0x201400, s0;
	[dreg:$0x6] =	wrdreg s31;
	[tilespmem:$0x1FFE0] =	vst v22;
	v0 =	vsel vm1, $0xFFFFFFFF, v63  }
0x14: {  	s6 =	sadd.s32 $0x8000, s8;
	s8 =	sadd.s32 $0xC000, s8;
	[dreg:$0x7] =	wrdreg s0;
	[tilespmem:$0x1FFF0] =	vst v0  }
.LBB2_12:
0x15: {  	s0 =	rddreg [dreg:$0x5];
	s1 =	simm.s32 $0x8100  }
0x16: {  	[hbm4b:s0+s2] =	stream.linear.scatter [tilespmem:s1], [sflag:$0x3], $0xE0, $0x38;
	[tilespmem:$0x8400] =	vst v63  }
0x17: {  	_ =	swait.ge [sflag:s14], $0xE0  }
0x18: {  	[sflag:s14] =	ssyncset.done $0x0  }
0x19: {  	s29 =	simm.s32 $0x8200;
	s28 =	rddreg [dreg:$0x6];
	[sflag:s14] =	ssyncadd.s32 $0xFFFFFF20  }
0x1a: {  	[hbm4b:s28+s2] =	stream.linear.scatter [tilespmem:s29], [sflag:$0x3], $0xE0, $0x38;
	[tilespmem:$0x8400] =	vst v63  }
0x1b: {  	s21 =	sadd.s32 $0x1, s21;
	_ =	swait.ge [sflag:s14], $0xE0  }
0x1c: {  	s31 =	simm.s32 $0x8300;
	p0 =	sne.s32 s21, s12;
	[sflag:s14] =	ssyncset.done $0x0  }
.Ltmp1:
0x1d: {  	s30 =	rddreg [dreg:$0x7];
	[sflag:s14] =	ssyncadd.s32 $0xFFFFFF20;
	(pc) =	sbr.rel @!p0 .LBB2_13-.Ltmp1, $4  }
0x1e: {  	[hbm4b:s30+s2] =	stream.linear.scatter [tilespmem:s31], [sflag:$0x3], $0xE0, $0x38;
	[tilespmem:$0x8400] =	vst v63  }
0x1f: {  	_ =	swait.ge [sflag:s14], $0xE0  }
0x20: {  	[sflag:s14] =	ssyncset.done $0x0  }
0x21: {  	[sflag:s14] =	ssyncadd.s32 $0xFFFFFF20  }
.LBB2_1:
0x22: {  	s0 =	rddreg [dreg:$0x4];
	s1 =	simm.s32 $0x8000  }
0x23: {  	[tilespmem:s1], [sflag:$0x3] =	stream.linear.gather [hbm4b:s0+s2], $0xE0, $0x38;
	[tilespmem:$0x8400] =	vst v63  }
0x24: {  	_ =	swait.ge [sflag:s14], $0xE0  }
0x25: {  	[sflag:s14] =	ssyncset.done $0x0  }
0x26: {  	[sflag:s14] =	ssyncadd.s32 $0xFFFFFF20  }
0x27: {  	[tilespmem:s2], [sflag:$0x1] =	stream.linear.gather [hbm4b:s4+s2], $0x4000, $0x38;
	[tilespmem:$0x8400] =	vst v63  }
0x28: {  	s22 =	simm.s32 $0x0;
	s31 =	rddreg [dreg:$0x3]  }
0x29: {  	[tilespmem:s15], [sflag:$0x2] =	stream.linear.gather [hbm4b:s31+s2], $0x4000, $0x38;
	[tilespmem:$0x8400] =	vst v63  }
.LBB2_2:
0x2a: {  	_ =	swait.ge [sflag:s16], $0x4000;
	s24 =	simm.s32 $0x0  }
0x2b: {  	[sflag:s16] =	ssyncset.done $0x0;
	s0 =	sand.u32 $0x60, s24;
	s1 =	sand.u32 $0x1C00, s24  }
0x2c: {  	[sflag:s16] =	ssyncadd.s32 $0xFFFFC000;
	s5 =	sor.u32 s0, s1  }
0x2d: {  	v0 =	vld [tilespmem:s5+$0x0]  }
0x2e: {  	v2 =	vld [tilespmem:s5+$0x80]  }
0x2f: {  	v3 =	vld [tilespmem:s5+$0x100]  }
0x30: {  	v4 =	vld [tilespmem:s5+$0x180]  }
0x31: {  	s7 =	sor.u32 s24, s24;
	v5 =	vld [tilespmem:s5+$0x200]  }
0x32: {  	s19 =	sor.u32 $0x380, s7;
	s25 =	sor.u32 $0x10, s0;
	v6 =	vld [tilespmem:s5+$0x280]  }
0x33: {  	v10 =	vld [tilespmem:s19+$0x0];
	s20 =	sor.u32 s25, s1  }
0x34: {  	v7 =	vld [tilespmem:s20+$0x0]  }
0x35: {  	v14 =	vld [tilespmem:s20+$0x80]  }
0x36: {  	v15 =	vld [tilespmem:s20+$0x100]  }
0x37: {  	v18 =	vld [tilespmem:s20+$0x180]  }
0x38: {  	s7 =	sor.u32 $0x2000, s1;
	v16 =	vld [tilespmem:s20+$0x200]  }
0x39: {  	s9 =	sor.u32 $0x2080, s1;
	s23 =	sor.u32 s25, s7;
	v29 =	vld [tilespmem:s20+$0x280]  }
0x3a: {  	s10 =	sor.u32 $0x2100, s1;
	s26 =	sor.u32 s25, s9;
	v19 =	vld [tilespmem:s23+$0x0]  }
0x3b: {  	s13 =	sor.u32 $0x2180, s1;
	s30 =	sor.u32 s25, s10;
	v21 =	vld [tilespmem:s26+$0x0]  }
0x3c: {  	s18 =	sor.u32 $0x2200, s1;
	s31 =	sor.u32 s25, s13;
	v11 =	vld [tilespmem:s30+$0x0]  }
0x3d: {  	s11 =	sor.u32 s25, s18;
	v12 =	vld [tilespmem:s31+$0x0]  }
0x3e: {  	s7 =	sor.u32 s0, s7;
	v13 =	vld [tilespmem:s11+$0x0]  }
0x3f: {  	s19 =	sor.u32 $0x2280, s1;
	s10 =	sor.u32 s0, s10;
	v32 =	vld [tilespmem:s7+$0x0]  }
0x40: {  	s23 =	sor.u32 s25, s19;
	v30 =	vld [tilespmem:s10+$0x0]  }
0x41: {  	s31 =	sor.u32 s0, s9;
	v8 =	vld [tilespmem:s23+$0x0]  }
0x42: {  	s20 =	sor.u32 $0x2300, s1;
	s30 =	sand.u32 $0x3, s24;
	s11 =	sor.u32 s0, s13;
	v33 =	vld [tilespmem:s31+$0x0]  }
0x43: {  	s26 =	sor.u32 s25, s20;
	s5 =	sshll.u32 s30, $0x5;
	v31 =	vld [tilespmem:s11+$0x0]  }
0x44: {  	s23 =	sshll.u32 s22, $0x5;
	v9 =	vld [tilespmem:s26+$0x0];
	s5 =	sadd.s32 $0x0, s5  }
0x45: {  	v17 =	vimm.f32 $-Inf;
	v28 =	vimm.f32 $-Inf;
	v1 =	vld [tilespmem:s23+$0x8000];
	s9 =	sor.u32 $0x300, s5;
	s5 =	sadd.s32 $0x10, s5  }
0x46: {  	v26 =	vimm.f32 $-Inf;
	v22 =	vimm.f32 $-Inf;
	v23 =	vimm.f32 $-Inf;
	v20 =	vld [tilespmem:s9+$0x0];
	s13 =	sor.u32 $0x300, s5  }
0x47: {  	s30 =	sor.u32 s0, s19;
	v0 =	vmax.f32 v17, v0;
	v2 =	vmax.f32 v17, v2;
	v3 =	vmax.f32 v17, v3;
	v37 =	vld [tilespmem:s13+$0x0]  }
0x48: {  	v39 =	vld [tilespmem:s30+$0x0];
	v4 =	vmax.f32 v17, v4;
	s5 =	sor.u32 $0x380, s5;
	v43 =	vmax.f32 v17, v5;
	v40 =	vmax.f32 v17, v6  }
0x49: {  	s26 =	sor.u32 s0, s18;
	v0 =	vmax.f32 v0, v7;
	v27 =	vmax.f32 v2, v14;
	v25 =	vmax.f32 v3, v15;
	v35 =	vld [tilespmem:s5+$0x0]  }
0x4a: {  	s28 =	simm.s32 $0x100;
	s31 =	sor.u32 s0, s20;
	v34 =	vld [tilespmem:s26+$0x0];
	v24 =	vmax.f32 v4, v18;
	s5 =	sor.u32 $0x2380, s1;
	v14 =	vimm.f32 $-Inf;
	v15 =	vimm.f32 $-Inf  }
0x4b: {  	s29 =	simm.s32 $0x20;
	v41 =	vld [tilespmem:s31+$0x0];
	s26 =	simm.s32 $0x0;
	v18 =	vimm.f32 $-Inf;
	s0 =	sor.u32 s0, s5;
	v42 =	vmax.f32 v17, v20;
	v20 =	vimm.f32 $-Inf  }
.LBB2_3:
0x4c: {  	s30 =	sand.u32 $0x60, s29;
	s1 =	sand.u32 $0x1C00, s28;
	v2 =	vld [tilespmem:s0+$0x0];
	v3 =	vmax.f32 v43, v16;
	v4 =	vmax.f32 v40, v29;
	v5 =	vmax.f32 v42, v37;
	s0 =	sor.u32 s25, s5  }
0x4d: {  	v6 =	vmax.f32 v17, v10;
	v7 =	vmax.f32 v28, v32;
	v10 =	vmax.f32 v26, v33;
	s5 =	sor.u32 s30, s1;
	v16 =	vld [tilespmem:s0+$0x0]  }
0x4e: {  	v28 =	vmax.f32 v7, v19;
	v26 =	vmax.f32 v10, v21;
	v36 =	vld [tilespmem:s5+$0x0];
	v17 =	vmax.f32 v6, v35  }
0x4f: {  	v7 =	vmax.f32 v22, v30;
	v10 =	vmax.f32 v23, v31;
	v19 =	vmax.f32 v20, v34;
	v6 =	vld [tilespmem:s5+$0x80]  }
0x50: {  	v22 =	vmax.f32 v7, v11;
	v23 =	vmax.f32 v10, v12;
	v20 =	vmax.f32 v19, v13;
	v35 =	vld [tilespmem:s5+$0x100]  }
0x51: {  	v10 =	vmax.f32 v14, v39;
	v11 =	vmax.f32 v15, v41;
	v7 =	vld [tilespmem:s5+$0x180];
	v2 =	vmax.f32 v18, v2  }
0x52: {  	s0 =	sor.u32 s28, s29;
	v14 =	vmax.f32 v10, v8;
	v15 =	vmax.f32 v11, v9;
	v38 =	vld [tilespmem:s5+$0x200];
	v18 =	vmax.f32 v2, v16  }
0x53: {  	s25 =	sor.u32 $0x10, s30;
	s0 =	sor.u32 $0x380, s0;
	v2 =	vld [tilespmem:s5+$0x280]  }
0x54: {  	v10 =	vld [tilespmem:s0+$0x0];
	s0 =	sor.u32 s25, s1  }
0x55: {  	v39 =	vld [tilespmem:s0+$0x0]  }
0x56: {  	v40 =	vld [tilespmem:s0+$0x80]  }
0x57: {  	v41 =	vld [tilespmem:s0+$0x100]  }
0x58: {  	v42 =	vld [tilespmem:s0+$0x180]  }
0x59: {  	s5 =	sor.u32 $0x2000, s1;
	v16 =	vld [tilespmem:s0+$0x200]  }
0x5a: {  	s7 =	sor.u32 $0x2080, s1;
	v29 =	vld [tilespmem:s0+$0x280];
	s0 =	sor.u32 s25, s5  }
0x5b: {  	s9 =	sor.u32 $0x2100, s1;
	v19 =	vld [tilespmem:s0+$0x0];
	s0 =	sor.u32 s25, s7  }
0x5c: {  	s10 =	sor.u32 $0x2180, s1;
	v21 =	vld [tilespmem:s0+$0x0];
	s0 =	sor.u32 s25, s9  }
0x5d: {  	s13 =	sor.u32 $0x2200, s1;
	v11 =	vld [tilespmem:s0+$0x0];
	s0 =	sor.u32 s25, s10  }
0x5e: {  	s18 =	sor.u32 $0x2280, s1;
	v12 =	vld [tilespmem:s0+$0x0];
	s0 =	sor.u32 s25, s13  }
0x5f: {  	s19 =	sor.u32 $0x2300, s1;
	v13 =	vld [tilespmem:s0+$0x0];
	s0 =	sor.u32 s25, s18  }
0x60: {  	v8 =	vld [tilespmem:s0+$0x0];
	s0 =	sor.u32 s25, s19  }
0x61: {  	s24 =	sadd.s32 $0x1, s24;
	s5 =	sor.u32 s30, s5;
	v9 =	vld [tilespmem:s0+$0x0]  }
0x62: {  	s0 =	sand.u32 $0x3, s24;
	v32 =	vld [tilespmem:s5+$0x0];
	s5 =	sor.u32 s30, s7  }
0x63: {  	s0 =	sshll.u32 s0, $0x5;
	v33 =	vld [tilespmem:s5+$0x0];
	s5 =	sor.u32 s30, s9  }
0x64: {  	s0 =	sadd.s32 s0, s28;
	v30 =	vld [tilespmem:s5+$0x0];
	s5 =	sor.u32 s30, s10  }
0x65: {  	s26 =	sadd.s32 $0x2, s26;
	s7 =	sor.u32 $0x300, s0;
	s0 =	sadd.s32 $0x10, s0;
	v31 =	vld [tilespmem:s5+$0x0]  }
0x66: {  	p0 =	slt.u32 s26, $0x3C;
	s5 =	sor.u32 $0x300, s0;
	v44 =	vld [tilespmem:s7+$0x0]  }
.Ltmp2:
0x67: {  	v0 =	vmax.f32 v0, v36;
	s7 =	sor.u32 s30, s13;
	v37 =	vld [tilespmem:s5+$0x0];
	(pc) =	sbr.rel @p0 .LBB2_3-.Ltmp2, $4  }
0x68: {  	v0 =	vmax.f32 v0, v39;
	s0 =	sor.u32 $0x380, s0;
	v34 =	vld [tilespmem:s7+$0x0]  }
0x69: {  	v6 =	vmax.f32 v27, v6;
	v25 =	vmax.f32 v25, v35;
	v7 =	vmax.f32 v24, v7;
	s5 =	sor.u32 s30, s18;
	v35 =	vld [tilespmem:s0+$0x0]  }
0x6a: {  	v27 =	vmax.f32 v6, v40;
	v25 =	vmax.f32 v25, v41;
	v24 =	vmax.f32 v7, v42;
	s0 =	sor.u32 s30, s19;
	v39 =	vld [tilespmem:s5+$0x0];
	s5 =	sor.u32 $0x2380, s1  }
0x6b: {  	s29 =	sadd.s32 $0x20, s29;
	v43 =	vmax.f32 v3, v38;
	v40 =	vmax.f32 v4, v2;
	s28 =	sadd.s32 $0x100, s28;
	v42 =	vmax.f32 v5, v44;
	v41 =	vld [tilespmem:s0+$0x0];
	s0 =	sor.u32 s30, s5  }
0x6c: {  	vm0 =	vgt.s32 v1, $0x0  }
0x6d: {  	v1 =	vnsel vm0, $0x0, v1  }
0x6e: {  	v1 =	vmin.u32 v1, $0x3E7  }
0x6f: {  	v44 =	vcvt.s32.f32 v1;
	_ =	sdelay $0x1  }
0x70: {  	vm0 =	vcmask $0x308;
	v1 =	vnsel vm2, $0xBF800000, v44  }
0x71: {  	v47 =	vsel vm0, $0xBF800000, v44;
	vm0 =	vcmask $0x70C;
	(xrf0) =	vmax.scan.msk.f32 $0xffff, v1  }
0x72: {  	v48 =	vsel vm0, $0xBF800000, v44;
	vm0 =	vcmask $0xB10;
	(xrf0) =	vmax.scan.msk.f32 $0xffff, v47  }
0x73: {  	v49 =	vsel vm0, $0xBF800000, v44;
	vm0 =	vcmask $0xF14;
	(xrf0) =	vmax.scan.msk.f32 $0xffff, v48  }
0x74: {  	v50 =	vsel vm0, $0xBF800000, v44;
	vm0 =	vcmask $0x1318;
	(xrf0) =	vmax.scan.msk.f32 $0xffff, v49  }
0x75: {  	v51 =	vsel vm0, $0xBF800000, v44;
	vm0 =	vcmask $0x171C;
	(xrf0) =	vmax.scan.msk.f32 $0xffff, v50  }
0x76: {  	v52 =	vsel vm0, $0xBF800000, v44;
	vm0 =	vcmask $0x1B20;
	(xrf0) =	vmax.scan.msk.f32 $0xffff, v51  }
0x77: {  	v53 =	vsel vm0, $0xBF800000, v44;
	vm0 =	vcmask $0x1F24;
	v3, _, _ =	vpop (xrf0);
	(xrf0) =	vmax.scan.msk.f32 $0xffff, v52  }
0x78: {  	v45 =	vld [tilespmem:s0+$0x0];
	v2 =	vsel vm0, $0xBF800000, v44;
	vm0 =	vcmask $0x2328;
	v7, _, _ =	vpop (xrf0);
	(xrf0) =	vmax.scan.msk.f32 $0xffff, v53  }
0x79: {  	v58 =	vld [tilespmem:$0x1D58];
	v54 =	vsel vm0, $0xBF800000, v44;
	vm0 =	vcmask $0x272C;
	v4, _, _ =	vpop (xrf0);
	(xrf0) =	vmax.scan.msk.f32 $0xffff, v2  }
0x7a: {  	v5 =	vld [tilespmem:$0x1E58];
	v55 =	vsel vm0, $0xBF800000, v44;
	vm0 =	vcmask $0x2B30;
	v6, _, _ =	vpop (xrf0);
	(xrf0) =	vmax.scan.msk.f32 $0xffff, v54  }
0x7b: {  	v50 =	vld [tilespmem:$0x1C58];
	v56 =	vsel vm0, $0xBF800000, v44;
	vm0 =	vcmask $0x2F34;
	v38, _, _ =	vpop (xrf0);
	(xrf0) =	vmax.scan.msk.f32 $0xffff, v55  }
0x7c: {  	v49 =	vld [tilespmem:$0x1CD8];
	v36 =	vsel vm0, $0xBF800000, v44;
	vm0 =	vcmask $0x3338;
	v57, _, _ =	vpop (xrf0);
	(xrf0) =	vmax.scan.msk.f32 $0xffff, v56  }
0x7d: {  	v63 =	vld [tilespmem:$0x1ED8];
	v43 =	vmax.f32 v43, v16;
	v60 =	vsel vm0, $0xBF800000, v44;
	vm0 =	vcmask $0x373C;
	v59, _, _ =	vpop (xrf0);
	(xrf0) =	vmax.scan.msk.f32 $0xffff, v36  }
0x7e: {  	v29 =	vmax.f32 v40, v29;
	v42 =	vmax.f32 v42, v37;
	v48 =	vld [tilespmem:$0x1DD8];
	v47 =	vsel vm0, $0xBF800000, v44;
	v61, _, _ =	vpop (xrf0);
	(xrf0) =	vmax.scan.msk.f32 $0xffff, v60  }
0x7f: {  	v10 =	vmax.f32 v17, v10;
	v17 =	vmax.f32 v28, v32;
	v28 =	vld [tilespmem:$0x3C58];
	v44 =	vsel vm1, $0xBF800000, v44;
	v62, _, _ =	vpop (xrf0);
	(xrf0) =	vmax.scan.msk.f32 $0xffff, v47  }
0x80: {  	v26 =	vmax.f32 v26, v33;
	v22 =	vmax.f32 v22, v30;
	v52 =	vld [tilespmem:$0x1F58];
	v53 =	vmax.f32 v0, v50;
	v51, _, _ =	vpop (xrf0);
	(xrf0) =	vmax.scan.msk.f32 $0xffff, v44  }
0x81: {  	s24 =	simm.s32 $0x0;
	v23 =	vmax.f32 v23, v31;
	v19 =	vmax.f32 v17, v19;
	v27 =	vmax.f32 v27, v49;
	v55 =	vld [tilespmem:$0x1FD8];
	v54, _, _ =	vpop (xrf0);
	(xrf0) =	vmax.scan.msk.f32 $0xffff, v53  }
0x82: {  	s1 =	sor.u32 s25, s5;
	v16 =	vld [tilespmem:$0x3D58];
	v21 =	vmax.f32 v26, v21;
	s26 =	sand.u32 $0x60, s24;
	s28 =	sand.u32 $0x1C00, s24;
	v20 =	vmax.f32 v20, v34;
	v25 =	vmax.f32 v25, v58;
	v56, _, _ =	vpop (xrf0);
	(xrf0) =	vmax.scan.msk.f32 $0xffff, v27  }
0x83: {  	v46 =	vld [tilespmem:s1+$0x0];
	v22 =	vmax.f32 v22, v11;
	s5 =	sor.u32 s26, s28;
	v24 =	vmax.f32 v24, v48;
	[tilespmem:$0x1FE60] =	vst v57;
	v57, _, _ =	vpop (xrf0);
	(xrf0) =	vmax.scan.msk.f32 $0xffff, v25  }
0x84: {  	v23 =	vmax.f32 v23, v12;
	v12 =	vld [tilespmem:s5+$0x80];
	[tilespmem:$0x1FE90] =	vst v59;
	v59, _, _ =	vpop (xrf0);
	(xrf0) =	vmax.scan.msk.f32 $0xffff, v24;
	v24 =	vmax.f32 v43, v5  }
0x85: {  	v10 =	vmax.f32 v10, v35;
	[tilespmem:$0x1FBB0] =	vst v58;
	v58 =	vld [tilespmem:$0x3CD8];
	v40, _, _ =	vpop (xrf0);
	(xrf0) =	vmax.scan.msk.f32 $0xffff, v24;
	v24 =	vmax.f32 v29, v63  }
0x86: {  	[tilespmem:$0x1FBD0] =	vst v5;
	v11 =	vmax.f32 v42, v52;
	v10 =	vmax.f32 v10, v55;
	v5 =	vld [tilespmem:$0x3DD8];
	v44, _, _ =	vpop (xrf0);
	(xrf0) =	vmax.scan.msk.f32 $0xffff, v24  }
0x87: {  	v13 =	vmax.f32 v20, v13;
	v15 =	vmax.f32 v15, v41;
	[tilespmem:$0x1FBE0] =	vst v63;
	v20, _, _ =	vpop (xrf0);
	(xrf0) =	vmax.scan.msk.f32 $0xffff, v11;
	v11 =	vld [tilespmem:s5+$0x0]  }
0x88: {  	v14 =	vmax.f32 v14, v39;
	[tilespmem:$0x1FEA0] =	vst v61;
	v61 =	vmax.f32 v15, v9;
	v9 =	vld [tilespmem:s5+$0x100];
	v24, _, _ =	vpop (xrf0);
	(xrf0) =	vmax.scan.msk.f32 $0xffff, v10  }
0x89: {  	v14 =	vmax.f32 v14, v8;
	v18 =	vmax.f32 v18, v45;
	[tilespmem:$0x1FC10] =	vst v28;
	v19 =	vmax.f32 v19, v28;
	v2 =	vld [tilespmem:s5+$0x180];
	v10, _, _ =	vpop (xrf0)  }
0x8a: {  	s25 =	simm.s32 $0x10;
	s1 =	sor.u32 s24, s24;
	v22 =	vmax.f32 v22, v16;
	v15 =	vld [tilespmem:s5+$0x200];
	[tilespmem:$0x1FEC0] =	vst v62;
	v62 =	vbroadcast v20, $0xF;
	v63 =	vbroadcast v24, $0xF;
	v25, _, _ =	vpop (xrf0)  }
0x8b: {  	s0 =	sand.u32 $0x70, s25;
	s1 =	sor.u32 $0x380, s1;
	v37 =	vld [tilespmem:s5+$0x280];
	[tilespmem:$0x1FC30] =	vst v16;
	v28 =	vmax.f32 v21, v58;
	v23 =	vmax.f32 v23, v5;
	v16 =	vbroadcast v10, $0xF;
	v26, _, _ =	vpop (xrf0)  }
0x8c: {  	s7 =	sor.u32 s0, s28;
	v39 =	vld [tilespmem:s1+$0x0];
	[tilespmem:$0x1FC40] =	vst v5;
	v5 =	vbroadcast v25, $0xF;
	v25 =	vsub.f32 v12, v63;
	v24, _, _ =	vpop (xrf0);
	v10 =	vsub.f32 v11, v62  }
0x8d: {  	v21 =	vbroadcast v26, $0xF;
	v26 =	vld [tilespmem:s7+$0x0];
	v8, _, _ =	vpop (xrf0);
	v20 =	vbroadcast v24, $0xF;
	v24 =	vsub.f32 v9, v16  }
0x8e: {  	v31 =	vld [tilespmem:s7+$0x80];
	v25 =	vmul.f32 $1.442695020e+00, v25;
	v29 =	vsub.f32 v2, v5;
	v27, _, _ =	vpop (xrf0);
	v10 =	vmul.f32 $1.442695020e+00, v10  }
0x8f: {  	s9 =	sor.u32 s25, s24;
	v30 =	vld [tilespmem:s7+$0x180];
	v42 =	vsub.f32 v15, v21;
	v17 =	vbroadcast v27, $0xF;
	v24 =	vmul.f32 $1.442695020e+00, v24  }
0x90: {  	s10 =	sor.u32 $0x380, s9;
	[tilespmem:$0x1FC20] =	vst v58;
	v27 =	vld [tilespmem:s7+$0x100];
	(erf) = vpow2.f32 v10;
	v10 =	vmul.f32 $1.442695020e+00, v29;
	v29 =	vsub.f32 v37, v20  }
0x91: {  	[tilespmem:$0x1FBC0] =	vst v48;
	v36 =	vld [tilespmem:s10+$0x0];
	(xrf0) =	vmax.scan.msk.f32 $0xffff, v19;
	v19 =	vmul.f32 $1.442695020e+00, v42;
	(erf) = vpow2.f32 v25  }
0x92: {  	[tilespmem:$0x1FBA0] =	vst v49;
	v43 =	vld [tilespmem:$0x3ED8];
	(erf) = vpow2.f32 v24;
	v24 =	vmul.f32 $1.442695020e+00, v29;
	v29 =	vsub.f32 v26, v62  }
0x93: {  	[tilespmem:$0x1FB90] =	vst v50;
	v60 =	vld [tilespmem:$0x3E58];
	(xrf0) =	vmax.scan.msk.f32 $0xffff, v28;
	v45 =	vsub.f32 v39, v17;
	(erf) = vpow2.f32 v10  }
0x94: {  	v28 =	vld [tilespmem:s7+$0x200];
	(xrf0) =	vmax.scan.msk.f32 $0xffff, v22;
	v22 =	vsub.f32 v31, v63;
	(erf) = vpow2.f32 v19;
	v19 =	vmul.f32 $1.442695020e+00, v29  }
0x95: {  	v18 =	vmax.f32 v18, v46;
	[tilespmem:$0x1FC80] =	vst v16;
	v25 =	vld [tilespmem:s7+$0x280];
	v10 =	vmul.f32 $1.442695020e+00, v45;
	v29 =	vsub.f32 v27, v16  }
0x96: {  	s11 =	sor.u32 $0x2080, s28;
	v46 =	vsub.f32 v30, v5;
	(xrf0) =	vmax.scan.msk.f32 $0xffff, v23;
	v22 =	vmul.f32 $1.442695020e+00, v22;
	v16 =	vld [tilespmem:$0x3F58];
	(erf) = vpow2.f32 v24  }
0x97: {  	s19 =	sor.u32 s0, s11;
	[tilespmem:$0x1FC90] =	vst v5;
	v5 =	vld [tilespmem:$0x3FD8];
	s7 =	sor.u32 $0x2000, s28;
	(erf) = vpow2.f32 v10;
	v10 =	vmax.f32 v14, v43;
	v14 =	vmul.f32 $1.442695020e+00, v29  }
0x98: {  	[tilespmem:$0x1FBF0] =	vst v52;
	v13 =	vmax.f32 v13, v60;
	v33 =	vmul.f32 $1.442695020e+00, v46;
	s18 =	sor.u32 s0, s7;
	v29 =	vld [tilespmem:s19+$0x0];
	(erf) = vpow2.f32 v19;
	v19, _, _ =	vpop (xrf0)  }
0x99: {  	v35 =	vld [tilespmem:s18+$0x0];
	(xrf0) =	vmax.scan.msk.f32 $0xffff, v13;
	v13 =	vsub.f32 v28, v21;
	(erf) = vpow2.f32 v22;
	v24 =	vbroadcast v19, $0xF  }
0x9a: {  	v22, _, _ =	vpop (xrf0);
	(xrf0) =	vmax.scan.msk.f32 $0xffff, v10;
	v10 =	vsub.f32 v25, v20;
	(erf) = vpow2.f32 v14;
	v19 =	vsub.f32 v36, v17  }
0x9b: {  	s13 =	sor.u32 $0x2100, s28;
	[tilespmem:$0x1FC00] =	vst v55;
	v32 =	vmax.f32 v61, v16;
	v14, _, _ =	vpop (xrf0);
	v13 =	vmul.f32 $1.442695020e+00, v13;
	v23 =	vbroadcast v22, $0xF  }
0x9c: {  	s20 =	sor.u32 s0, s13;
	v18 =	vmax.f32 v18, v5;
	s18 =	sor.u32 $0x2180, s28;
	(erf) = vpow2.f32 v33;
	v10 =	vmul.f32 $1.442695020e+00, v10;
	v22, _, _ =	vpop (xrf0);
	(xrf0) =	vmax.scan.msk.f32 $0xffff, v32  }
0x9d: {  	v41 =	vld [tilespmem:s20+$0x0];
	s30 =	sor.u32 s0, s18;
	s19 =	sor.u32 $0x2200, s28;
	v50 =	vpop (erf);
	(erf) = vpow2.f32 v13;
	v13 =	vmul.f32 $1.442695020e+00, v19;
	(xrf0) =	vmax.scan.msk.f32 $0xffff, v18;
	v18 =	vsub.f32 v29, v23  }
0x9e: {  	s10 =	sor.u32 $0x2280, s28;
	[tilespmem:$0x1FED0] =	vst v51;
	v42 =	vld [tilespmem:s30+$0x0];
	s31 =	sor.u32 s0, s19;
	v32 =	vpop (erf);
	(erf) = vpow2.f32 v10;
	v10 =	vsub.f32 v35, v24  }
0x9f: {  	s9 =	sor.u32 $0x2300, s28;
	s20 =	sor.u32 s0, s10;
	[tilespmem:$0x1FF10] =	vst v56;
	v33 =	vld [tilespmem:s31+$0x0];
	v51 =	vpop (erf);
	v18 =	vmul.f32 $1.442695020e+00, v18  }
0xa0: {  	s1 =	sor.u32 $0x2380, s28;
	v34 =	vld [tilespmem:s20+$0x0];
	[tilespmem:$0x1FCB0] =	vst v21;
	s28 =	sor.u32 s0, s9;
	v21 =	vbroadcast v14, $0xF;
	v52 =	vpop (erf);
	v14 =	vmul.f32 $1.442695020e+00, v10  }
0xa1: {  	[tilespmem:$0x1FCC0] =	vst v20;
	s0 =	sor.u32 s0, s1;
	v20 =	vbroadcast v22, $0xF;
	(erf) = vpow2.f32 v13;
	v10 =	vld [tilespmem:s28+$0x0];
	v13, _, _ =	vpop (xrf0)  }
0xa2: {  	[tilespmem:$0x1FCF0] =	vst v5;
	s7 =	sor.u32 s26, s7;
	v19 =	vld [tilespmem:s0+$0x0];
	v47, _, _ =	vpop (xrf0);
	(erf) = vpow2.f32 v14;
	v5 =	vbroadcast v13, $0xF;
	v13 =	vsub.f32 v41, v21  }
0xa3: {  	[tilespmem:$0x1FCE0] =	vst v16;
	v16 =	vld [tilespmem:s7+$0x0];
	v22 =	vsub.f32 v42, v20;
	(erf) = vpow2.f32 v18;
	v14 =	vbroadcast v47, $0xF;
	v18, _, _ =	vpop (xrf0)  }
0xa4: {  	s11 =	sor.u32 s26, s11;
	[tilespmem:$0x1FCD0] =	vst v17;
	v17 =	vbroadcast v18, $0xF;
	v13 =	vmul.f32 $1.442695020e+00, v13;
	v56, _, _ =	vpop (xrf0);
	v18 =	vsub.f32 v33, v5  }
0xa5: {  	s13 =	sor.u32 s26, s13;
	[tilespmem:$0x1FF50] =	vst v57;
	v45 =	vld [tilespmem:s11+$0x0];
	v22 =	vmul.f32 $1.442695020e+00, v22;
	v1 =	vbroadcast v56, $0xF;
	v57 =	vsub.f32 v34, v14  }
0xa6: {  	s20 =	sand.u32 $0x3, s24;
	[tilespmem:$0x1FCA0] =	vst v43;
	s30 =	sor.u32 s26, s18;
	v43 =	vld [tilespmem:s13+$0x0];
	v53 =	vpop (erf);
	(erf) = vpow2.f32 v13;
	v13 =	vmul.f32 $1.442695020e+00, v18;
	v18 =	vsub.f32 v10, v17  }
0xa7: {  	[tilespmem:$0x1FF00] =	vst v54;
	v49 =	vld [tilespmem:s30+$0x0];
	s11 =	sor.u32 s26, s19;
	s0 =	sshll.u32 s20, $0x5;
	v54 =	vpop (erf);
	(erf) = vpow2.f32 v22;
	v22 =	vmul.f32 $1.442695020e+00, v57;
	v58 =	vsub.f32 v19, v1  }
0xa8: {  	[tilespmem:$0x1FC50] =	vst v60;
	s18 =	sor.u32 s26, s10;
	s31 =	sand.u32 $0x7, s24;
	s0 =	sadd.s32 $0x0, s0;
	v46 =	vpop (erf);
	v47 =	vld [tilespmem:s11+$0x0];
	(erf) = vpow2.f32 v13;
	v13 =	vmul.f32 $1.442695020e+00, v18;
	v18 =	vsub.f32 v16, v24  }
0xa9: {  	[tilespmem:$0x1FF60] =	vst v59;
	v48 =	vld [tilespmem:s18+$0x0];
	s5 =	sshll.u32 s31, $0x4;
	s0 =	sor.u32 $0x300, s0;
	v55 =	vpop (erf);
	(erf) = vpow2.f32 v22;
	v22 =	vmul.f32 $1.442695020e+00, v58  }
0xaa: {  	s5 =	sadd.s32 $0x0, s5;
	v59 =	vsub.f32 v45, v23;
	[tilespmem:$0x1FD00] =	vst v56;
	v56 =	vpop (erf);
	v58 =	vld [tilespmem:s0+$0x0];
	(erf) = vpow2.f32 v13;
	v18 =	vmul.f32 $1.442695020e+00, v18  }
0xab: {  	[tilespmem:$0x1FC60] =	vst v62;
	s19 =	sor.u32 s26, s9;
	s5 =	sadd.s32 $0x10, s5;
	v0 =	vsub.f32 v43, v21;
	v57 =	vpop (erf);
	(erf) = vpow2.f32 v22  }
0xac: {  	s20 =	sor.u32 $0x300, s5;
	[tilespmem:$0x1FD60] =	vst v20;
	v60 =	vpop (erf);
	v22 =	vld [tilespmem:s19+$0x0];
	(erf) = vpow2.f32 v18;
	v18 =	vmul.f32 $1.442695020e+00, v59;
	v59 =	vsub.f32 v49, v20  }
0xad: {  	v62 =	vld [tilespmem:s20+$0x0];
	[tilespmem:$0x1FD70] =	vst v5;
	v5 =	vsub.f32 v47, v5;
	v20 =	vbroadcast v8, $0xF;
	v8 =	vmul.f32 $1.442695020e+00, v0  }
0xae: {  	[tilespmem:$0x1FC70] =	vst v63;
	v61 =	vpop (erf);
	v0 =	vsub.f32 v48, v14;
	(erf) = vpow2.f32 v18;
	v59 =	vmul.f32 $1.442695020e+00, v59  }
0xaf: {  	s26 =	sor.u32 s26, s1;
	[tilespmem:$0x1FD10] =	vst v10;
	v63 =	vpop (erf);
	v10 =	vsub.f32 v58, v20;
	(erf) = vpow2.f32 v8;
	v8 =	vmul.f32 $1.442695020e+00, v5  }
0xb0: {  	[tilespmem:$0x1FD80] =	vst v14;
	v14 =	vpop (erf);
	v18 =	vld [tilespmem:s26+$0x0];
	v0 =	vmul.f32 $1.442695020e+00, v0;
	(erf) = vpow2.f32 v59  }
0xb1: {  	v5 =	vpop (erf);
	v59 =	vsub.f32 v22, v17;
	(erf) = vpow2.f32 v8;
	v8 =	vmul.f32 $1.442695020e+00, v10  }
0xb2: {  	[tilespmem:$0x1FD40] =	vst v23;
	v23 =	vpop (erf);
	v10 =	vsub.f32 v62, v20;
	(erf) = vpow2.f32 v0  }
0xb3: {  	[tilespmem:$0x1FDA0] =	vst v20;
	v20 =	vpop (erf);
	v59 =	vmul.f32 $1.442695020e+00, v59;
	(erf) = vpow2.f32 v8  }
0xb4: {  	[tilespmem:$0x1FD20] =	vst v19;
	v8 =	vmul.f32 $1.442695020e+00, v10;
	v10 =	vbroadcast v7, $0xF;
	v7 =	vld [tilespmem:$0x1FFE0]  }
0xb5: {  	[tilespmem:$0x1FDB0] =	vst v1;
	v19 =	vbroadcast v3, $0xF;
	v0 =	vimm.f32 $0.0e+00;
	v1 =	vsub.f32 v18, v1  }
0xb6: {  	[tilespmem:$0x1FD90] =	vst v17;
	v13 =	vimm.f32 $-Inf;
	v17 =	vpop (erf);
	(erf) = vpow2.f32 v59;
	v59 =	vadd.f32 v50, v0  }
0xb7: {  	s30 =	scvt.s32.f32 s24;
	[tilespmem:$0x1FD30] =	vst v24;
	s31 =	scvt.s32.f32 s25;
	v24 =	vpop (erf);
	v32 =	vadd.f32 v32, v0;
	(erf) = vpow2.f32 v8;
	v8 =	vmul.f32 $1.442695020e+00, v1  }
0xb8: {  	v1 =	vadd.f32 v55, v59;
	v59 =	vbroadcast v38, $0xF;
	v38 =	vadd.f32 v53, v0  }
0xb9: {  	[tilespmem:$0x1FD50] =	vst v21;
	v21 =	vpop (erf);
	(erf) = vpow2.f32 v8;
	v50 =	vadd.f32 s30, v7;
	v55 =	vadd.f32 s31, v7  }
0xba: {  	v7 =	vbroadcast v4, $0xF;
	v4 =	vbroadcast v6, $0xF;
	v6 =	vadd.f32 v51, v0  }
0xbb: {  	[tilespmem:$0x1FDC0] =	vst v1;
	v1 =	vadd.f32 v56, v32;
	vm0 =	veq.f32 v50, v19;
	vm1 =	veq.f32 v50, v10  }
0xbc: {  	v57 =	vadd.f32 v57, v6;
	v8 =	vsel vm1, v12, v13;
	vm1 =	veq.f32 v55, v10  }
0xbd: {  	v3 =	vsel vm0, v11, v13;
	vm0 =	veq.f32 v55, v19;
	v12 =	vsel vm1, v31, v8;
	v31 =	vpop (erf)  }
0xbe: {  	v6 =	vadd.f32 v52, v0;
	v3 =	vsel vm0, v26, v3;
	vm0 =	veq.f32 v50, v7;
	v32 =	vpop (erf)  }
0xbf: {  	vm1 =	veq.f32 v50, v4;
	[tilespmem:$0x1FDF0] =	vst v3;
	v3 =	vsel vm0, v9, v13;
	vm0 =	veq.f32 v55, v7;
	v8 =	vpop (erf)  }
0xc0: {  	v2 =	vsel vm1, v2, v13;
	vm1 =	veq.f32 v55, v4;
	v3 =	vsel vm0, v27, v3;
	v52 =	vpop (erf)  }
0xc1: {  	v27 =	vsel vm1, v30, v2;
	vm0 =	veq.f32 v50, v59;
	[tilespmem:$0x1FE40] =	vst v3;
	v3 =	vadd.f32 v60, v6;
	v30 =	vpop (erf)  }
0xc2: {  	[tilespmem:$0x1FE30] =	vst v4;
	v4 =	vsel vm0, v15, v13;
	v15 =	vadd.f32 v61, v38;
	v61 =	vld [tilespmem:$0x1FEA0];
	v53 =	vpop (erf)  }
0xc3: {  	v6 =	vadd.f32 v54, v0;
	vm0 =	veq.f32 v55, v59;
	[tilespmem:$0x1FE50] =	vst v3;
	v3 =	vld [tilespmem:$0x1FE60];
	v54 =	vpop (erf)  }
0xc4: {  	[tilespmem:$0x1FE70] =	vst v59;
	v59 =	vld [tilespmem:$0x1FE90];
	v60 =	vsel vm0, v28, v4;
	v28 =	vpop (erf)  }
0xc5: {  	[tilespmem:$0x1FE10] =	vst v57;
	v57 =	vadd.f32 v63, v6;
	v63 =	vpop (erf)  }
0xc6: {  	v2 =	vadd.f32 v63, v0;
	v63 =	vld [tilespmem:$0x1FED0]  }
0xc7: {  	[tilespmem:$0x1FE00] =	vst v1;
	v1 =	vbroadcast v61, $0xF  }
0xc8: {  	v3 =	vbroadcast v3, $0xF  }
0xc9: {  	v6 =	vbroadcast v59, $0xF;
	vm1 =	veq.f32 v50, v1  }
0xca: {  	v61 =	vld [tilespmem:$0x1FEC0];
	v51 =	vsel vm1, v39, v13;
	vm1 =	veq.f32 v55, v1;
	vm0 =	veq.f32 v50, v3  }
0xcb: {  	v38 =	vpop (erf);
	[tilespmem:$0x1FEB0] =	vst v3;
	v37 =	vsel vm0, v37, v13;
	vm0 =	veq.f32 v55, v3;
	v3 =	vbroadcast v63, $0xF  }
0xcc: {  	v8 =	vadd.f32 v8, v0;
	[tilespmem:$0x1FE80] =	vst v57;
	v59 =	vld [tilespmem:$0x1FF10];
	v51 =	vsel vm1, v36, v51;
	v57 =	vsel vm0, v25, v37;
	v25 =	vpop (erf)  }
0xcd: {  	vm0 =	veq.f32 v50, v6;
	v26 =	vadd.f32 v25, v2;
	vm1 =	veq.f32 v50, v3  }
0xce: {  	v2 =	vadd.f32 v46, v0;
	v46 =	vadd.f32 v5, v8;
	v8 =	vsel vm1, v45, v13;
	v45 =	vld [tilespmem:$0x1FF00]  }
0xcf: {  	[tilespmem:$0x1FDD0] =	vst v19;
	v4 =	vbroadcast v61, $0xF;
	v61 =	vld [tilespmem:$0x1FF50];
	v25 =	vsel vm0, v58, v13;
	vm0 =	veq.f32 v55, v6  }
0xd0: {  	[tilespmem:$0x1FDE0] =	vst v10;
	v10 =	vimm.f32 $-Inf;
	v19 =	vsel vm0, v62, v25;
	v62 =	vld [tilespmem:$0x1FF60]  }
0xd1: {  	[tilespmem:$0x1FEF0] =	vst v1;
	v1 =	vbroadcast v59, $0xF;
	v63 =	vbroadcast v44, $0xF;
	vm0 =	veq.f32 v50, v4  }
0xd2: {  	v56 =	vadd.f32 v14, v2;
	v5 =	vsel vm0, v16, v13;
	vm0 =	veq.f32 v55, v4  }
0xd3: {  	[tilespmem:$0x1FF30] =	vst v3;
	vm1 =	veq.f32 v55, v3;
	v3 =	vbroadcast v40, $0xF;
	v58 =	vbroadcast v45, $0xF  }
0xd4: {  	[tilespmem:$0x1FEE0] =	vst v6;
	v14 =	vadd.f32 v53, v0;
	v39 =	vsel vm1, v29, v8;
	v6 =	vbroadcast v61, $0xF  }
0xd5: {  	[tilespmem:$0x1FF20] =	vst v4;
	v4 =	vbroadcast v62, $0xF;
	v45 =	vsel vm0, v35, v5;
	vm0 =	veq.f32 v50, v58  }
0xd6: {  	vm1 =	veq.f32 v55, v58;
	v5 =	vsel vm0, v43, v13;
	vm0 =	veq.f32 v50, v1  }
0xd7: {  	v36 =	vsel vm1, v41, v5;
	v5 =	vsel vm0, v49, v13;
	vm0 =	veq.f32 v55, v1  }
0xd8: {  	v8 =	vadd.f32 v30, v0;
	v35 =	vsel vm0, v42, v5;
	v5 =	vadd.f32 v52, v0  }
0xd9: {  	[tilespmem:$0x1FE20] =	vst v7;
	v37 =	vadd.f32 v17, v14;
	vm1 =	veq.f32 v50, v4;
	vm0 =	veq.f32 v50, v6  }
0xda: {  	[tilespmem:$0x1FF70] =	vst v1;
	v43 =	vadd.f32 v23, v5;
	v5 =	vsel vm0, v47, v13;
	vm0 =	veq.f32 v55, v6  }
0xdb: {  	[tilespmem:$0x1FFB0] =	vst v63;
	v14 =	vadd.f32 v28, v0;
	v30 =	vsel vm0, v33, v5;
	v5 =	vsel vm1, v48, v13  }
0xdc: {  	vm3 =	veq.f32 v50, v63;
	[tilespmem:$0x1FFA0] =	vst v3;
	v41 =	vadd.f32 v20, v8;
	v8 =	vadd.f32 v54, v0  }
0xdd: {  	vm14 =	veq.f32 v55, v63;
	vm11 =	veq.f32 v50, v3;
	[tilespmem:$0x1FF80] =	vst v6;
	vm0 =	veq.f32 v55, v4  }
0xde: {  	s29 =	simm.s32 $0x0;
	v28 =	vadd.f32 v21, v14;
	[tilespmem:$0x1FF90] =	vst v4;
	v33 =	vadd.f32 v24, v8;
	v29 =	vsel vm0, v34, v5;
	v5 =	vpop (erf)  }
0xdf: {  	s25 =	simm.s32 $0x0;
	s28 =	simm.s32 $0x0;
	s26 =	simm.s32 $0x20;
	vm15 =	veq.f32 v55, v3;
	[tilespmem:$0x1FF40] =	vst v58;
	v8 =	vadd.f32 v38, v0;
	v5 =	vadd.f32 v5, v0  }
.LBB2_5:
0xe0: {  	v62 =	vld [tilespmem:$0x1FD10]  }
0xe1: {  	[tilespmem:$0x1FB00] =	vst v33;
	v33 =	vld [tilespmem:$0x1FFE0]  }
0xe2: {  	[tilespmem:$0x1F930] =	vst v12;
	v12 =	vld [tilespmem:$0x1FDD0]  }
0xe3: {  	[tilespmem:$0x1FA30] =	vst v43;
	v11 =	vld [tilespmem:$0x1FDE0]  }
0xe4: {  	[tilespmem:$0x1FAA0] =	vst v37;
	v9 =	vld [tilespmem:$0x1FE70]  }
0xe5: {  	[tilespmem:$0x1FAD0] =	vst v36;
	v6 =	vld [tilespmem:$0x1FEE0]  }
0xe6: {  	[tilespmem:$0x1FA80] =	vst v39;
	v39 =	vld [tilespmem:$0x1FEF0]  }
0xe7: {  	[tilespmem:$0x1FA60] =	vst v41;
	v4 =	vld [tilespmem:$0x1FF20]  }
0xe8: {  	[tilespmem:$0x1F950] =	vst v15;
	v63 =	vadd.f32 v32, v5;
	v32 =	vld [tilespmem:$0x1FD20]  }
0xe9: {  	[tilespmem:$0x1FAF0] =	vst v35;
	v0 =	vsel vm3, v18, v10;
	v10 =	vld [tilespmem:$0x1FE20]  }
0xea: {  	[tilespmem:$0x1F970] =	vst v27;
	s0 =	scvt.s32.f32 s26;
	v1 =	vadd.f32 v31, v8;
	v8 =	vld [tilespmem:$0x1FE30]  }
0xeb: {  	[tilespmem:$0x1F9C0] =	vst v26;
	v3 =	vld [tilespmem:$0x1FF30];
	v7 =	vsel vm11, v22, v13  }
0xec: {  	[tilespmem:$0x1FB70] =	vst v1;
	v1 =	vsel vm15, v62, v7;
	v5 =	vadd.f32 s0, v33;
	v7 =	vld [tilespmem:$0x1FEB0]  }
0xed: {  	[tilespmem:$0x1FB20] =	vst v30;
	v34 =	vimm.s32 $0x0;
	v2 =	vld [tilespmem:$0x1FF40]  }
0xee: {  	[tilespmem:$0x1FB50] =	vst v29;
	s5 =	sadd.s32 $0x10, s26;
	v35 =	vimm.s32 $0x0;
	v27 =	vld [tilespmem:$0x1FF80];
	v0 =	vsel vm14, v32, v0;
	vm0 =	veq.f32 v5, v10  }
0xef: {  	v36 =	vimm.s32 $0x0;
	v26 =	vld [tilespmem:$0x1FF90];
	s1 =	scvt.s32.f32 s5;
	[tilespmem:$0x1F9E0] =	vst v0;
	v0 =	vsel vm0, $0xFFFFFFFF, v34;
	vm0 =	veq.f32 v5, v8  }
0xf0: {  	s24 =	sadd.s32 $0x100, s24;
	v37 =	vimm.s32 $0x0;
	v21 =	vld [tilespmem:$0x1FFA0];
	[tilespmem:$0x1F940] =	vst v0;
	v0 =	vsel vm0, $0xFFFFFFFF, v35;
	vm0 =	veq.f32 v5, v9  }
0xf1: {  	s30 =	sand.u32 $0x60, s26;
	v15 =	vld [tilespmem:$0x1FFB0];
	v23 =	vadd.f32 s1, v33;
	s1 =	sand.u32 $0x1C00, s24;
	[tilespmem:$0x1F960] =	vst v0;
	v0 =	vsel vm0, $0xFFFFFFFF, v36;
	vm0 =	veq.f32 v5, v7  }
0xf2: {  	v38 =	vimm.s32 $0x0;
	v47 =	vld [tilespmem:$0x1FCD0];
	s20 =	sor.u32 s30, s1;
	[tilespmem:$0x1F980] =	vst v0;
	v0 =	vsel vm0, $0xFFFFFFFF, v37;
	vm0 =	veq.f32 v5, v6  }
0xf3: {  	v40 =	vimm.s32 $0x0;
	v29 =	vld [tilespmem:s20+$0x0];
	[tilespmem:$0x1F9B0] =	vst v0;
	v0 =	vsel vm0, $0xFFFFFFFF, v38;
	vm0 =	veq.f32 v5, v39  }
0xf4: {  	v41 =	vimm.s32 $0x0;
	[tilespmem:$0x1F9A0] =	vst v1;
	v30 =	vld [tilespmem:s20+$0x80];
	v1 =	vsel vm0, $0xFFFFFFFF, v40;
	vm0 =	veq.f32 v5, v4  }
0xf5: {  	v42 =	vimm.s32 $0x0;
	v24 =	vld [tilespmem:s20+$0x100];
	[tilespmem:$0x1F9F0] =	vst v1;
	v1 =	vsel vm0, $0xFFFFFFFF, v41;
	vm0 =	veq.f32 v5, v3  }
0xf6: {  	v43 =	vimm.s32 $0x0;
	v25 =	vld [tilespmem:s20+$0x180];
	[tilespmem:$0x1FA40] =	vst v1;
	v1 =	vsel vm0, $0xFFFFFFFF, v42;
	vm0 =	veq.f32 v5, v2  }
0xf7: {  	v14 =	vld [tilespmem:s20+$0x200];
	[tilespmem:$0x1FA70] =	vst v1;
	v1 =	vsel vm0, $0xFFFFFFFF, v43  }
0xf8: {  	[tilespmem:$0x1FAC0] =	vst v1;
	v1 =	vld [tilespmem:$0x1FF70]  }
0xf9: {  	[tilespmem:$0x1FB40] =	vst v28;
	s7 =	sor.u32 s26, s24;
	v28 =	vld [tilespmem:s20+$0x280]  }
0xfa: {  	s7 =	sor.u32 $0x380, s7;
	s0 =	sand.u32 $0x70, s5;
	vm9 =	veq.f32 v5, v11;
	vm2 =	veq.f32 v23, v11;
	v11 =	vld [tilespmem:$0x1FC70]  }
0xfb: {  	s31 =	sor.u32 s0, s1;
	vm7 =	veq.f32 v5, v12;
	vm1 =	veq.f32 v23, v12;
	v12 =	vld [tilespmem:s7+$0x0]  }
0xfc: {  	s5 =	sor.u32 s5, s24;
	v52 =	vld [tilespmem:s31+$0x0]  }
0xfd: {  	v13 =	vimm.s32 $0x0;
	s5 =	sor.u32 $0x380, s5;
	s10 =	sor.u32 $0x2180, s1;
	v54 =	vld [tilespmem:s31+$0x80];
	vm0 =	veq.f32 v5, v1  }
0xfe: {  	v33 =	vld [tilespmem:s5+$0x0];
	s20 =	sor.u32 s0, s10;
	v13 =	vsel vm0, $0xFFFFFFFF, v13  }
0xff: {  	s19 =	sor.u32 $0x2000, s1;
	v48 =	vld [tilespmem:s20+$0x0];
	vm0 =	veq.f32 v5, v27;
	[tilespmem:$0x1FAE0] =	vst v13;
	v13 =	vimm.s32 $0x0  }
0x100: {  	vm8 =	veq.f32 v23, v9;
	s7 =	sor.u32 s0, s19;
	s19 =	sor.u32 s30, s19;
	v9 =	vld [tilespmem:$0x1FC60];
	v13 =	vsel vm0, $0xFFFFFFFF, v13  }
0x101: {  	v58 =	vld [tilespmem:s19+$0x0];
	vm6 =	veq.f32 v23, v7;
	vm0 =	veq.f32 v5, v26;
	[tilespmem:$0x1FB30] =	vst v13;
	v13 =	vimm.s32 $0x0  }
0x102: {  	v7 =	vld [tilespmem:$0x1FC80];
	v13 =	vsel vm0, $0xFFFFFFFF, v13;
	vm0 =	veq.f32 v23, v6;
	v6 =	vimm.s32 $0x0  }
0x103: {  	[tilespmem:$0x1FA50] =	vst v45;
	v44 =	vimm.s32 $0x0;
	v34 =	vld [tilespmem:s7+$0x0];
	v6 =	vsel vm0, $0xFFFFFFFF, v6  }
0x104: {  	v45 =	vimm.s32 $0x0;
	vm11 =	veq.f32 v5, v21;
	vm3 =	veq.f32 v5, v15;
	[tilespmem:$0x1FA20] =	vst v6;
	v6 =	vld [tilespmem:$0x1FC90]  }
0x105: {  	vm5 =	veq.f32 v23, v8;
	v5 =	vsub.f32 v29, v9;
	vm0 =	veq.f32 v23, v4;
	v4 =	vld [tilespmem:$0x1FCB0]  }
0x106: {  	s18 =	sor.u32 $0x2080, s1;
	v8 =	vsub.f32 v30, v11;
	[tilespmem:$0x1F9D0] =	vst v0;
	v0 =	vsel vm0, $0xFFFFFFFF, v44;
	vm0 =	veq.f32 v23, v3;
	v3 =	vld [tilespmem:$0x1FCC0]  }
0x107: {  	[tilespmem:$0x1FA10] =	vst v46;
	s13 =	sor.u32 $0x2100, s1;
	s9 =	sor.u32 s0, s18;
	vm4 =	veq.f32 v23, v10;
	v35 =	vld [tilespmem:s31+$0x200];
	v10 =	vsub.f32 v24, v7;
	v5 =	vmul.f32 $1.442695020e+00, v5  }
0x108: {  	v46 =	vimm.s32 $0x0;
	vm10 =	veq.f32 v23, v39;
	s11 =	sor.u32 s0, s13;
	[tilespmem:$0x1F990] =	vst v14;
	v36 =	vld [tilespmem:s9+$0x0];
	v8 =	vmul.f32 $1.442695020e+00, v8  }
0x109: {  	v37 =	vld [tilespmem:s11+$0x0];
	v10 =	vmul.f32 $1.442695020e+00, v10;
	[tilespmem:$0x1FB60] =	vst v13;
	(erf) = vpow2.f32 v5;
	v13 =	vsub.f32 v25, v6  }
0x10a: {  	s5 =	sor.u32 $0x2300, s1;
	v38 =	vld [tilespmem:s31+$0x100];
	[tilespmem:$0x1FA90] =	vst v0;
	v0 =	vsel vm0, $0xFFFFFFFF, v45;
	vm0 =	veq.f32 v23, v2;
	v14 =	vsub.f32 v14, v4  }
0x10b: {  	s11 =	sor.u32 s0, s5;
	v39 =	vld [tilespmem:s31+$0x180];
	(erf) = vpow2.f32 v8;
	v5 =	vmul.f32 $1.442695020e+00, v13;
	v13 =	vsub.f32 v28, v3  }
0x10c: {  	s9 =	sor.u32 $0x2200, s1;
	v49 =	vld [tilespmem:s11+$0x0];
	(erf) = vpow2.f32 v10;
	v8 =	vmul.f32 $1.442695020e+00, v14;
	v14 =	vsub.f32 v12, v47  }
0x10d: {  	s20 =	sor.u32 s0, s9;
	v41 =	vld [tilespmem:s31+$0x280];
	v10 =	vmul.f32 $1.442695020e+00, v13;
	v13 =	vsub.f32 v52, v9;
	(erf) = vpow2.f32 v5  }
0x10e: {  	v42 =	vld [tilespmem:s20+$0x0];
	v5 =	vmul.f32 $1.442695020e+00, v14;
	v14 =	vsub.f32 v54, v11;
	(erf) = vpow2.f32 v8  }
0x10f: {  	v11 =	vld [tilespmem:$0x1FD30];
	v8 =	vmul.f32 $1.442695020e+00, v13;
	v13 =	vsub.f32 v38, v7;
	(erf) = vpow2.f32 v10  }
0x110: {  	v2 =	vld [tilespmem:$0x1FD60];
	v10 =	vmul.f32 $1.442695020e+00, v14;
	v14 =	vsub.f32 v39, v6;
	(erf) = vpow2.f32 v5  }
0x111: {  	s7 =	sor.u32 $0x2280, s1;
	v9 =	vld [tilespmem:$0x1FD40];
	v5 =	vmul.f32 $1.442695020e+00, v13;
	v13 =	vsub.f32 v35, v4;
	(erf) = vpow2.f32 v8  }
0x112: {  	s31 =	sor.u32 s0, s7;
	v7 =	vld [tilespmem:$0x1FD50];
	v8 =	vmul.f32 $1.442695020e+00, v14;
	v14 =	vsub.f32 v41, v3;
	(erf) = vpow2.f32 v10  }
0x113: {  	v55 =	vld [tilespmem:s31+$0x0];
	v32 =	vpop (erf);
	v10 =	vsub.f32 v33, v47;
	v13 =	vmul.f32 $1.442695020e+00, v13;
	(erf) = vpow2.f32 v5  }
0x114: {  	[tilespmem:$0x1FA00] =	vst v12;
	v12 =	vld [tilespmem:$0x1FDB0];
	v17 =	vpop (erf);
	v5 =	vmul.f32 $1.442695020e+00, v14;
	v14 =	vsub.f32 v34, v11;
	(erf) = vpow2.f32 v8  }
0x115: {  	s1 =	sor.u32 $0x2380, s1;
	[tilespmem:$0x1FAB0] =	vst v0;
	v0 =	vsel vm0, $0xFFFFFFFF, v46;
	v43 =	vpop (erf);
	v3 =	vld [tilespmem:$0x1FD70];
	v8 =	vmul.f32 $1.442695020e+00, v10;
	(erf) = vpow2.f32 v13  }
0x116: {  	s0 =	sor.u32 s0, s1;
	v6 =	vsub.f32 v48, v2;
	v4 =	vld [tilespmem:$0x1FD80];
	v13 =	vmul.f32 $1.442695020e+00, v14;
	v45 =	vpop (erf);
	(erf) = vpow2.f32 v5  }
0x117: {  	s28 =	sadd.s32 $0x1, s28;
	v16 =	vsub.f32 v36, v9;
	v10 =	vld [tilespmem:s0+$0x0];
	v14 =	vsub.f32 v37, v7;
	v46 =	vpop (erf);
	(erf) = vpow2.f32 v8  }
0x118: {  	s20 =	sor.u32 s30, s13;
	s31 =	sand.u32 $0x3, s28;
	v44 =	vpop (erf);
	(erf) = vpow2.f32 v13;
	v13 =	vmul.f32 $1.442695020e+00, v6;
	v6 =	vld [tilespmem:$0x1FD90]  }
0x119: {  	s29 =	sadd.s32 $0x2, s29;
	s19 =	sor.u32 s30, s18;
	s13 =	sshll.u32 s31, $0x5;
	v5 =	vmul.f32 $1.442695020e+00, v16;
	v8 =	vmul.f32 $1.442695020e+00, v14;
	v14 =	vld [tilespmem:s20+$0x0]  }
0x11a: {  	v20 =	vmov v51;
	s18 =	sand.u32 $0x7, s29;
	v62 =	vld [tilespmem:s19+$0x0];
	s11 =	sor.u32 s30, s10;
	s31 =	sadd.s32 s13, s24;
	vm12 =	veq.f32 v23, v1;
	v18 =	vsub.f32 v42, v3  }
0x11b: {  	[tilespmem:$0x1FB10] =	vst v0;
	v0 =	vmov v57;
	v31 =	vsub.f32 v55, v4;
	s20 =	sshll.u32 s18, $0x4;
	s18 =	sor.u32 $0x300, s31;
	v16 =	vpop (erf);
	(erf) = vpow2.f32 v5;
	v5 =	vld [tilespmem:s11+$0x0]  }
0x11c: {  	s19 =	sor.u32 s30, s9;
	v11 =	vsub.f32 v58, v11;
	v18 =	vmul.f32 $1.442695020e+00, v18;
	[tilespmem:$0x1FD20] =	vst v10;
	v50 =	vsub.f32 v10, v12;
	v10 =	vmovc v56;
	v56 =	vld [tilespmem:s18+$0x0]  }
0x11d: {  	[tilespmem:$0x1FD10] =	vst v49;
	v31 =	vmul.f32 $1.442695020e+00, v31;
	s11 =	sor.u32 s30, s7;
	v47 =	vsub.f32 v49, v6;
	v49 =	vpop (erf);
	(erf) = vpow2.f32 v8;
	v8 =	vld [tilespmem:s19+$0x0]  }
0x11e: {  	v40 =	vld [tilespmem:s11+$0x0];
	v50 =	vmul.f32 $1.442695020e+00, v50;
	v59 =	vsub.f32 v14, v7;
	v51 =	vpop (erf);
	(erf) = vpow2.f32 v13  }
0x11f: {  	s13 =	sadd.s32 s24, s20;
	v47 =	vmul.f32 $1.442695020e+00, v47;
	v53 =	vpop (erf);
	(erf) = vpow2.f32 v18;
	v18 =	vsub.f32 v62, v9;
	v9 =	vld [tilespmem:$0x1FDA0]  }
0x120: {  	s20 =	sadd.s32 $0x10, s13;
	s19 =	sor.u32 s30, s5;
	v13 =	vmov v60;
	v57 =	vpop (erf);
	(erf) = vpow2.f32 v31;
	v31 =	vmul.f32 $1.442695020e+00, v11  }
0x121: {  	s31 =	sor.u32 $0x300, s20;
	v22 =	vld [tilespmem:s19+$0x0];
	v61 =	vsub.f32 v5, v2;
	v11 =	vmul.f32 $1.442695020e+00, v59;
	v60 =	vpop (erf);
	(erf) = vpow2.f32 v47  }
0x122: {  	[tilespmem:$0x1FB80] =	vst v63;
	v63 =	vld [tilespmem:s31+$0x0];
	v7 =	vmul.f32 $1.442695020e+00, v18;
	v2 =	vpop (erf);
	(erf) = vpow2.f32 v50;
	v50 =	vsub.f32 v8, v3  }
0x123: {  	s1 =	sor.u32 s30, s1;
	v1 =	vld [tilespmem:$0x1FDC0];
	(erf) = vpow2.f32 v31;
	v31 =	vmul.f32 $1.442695020e+00, v61;
	v61 =	vsub.f32 v40, v4  }
0x124: {  	v18 =	vld [tilespmem:s1+$0x0];
	v3 =	vpop (erf);
	(erf) = vpow2.f32 v7;
	v4 =	vsub.f32 v56, v9;
	v59 =	vmul.f32 $1.442695020e+00, v50  }
0x125: {  	v47 =	vpop (erf);
	(erf) = vpow2.f32 v11;
	v11 =	vmul.f32 $1.442695020e+00, v61  }
0x126: {  	v6 =	vsub.f32 v22, v6;
	v50 =	vpop (erf);
	(erf) = vpow2.f32 v31;
	v4 =	vmul.f32 $1.442695020e+00, v4  }
0x127: {  	vm0 =	veq.f32 v23, v27;
	v31 =	vsub.f32 v63, v9;
	v7 =	vpop (erf);
	(erf) = vpow2.f32 v59  }
0x128: {  	v27 =	vadd.f32 v32, v1;
	v6 =	vmul.f32 $1.442695020e+00, v6;
	v59 =	vpop (erf);
	(erf) = vpow2.f32 v11  }
0x129: {  	v9 =	vsub.f32 v18, v12;
	v12 =	vmul.f32 $1.442695020e+00, v31;
	v61 =	vpop (erf);
	(erf) = vpow2.f32 v4  }
0x12a: {  	v4 =	vpop (erf);
	(erf) = vpow2.f32 v6  }
0x12b: {  	v31 =	vpop (erf);
	(erf) = vpow2.f32 v12;
	v12 =	vadd.f32 v49, v27;
	_ =	sdelay $0x1  }
0x12c: {  	[tilespmem:$0x1FDC0] =	vst v12;
	v12 =	vld [tilespmem:$0x1F930];
	_ =	sdelay $0x3  }
0x12d: {  	v1 =	vld [tilespmem:$0x1FDF0]  }
0x12e: {  	vm14 =	veq.f32 v23, v15;
	v15 =	vsel vm9, v30, v12;
	v12 =	vld [tilespmem:$0x1FE10];
	_ =	sdelay $0x3  }
0x12f: {  	vm13 =	veq.f32 v23, v26;
	vm15 =	veq.f32 v23, v21;
	v23 =	vsel vm7, v29, v1  }
0x130: {  	v21 =	vadd.f32 v43, v12;
	v12 =	vsel vm1, v52, v23  }
0x131: {  	[tilespmem:$0x1FDF0] =	vst v12;
	v12 =	vld [tilespmem:$0x1FE50];
	_ =	sdelay $0x1  }
0x132: {  	v1 =	vld [tilespmem:$0x1FE00]  }
0x133: {  	v49 =	vld [tilespmem:$0x1F970]  }
0x134: {  	v43 =	vld [tilespmem:$0x1F950]  }
0x135: {  	v27 =	vadd.f32 v45, v12;
	v12 =	vsel vm2, v54, v15;
	v15 =	vld [tilespmem:$0x1F940]  }
0x136: {  	v54 =	vld [tilespmem:$0x1FE40]  }
0x137: {  	v45 =	vadd.f32 v53, v21;
	v53 =	vld [tilespmem:$0x1FE80]  }
0x138: {  	v52 =	vadd.f32 v57, v27;
	v57 =	vld [tilespmem:$0x1F990]  }
0x139: {  	[tilespmem:$0x1FE10] =	vst v45;
	v45 =	vld [tilespmem:$0x1FA00]  }
0x13a: {  	vm1 =	vnez.u8 v15;
	v15 =	vadd.f32 v46, v43;
	v46 =	vld [tilespmem:$0x1F960]  }
0x13b: {  	v9 =	vmul.f32 $1.442695020e+00, v9;
	v43 =	vld [tilespmem:$0x1F9D0]  }
0x13c: {  	v32 =	vpop (erf);
	v29 =	vadd.f32 v44, v53;
	v44 =	vld [tilespmem:$0x1F9F0]  }
0x13d: {  	v1 =	vadd.f32 v17, v1;
	v11 =	vpop (erf);
	v26 =	vsel vm1, v24, v54;
	v54 =	vld [tilespmem:$0x1F980]  }
0x13e: {  	v6 =	vpop (erf);
	v15 =	vadd.f32 v60, v15;
	v60 =	vld [tilespmem:$0x1F9B0]  }
0x13f: {  	v1 =	vadd.f32 v51, v1;
	(erf) = vpow2.f32 v9;
	v9 =	vpop (erf);
	v51 =	vsel vm4, v38, v26;
	v38 =	vld [tilespmem:$0x1F9C0]  }
0x140: {  	v17 =	vpop (erf);
	[tilespmem:$0x1FE40] =	vst v51;
	v51 =	vld [tilespmem:$0x1FA30];
	vm1 =	vnez.u8 v46  }
0x141: {  	v23 =	vpop (erf);
	v21 =	vsel vm1, v25, v49;
	v49 =	vld [tilespmem:$0x1FA20]  }
0x142: {  	v16 =	vadd.f32 v16, v10;
	[tilespmem:$0x1FE50] =	vst v52;
	v52 =	vld [tilespmem:$0x1FA40];
	v24 =	vpop (erf);
	vm1 =	vnez.u8 v54  }
0x143: {  	v53 =	vld [tilespmem:$0x1FA50];
	v25 =	vpop (erf);
	v27 =	vsel vm5, v39, v21;
	v21 =	vsel vm1, v57, v13;
	vm1 =	vnez.u8 v60  }
0x144: {  	v46 =	vld [tilespmem:$0x1FA10];
	v25 =	vadd.f32 v25, v38;
	v28 =	vsel vm1, v28, v0;
	vm1 =	vnez.u8 v43  }
0x145: {  	v54 =	vld [tilespmem:$0x1FA60];
	v60 =	vsel vm8, v35, v21;
	v21 =	vsel vm1, v56, v19;
	vm1 =	vnez.u8 v44  }
0x146: {  	v38 =	vld [tilespmem:$0x1FAC0];
	v6 =	vadd.f32 v6, v51;
	v20 =	vsel vm1, v45, v20;
	vm1 =	vnez.u8 v49  }
0x147: {  	v51 =	vsel vm10, v33, v20;
	v33 =	vld [tilespmem:$0x1FA90];
	v19 =	vsel vm1, v63, v21;
	vm1 =	vnez.u8 v52  }
0x148: {  	v56 =	vadd.f32 v3, v16;
	v3 =	vsel vm1, v58, v53;
	v58 =	vld [tilespmem:$0x1FA70]  }
0x149: {  	v63 =	vld [tilespmem:$0x1FA80]  }
0x14a: {  	v35 =	vld [tilespmem:$0x1FAB0]  }
0x14b: {  	v44 =	vld [tilespmem:$0x1FAD0]  }
0x14c: {  	v11 =	vadd.f32 v11, v46;
	v43 =	vadd.f32 v50, v6;
	v50 =	vld [tilespmem:$0x1FB00]  }
0x14d: {  	v49 =	vld [tilespmem:$0x1FAF0];
	vm1 =	vnez.u8 v58  }
0x14e: {  	v30 =	vpop (erf);
	v46 =	vadd.f32 v47, v11;
	v47 =	vld [tilespmem:$0x1FAE0];
	v11 =	vsel vm1, v62, v63;
	vm1 =	vnez.u8 v33  }
0x14f: {  	v57 =	vsel vm6, v41, v28;
	v41 =	vpop (erf);
	v9 =	vadd.f32 v9, v54;
	v45 =	vsel vm1, v34, v3;
	v34 =	vld [tilespmem:$0x1FAA0]  }
0x150: {  	v39 =	vadd.f32 v2, v29;
	v26 =	vadd.f32 v41, v25;
	v52 =	vld [tilespmem:$0x1FB10]  }
0x151: {  	v54 =	vld [tilespmem:$0x1FB30];
	v41 =	vadd.f32 v7, v9;
	v7 =	vadd.f32 v23, v50  }
0x152: {  	v53 =	vld [tilespmem:$0x1FB20];
	vm1 =	vnez.u8 v35  }
0x153: {  	[tilespmem:$0x1FE80] =	vst v39;
	v58 =	vld [tilespmem:$0x1FB40];
	v33 =	vadd.f32 v61, v7;
	v39 =	vsel vm1, v36, v11;
	vm1 =	vnez.u8 v38  }
0x154: {  	v61 =	vld [tilespmem:$0x1FB60];
	v6 =	vsel vm1, v14, v44;
	vm1 =	vnez.u8 v47;
	v3 =	vadd.f32 v17, v34  }
0x155: {  	v63 =	vld [tilespmem:$0x1FB80];
	v5 =	vsel vm1, v5, v49;
	vm1 =	vnez.u8 v52  }
0x156: {  	s25 =	sadd.s32 $0x2, s25;
	v36 =	vsel vm1, v37, v6;
	v37 =	vadd.f32 v59, v3;
	v59 =	vld [tilespmem:$0x1FB50]  }
0x157: {  	p0 =	slt.u32 s25, $0x3C;
	v62 =	vld [tilespmem:$0x1FB70]  }
.Ltmp3:
0x158: {  	_ = 	snop;
	(pc) =	sbr.rel @p0 .LBB2_5-.Ltmp3, $4  }
0x159: {  	vm1 =	vnez.u8 v54;
	v6 =	vadd.f32 v24, v58  }
0x15a: {  	v2 =	vpop (erf);
	v35 =	vsel vm12, v48, v5;
	v3 =	vsel vm1, v8, v53;
	vm1 =	vnez.u8 v61  }
0x15b: {  	v10 =	vld [tilespmem:$0x1F9E0];
	v5 =	vadd.f32 v2, v63;
	v28 =	vadd.f32 v4, v6;
	v7 =	vsel vm1, v40, v59  }
0x15c: {  	s26 =	sadd.s32 $0x20, s26;
	[tilespmem:$0x1FE00] =	vst v1;
	v13 =	vld [tilespmem:$0x1F9A0];
	v8 =	vadd.f32 v30, v62;
	v30 =	vsel vm0, v42, v3;
	v29 =	vsel vm13, v55, v7  }
0x15d: {  	v7 =	vld [tilespmem:$0x1FB90]  }
0x15e: {  	v17 =	vld [tilespmem:$0x1FC60];
	_ =	sdelay $0x3  }
0x15f: {  	v6 =	vld [tilespmem:$0x1FBA0]  }
0x160: {  	v21 =	vld [tilespmem:$0x1FC70];
	v2 =	vsub.f32 v7, v17;
	_ =	sdelay $0x1  }
0x161: {  	v2 =	vmul.f32 $1.442695020e+00, v2;
	_ =	sdelay $0x1  }
0x162: {  	(erf) = vpow2.f32 v2  }
0x163: {  	v3 =	vsub.f32 v6, v21;
	_ =	sdelay $0x1  }
0x164: {  	v2 =	vmul.f32 $1.442695020e+00, v3;
	_ =	sdelay $0x1  }
0x165: {  	(erf) = vpow2.f32 v2  }
0x166: {  	v0 =	vld [tilespmem:$0x1FDC0];
	_ =	sdelay $0x1  }
0x167: {  	v9 =	vld [tilespmem:$0x1FBB0]  }
0x168: {  	v25 =	vld [tilespmem:$0x1FC80];
	vm5 =	vmmov $0xff;
	v3 =	vpop (erf)  }
0x169: {  	v3 =	vsel vm5, $0x0, v3  }
0x16a: {  	v3 =	vadd.f32 v0, v3;
	v0 =	vld [tilespmem:$0x1FE00]  }
0x16b: {  	v16 =	vld [tilespmem:$0x1FBC0]  }
0x16c: {  	v24 =	vld [tilespmem:$0x1FC90]  }
0x16d: {  	v11 =	vld [tilespmem:$0x1FBD0];
	v2 =	vsub.f32 v9, v25;
	v4 =	vpop (erf)  }
0x16e: {  	v14 =	vld [tilespmem:$0x1FFC0];
	(xrf2) =	vadd.scan.msk.f32 $0xffff, v3;
	v3 =	vsel vm5, $0x0, v4  }
0x16f: {  	v2 =	vmul.f32 $1.442695020e+00, v2;
	v1 =	vadd.f32 v0, v3;
	v0 =	vld [tilespmem:$0x1FDD0]  }
0x170: {  	v23 =	vld [tilespmem:$0x1FCB0]  }
0x171: {  	(erf) = vpow2.f32 v2;
	v2 =	vsub.f32 v16, v24;
	_ =	sdelay $0x1  }
0x172: {  	v2 =	vmul.f32 $1.442695020e+00, v2  }
0x173: {  	vm0 =	veq.f32 v0, v14;
	v0 =	vld [tilespmem:$0x1FDF0]  }
0x174: {  	(erf) = vpow2.f32 v2;
	v2 =	vsub.f32 v11, v23;
	_ =	sdelay $0x1  }
0x175: {  	vm4 =	vcmask $0x3F20;
	v2 =	vmul.f32 $1.442695020e+00, v2  }
0x176: {  	vm0 =	vmand vm0, vm4  }
0x177: {  	(erf) = vpow2.f32 v2;
	v2 =	vsel vm0, v7, v0;
	v0 =	vld [tilespmem:$0x1FDE0];
	_ =	sdelay $0x1  }
0x178: {  	v20 =	vld [tilespmem:$0x1FBE0]  }
0x179: {  	v34 =	vld [tilespmem:$0x1FCC0];
	_ =	sdelay $0x1  }
0x17a: {  	vm0 =	veq.f32 v0, v14;
	v0 =	vld [tilespmem:$0x1FE10];
	_ =	sdelay $0x2  }
0x17b: {  	v3 =	vsub.f32 v20, v34;
	(xrf2) =	vadd.scan.msk.f32 $0xffff, v1;
	v1 =	vpop (erf)  }
0x17c: {  	v1 =	vsel vm5, $0x0, v1  }
0x17d: {  	vm0 =	vmand vm0, vm4;
	v1 =	vadd.f32 v0, v1  }
0x17e: {  	(xrf0) =	vmax.scan.msk.f32 $0xffff, v2;
	v2 =	vsel vm0, v6, v12;
	v12 =	vld [tilespmem:$0x1FBF0]  }
0x17f: {  	v0 =	vsel vm3, v18, v10;
	v18 =	vld [tilespmem:$0x1FDA0];
	(xrf2) =	vadd.scan.msk.f32 $0xffff, v1;
	v1 =	vmul.f32 $1.442695020e+00, v3;
	v3 =	vpop (erf)  }
0x180: {  	(xrf0) =	vmax.scan.msk.f32 $0xffff, v2;
	v2 =	vsel vm5, $0x0, v3;
	v3 =	vld [tilespmem:$0x1FE50];
	_ =	sdelay $0x3  }
0x181: {  	v5 =	vadd.f32 v32, v5;
	v32 =	vld [tilespmem:$0x1FE20]  }
0x182: {  	v2 =	vadd.f32 v3, v2;
	v3 =	vsub.f32 v12, v18  }
0x183: {  	v10 =	vld [tilespmem:$0x1FE40];
	_ =	sdelay $0x1  }
0x184: {  	v38 =	vld [tilespmem:$0x1FFD0]  }
0x185: {  	vm0 =	veq.f32 v32, v14;
	(xrf2) =	vadd.scan.msk.f32 $0xffff, v2;
	v2 =	vmul.f32 $1.442695020e+00, v3;
	v3 =	vpop (erf)  }
0x186: {  	vm0 =	vmand vm0, vm4;
	v3 =	vsel vm5, $0x0, v3  }
0x187: {  	v9 =	vsel vm0, v9, v10;
	v3 =	vadd.f32 v15, v3;
	v15 =	vld [tilespmem:$0x1FE30]  }
0x188: {  	(erf) = vpow2.f32 v1;
	v1 =	vld [tilespmem:$0x1FD10]  }
0x189: {  	v62 =	vadd.f32 v31, v8;
	vm2 =	vnez.u8 v38;
	v4 =	vsel vm11, v22, v13;
	v13 =	vld [tilespmem:$0x1FC00];
	v8, _, _ =	vpop (xrf0)  }
0x18a: {  	v6 =	vsel vm2, v17, v21;
	v21 =	vld [tilespmem:$0x1FCD0];
	(xrf0) =	vmax.scan.msk.f32 $0xffff, v9;
	v9, _, _ =	vpop (xrf0)  }
0x18b: {  	(xrf2) =	vadd.scan.msk.f32 $0xffff, v3;
	v3 =	vbroadcast v8, $0xF;
	v8 =	vbroadcast v9, $0xF;
	v9 =	vld [tilespmem:$0x1FE70]  }
0x18c: {  	vm0 =	veq.f32 v15, v14  }
0x18d: {  	v17 =	vld [tilespmem:$0x1FC10];
	v1 =	vsel vm15, v1, v4;
	v4, _, _ =	vpop (xrf2);
	vm0 =	vmand vm0, vm4  }
0x18e: {  	(erf) = vpow2.f32 v2;
	v2, _, _ =	vpop (xrf2);
	v3 =	vsel vm2, v3, v8;
	v8 =	vsel vm0, v16, v27;
	v27 =	vld [tilespmem:$0x1FD30]  }
0x18f: {  	v10 =	vsub.f32 v13, v21;
	v4 =	vbroadcast v4, $0xF;
	v2 =	vbroadcast v2, $0xF  }
0x190: {  	vm0 =	veq.f32 v9, v14  }
0x191: {  	v2 =	vsel vm2, v4, v2;
	v4 =	vmul.f32 $1.442695020e+00, v10;
	vm0 =	vmand vm0, vm4  }
0x192: {  	v10 =	vsel vm0, v11, v60;
	v11 =	vld [tilespmem:$0x1FE80]  }
0x193: {  	(xrf0) =	vmax.scan.msk.f32 $0xffff, v8;
	v8 =	vsub.f32 v17, v27  }
0x194: {  	v9, _, _ =	vpop (xrf2)  }
0x195: {  	(erf) = vpow2.f32 v4;
	v4 =	vpop (erf);
	v8 =	vmul.f32 $1.442695020e+00, v8  }
0x196: {  	v9 =	vbroadcast v9, $0xF;
	v4 =	vsel vm5, $0x0, v4  }
0x197: {  	vm0 =	vmmov $0x3;
	v4 =	vadd.f32 v11, v4;
	v11, _, _ =	vpop (xrf0)  }
0x198: {  	v2 =	vsel vm0, v2, v9;
	v9 =	vbroadcast v11, $0xF  }
0x199: {  	v16 =	vld [tilespmem:$0x1FC20];
	(erf) = vpow2.f32 v8;
	v8 =	vpop (erf)  }
0x19a: {  	v3 =	vsel vm0, v3, v9;
	v9 =	vld [tilespmem:$0x1FEB0];
	v8 =	vsel vm5, $0x0, v8  }
0x19b: {  	v8 =	vadd.f32 v26, v8;
	v26 =	vld [tilespmem:$0x1FD40]  }
0x19c: {  	(xrf0) =	vmax.scan.msk.f32 $0xffff, v10;
	v10, _, _ =	vpop (xrf2)  }
0x19d: {  	(xrf2) =	vadd.scan.msk.f32 $0xffff, v4;
	v4 =	vbroadcast v10, $0xF;
	v10 =	vimm.s32 $0x0  }
0x19e: {  	v10 =	vsel vm0, $0xFFFFFFFF, v10  }
0x19f: {  	vm1 =	vmmov $0x7;
	v6 =	vsel vm0, v6, v25;
	[tilespmem:$0x1F860] =	vst v10;
	vm0 =	veq.f32 v9, v14;
	v9, _, _ =	vpop (xrf2)  }
0x1a0: {  	(xrf2) =	vadd.scan.msk.f32 $0xffff, v8;
	v8 =	vbroadcast v9, $0xF;
	v9 =	vimm.s32 $0x0;
	v10 =	vsub.f32 v16, v26  }
0x1a1: {  	vm3 =	vmmov $0xf;
	v2 =	vsel vm1, v2, v4;
	v9 =	vsel vm1, $0xFFFFFFFF, v9  }
0x1a2: {  	[tilespmem:$0x1F870] =	vst v9;
	v2 =	vsel vm3, v2, v8;
	v8 =	vld [tilespmem:$0x1FEE0];
	v9 =	vmul.f32 $1.442695020e+00, v10;
	_ =	sdelay $0x1  }
0x1a3: {  	v40 =	vpop (erf);
	(erf) = vpow2.f32 v9;
	v9 =	vld [tilespmem:$0x1FEF0]  }
0x1a4: {  	v4, _, _ =	vpop (xrf0)  }
0x1a5: {  	v15 =	vld [tilespmem:$0x1FC30];
	v4 =	vbroadcast v4, $0xF;
	vm0 =	vmand vm0, vm4  }
0x1a6: {  	v25 =	vld [tilespmem:$0x1FD50];
	v6 =	vsel vm1, v6, v24;
	v11 =	vsel vm0, v20, v57;
	vm0 =	veq.f32 v8, v14;
	v8, _, _ =	vpop (xrf0)  }
0x1a7: {  	v3 =	vsel vm1, v3, v4;
	(xrf0) =	vmax.scan.msk.f32 $0xffff, v11;
	v10 =	vimm.s32 $0x0;
	v8 =	vbroadcast v8, $0xF  }
0x1a8: {  	v22 =	vld [tilespmem:$0x1FD70];
	v10 =	vsel vm3, $0xFFFFFFFF, v10;
	vm0 =	vmand vm0, vm4;
	vm1 =	veq.f32 v9, v14  }
0x1a9: {  	v24 =	vld [tilespmem:$0x1FD60];
	v3 =	vsel vm3, v3, v8;
	v8 =	vsel vm0, v12, v19;
	vm0 =	vmand vm1, vm4  }
0x1aa: {  	[tilespmem:$0x1F880] =	vst v10;
	v10 =	vsel vm0, v13, v51;
	v13 =	vld [tilespmem:$0x1FC40]  }
0x1ab: {  	v4 =	vsel vm3, v6, v23;
	v6 =	vsel vm5, $0x0, v40;
	v11, _, _ =	vpop (xrf2);
	v12 =	vld [tilespmem:$0x1FC50];
	v9 =	vsub.f32 v15, v25  }
0x1ac: {  	v23 =	vld [tilespmem:$0x1FD80];
	v6 =	vadd.f32 v56, v6;
	(xrf0) =	vmax.scan.msk.f32 $0xffff, v8;
	v8 =	vbroadcast v11, $0xF  }
0x1ad: {  	v20 =	vld [tilespmem:$0x1FD90];
	v11, _, _ =	vpop (xrf0);
	v9 =	vmul.f32 $1.442695020e+00, v9;
	vm0 =	vmmov $0x1f;
	(xrf0) =	vmax.scan.msk.f32 $0xffff, v10;
	v10 =	vimm.s32 $0x0  }
0x1ae: {  	(xrf2) =	vadd.scan.msk.f32 $0xffff, v6;
	v19 =	vld [tilespmem:$0x1FCE0];
	v11 =	vbroadcast v11, $0xF;
	vm1 =	vmmov $0x3f;
	v10 =	vsel vm0, $0xFFFFFFFF, v10  }
0x1af: {  	v4 =	vsel vm0, v4, v34;
	(erf) = vpow2.f32 v9;
	[tilespmem:$0x1F890] =	vst v10;
	v10 =	vld [tilespmem:$0x1FF20];
	v9 =	vsub.f32 v13, v24  }
0x1b0: {  	v2 =	vsel vm0, v2, v8;
	v8 =	vsub.f32 v12, v22;
	v4 =	vsel vm1, v4, v18;
	v18 =	vld [tilespmem:$0x1FCA0]  }
0x1b1: {  	v42 =	vpop (erf);
	v9 =	vmul.f32 $1.442695020e+00, v9  }
0x1b2: {  	v6 =	vsel vm5, $0x0, v42;
	v8 =	vmul.f32 $1.442695020e+00, v8  }
0x1b3: {  	v6 =	vadd.f32 v46, v6;
	v3 =	vsel vm0, v3, v11;
	v11, _, _ =	vpop (xrf0);
	(erf) = vpow2.f32 v9  }
0x1b4: {  	vm0 =	veq.f32 v10, v14;
	v10 =	vpop (erf);
	(erf) = vpow2.f32 v8;
	v8 =	vsub.f32 v19, v20  }
0x1b5: {  	(xrf2) =	vadd.scan.msk.f32 $0xffff, v6;
	v11 =	vbroadcast v11, $0xF;
	v9 =	vsub.f32 v18, v23;
	v10 =	vsel vm5, $0x0, v10  }
0x1b6: {  	vm0 =	vmand vm0, vm4;
	v10 =	vadd.f32 v43, v10;
	v8 =	vmul.f32 $1.442695020e+00, v8  }
0x1b7: {  	v44, _, _ =	vpop (xrf2);
	v3 =	vsel vm1, v3, v11;
	v11 =	vsel vm0, v17, v45;
	v17 =	vld [tilespmem:$0x1FCF0];
	v9 =	vmul.f32 $1.442695020e+00, v9  }
0x1b8: {  	v46, _, _ =	vpop (xrf2);
	(xrf2) =	vadd.scan.msk.f32 $0xffff, v10;
	v10 =	vld [tilespmem:$0x1FDB0]  }
0x1b9: {  	(erf) = vpow2.f32 v9  }
0x1ba: {  	v48 =	vld [tilespmem:$0x1FF30];
	v6 =	vbroadcast v44, $0xF;
	(erf) = vpow2.f32 v8;
	v8 =	vpop (erf)  }
0x1bb: {  	v47 =	vimm.s32 $0x0;
	v8 =	vsel vm5, $0x0, v8  }
0x1bc: {  	v2 =	vsel vm1, v2, v6;
	v6 =	vbroadcast v46, $0xF;
	v9, _, _ =	vpop (xrf0);
	v8 =	vadd.f32 v41, v8  }
0x1bd: {  	vm0 =	vmmov $0x7f;
	v9 =	vbroadcast v9, $0xF;
	v10 =	vsub.f32 v17, v10  }
0x1be: {  	v4 =	vsel vm0, v4, v21;
	v2 =	vsel vm0, v2, v6;
	v6 =	vsel vm0, $0xFFFFFFFF, v47  }
0x1bf: {  	v49, _, _ =	vpop (xrf2);
	v3 =	vsel vm0, v3, v9;
	vm0 =	veq.f32 v48, v14;
	v10 =	vmul.f32 $1.442695020e+00, v10  }
0x1c0: {  	vm0 =	vmand vm0, vm4;
	(xrf2) =	vadd.scan.msk.f32 $0xffff, v8;
	v8 =	vpop (erf)  }
0x1c1: {  	(xrf0) =	vmax.scan.msk.f32 $0xffff, v11;
	(erf) = vpow2.f32 v10;
	v10 =	vsel vm0, v16, v39;
	v8 =	vsel vm5, $0x0, v8  }
0x1c2: {  	(xrf0) =	vmax.scan.msk.f32 $0xffff, v10;
	v10 =	vld [tilespmem:$0x1FF40];
	v9 =	vpop (erf);
	v8 =	vadd.f32 v37, v8  }
0x1c3: {  	v9 =	vsel vm5, $0x0, v9  }
0x1c4: {  	(xrf2) =	vadd.scan.msk.f32 $0xffff, v8;
	v8 =	vadd.f32 v33, v9;
	v9 =	vld [tilespmem:$0x1FF70];
	_ =	sdelay $0x2  }
0x1c5: {  	vm0 =	veq.f32 v10, v14  }
0x1c6: {  	v10 =	vpop (erf);
	vm0 =	vmand vm0, vm4  }
0x1c7: {  	v11 =	vsel vm0, v15, v36;
	vm0 =	veq.f32 v9, v14;
	v9 =	vpop (erf)  }
0x1c8: {  	v9 =	vsel vm5, $0x0, v9  }
0x1c9: {  	v7 =	vadd.f32 v62, v9;
	v9 =	vld [tilespmem:$0x1FF90]  }
0x1ca: {  	(xrf2) =	vadd.scan.msk.f32 $0xffff, v8;
	vm0 =	vmand vm0, vm4  }
0x1cb: {  	v50, _, _ =	vpop (xrf0);
	v8 =	vsel vm5, $0x0, v10;
	(xrf0) =	vmax.scan.msk.f32 $0xffff, v11;
	v10 =	vsel vm0, v13, v35  }
0x1cc: {  	(xrf0) =	vmax.scan.msk.f32 $0xffff, v10;
	v10 =	vld [tilespmem:$0x1FF80]  }
0x1cd: {  	v31 =	vimm.s32 $0x0;
	v51, _, _ =	vpop (xrf2)  }
0x1ce: {  	v31 =	vsel vm1, $0xFFFFFFFF, v31;
	vm1 =	veq.f32 v9, v14;
	v9, _, _ =	vpop (xrf2)  }
0x1cf: {  	v55 =	vbroadcast v9, $0xF;
	v9 =	vld [tilespmem:$0x1FFA0];
	_ =	sdelay $0x1  }
0x1d0: {  	v8 =	vadd.f32 v28, v8;
	vm0 =	veq.f32 v10, v14  }
0x1d1: {  	vm0 =	vmand vm0, vm4  }
0x1d2: {  	[tilespmem:$0x1F8B0] =	vst v6;
	v6 =	vbroadcast v49, $0xF;
	v10 =	vsel vm0, v12, v30;
	vm0 =	vmand vm1, vm4  }
0x1d3: {  	v52, _, _ =	vpop (xrf0);
	(xrf0) =	vmax.scan.msk.f32 $0xffff, v10;
	v10 =	vsel vm0, v18, v29;
	vm0 =	veq.f32 v9, v14  }
0x1d4: {  	v63 =	vld [tilespmem:$0x1FD20];
	v2 =	vsel vm5, v2, v6;
	v6 =	vbroadcast v50, $0xF;
	(xrf2) =	vadd.scan.msk.f32 $0xffff, v8;
	v8 =	vpop (erf);
	vm0 =	vmand vm0, vm4  }
0x1d5: {  	v54 =	vsel vm5, $0x0, v8;
	v8, _, _ =	vpop (xrf0);
	(xrf0) =	vmax.scan.msk.f32 $0xffff, v10;
	v1 =	vsel vm0, v19, v1  }
0x1d6: {  	v3 =	vsel vm5, v3, v6;
	v6 =	vbroadcast v51, $0xF;
	v5 =	vadd.f32 v5, v54;
	v57, _, _ =	vpop (xrf0);
	(xrf0) =	vmax.scan.msk.f32 $0xffff, v1;
	v1 =	vld [tilespmem:$0x1FFB0]  }
0x1d7: {  	vm3 =	vmmov $0x1ff;
	(xrf2) =	vadd.scan.msk.f32 $0xffff, v7  }
0x1d8: {  	v4 =	vsel vm5, v4, v27;
	v2 =	vsel vm3, v2, v6;
	v6 =	vbroadcast v52, $0xF  }
0x1d9: {  	v0 =	vsel vm14, v63, v0;
	v56 =	vimm.s32 $0x0;
	v4 =	vsel vm3, v4, v26  }
0x1da: {  	v3 =	vsel vm3, v3, v6;
	v8 =	vbroadcast v8, $0xF;
	(xrf2) =	vadd.scan.msk.f32 $0xffff, v5;
	v5, _, _ =	vpop (xrf2);
	vm1 =	vmmov $0x3ff  }
0x1db: {  	v5 =	vbroadcast v5, $0xF;
	v4 =	vsel vm1, v4, v25;
	vm0 =	veq.f32 v1, v14  }
0x1dc: {  	v2 =	vsel vm1, v2, v55;
	v6 =	vsel vm1, $0xFFFFFFFF, v56;
	vm0 =	vmand vm0, vm4  }
0x1dd: {  	v3 =	vsel vm1, v3, v8;
	vm1 =	vmmov $0x7ff;
	v0 =	vsel vm0, v17, v0  }
0x1de: {  	[tilespmem:$0x1F8E0] =	vst v6;
	v6 =	vbroadcast v57, $0xF;
	v2 =	vsel vm1, v2, v5;
	v1, _, _ =	vpop (xrf2)  }
0x1df: {  	v4 =	vsel vm1, v4, v24;
	v5 =	vimm.s32 $0x0;
	v58, _, _ =	vpop (xrf0);
	v1 =	vbroadcast v1, $0xF  }
0x1e0: {  	v5 =	vsel vm1, $0xFFFFFFFF, v5;
	v3 =	vsel vm1, v3, v6;
	vm1 =	vmmov $0xfff;
	(xrf0) =	vmax.scan.msk.f32 $0xffff, v0;
	v0, _, _ =	vpop (xrf2)  }
0x1e1: {  	v1 =	vsel vm1, v2, v1;
	v2, _, _ =	vpop (xrf2);
	v0 =	vbroadcast v0, $0xF  }
0x1e2: {  	v9 =	vimm.s32 $0x0;
	vm0 =	vmmov $0x1fff;
	v2 =	vbroadcast v2, $0xF  }
0x1e3: {  	v9 =	vsel vm3, $0xFFFFFFFF, v9;
	vm3 =	vmmov $0x3fff;
	v0 =	vsel vm0, v1, v0  }
0x1e4: {  	v0 =	vsel vm3, v0, v2;
	v2 =	vld [tilespmem:$0x1FFF0]  }
0x1e5: {  	[tilespmem:$0x1F8F0] =	vst v5;
	v5 =	vbroadcast v58, $0xF  }
0x1e6: {  	v53 =	vimm.s32 $0x0  }
0x1e7: {  	v60 =	vimm.s32 $0x0;
	v7 =	vsel vm5, $0xFFFFFFFF, v53  }
0x1e8: {  	[tilespmem:$0x1F8C0] =	vst v7;
	v4 =	vsel vm1, v4, v22;
	v7 =	vsel vm1, $0xFFFFFFFF, v60;
	v59, _, _ =	vpop (xrf0)  }
0x1e9: {  	v3 =	vsel vm1, v3, v5;
	v5, _, _ =	vpop (xrf0);
	v4 =	vsel vm0, v4, v23;
	vm1 =	vnez.u8 v2;
	v2 =	vld [tilespmem:$0x1FD00]  }
0x1ea: {  	[tilespmem:$0x1F8A0] =	vst v31;
	v1 =	vsel vm3, v4, v20;
	v4 =	vbroadcast v5, $0xF;
	v5 =	vimm.s32 $0x0  }
0x1eb: {  	[tilespmem:$0x1F8D0] =	vst v9;
	v5 =	vsel vm0, $0xFFFFFFFF, v5  }
0x1ec: {  	v6 =	vbroadcast v59, $0xF;
	[tilespmem:$0x1F910] =	vst v5;
	v5 =	vimm.s32 $0x0  }
0x1ed: {  	[tilespmem:$0x1F900] =	vst v7;
	v5 =	vsel vm3, $0xFFFFFFFF, v5  }
0x1ee: {  	s24 =	sshll.u32 s22, $0xF;
	p0 =	seq.s32 s22, $0x6;
	v3 =	vsel vm0, v3, v6;
	[tilespmem:$0x1F920] =	vst v5;
	v1 =	vsel vm1, v1, v2;
	v2, _, _ =	vpop (xrf2)  }
0x1ef: {  	s0 =	sadd.s32 @!p0 s24, s6;
	v3 =	vsel vm3, v3, v4;
	v0 =	vsel vm1, v0, v2;
	v2, _, _ =	vpop (xrf0);
	[tilespmem:s23+$0x8100] =	vst v1  }
0x1f0: {  	s0 =	sshrl.u32 @!p0 s0, $0x3;
	v1 =	vsel vm1, v3, v2;
	[tilespmem:s23+$0x8200] =	vst v0  }
0x1f1: {  	s1 =	simm.s32 @!p0 $0x0;
	s0 =	sadd.s32 @!p0 s3, s0;
	[tilespmem:s23+$0x8300] =	vst v1  }
0x1f2: {  	[tilespmem:s1], [sflag:$0x1] =	stream.linear.gather @!p0 [hbm4b:s0+s1], $0x4000, $0x38;
	[tilespmem:$0x8400] =	vst v63  }
0x1f3: {  	s28 =	simm.s32 $0x0;
	_ =	swait.ge [sflag:s17], $0x4000  }
0x1f4: {  	s26 =	sand.u32 $0x60, s28;
	[sflag:s17] =	ssyncset.done $0x0  }
0x1f5: {  	s10 =	sor.u32 s28, s28;
	s0 =	sand.u32 $0x1C00, s28;
	[sflag:s17] =	ssyncadd.s32 $0xFFFFC000  }
0x1f6: {  	s25 =	sor.u32 $0x10, s26;
	s1 =	sor.u32 $0x380, s10;
	s5 =	sor.u32 $0x4000, s0;
	v1 =	vld [tilespmem:s23+$0x8010]  }
0x1f7: {  	s11 =	sor.u32 s25, s5;
	v3 =	vld [tilespmem:s1+$0x4000]  }
0x1f8: {  	v2 =	vld [tilespmem:s11+$0x0]  }
0x1f9: {  	v4 =	vld [tilespmem:s11+$0x80]  }
0x1fa: {  	v5 =	vld [tilespmem:s11+$0x100]  }
0x1fb: {  	v61 =	vld [tilespmem:s11+$0x180]  }
0x1fc: {  	s7 =	sor.u32 $0x6000, s0;
	v23 =	vld [tilespmem:s11+$0x200]  }
0x1fd: {  	s9 =	sor.u32 $0x6080, s0;
	s13 =	sor.u32 s25, s7;
	v20 =	vld [tilespmem:s11+$0x280]  }
0x1fe: {  	s10 =	sor.u32 $0x6100, s0;
	s18 =	sor.u32 s25, s9;
	v15 =	vld [tilespmem:s13+$0x0]  }
0x1ff: {  	s19 =	sor.u32 s25, s10;
	v16 =	vld [tilespmem:s18+$0x0]  }
0x200: {  	s5 =	sor.u32 s26, s5;
	v11 =	vld [tilespmem:s19+$0x0]  }
0x201: {  	v62 =	vld [tilespmem:s5+$0x0]  }
0x202: {  	v8 =	vld [tilespmem:s5+$0x80]  }
0x203: {  	v9 =	vld [tilespmem:s5+$0x100]  }
0x204: {  	v17 =	vld [tilespmem:s5+$0x180]  }
0x205: {  	v36 =	vld [tilespmem:s5+$0x200]  }
0x206: {  	s7 =	sor.u32 s26, s7;
	s13 =	sor.u32 $0x6180, s0;
	v35 =	vld [tilespmem:s5+$0x280]  }
0x207: {  	s18 =	sor.u32 $0x6200, s0;
	v43 =	vld [tilespmem:s7+$0x0];
	s20 =	sor.u32 s25, s13  }
0x208: {  	s19 =	sor.u32 $0x6280, s0;
	s11 =	sor.u32 s25, s18;
	v14 =	vld [tilespmem:s20+$0x0]  }
0x209: {  	s20 =	sor.u32 $0x6300, s0;
	v13 =	vld [tilespmem:s11+$0x0];
	s11 =	sor.u32 s25, s19  }
0x20a: {  	v0 =	vld [tilespmem:s11+$0x0];
	s11 =	sor.u32 s25, s20  }
0x20b: {  	s7 =	sor.u32 s26, s9;
	v10 =	vld [tilespmem:s11+$0x0];
	s11 =	sand.u32 $0x3, s28  }
0x20c: {  	s9 =	sor.u32 s26, s10;
	v44 =	vld [tilespmem:s7+$0x0];
	s5 =	sshll.u32 s11, $0x5  }
0x20d: {  	v32 =	vimm.f32 $-Inf;
	v21 =	vimm.f32 $-Inf;
	v34 =	vld [tilespmem:s9+$0x0];
	s10 =	sor.u32 s26, s13;
	s5 =	sadd.s32 $0x0, s5  }
0x20e: {  	v27 =	vimm.f32 $-Inf;
	v26 =	vimm.f32 $-Inf;
	v28 =	vimm.f32 $-Inf;
	v41 =	vld [tilespmem:s10+$0x0];
	s11 =	sor.u32 $0x300, s5;
	s13 =	sadd.s32 $0x10, s5  }
0x20f: {  	v30 =	vimm.f32 $-Inf;
	v25 =	vimm.f32 $-Inf;
	v18 =	vimm.f32 $-Inf;
	v37 =	vld [tilespmem:s11+$0x4000];
	s5 =	sor.u32 $0x300, s13  }
0x210: {  	v24 =	vimm.f32 $-Inf;
	v22 =	vimm.f32 $-Inf;
	s18 =	sor.u32 s26, s18;
	v7 =	vmax.f32 v27, v62;
	v40 =	vld [tilespmem:s5+$0x4000]  }
0x211: {  	s29 =	simm.s32 $0x0;
	v19 =	vimm.f32 $-Inf;
	v45 =	vld [tilespmem:s18+$0x0];
	v63 =	vmax.f32 v27, v9;
	v12 =	vmax.f32 v7, v2;
	s1 =	sor.u32 $0x380, s13  }
0x212: {  	s30 =	simm.s32 $0x20;
	s31 =	simm.s32 $0x0;
	s19 =	sor.u32 s26, s19;
	v2 =	vmax.f32 v27, v8;
	v8 =	vmax.f32 v27, v17;
	v31 =	vmax.f32 v63, v5;
	v42 =	vld [tilespmem:s1+$0x4000]  }
0x213: {  	s23 =	sor.u32 $0x10, s23;
	s0 =	sor.u32 $0x6380, s0;
	v46 =	vld [tilespmem:s19+$0x0];
	v17 =	vimm.f32 $-Inf;
	v33 =	vmax.f32 v2, v4;
	v29 =	vmax.f32 v8, v61;
	s5 =	sor.u32 s26, s20  }
.LBB2_7:
0x214: {  	v2 =	vmax.f32 v27, v36;
	v4 =	vmax.f32 v32, v35;
	v5 =	vmax.f32 v30, v37;
	v6 =	vld [tilespmem:s5+$0x0];
	s5 =	sor.u32 s26, s0;
	s26 =	sand.u32 $0x60, s30;
	s28 =	sadd.s32 $0x100, s28  }
0x215: {  	s1 =	sand.u32 $0x1C00, s28;
	s7 =	sor.u32 s28, s30;
	v7 =	vld [tilespmem:s5+$0x0];
	v27 =	vmax.f32 v2, v23;
	v32 =	vmax.f32 v4, v20;
	v30 =	vmax.f32 v5, v40;
	s5 =	sor.u32 s25, s0  }
0x216: {  	s25 =	sor.u32 $0x10, s26;
	v2 =	vmax.f32 v28, v3;
	v4 =	vmax.f32 v25, v43;
	v5 =	vmax.f32 v26, v44;
	s0 =	sor.u32 $0x4000, s1;
	s7 =	sor.u32 $0x380, s7;
	v8 =	vld [tilespmem:s5+$0x0]  }
0x217: {  	v25 =	vmax.f32 v4, v15;
	v26 =	vmax.f32 v5, v16;
	v3 =	vld [tilespmem:s7+$0x4000];
	s5 =	sor.u32 s25, s0;
	v28 =	vmax.f32 v2, v42  }
0x218: {  	v4 =	vmax.f32 v24, v34;
	v5 =	vmax.f32 v21, v41;
	v9 =	vmax.f32 v22, v45;
	v2 =	vld [tilespmem:s5+$0x0]  }
0x219: {  	v24 =	vmax.f32 v4, v11;
	v21 =	vmax.f32 v5, v14;
	v22 =	vmax.f32 v9, v13;
	v38 =	vld [tilespmem:s5+$0x80]  }
0x21a: {  	v5 =	vmax.f32 v19, v46;
	v6 =	vmax.f32 v17, v6;
	v4 =	vld [tilespmem:s5+$0x100];
	v7 =	vmax.f32 v18, v7  }
0x21b: {  	v19 =	vmax.f32 v5, v0;
	v17 =	vmax.f32 v6, v10;
	v9 =	vld [tilespmem:s5+$0x180];
	v18 =	vmax.f32 v7, v8  }
0x21c: {  	s7 =	sor.u32 $0x6000, s1;
	v23 =	vld [tilespmem:s5+$0x200]  }
0x21d: {  	s9 =	sor.u32 $0x6080, s1;
	v20 =	vld [tilespmem:s5+$0x280];
	s5 =	sor.u32 s25, s7  }
0x21e: {  	s10 =	sor.u32 $0x6100, s1;
	v15 =	vld [tilespmem:s5+$0x0];
	s5 =	sor.u32 s25, s9  }
0x21f: {  	s13 =	sor.u32 $0x6180, s1;
	v16 =	vld [tilespmem:s5+$0x0];
	s5 =	sor.u32 s25, s10  }
0x220: {  	s18 =	sor.u32 $0x6200, s1;
	v11 =	vld [tilespmem:s5+$0x0];
	s5 =	sor.u32 s25, s13  }
0x221: {  	s19 =	sor.u32 $0x6280, s1;
	v14 =	vld [tilespmem:s5+$0x0];
	s5 =	sor.u32 s25, s18  }
0x222: {  	s20 =	sor.u32 $0x6300, s1;
	v13 =	vld [tilespmem:s5+$0x0];
	s5 =	sor.u32 s25, s19  }
0x223: {  	v0 =	vld [tilespmem:s5+$0x0];
	s5 =	sor.u32 s25, s20  }
0x224: {  	s0 =	sor.u32 s26, s0;
	v10 =	vld [tilespmem:s5+$0x0]  }
0x225: {  	v5 =	vld [tilespmem:s0+$0x0]  }
0x226: {  	v6 =	vld [tilespmem:s0+$0x80]  }
0x227: {  	v7 =	vld [tilespmem:s0+$0x100]  }
0x228: {  	v8 =	vld [tilespmem:s0+$0x180]  }
0x229: {  	v36 =	vld [tilespmem:s0+$0x200]  }
0x22a: {  	s31 =	sadd.s32 $0x1, s31;
	v35 =	vld [tilespmem:s0+$0x280];
	s0 =	sor.u32 s26, s7  }
0x22b: {  	s5 =	sand.u32 $0x3, s31;
	v43 =	vld [tilespmem:s0+$0x0];
	s0 =	sor.u32 s26, s9  }
0x22c: {  	s5 =	sshll.u32 s5, $0x5;
	v44 =	vld [tilespmem:s0+$0x0];
	s0 =	sor.u32 s26, s10  }
0x22d: {  	s29 =	sadd.s32 $0x2, s29;
	s5 =	sadd.s32 s5, s28;
	v34 =	vld [tilespmem:s0+$0x0];
	s0 =	sor.u32 s26, s13  }
0x22e: {  	p1 =	slt.u32 s29, $0x3C;
	s7 =	sor.u32 $0x300, s5;
	v41 =	vld [tilespmem:s0+$0x0];
	s0 =	sadd.s32 $0x10, s5  }
.Ltmp4:
0x22f: {  	v37 =	vld [tilespmem:s7+$0x4000];
	s5 =	sor.u32 $0x300, s0;
	(pc) =	sbr.rel @p1 .LBB2_7-.Ltmp4, $4  }
0x230: {  	v5 =	vmax.f32 v12, v5;
	s7 =	sor.u32 s26, s18;
	v40 =	vld [tilespmem:s5+$0x4000]  }
0x231: {  	v12 =	vmax.f32 v5, v2;
	s0 =	sor.u32 $0x380, s0;
	v45 =	vld [tilespmem:s7+$0x0]  }
0x232: {  	v2 =	vmax.f32 v33, v6;
	v5 =	vmax.f32 v31, v7;
	v6 =	vmax.f32 v29, v8;
	s5 =	sor.u32 s26, s19;
	v42 =	vld [tilespmem:s0+$0x4000]  }
0x233: {  	s30 =	sadd.s32 $0x20, s30;
	v33 =	vmax.f32 v2, v38;
	v31 =	vmax.f32 v5, v4;
	v29 =	vmax.f32 v6, v9;
	s0 =	sor.u32 $0x6380, s1;
	v46 =	vld [tilespmem:s5+$0x0];
	s5 =	sor.u32 s26, s20  }
0x234: {  	vm0 =	vgt.s32 v1, $0x0  }
0x235: {  	v1 =	vnsel vm0, $0x0, v1  }
0x236: {  	v1 =	vmin.u32 v1, $0x3E7  }
0x237: {  	v39 =	vcvt.s32.f32 v1;
	_ =	sdelay $0x1  }
0x238: {  	vm10 =	vcmask $0x308;
	v1 =	vnsel vm2, $0xBF800000, v39  }
0x239: {  	vm11 =	vcmask $0x70C;
	(xrf0) =	vmax.scan.msk.f32 $0xffff, v1;
	v1 =	vsel vm10, $0xBF800000, v39  }
0x23a: {  	vm4 =	vcmask $0xB10;
	(xrf0) =	vmax.scan.msk.f32 $0xffff, v1;
	v1 =	vsel vm11, $0xBF800000, v39  }
0x23b: {  	vm5 =	vcmask $0xF14;
	(xrf0) =	vmax.scan.msk.f32 $0xffff, v1;
	v1 =	vsel vm4, $0xBF800000, v39  }
0x23c: {  	vm6 =	vcmask $0x1318;
	(xrf0) =	vmax.scan.msk.f32 $0xffff, v1;
	v1 =	vsel vm5, $0xBF800000, v39  }
0x23d: {  	vm7 =	vcmask $0x171C;
	(xrf0) =	vmax.scan.msk.f32 $0xffff, v1;
	v1 =	vsel vm6, $0xBF800000, v39  }
0x23e: {  	vm8 =	vcmask $0x1B20;
	(xrf0) =	vmax.scan.msk.f32 $0xffff, v1;
	v1 =	vsel vm7, $0xBF800000, v39  }
0x23f: {  	vm9 =	vcmask $0x1F24;
	v2, _, _ =	vpop (xrf0);
	(xrf0) =	vmax.scan.msk.f32 $0xffff, v1;
	v1 =	vsel vm8, $0xBF800000, v39  }
0x240: {  	vm10 =	vcmask $0x2328;
	(xrf0) =	vmax.scan.msk.f32 $0xffff, v1;
	v1 =	vsel vm9, $0xBF800000, v39  }
0x241: {  	v9, _, _ =	vpop (xrf0);
	(xrf0) =	vmax.scan.msk.f32 $0xffff, v1;
	v1 =	vsel vm10, $0xBF800000, v39  }
0x242: {  	vm11 =	vcmask $0x272C;
	[tilespmem:$0x1F610] =	vst v2;
	v2, _, _ =	vpop (xrf0)  }
0x243: {  	v5 =	vsel vm11, $0xBF800000, v39;
	vm4 =	vcmask $0x2B30;
	[tilespmem:$0x1F630] =	vst v2;
	v2, _, _ =	vpop (xrf0);
	(xrf0) =	vmax.scan.msk.f32 $0xffff, v1  }
0x244: {  	v47 =	vld [tilespmem:s5+$0x0];
	v7 =	vsel vm4, $0xBF800000, v39;
	vm6 =	vcmask $0x3338;
	[tilespmem:$0x1F640] =	vst v2;
	v1, _, _ =	vpop (xrf0);
	(xrf0) =	vmax.scan.msk.f32 $0xffff, v5  }
0x245: {  	v4 =	vld [tilespmem:$0x5C58];
	vm5 =	vcmask $0x2F34;
	v38 =	vsel vm6, $0xBF800000, v39;
	[tilespmem:$0x1F6B0] =	vst v1;
	v1, _, _ =	vpop (xrf0);
	(xrf0) =	vmax.scan.msk.f32 $0xffff, v7  }
0x246: {  	v8 =	vsel vm5, $0xBF800000, v39;
	v2 =	vld [tilespmem:$0x5CD8];
	[tilespmem:$0x1F700] =	vst v1;
	v1, _, _ =	vpop (xrf0)  }
0x247: {  	v63 =	vld [tilespmem:$0x5D58];
	(xrf0) =	vmax.scan.msk.f32 $0xffff, v8;
	[tilespmem:$0x1F750] =	vst v1;
	v1, _, _ =	vpop (xrf0)  }
0x248: {  	v6 =	vld [tilespmem:$0x5E58];
	vm7 =	vcmask $0x373C;
	(xrf0) =	vmax.scan.msk.f32 $0xffff, v38;
	v38, _, _ =	vpop (xrf0)  }
0x249: {  	v52 =	vsel vm1, $0xBF800000, v39;
	v49 =	vsel vm7, $0xBF800000, v39;
	[tilespmem:$0x1F760] =	vst v1;
	v1 =	vld [tilespmem:$0x5DD8];
	v39, _, _ =	vpop (xrf0)  }
0x24a: {  	v53 =	vld [tilespmem:$0x5ED8];
	(xrf0) =	vmax.scan.msk.f32 $0xffff, v49;
	v55, _, _ =	vpop (xrf0)  }
0x24b: {  	v56 =	vld [tilespmem:$0x5F58];
	v54 =	vmax.f32 v12, v4;
	[tilespmem:$0x1F410] =	vst v2;
	v33 =	vmax.f32 v33, v2;
	(xrf0) =	vmax.scan.msk.f32 $0xffff, v52;
	v2, _, _ =	vpop (xrf0)  }
0x24c: {  	v27 =	vmax.f32 v27, v36;
	v32 =	vmax.f32 v32, v35;
	(xrf0) =	vmax.scan.msk.f32 $0xffff, v54;
	[tilespmem:$0x1F7C0] =	vst v2;
	v2 =	vld [tilespmem:$0x5FD8]  }
0x24d: {  	v30 =	vmax.f32 v30, v37;
	v3 =	vmax.f32 v28, v3;
	v59 =	vld [tilespmem:$0x7D58];
	v31 =	vmax.f32 v31, v63;
	(xrf0) =	vmax.scan.msk.f32 $0xffff, v33  }
0x24e: {  	v60 =	vld [tilespmem:$0x7DD8];
	v23 =	vmax.f32 v27, v23;
	v20 =	vmax.f32 v32, v20;
	v57, _, _ =	vpop (xrf0);
	(xrf0) =	vmax.scan.msk.f32 $0xffff, v31;
	v29 =	vmax.f32 v29, v1  }
0x24f: {  	v58 =	vmax.f32 v30, v40;
	v23 =	vmax.f32 v23, v6;
	[tilespmem:$0x1F430] =	vst v1;
	v37, _, _ =	vpop (xrf0);
	v1 =	vld [tilespmem:$0x7C58];
	(xrf0) =	vmax.scan.msk.f32 $0xffff, v29  }
0x250: {  	v3 =	vmax.f32 v3, v42;
	v20 =	vmax.f32 v20, v53;
	v8 =	vld [tilespmem:$0x7CD8];
	v40, _, _ =	vpop (xrf0);
	(xrf0) =	vmax.scan.msk.f32 $0xffff, v23;
	v23 =	vmax.f32 v25, v43  }
0x251: {  	v61 =	vld [tilespmem:$0x7E58];
	v42, _, _ =	vpop (xrf0);
	(xrf0) =	vmax.scan.msk.f32 $0xffff, v20;
	v20 =	vmax.f32 v58, v56;
	v3 =	vmax.f32 v3, v2  }
0x252: {  	s1 =	sor.u32 s26, s0;
	s11 =	sor.u32 s25, s0;
	v21 =	vmax.f32 v21, v41;
	v62 =	vld [tilespmem:$0x7ED8];
	s25 =	simm.s32 $0x0;
	v25 =	vmax.f32 v26, v44;
	v26, _, _ =	vpop (xrf0);
	(xrf0) =	vmax.scan.msk.f32 $0xffff, v20;
	v20 =	vmax.f32 v24, v34  }
0x253: {  	v48 =	vld [tilespmem:s1+$0x0];
	v14 =	vmax.f32 v21, v14;
	s13 =	sor.u32 s25, s25;
	v22 =	vmax.f32 v22, v45;
	v15 =	vmax.f32 v23, v15;
	v23, _, _ =	vpop (xrf0)  }
0x254: {  	v27 =	vld [tilespmem:s11+$0x0];
	s5 =	sor.u32 $0x380, s13;
	v13 =	vmax.f32 v22, v13;
	v16 =	vmax.f32 v25, v16;
	(xrf0) =	vmax.scan.msk.f32 $0xffff, v3;
	v15 =	vmax.f32 v15, v1;
	v3, _, _ =	vpop (xrf0)  }
0x255: {  	s26 =	simm.s32 $0x10;
	s0 =	sand.u32 $0x1C00, s25;
	v36 =	vld [tilespmem:s5+$0x4000];
	[tilespmem:$0x1F420] =	vst v63;
	v11 =	vmax.f32 v20, v11;
	(xrf0) =	vmax.scan.msk.f32 $0xffff, v15;
	v15 =	vmax.f32 v16, v8;
	v20, _, _ =	vpop (xrf0)  }
0x256: {  	s7 =	sand.u32 $0x70, s26;
	s1 =	sor.u32 $0x4000, s0;
	[tilespmem:$0x1F470] =	vst v2;
	v2 =	vld [tilespmem:$0x7F58];
	v16 =	vmax.f32 v19, v46;
	v11 =	vmax.f32 v11, v59;
	v19, _, _ =	vpop (xrf0);
	(xrf0) =	vmax.scan.msk.f32 $0xffff, v15  }
0x257: {  	s18 =	sor.u32 s7, s1;
	v17 =	vmax.f32 v17, v47;
	[tilespmem:$0x1F480] =	vst v1;
	v1 =	vld [tilespmem:$0x7FD8];
	v21, _, _ =	vpop (xrf0);
	(xrf0) =	vmax.scan.msk.f32 $0xffff, v11;
	v11 =	vmax.f32 v14, v60  }
0x258: {  	v13 =	vmax.f32 v13, v61;
	v63 =	vbroadcast v26, $0xF;
	v12 =	vbroadcast v3, $0xF;
	v15 =	vld [tilespmem:s18+$0x0];
	v58, _, _ =	vpop (xrf0);
	(xrf0) =	vmax.scan.msk.f32 $0xffff, v11  }
0x259: {  	[tilespmem:$0x1F4C0] =	vst v61;
	v18 =	vmax.f32 v18, v48;
	v61 =	vbroadcast v20, $0xF;
	v34 =	vbroadcast v21, $0xF;
	v21 =	vld [tilespmem:s18+$0x200]  }
0x25a: {  	[tilespmem:$0x1F4B0] =	vst v60;
	v25 =	vld [tilespmem:s18+$0x80];
	v14 =	vmax.f32 v16, v0;
	v16 =	vmax.f32 v17, v10;
	v60 =	vbroadcast v23, $0xF;
	v11, _, _ =	vpop (xrf0)  }
0x25b: {  	v28 =	vld [tilespmem:s18+$0x100];
	v17 =	vmax.f32 v18, v27;
	v43 =	vbroadcast v19, $0xF;
	v0 =	vbroadcast v11, $0xF;
	v11, _, _ =	vpop (xrf0)  }
0x25c: {  	s9 =	sor.u32 s26, s25;
	[tilespmem:$0x1F400] =	vst v4;
	v24 =	vld [tilespmem:s18+$0x180];
	v18 =	vmax.f32 v14, v62;
	v16 =	vmax.f32 v16, v2;
	v22 =	vmax.f32 v17, v1;
	v3, _, _ =	vpop (xrf0)  }
0x25d: {  	s10 =	sor.u32 $0x6000, s0;
	s19 =	sor.u32 $0x380, s9;
	v29 =	vld [tilespmem:s18+$0x280];
	[tilespmem:$0x1F4E0] =	vst v2;
	v46 =	vbroadcast v11, $0xF;
	v17 =	vsub.f32 v36, v0;
	v19, _, _ =	vpop (xrf0);
	v4 =	vbroadcast v3, $0xF  }
0x25e: {  	s20 =	sor.u32 s7, s10;
	v20 =	vld [tilespmem:s19+$0x4000];
	(xrf0) =	vmax.scan.msk.f32 $0xffff, v13;
	v3 =	vsub.f32 v15, v63;
	v13 =	vsub.f32 v21, v43;
	v11, _, _ =	vpop (xrf0);
	v2 =	vbroadcast v19, $0xF  }
0x25f: {  	s9 =	sor.u32 $0x6080, s0;
	v35 =	vld [tilespmem:s20+$0x0];
	[tilespmem:$0x1F4F0] =	vst v1;
	v19 =	vsub.f32 v25, v60;
	v23 =	vmul.f32 $1.442695020e+00, v17;
	v1 =	vbroadcast v11, $0xF  }
0x260: {  	s31 =	sor.u32 s7, s9;
	v3 =	vmul.f32 $1.442695020e+00, v3;
	v11 =	vsub.f32 v28, v12;
	v13 =	vmul.f32 $1.442695020e+00, v13  }
0x261: {  	v27 =	vsub.f32 v24, v61;
	v26 =	vmul.f32 $1.442695020e+00, v19;
	v19 =	vld [tilespmem:s31+$0x0];
	(erf) = vpow2.f32 v23  }
0x262: {  	s28 =	sor.u32 $0x6100, s0;
	(xrf0) =	vmax.scan.msk.f32 $0xffff, v18;
	v18 =	vsub.f32 v29, v34;
	v11 =	vmul.f32 $1.442695020e+00, v11;
	(erf) = vpow2.f32 v3  }
0x263: {  	s11 =	sor.u32 s7, s28;
	s20 =	sor.u32 $0x6180, s0;
	(xrf0) =	vmax.scan.msk.f32 $0xffff, v16;
	v16 =	vsub.f32 v20, v0;
	v3 =	vmul.f32 $1.442695020e+00, v27;
	(erf) = vpow2.f32 v26  }
0x264: {  	v30 =	vld [tilespmem:s11+$0x0];
	s13 =	sor.u32 s7, s20;
	s19 =	sor.u32 $0x6200, s0;
	(erf) = vpow2.f32 v11;
	v11 =	vmul.f32 $1.442695020e+00, v18;
	v18 =	vsub.f32 v35, v46  }
0x265: {  	v31 =	vld [tilespmem:s13+$0x0];
	s13 =	sor.u32 s7, s19;
	s18 =	sor.u32 $0x6280, s0;
	(xrf0) =	vmax.scan.msk.f32 $0xffff, v22;
	(erf) = vpow2.f32 v3;
	v3 =	vmul.f32 $1.442695020e+00, v16  }
0x266: {  	s5 =	sor.u32 $0x6300, s0;
	s31 =	sor.u32 s7, s18;
	v27 =	vld [tilespmem:s13+$0x0];
	v16 =	vsub.f32 v19, v4;
	(erf) = vpow2.f32 v13;
	v13 =	vmul.f32 $1.442695020e+00, v18  }
0x267: {  	s11 =	sor.u32 s7, s5;
	[tilespmem:$0x1F450] =	vst v53;
	s0 =	sor.u32 $0x6380, s0;
	v17 =	vld [tilespmem:s31+$0x0];
	(erf) = vpow2.f32 v11  }
0x268: {  	v53 =	vld [tilespmem:s11+$0x0];
	[tilespmem:$0x1F490] =	vst v8;
	s7 =	sor.u32 s7, s0;
	s13 =	sand.u32 $0x60, s25;
	v16 =	vmul.f32 $1.442695020e+00, v16;
	v11, _, _ =	vpop (xrf0);
	(erf) = vpow2.f32 v3  }
0x269: {  	[tilespmem:$0x1F800] =	vst v57;
	v57 =	vld [tilespmem:s7+$0x0];
	s1 =	sor.u32 s13, s1;
	v3, _, _ =	vpop (xrf0);
	v8 =	vbroadcast v11, $0xF;
	v11 =	vsub.f32 v30, v2;
	(erf) = vpow2.f32 v13  }
0x26a: {  	[tilespmem:$0x1F500] =	vst v0;
	v22 =	vld [tilespmem:s1+$0x0];
	(erf) = vpow2.f32 v16;
	v13, _, _ =	vpop (xrf0);
	v0 =	vbroadcast v3, $0xF;
	v3 =	vsub.f32 v31, v1  }
0x26b: {  	[tilespmem:$0x1F4D0] =	vst v62;
	v26 =	vld [tilespmem:s1+$0x80];
	v7 =	vbroadcast v13, $0xF;
	v11 =	vmul.f32 $1.442695020e+00, v11;
	v62, _, _ =	vpop (xrf0);
	v13 =	vsub.f32 v27, v8  }
0x26c: {  	v49 =	vld [tilespmem:s1+$0x100];
	v3 =	vmul.f32 $1.442695020e+00, v3;
	v5 =	vbroadcast v62, $0xF;
	v16 =	vsub.f32 v17, v0  }
0x26d: {  	v51 =	vld [tilespmem:s1+$0x180];
	(erf) = vpow2.f32 v11;
	v11 =	vmul.f32 $1.442695020e+00, v13;
	v13 =	vsub.f32 v53, v7  }
0x26e: {  	[tilespmem:$0x1F440] =	vst v6;
	(erf) = vpow2.f32 v3;
	v3 =	vmul.f32 $1.442695020e+00, v16;
	v16 =	vsub.f32 v57, v5  }
0x26f: {  	[tilespmem:$0x1F460] =	vst v56;
	v47 =	vld [tilespmem:s1+$0x200];
	v32 =	vpop (erf);
	(erf) = vpow2.f32 v11;
	v11 =	vmul.f32 $1.442695020e+00, v13;
	v13 =	vsub.f32 v22, v63  }
0x270: {  	[tilespmem:$0x1F4A0] =	vst v59;
	s31 =	sor.u32 s13, s10;
	v44 =	vld [tilespmem:s1+$0x280];
	v23 =	vpop (erf);
	(erf) = vpow2.f32 v3;
	v3 =	vmul.f32 $1.442695020e+00, v16;
	v16 =	vsub.f32 v26, v60  }
0x271: {  	[tilespmem:$0x1F7B0] =	vst v55;
	s9 =	sor.u32 s13, s9;
	v33 =	vld [tilespmem:s31+$0x0];
	v55 =	vpop (erf);
	(erf) = vpow2.f32 v11;
	v11 =	vmul.f32 $1.442695020e+00, v13;
	v13 =	vsub.f32 v49, v12  }
0x272: {  	[tilespmem:$0x1F550] =	vst v61;
	s10 =	sor.u32 s13, s28;
	v14 =	vld [tilespmem:s9+$0x0];
	v18 =	vsub.f32 v51, v61;
	v56 =	vpop (erf);
	(erf) = vpow2.f32 v3;
	v16 =	vmul.f32 $1.442695020e+00, v16  }
0x273: {  	s11 =	sand.u32 $0x3, s25;
	[tilespmem:$0x1F530] =	vst v60;
	s31 =	sor.u32 s13, s20;
	v41 =	vld [tilespmem:s10+$0x0];
	v59 =	vpop (erf);
	(erf) = vpow2.f32 v11;
	v11 =	vmul.f32 $1.442695020e+00, v13  }
0x274: {  	[tilespmem:$0x1F560] =	vst v43;
	s1 =	sshll.u32 s11, $0x5;
	s11 =	sor.u32 s13, s19;
	v60 =	vpop (erf);
	v13 =	vsub.f32 v47, v43;
	v43 =	vld [tilespmem:s31+$0x0];
	(erf) = vpow2.f32 v16;
	v16 =	vmul.f32 $1.442695020e+00, v18  }
0x275: {  	[tilespmem:$0x1F570] =	vst v34;
	s18 =	sor.u32 s13, s18;
	v61 =	vpop (erf);
	v18 =	vsub.f32 v44, v34;
	v34 =	vld [tilespmem:s11+$0x0];
	(erf) = vpow2.f32 v11  }
0x276: {  	[tilespmem:$0x1F520] =	vst v63;
	s10 =	sand.u32 $0x7, s25;
	s1 =	sadd.s32 $0x0, s1;
	v52 =	vpop (erf);
	v11 =	vmul.f32 $1.442695020e+00, v13;
	v13 =	vsub.f32 v33, v46;
	(erf) = vpow2.f32 v16;
	v16 =	vld [tilespmem:s18+$0x0]  }
0x277: {  	v6 =	vbroadcast v58, $0xF;
	[tilespmem:$0x1F580] =	vst v46;
	s7 =	sshll.u32 s10, $0x4;
	s1 =	sor.u32 $0x300, s1;
	v18 =	vmul.f32 $1.442695020e+00, v18  }
0x278: {  	s7 =	sadd.s32 $0x0, s7;
	[tilespmem:$0x1F510] =	vst v62;
	v62 =	vld [tilespmem:s1+$0x4000];
	v63 =	vsub.f32 v14, v4;
	v54 =	vpop (erf);
	(erf) = vpow2.f32 v11;
	v11 =	vmul.f32 $1.442695020e+00, v13  }
0x279: {  	[tilespmem:$0x1F590] =	vst v4;
	s7 =	sadd.s32 $0x10, s7;
	v45 =	vpop (erf);
	(erf) = vpow2.f32 v18;
	v18 =	vsub.f32 v41, v2;
	v50 =	vsub.f32 v43, v1  }
0x27a: {  	[tilespmem:$0x1F5B0] =	vst v1;
	s19 =	sor.u32 $0x300, s7;
	v46 =	vpop (erf);
	(erf) = vpow2.f32 v11;
	v11 =	vmul.f32 $1.442695020e+00, v63  }
0x27b: {  	s0 =	sor.u32 s13, s0;
	[tilespmem:$0x1F5D0] =	vst v0;
	v63 =	vld [tilespmem:s19+$0x4000];
	v4 =	vsub.f32 v34, v8;
	v1 =	vmul.f32 $1.442695020e+00, v18;
	v0 =	vsub.f32 v16, v0  }
0x27c: {  	v48 =	vpop (erf);
	v18 =	vld [tilespmem:s0+$0x0];
	(erf) = vpow2.f32 v11;
	v11 =	vmul.f32 $1.442695020e+00, v50  }
0x27d: {  	s5 =	sor.u32 s13, s5;
	v4 =	vmul.f32 $1.442695020e+00, v4;
	v50 =	vpop (erf);
	(erf) = vpow2.f32 v1;
	v1 =	vsub.f32 v62, v6  }
0x27e: {  	v13 =	vld [tilespmem:s5+$0x0];
	v58 =	vpop (erf);
	(erf) = vpow2.f32 v11;
	v3 =	vmul.f32 $1.442695020e+00, v0  }
0x27f: {  	v1 =	vmul.f32 $1.442695020e+00, v1;
	v0 =	vpop (erf);
	(erf) = vpow2.f32 v4  }
0x280: {  	v4 =	vsub.f32 v63, v6;
	v11 =	vpop (erf);
	(erf) = vpow2.f32 v3  }
0x281: {  	[tilespmem:$0x1F5F0] =	vst v6;
	v6 =	vpop (erf);
	(erf) = vpow2.f32 v1;
	v1 =	vsub.f32 v18, v5  }
0x282: {  	[tilespmem:$0x1F5A0] =	vst v2;
	v3 =	vmul.f32 $1.442695020e+00, v4;
	v4 =	vld [tilespmem:$0x1FFE0]  }
0x283: {  	[tilespmem:$0x1F600] =	vst v5;
	v2 =	vsub.f32 v13, v7;
	v5 =	vmul.f32 $1.442695020e+00, v1;
	v1 =	vld [tilespmem:$0x1F610];
	_ =	sdelay $0x1  }
0x284: {  	v2 =	vmul.f32 $1.442695020e+00, v2  }
0x285: {  	v10 =	vimm.f32 $0.0e+00;
	s20 =	scvt.s32.f32 s25  }
0x286: {  	[tilespmem:$0x1F5C0] =	vst v8;
	v8 =	vpop (erf);
	(erf) = vpow2.f32 v2;
	v2 =	vadd.f32 v6, v10  }
0x287: {  	[tilespmem:$0x1F5E0] =	vst v7;
	v7 =	vpop (erf);
	(erf) = vpow2.f32 v3;
	v3 =	vadd.f32 s20, v4;
	v1 =	vbroadcast v1, $0xF  }
0x288: {  	s31 =	scvt.s32.f32 s26;
	v2 =	vadd.f32 v23, v2  }
0x289: {  	[tilespmem:$0x1F540] =	vst v12;
	v6 =	vimm.f32 $-Inf;
	v12 =	vpop (erf);
	vm8 =	veq.f32 v3, v1  }
0x28a: {  	(erf) = vpow2.f32 v5;
	[tilespmem:$0x1F620] =	vst v2;
	v2 =	vld [tilespmem:$0x1F630];
	v5 =	vsel vm8, v22, v6;
	v22 =	vmovc v4;
	v4 =	vadd.f32 s31, v4;
	_ =	sdelay $0x1  }
0x28b: {  	v9 =	vbroadcast v9, $0xF;
	v8 =	vadd.f32 v8, v10;
	vm10 =	veq.f32 v4, v1  }
0x28c: {  	[tilespmem:$0x1F650] =	vst v1;
	v1 =	vsel vm10, v15, v5  }
0x28d: {  	v7 =	vadd.f32 v7, v10;
	vm9 =	veq.f32 v3, v9;
	[tilespmem:$0x1F670] =	vst v1;
	v1 =	vadd.f32 v55, v8  }
0x28e: {  	v23 =	vsel vm9, v26, v6;
	v26 =	vbroadcast v2, $0xF;
	v2 =	vld [tilespmem:$0x1F640];
	vm11 =	veq.f32 v4, v9  }
0x28f: {  	[tilespmem:$0x1F680] =	vst v1;
	v1 =	vsel vm11, v25, v23  }
0x290: {  	[tilespmem:$0x1F690] =	vst v1;
	v1 =	vadd.f32 v56, v7;
	v56 =	vld [tilespmem:$0x1F6B0];
	_ =	sdelay $0x2  }
0x291: {  	v8 =	vpop (erf);
	v2 =	vbroadcast v2, $0xF  }
0x292: {  	vm4 =	veq.f32 v3, v26;
	v8 =	vadd.f32 v8, v10  }
0x293: {  	[tilespmem:$0x1F660] =	vst v9;
	vm6 =	veq.f32 v4, v26;
	vm5 =	veq.f32 v3, v2;
	v5 =	vbroadcast v56, $0xF  }
0x294: {  	[tilespmem:$0x1F6D0] =	vst v2;
	vm7 =	veq.f32 v4, v2;
	v2 =	vadd.f32 v60, v8;
	v9 =	vsel vm5, v51, v6  }
0x295: {  	v7 =	vpop (erf);
	v25 =	vsel vm7, v24, v9;
	v24 =	vimm.f32 $-Inf;
	vm8 =	veq.f32 v3, v5  }
0x296: {  	v7 =	vadd.f32 v7, v10;
	[tilespmem:$0x1F6A0] =	vst v1;
	vm9 =	veq.f32 v4, v5;
	v9 =	vsel vm8, v47, v24  }
0x297: {  	v55 =	vadd.f32 v12, v10;
	v1 =	vsel vm4, v49, v6;
	[tilespmem:$0x1F720] =	vst v2;
	v2 =	vsel vm9, v21, v9  }
0x298: {  	v1 =	vsel vm6, v28, v1;
	[tilespmem:$0x1F730] =	vst v2;
	v2 =	vadd.f32 v61, v7  }
0x299: {  	[tilespmem:$0x1F6E0] =	vst v1;
	v1 =	vadd.f32 v59, v55  }
0x29a: {  	[tilespmem:$0x1F740] =	vst v2;
	v2 =	vld [tilespmem:$0x1F750]  }
0x29b: {  	[tilespmem:$0x1F6F0] =	vst v1;
	v1 =	vld [tilespmem:$0x1F700];
	_ =	sdelay $0x3  }
0x29c: {  	v9 =	vbroadcast v2, $0xF;
	v2 =	vld [tilespmem:$0x1F760]  }
0x29d: {  	v1 =	vbroadcast v1, $0xF;
	_ =	sdelay $0x1  }
0x29e: {  	v49 =	vpop (erf);
	vm10 =	veq.f32 v3, v1  }
0x29f: {  	v51 =	vpop (erf);
	vm11 =	veq.f32 v4, v1;
	v8 =	vsel vm10, v44, v24  }
0x2a0: {  	v55 =	vpop (erf);
	[tilespmem:$0x1F770] =	vst v1;
	v1 =	vsel vm11, v29, v8;
	v2 =	vbroadcast v2, $0xF  }
0x2a1: {  	v32 =	vadd.f32 v32, v10;
	v56 =	vpop (erf);
	[tilespmem:$0x1F780] =	vst v1;
	v1 =	vbroadcast v39, $0xF  }
0x2a2: {  	v47 =	vpop (erf);
	vm5 =	veq.f32 v3, v2;
	[tilespmem:$0x1F7A0] =	vst v2;
	vm7 =	veq.f32 v4, v2;
	v2 =	vld [tilespmem:$0x1F7B0]  }
0x2a3: {  	v32 =	vadd.f32 v52, v32;
	v59 =	vpop (erf);
	vm9 =	veq.f32 v3, v1;
	vm4 =	veq.f32 v3, v9  }
0x2a4: {  	v61 =	vpop (erf);
	[tilespmem:$0x1F7E0] =	vst v1;
	vm11 =	veq.f32 v4, v1;
	v1 =	vld [tilespmem:$0x1F800];
	v60 =	vsel vm4, v62, v24;
	v62 =	vbroadcast v38, $0xF  }
0x2a5: {  	v28 =	vadd.f32 v49, v10;
	v7 =	vadd.f32 v61, v10  }
0x2a6: {  	vm6 =	veq.f32 v4, v9;
	vm8 =	veq.f32 v3, v62;
	v15 =	vsel vm5, v36, v24  }
0x2a7: {  	v52 =	vsel vm7, v20, v15;
	v15 =	vsel vm8, v33, v24;
	v33 =	vbroadcast v2, $0xF;
	v2 =	vld [tilespmem:$0x1F7C0]  }
0x2a8: {  	v44 =	vpop (erf);
	v12 =	vsel vm9, v14, v24;
	[tilespmem:$0x1F7D0] =	vst v62;
	vm10 =	veq.f32 v4, v62;
	v62 =	vbroadcast v37, $0xF  }
0x2a9: {  	[tilespmem:$0x1F6C0] =	vst v26;
	v6 =	vpop (erf);
	v26 =	vsel vm6, v63, v60;
	v60 =	vbroadcast v1, $0xF;
	v1 =	vbroadcast v40, $0xF  }
0x2aa: {  	v54 =	vadd.f32 v54, v28;
	v61 =	vadd.f32 v6, v7;
	v49 =	vsel vm11, v19, v12  }
0x2ab: {  	vm9 =	veq.f32 v3, v62;
	vm11 =	veq.f32 v4, v62;
	vm12 =	veq.f32 v3, v1  }
0x2ac: {  	vm13 =	veq.f32 v4, v1;
	vm4 =	veq.f32 v3, v33;
	v2 =	vbroadcast v2, $0xF  }
0x2ad: {  	vm8 =	veq.f32 v3, v60;
	vm6 =	veq.f32 v4, v33;
	v12 =	vsel vm4, v41, v24  }
0x2ae: {  	v39 =	vsel vm10, v35, v15;
	v38 =	vsel vm6, v30, v12;
	vm5 =	veq.f32 v3, v2  }
0x2af: {  	[tilespmem:$0x1F810] =	vst v2;
	vm7 =	veq.f32 v4, v2;
	v2 =	vbroadcast v42, $0xF;
	v12 =	vsel vm5, v43, v24  }
0x2b0: {  	[tilespmem:$0x1F710] =	vst v5;
	v15 =	vadd.f32 v56, v10;
	v36 =	vsel vm7, v31, v12;
	v12 =	vadd.f32 v51, v10  }
0x2b1: {  	[tilespmem:$0x1F790] =	vst v9;
	vm10 =	veq.f32 v4, v60;
	vm15 =	veq.f32 v3, v2;
	v3 =	vadd.f32 v55, v10  }
0x2b2: {  	[tilespmem:$0x1F830] =	vst v62;
	v42 =	vadd.f32 v48, v15;
	v51 =	vadd.f32 v45, v12;
	v12 =	vsel vm8, v34, v24  }
0x2b3: {  	[tilespmem:$0x1F820] =	vst v60;
	v45 =	vadd.f32 v46, v3;
	v3 =	vsel vm9, v16, v24;
	v35 =	vsel vm10, v27, v12  }
0x2b4: {  	v63 =	vpop (erf);
	[tilespmem:$0x1F840] =	vst v1;
	v12 =	vadd.f32 v47, v10;
	v34 =	vsel vm11, v17, v3;
	v3 =	vadd.f32 v59, v10  }
0x2b5: {  	s29 =	simm.s32 $0x0;
	[tilespmem:$0x1F7F0] =	vst v33;
	v15 =	vadd.f32 v44, v10;
	vm14 =	veq.f32 v4, v2;
	v17 =	vadd.f32 v63, v10  }
0x2b6: {  	s30 =	simm.s32 $0x0;
	s28 =	simm.s32 $0x20;
	s26 =	simm.s32 $0x0;
	[tilespmem:$0x1F850] =	vst v2;
	v43 =	vadd.f32 v50, v12;
	v40 =	vadd.f32 v58, v3;
	v12 =	vimm.f32 $-Inf  }
.LBB2_9:
0x2b7: {  	_ = 	snop  }
0x2b8: {  	v0 =	vadd.f32 v0, v15;
	v10 =	vld [tilespmem:$0x1F650]  }
0x2b9: {  	v8 =	vld [tilespmem:$0x1F660];
	v2 =	vsel vm12, v13, v24  }
0x2ba: {  	v9 =	vld [tilespmem:$0x1F6C0];
	[tilespmem:$0x1F3E0] =	vst v0;
	v0 =	vsel vm13, v53, v2  }
0x2bb: {  	v6 =	vld [tilespmem:$0x1F7A0];
	[tilespmem:$0x1F1C0] =	vst v0;
	v0 =	vadd.f32 v11, v17  }
0x2bc: {  	s0 =	scvt.s32.f32 s28;
	v4 =	vld [tilespmem:$0x1F7D0];
	v3 =	vsel vm15, v18, v12  }
0x2bd: {  	v2 =	vld [tilespmem:$0x1F6D0];
	[tilespmem:$0x1F3F0] =	vst v0;
	v0 =	vsel vm14, v57, v3  }
0x2be: {  	v5 =	vld [tilespmem:$0x1F7E0];
	[tilespmem:$0x1F2D0] =	vst v0;
	v0 =	vadd.f32 s0, v22  }
0x2bf: {  	v11 =	vld [tilespmem:$0x1F710]  }
0x2c0: {  	v1 =	vimm.s32 $0x0;
	v7 =	vld [tilespmem:$0x1F7F0];
	vm0 =	veq.f32 v0, v9  }
0x2c1: {  	v12 =	vld [tilespmem:$0x1F770];
	v1 =	vsel vm0, $0xFFFFFFFF, v1  }
0x2c2: {  	v15 =	vld [tilespmem:$0x1F820];
	vm11 =	veq.f32 v0, v2;
	[tilespmem:$0x1F1D0] =	vst v1;
	v1 =	vimm.s32 $0x0  }
0x2c3: {  	[tilespmem:$0x1F240] =	vst v26;
	v3 =	vld [tilespmem:$0x1F790];
	v1 =	vsel vm11, $0xFFFFFFFF, v1  }
0x2c4: {  	v26 =	vld [tilespmem:$0x1F830];
	vm4 =	veq.f32 v0, v11;
	[tilespmem:$0x1F1E0] =	vst v1;
	v1 =	vimm.s32 $0x0  }
0x2c5: {  	[tilespmem:$0x1F1F0] =	vst v25;
	v19 =	vld [tilespmem:$0x1F840];
	v1 =	vsel vm4, $0xFFFFFFFF, v1  }
0x2c6: {  	v25 =	vld [tilespmem:$0x1F850];
	vm5 =	veq.f32 v0, v12;
	[tilespmem:$0x1F200] =	vst v1;
	v1 =	vimm.s32 $0x0  }
0x2c7: {  	[tilespmem:$0x1F2C0] =	vst v45;
	v44 =	vld [tilespmem:$0x1F520];
	v1 =	vsel vm5, $0xFFFFFFFF, v1  }
0x2c8: {  	s5 =	sadd.s32 $0x10, s28;
	v45 =	vld [tilespmem:$0x1F530];
	vm6 =	veq.f32 v0, v3;
	[tilespmem:$0x1F210] =	vst v1;
	v1 =	vimm.s32 $0x0  }
0x2c9: {  	v41 =	vld [tilespmem:$0x1F540];
	s1 =	scvt.s32.f32 s5;
	v1 =	vsel vm6, $0xFFFFFFFF, v1  }
0x2ca: {  	s25 =	sadd.s32 $0x100, s25;
	v23 =	vld [tilespmem:$0x1F550];
	vm8 =	veq.f32 v0, v6;
	[tilespmem:$0x1F230] =	vst v1;
	v1 =	vimm.s32 $0x0  }
0x2cb: {  	[tilespmem:$0x1F2B0] =	vst v39;
	v21 =	vld [tilespmem:$0x1F5E0];
	s10 =	sand.u32 $0x70, s5;
	s5 =	sor.u32 s5, s25;
	v20 =	vadd.f32 s1, v22;
	s1 =	sand.u32 $0x1C00, s25;
	v1 =	vsel vm8, $0xFFFFFFFF, v1  }
0x2cc: {  	s20 =	sor.u32 $0x380, s5;
	v24 =	vld [tilespmem:$0x1F600];
	s19 =	sor.u32 $0x4000, s1;
	vm10 =	veq.f32 v0, v4;
	[tilespmem:$0x1F260] =	vst v1;
	v1 =	vimm.s32 $0x0  }
0x2cd: {  	[tilespmem:$0x1F340] =	vst v38;
	v53 =	vld [tilespmem:s20+$0x4000];
	s18 =	sor.u32 s10, s19;
	v1 =	vsel vm10, $0xFFFFFFFF, v1  }
0x2ce: {  	v38 =	vld [tilespmem:s18+$0x0];
	vm11 =	veq.f32 v0, v5;
	[tilespmem:$0x1F2A0] =	vst v1;
	v1 =	vimm.s32 $0x0  }
0x2cf: {  	[tilespmem:$0x1F3D0] =	vst v34;
	v39 =	vld [tilespmem:s18+$0x80];
	v1 =	vsel vm11, $0xFFFFFFFF, v1  }
0x2d0: {  	v34 =	vld [tilespmem:s18+$0x100];
	vm4 =	veq.f32 v0, v7;
	[tilespmem:$0x1F2E0] =	vst v1;
	v1 =	vimm.s32 $0x0  }
0x2d1: {  	[tilespmem:$0x1F250] =	vst v32;
	v32 =	vld [tilespmem:s18+$0x180];
	v1 =	vsel vm4, $0xFFFFFFFF, v1  }
0x2d2: {  	[tilespmem:$0x1F330] =	vst v1;
	v1 =	vld [tilespmem:$0x1F810]  }
0x2d3: {  	v14 =	vimm.s32 $0x0;
	s7 =	sor.u32 $0x6000, s1;
	v29 =	vld [tilespmem:s18+$0x200]  }
0x2d4: {  	[tilespmem:$0x1F2F0] =	vst v49;
	v49 =	vimm.s32 $0x0;
	v55 =	vimm.s32 $0x0;
	s13 =	sor.u32 s28, s25;
	vm1 =	veq.f32 v20, v10;
	s31 =	sor.u32 s10, s7;
	v33 =	vld [tilespmem:s18+$0x280]  }
0x2d5: {  	vm2 =	veq.f32 v20, v8;
	vm3 =	veq.f32 v20, v9;
	v28 =	vld [tilespmem:s31+$0x0];
	v57 =	vimm.s32 $0x0;
	s0 =	sor.u32 $0x380, s13  }
0x2d6: {  	v13 =	vld [tilespmem:s0+$0x4000];
	vm7 =	veq.f32 v0, v10;
	vm9 =	veq.f32 v0, v8;
	vm12 =	veq.f32 v0, v19  }
0x2d7: {  	[tilespmem:$0x1F3A0] =	vst v35;
	s9 =	sor.u32 $0x6080, s1;
	vm15 =	veq.f32 v0, v25;
	vm4 =	veq.f32 v20, v2;
	v2 =	vld [tilespmem:$0x1F500];
	vm5 =	veq.f32 v0, v1  }
0x2d8: {  	[tilespmem:$0x1F360] =	vst v36;
	s20 =	sor.u32 $0x6180, s1;
	s11 =	sor.u32 s10, s9;
	v22 =	vld [tilespmem:$0x1F560];
	vm10 =	veq.f32 v20, v3;
	v3 =	vimm.s32 $0x0;
	v14 =	vsel vm5, $0xFFFFFFFF, v14  }
0x2d9: {  	v30 =	vld [tilespmem:s11+$0x0];
	s18 =	sor.u32 $0x6200, s1;
	s31 =	sor.u32 s10, s20;
	vm6 =	veq.f32 v0, v15;
	v3 =	vsel vm10, $0xFFFFFFFF, v3;
	[tilespmem:$0x1F350] =	vst v14;
	v14 =	vimm.s32 $0x0  }
0x2da: {  	s5 =	sor.u32 $0x6100, s1;
	v36 =	vld [tilespmem:s31+$0x0];
	s31 =	sor.u32 s10, s18;
	v50 =	vsub.f32 v39, v45;
	v56 =	vsub.f32 v34, v41;
	[tilespmem:$0x1F280] =	vst v3;
	v14 =	vsel vm6, $0xFFFFFFFF, v14  }
0x2db: {  	s13 =	sor.u32 s10, s5;
	v35 =	vld [tilespmem:s31+$0x0];
	vm8 =	veq.f32 v0, v26;
	v3 =	vsub.f32 v38, v44;
	[tilespmem:$0x1F390] =	vst v14;
	v14 =	vimm.s32 $0x0  }
0x2dc: {  	v31 =	vld [tilespmem:s13+$0x0];
	vm11 =	veq.f32 v20, v4;
	v0 =	vsub.f32 v13, v2;
	v14 =	vsel vm8, $0xFFFFFFFF, v14  }
0x2dd: {  	v58 =	vsub.f32 v29, v22;
	vm10 =	veq.f32 v20, v5;
	v4 =	vsel vm11, $0xFFFFFFFF, v49;
	[tilespmem:$0x1F3C0] =	vst v14;
	v14 =	vld [tilespmem:$0x1F570]  }
0x2de: {  	v8 =	vld [tilespmem:$0x1F590];
	vm11 =	veq.f32 v20, v7;
	v3 =	vmul.f32 $1.442695020e+00, v3;
	v0 =	vmul.f32 $1.442695020e+00, v0  }
0x2df: {  	[tilespmem:$0x1F300] =	vst v4;
	v7 =	vsel vm11, $0xFFFFFFFF, v57;
	v4 =	vmul.f32 $1.442695020e+00, v50;
	v60 =	vsub.f32 v53, v2;
	v2 =	vld [tilespmem:$0x1F580]  }
0x2e0: {  	v9 =	vld [tilespmem:$0x1F5C0];
	vm6 =	veq.f32 v20, v11;
	v11 =	vsub.f32 v32, v23;
	(erf) = vpow2.f32 v0  }
0x2e1: {  	[tilespmem:$0x1F380] =	vst v7;
	v7 =	vld [tilespmem:$0x1F5A0];
	v0 =	vmul.f32 $1.442695020e+00, v56;
	vm8 =	veq.f32 v20, v6;
	(erf) = vpow2.f32 v3  }
0x2e2: {  	s13 =	sor.u32 $0x6280, s1;
	v3 =	vmul.f32 $1.442695020e+00, v11;
	v6 =	vld [tilespmem:$0x1F5B0];
	(erf) = vpow2.f32 v4;
	v11 =	vsub.f32 v33, v14  }
0x2e3: {  	s0 =	sor.u32 $0x6300, s1;
	s11 =	sor.u32 s10, s13;
	v10 =	vld [tilespmem:$0x1F5D0];
	v59 =	vmul.f32 $1.442695020e+00, v58;
	v5 =	vsel vm10, $0xFFFFFFFF, v55;
	(erf) = vpow2.f32 v0  }
0x2e4: {  	[tilespmem:$0x1F290] =	vst v53;
	s1 =	sor.u32 $0x6380, s1;
	v37 =	vld [tilespmem:s11+$0x0];
	s11 =	sor.u32 s10, s0;
	(erf) = vpow2.f32 v3;
	v0 =	vmul.f32 $1.442695020e+00, v11;
	v11 =	vsub.f32 v28, v2  }
0x2e5: {  	s31 =	sand.u32 $0x60, s28;
	s10 =	sor.u32 s10, s1;
	[tilespmem:$0x1F270] =	vst v13;
	v53 =	vld [tilespmem:s11+$0x0];
	v13 =	vsub.f32 v30, v8;
	v3 =	vmul.f32 $1.442695020e+00, v60;
	(erf) = vpow2.f32 v59  }
0x2e6: {  	[tilespmem:$0x1F220] =	vst v61;
	s19 =	sor.u32 s31, s19;
	v57 =	vld [tilespmem:s10+$0x0];
	v61 =	vmul.f32 $1.442695020e+00, v11;
	v11 =	vsub.f32 v31, v7;
	(erf) = vpow2.f32 v0  }
0x2e7: {  	[tilespmem:$0x1F320] =	vst v5;
	v5 =	vld [tilespmem:s19+$0x0];
	v0 =	vmul.f32 $1.442695020e+00, v13;
	v13 =	vsub.f32 v36, v6;
	(erf) = vpow2.f32 v3  }
0x2e8: {  	v27 =	vmovc v51;
	[tilespmem:$0x1F3B0] =	vst v40;
	v17 =	vmovc v52;
	v40 =	vld [tilespmem:s19+$0x80];
	v3 =	vmul.f32 $1.442695020e+00, v11;
	v11 =	vsub.f32 v35, v9;
	(erf) = vpow2.f32 v61  }
0x2e9: {  	[tilespmem:$0x1F370] =	vst v43;
	v16 =	vld [tilespmem:s19+$0x180];
	v43 =	vpop (erf);
	v62 =	vmul.f32 $1.442695020e+00, v13;
	v13 =	vsub.f32 v37, v10;
	(erf) = vpow2.f32 v0  }
0x2ea: {  	v49 =	vpop (erf);
	v61 =	vld [tilespmem:s19+$0x100];
	v0 =	vmul.f32 $1.442695020e+00, v11;
	v11 =	vsub.f32 v53, v21;
	(erf) = vpow2.f32 v3  }
0x2eb: {  	[tilespmem:$0x1F310] =	vst v42;
	v58 =	vld [tilespmem:s19+$0x200];
	v18 =	vsub.f32 v57, v24;
	v42 =	vpop (erf);
	v13 =	vmul.f32 $1.442695020e+00, v13;
	(erf) = vpow2.f32 v62  }
0x2ec: {  	s7 =	sor.u32 s31, s7;
	v63 =	vsub.f32 v5, v44;
	v47 =	vpop (erf);
	v3 =	vld [tilespmem:s19+$0x280];
	v11 =	vmul.f32 $1.442695020e+00, v11;
	(erf) = vpow2.f32 v0  }
0x2ed: {  	v44 =	vld [tilespmem:s7+$0x0];
	vm5 =	veq.f32 v20, v12;
	v18 =	vmul.f32 $1.442695020e+00, v18;
	v50 =	vpop (erf);
	(erf) = vpow2.f32 v13  }
0x2ee: {  	s11 =	sor.u32 s31, s9;
	v4 =	vmul.f32 $1.442695020e+00, v63;
	v51 =	vpop (erf);
	v0 =	vsub.f32 v40, v45;
	(erf) = vpow2.f32 v11  }
0x2ef: {  	s5 =	sor.u32 s31, s5;
	v45 =	vld [tilespmem:s11+$0x0];
	v13 =	vsub.f32 v61, v41;
	v11 =	vsub.f32 v16, v23;
	v52 =	vpop (erf);
	(erf) = vpow2.f32 v18  }
0x2f0: {  	v46 =	vld [tilespmem:s5+$0x0];
	v0 =	vmul.f32 $1.442695020e+00, v0;
	v18 =	vsub.f32 v58, v22;
	(erf) = vpow2.f32 v4;
	v48 =	vpop (erf)  }
0x2f1: {  	s11 =	sor.u32 s31, s18;
	s18 =	sor.u32 s31, s13;
	v13 =	vmul.f32 $1.442695020e+00, v13;
	v14 =	vsub.f32 v3, v14;
	v11 =	vmul.f32 $1.442695020e+00, v11;
	v12 =	vpop (erf)  }
0x2f2: {  	v41 =	vld [tilespmem:s18+$0x0];
	(erf) = vpow2.f32 v0;
	v0 =	vmul.f32 $1.442695020e+00, v18;
	v18 =	vsub.f32 v44, v2;
	v55 =	vpop (erf)  }
0x2f3: {  	s0 =	sor.u32 s31, s0;
	v14 =	vmul.f32 $1.442695020e+00, v14;
	(erf) = vpow2.f32 v13;
	v56 =	vpop (erf)  }
0x2f4: {  	v8 =	vsub.f32 v45, v8;
	v13 =	vld [tilespmem:s0+$0x0];
	(erf) = vpow2.f32 v11;
	v11 =	vmul.f32 $1.442695020e+00, v18;
	v59 =	vpop (erf)  }
0x2f5: {  	vm11 =	veq.f32 v20, v1;
	v1 =	vld [tilespmem:$0x1F620];
	v18 =	vsub.f32 v46, v7;
	(erf) = vpow2.f32 v0;
	v62 =	vpop (erf)  }
0x2f6: {  	s29 =	sadd.s32 $0x1, s29;
	v22 =	vmul.f32 $1.442695020e+00, v8;
	(erf) = vpow2.f32 v14;
	v60 =	vpop (erf)  }
0x2f7: {  	s19 =	sand.u32 $0x3, s29;
	v10 =	vsub.f32 v41, v10;
	v8 =	vmul.f32 $1.442695020e+00, v18;
	(erf) = vpow2.f32 v11;
	v0 =	vpop (erf)  }
0x2f8: {  	s30 =	sadd.s32 $0x2, s30;
	s9 =	sor.u32 s31, s20;
	s7 =	sshll.u32 s19, $0x5;
	(erf) = vpow2.f32 v22;
	v11 =	vpop (erf)  }
0x2f9: {  	s10 =	sand.u32 $0x7, s30;
	v63 =	vld [tilespmem:s9+$0x0];
	s7 =	sadd.s32 s7, s25;
	(erf) = vpow2.f32 v8;
	v8 =	vmul.f32 $1.442695020e+00, v10;
	v10 =	vsub.f32 v13, v21;
	v21 =	vpop (erf)  }
0x2fa: {  	vm0 =	veq.f32 v20, v15;
	s9 =	sshll.u32 s10, $0x4;
	s7 =	sor.u32 $0x300, s7;
	v15 =	vadd.f32 v21, v1;
	v1 =	vld [tilespmem:$0x1F670]  }
0x2fb: {  	s9 =	sadd.s32 s25, s9;
	v2 =	vld [tilespmem:s7+$0x4000]  }
0x2fc: {  	s19 =	sadd.s32 $0x10, s9;
	v22 =	vld [tilespmem:$0x1F5F0]  }
0x2fd: {  	s20 =	sor.u32 $0x300, s19  }
0x2fe: {  	v7 =	vld [tilespmem:s20+$0x4000]  }
0x2ff: {  	vm13 =	veq.f32 v20, v19;
	v6 =	vsub.f32 v63, v6;
	v19 =	vsel vm7, v5, v1;
	v1 =	vld [tilespmem:$0x1F680];
	_ =	sdelay $0x1  }
0x300: {  	v6 =	vmul.f32 $1.442695020e+00, v6;
	v14 =	vsub.f32 v2, v22;
	_ =	sdelay $0x1  }
0x301: {  	v4 =	vld [tilespmem:s11+$0x0];
	(erf) = vpow2.f32 v6;
	v6 =	vmul.f32 $1.442695020e+00, v14;
	v14 =	vsub.f32 v7, v22;
	v22 =	vpop (erf)  }
0x302: {  	vm10 =	veq.f32 v20, v26;
	v26 =	vadd.f32 v22, v1;
	v1 =	vadd.f32 v49, v15;
	_ =	sdelay $0x1  }
0x303: {  	s1 =	sor.u32 s31, s1;
	[tilespmem:$0x1F620] =	vst v1;
	v1 =	vld [tilespmem:$0x1F690];
	v15 =	vadd.f32 v42, v26  }
0x304: {  	v18 =	vld [tilespmem:s1+$0x0]  }
0x305: {  	v9 =	vsub.f32 v4, v9;
	[tilespmem:$0x1F680] =	vst v15;
	v15 =	vld [tilespmem:$0x1F1D0];
	_ =	sdelay $0x1  }
0x306: {  	v9 =	vmul.f32 $1.442695020e+00, v9  }
0x307: {  	vm14 =	veq.f32 v20, v25;
	v25 =	vsel vm9, v40, v1;
	v1 =	vld [tilespmem:$0x1F6A0]  }
0x308: {  	(erf) = vpow2.f32 v9  }
0x309: {  	v9 =	vmul.f32 $1.442695020e+00, v10;
	v10 =	vsub.f32 v18, v24;
	vm9 =	vnez.u8 v15;
	v15 =	vld [tilespmem:$0x1F720];
	_ =	sdelay $0x1  }
0x30a: {  	v23 =	vpop (erf);
	(erf) = vpow2.f32 v8  }
0x30b: {  	v8 =	vmul.f32 $1.442695020e+00, v14;
	v14 =	vpop (erf);
	v22 =	vadd.f32 v23, v1;
	v1 =	vsel vm1, v38, v19  }
0x30c: {  	(erf) = vpow2.f32 v6;
	v6 =	vmul.f32 $1.442695020e+00, v10;
	v10 =	vpop (erf);
	[tilespmem:$0x1F670] =	vst v1;
	v1 =	vld [tilespmem:$0x1F6F0]  }
0x30d: {  	v19 =	vadd.f32 v10, v15;
	v15 =	vadd.f32 v47, v22;
	_ =	sdelay $0x1  }
0x30e: {  	[tilespmem:$0x1F6A0] =	vst v15;
	v15 =	vld [tilespmem:$0x1F1E0];
	_ =	sdelay $0x1  }
0x30f: {  	v1 =	vadd.f32 v14, v1  }
0x310: {  	v14 =	vsel vm2, v39, v25  }
0x311: {  	[tilespmem:$0x1F690] =	vst v14;
	v14 =	vld [tilespmem:$0x1F6E0];
	v1 =	vadd.f32 v50, v1  }
0x312: {  	vm7 =	vnez.u8 v15;
	v15 =	vld [tilespmem:$0x1F1F0]  }
0x313: {  	[tilespmem:$0x1F6F0] =	vst v1;
	v1 =	vld [tilespmem:$0x1F740];
	_ =	sdelay $0x3  }
0x314: {  	v21 =	vpop (erf);
	v23 =	vsel vm9, v61, v14;
	v16 =	vsel vm7, v16, v15  }
0x315: {  	v15 =	vsel vm3, v34, v23;
	v21 =	vadd.f32 v21, v1;
	v1 =	vadd.f32 v51, v19  }
0x316: {  	[tilespmem:$0x1F6E0] =	vst v15;
	v15 =	vld [tilespmem:$0x1F200]  }
0x317: {  	[tilespmem:$0x1F720] =	vst v1;
	v1 =	vld [tilespmem:$0x1F730];
	_ =	sdelay $0x3  }
0x318: {  	vm9 =	vnez.u8 v15;
	v15 =	vld [tilespmem:$0x1F210]  }
0x319: {  	v25 =	vsel vm4, v32, v16;
	v16 =	vsel vm9, v58, v1;
	v1 =	vld [tilespmem:$0x1F780];
	_ =	sdelay $0x1  }
0x31a: {  	(erf) = vpow2.f32 v9  }
0x31b: {  	(erf) = vpow2.f32 v8;
	v8 =	vpop (erf)  }
0x31c: {  	v9 =	vpop (erf);
	vm4 =	vnez.u8 v15  }
0x31d: {  	v40 =	vpop (erf);
	v15 =	vsel vm4, v3, v1;
	v1 =	vld [tilespmem:$0x1F220]  }
0x31e: {  	v42 =	vpop (erf)  }
0x31f: {  	v20 =	vpop (erf)  }
0x320: {  	v14 =	vpop (erf)  }
0x321: {  	v10 =	vpop (erf)  }
0x322: {  	v10 =	vadd.f32 v10, v1;
	v1 =	vsel vm6, v29, v16  }
0x323: {  	[tilespmem:$0x1F730] =	vst v1;
	v1 =	vadd.f32 v52, v21;
	_ =	sdelay $0x1  }
0x324: {  	[tilespmem:$0x1F740] =	vst v1;
	v1 =	vsel vm5, v33, v15  }
0x325: {  	[tilespmem:$0x1F780] =	vst v1;
	v1 =	vld [tilespmem:$0x1F230];
	_ =	sdelay $0x4  }
0x326: {  	vm5 =	vnez.u8 v1;
	v1 =	vld [tilespmem:$0x1F240];
	_ =	sdelay $0x4  }
0x327: {  	v2 =	vsel vm5, v2, v1;
	v1 =	vld [tilespmem:$0x1F250];
	_ =	sdelay $0x4  }
0x328: {  	v16 =	vadd.f32 v43, v1;
	v1 =	vld [tilespmem:$0x1F260];
	_ =	sdelay $0x4  }
0x329: {  	vm6 =	vnez.u8 v1;
	v1 =	vld [tilespmem:$0x1F270];
	_ =	sdelay $0x2  }
0x32a: {  	v22 =	vpop (erf)  }
0x32b: {  	v3 =	vpop (erf)  }
0x32c: {  	v61 =	vadd.f32 v3, v10;
	v10 =	vsel vm6, v1, v17;
	v1 =	vld [tilespmem:$0x1F280];
	_ =	sdelay $0x4  }
0x32d: {  	vm7 =	vnez.u8 v1;
	v1 =	vld [tilespmem:$0x1F290];
	_ =	sdelay $0x4  }
0x32e: {  	v52 =	vsel vm8, v1, v10;
	v1 =	vld [tilespmem:$0x1F2A0];
	_ =	sdelay $0x4  }
0x32f: {  	vm8 =	vnez.u8 v1;
	v1 =	vld [tilespmem:$0x1F2B0];
	_ =	sdelay $0x4  }
0x330: {  	v51 =	vsel vm8, v44, v1;
	v1 =	vld [tilespmem:$0x1F2C0];
	_ =	sdelay $0x4  }
0x331: {  	v5 =	vadd.f32 v40, v1;
	v1 =	vld [tilespmem:$0x1F2E0];
	_ =	sdelay $0x4  }
0x332: {  	vm9 =	vnez.u8 v1;
	v1 =	vld [tilespmem:$0x1F2F0];
	_ =	sdelay $0x2  }
0x333: {  	v8 =	vadd.f32 v8, v54;
	_ =	sdelay $0x1  }
0x334: {  	v54 =	vadd.f32 v12, v8;
	v8 =	vsel vm9, v45, v1;
	v1 =	vld [tilespmem:$0x1F300];
	_ =	sdelay $0x4  }
0x335: {  	vm4 =	vnez.u8 v1;
	v1 =	vld [tilespmem:$0x1F310];
	_ =	sdelay $0x2  }
0x336: {  	v26 =	vsel vm7, v7, v2;
	v2 =	vadd.f32 v9, v27;
	_ =	sdelay $0x1  }
0x337: {  	v39 =	vsel vm4, v28, v51;
	v51 =	vadd.f32 v55, v2;
	v2 =	vadd.f32 v42, v1;
	v1 =	vld [tilespmem:$0x1F320];
	_ =	sdelay $0x4  }
0x338: {  	vm5 =	vnez.u8 v1;
	v1 =	vld [tilespmem:$0x1F330];
	_ =	sdelay $0x4  }
0x339: {  	vm6 =	vnez.u8 v1;
	v1 =	vld [tilespmem:$0x1F340];
	_ =	sdelay $0x4  }
0x33a: {  	v55 =	vsel vm6, v46, v1;
	v1 =	vld [tilespmem:$0x1F350];
	_ =	sdelay $0x4  }
0x33b: {  	vm7 =	vnez.u8 v1;
	v1 =	vld [tilespmem:$0x1F360];
	_ =	sdelay $0x4  }
0x33c: {  	v45 =	vadd.f32 v56, v5;
	v56 =	vsel vm7, v63, v1;
	v1 =	vld [tilespmem:$0x1F370];
	_ =	sdelay $0x4  }
0x33d: {  	v58 =	vadd.f32 v20, v1;
	v1 =	vld [tilespmem:$0x1F380];
	_ =	sdelay $0x4  }
0x33e: {  	vm8 =	vnez.u8 v1;
	v1 =	vld [tilespmem:$0x1F390];
	_ =	sdelay $0x4  }
0x33f: {  	vm9 =	vnez.u8 v1;
	v1 =	vld [tilespmem:$0x1F3A0];
	_ =	sdelay $0x4  }
0x340: {  	v42 =	vadd.f32 v59, v2;
	v2 =	vsel vm9, v4, v1;
	v1 =	vld [tilespmem:$0x1F3B0];
	_ =	sdelay $0x4  }
0x341: {  	v59 =	vadd.f32 v14, v1;
	v1 =	vld [tilespmem:$0x1F3C0];
	_ =	sdelay $0x4  }
0x342: {  	v36 =	vsel vm11, v36, v56;
	vm11 =	vnez.u8 v1;
	v1 =	vld [tilespmem:$0x1F3D0];
	_ =	sdelay $0x4  }
0x343: {  	(erf) = vpow2.f32 v6;
	v63 =	vsel vm11, v41, v1;
	v1 =	vld [tilespmem:$0x1F3E0];
	_ =	sdelay $0x3  }
0x344: {  	s26 =	sadd.s32 $0x2, s26  }
0x345: {  	p1 =	slt.u32 s26, $0x3C;
	v15 =	vadd.f32 v22, v1;
	v1 =	vld [tilespmem:$0x1F3F0]  }
.Ltmp5:
0x346: {  	_ = 	snop;
	(pc) =	sbr.rel @p1 .LBB2_9-.Ltmp5, $4  }
0x347: {  	_ = 	snop  }
0x348: {  	v24 =	vld [tilespmem:$0x1F1C0];
	v32 =	vadd.f32 v48, v16;
	v49 =	vsel vm5, v30, v8  }
0x349: {  	v12 =	vld [tilespmem:$0x1F2D0];
	v3 =	vpop (erf);
	v43 =	vadd.f32 v62, v58;
	v38 =	vsel vm8, v31, v55;
	v35 =	vsel vm0, v35, v2  }
0x34a: {  	s28 =	sadd.s32 $0x20, s28;
	v40 =	vadd.f32 v60, v59;
	v34 =	vsel vm10, v37, v63;
	v22 =	vld [tilespmem:$0x1FFE0];
	v17 =	vadd.f32 v3, v1  }
0x34b: {  	v5 =	vld [tilespmem:$0x1F400]  }
0x34c: {  	v27 =	vld [tilespmem:$0x1F520]  }
0x34d: {  	v8 =	vld [tilespmem:$0x1F430]  }
0x34e: {  	v23 =	vld [tilespmem:$0x1F550]  }
0x34f: {  	v9 =	vld [tilespmem:$0x1F410]  }
0x350: {  	v28 =	vld [tilespmem:$0x1F530];
	_ =	sdelay $0x1  }
0x351: {  	v6 =	vld [tilespmem:$0x1F420];
	v2 =	vsub.f32 v5, v27  }
0x352: {  	v21 =	vld [tilespmem:$0x1F540];
	v7 =	vsub.f32 v8, v23  }
0x353: {  	v20 =	vld [tilespmem:$0x1F560];
	v2 =	vmul.f32 $1.442695020e+00, v2  }
0x354: {  	v3 =	vsub.f32 v9, v28;
	v10 =	vmul.f32 $1.442695020e+00, v7;
	v7 =	vld [tilespmem:$0x1F440]  }
0x355: {  	(erf) = vpow2.f32 v2  }
0x356: {  	v1 =	vld [tilespmem:$0x1F8C0];
	v60 =	vmul.f32 $1.442695020e+00, v3  }
0x357: {  	v19 =	vld [tilespmem:$0x1F620];
	v62 =	vsub.f32 v6, v21  }
0x358: {  	v30 =	vld [tilespmem:$0x1F680];
	(erf) = vpow2.f32 v60  }
0x359: {  	v37 =	vld [tilespmem:$0x1F650];
	v63 =	vmul.f32 $1.442695020e+00, v62;
	v14 =	vsub.f32 v7, v20  }
0x35a: {  	v41 =	vld [tilespmem:$0x1F6A0]  }
0x35b: {  	(erf) = vpow2.f32 v63;
	v2 =	vmul.f32 $1.442695020e+00, v14;
	v14 =	vld [tilespmem:$0x1FFC0]  }
0x35c: {  	v47 =	vld [tilespmem:$0x1F670]  }
0x35d: {  	v55 =	vld [tilespmem:$0x1F660];
	(erf) = vpow2.f32 v10  }
0x35e: {  	v58 =	vld [tilespmem:$0x1F690];
	vm4 =	vnez.u8 v1;
	v16 =	vpop (erf)  }
0x35f: {  	v10 =	vld [tilespmem:$0x1F450];
	v3 =	vsel vm4, $0x0, v16  }
0x360: {  	vm3 =	vcmask $0x3F20;
	vm0 =	veq.f32 v37, v14;
	v3 =	vadd.f32 v19, v3;
	v19 =	vld [tilespmem:$0x1F570]  }
0x361: {  	v60 =	vld [tilespmem:$0x1F6F0];
	(erf) = vpow2.f32 v2;
	v22 =	vpop (erf);
	vm0 =	vmand vm0, vm3  }
0x362: {  	v16 =	vld [tilespmem:$0x1F460];
	v2 =	vsel vm4, $0x0, v22;
	v48 =	vsel vm0, v5, v47;
	vm0 =	veq.f32 v55, v14  }
0x363: {  	v2 =	vadd.f32 v30, v2;
	v30 =	vld [tilespmem:$0x1F5F0];
	vm0 =	vmand vm0, vm3  }
0x364: {  	v31 =	vpop (erf);
	v59 =	vsel vm0, v9, v58;
	v9 =	vld [tilespmem:$0x1F6C0]  }
0x365: {  	v62 =	vsel vm12, v13, v24;
	v13 =	vld [tilespmem:$0x1F6E0];
	v33 =	vsel vm4, $0x0, v31;
	(xrf2) =	vadd.scan.msk.f32 $0xffff, v3;
	v4 =	vsub.f32 v10, v19  }
0x366: {  	v63 =	vsel vm15, v18, v12;
	v18 =	vld [tilespmem:$0x1F6D0];
	v50 =	vpop (erf);
	v44 =	vadd.f32 v41, v33;
	(xrf0) =	vmax.scan.msk.f32 $0xffff, v48  }
0x367: {  	v22 =	vld [tilespmem:$0x1F720];
	v56 =	vsel vm4, $0x0, v50;
	(xrf2) =	vadd.scan.msk.f32 $0xffff, v2;
	v29 =	vmul.f32 $1.442695020e+00, v4  }
0x368: {  	v41 =	vld [tilespmem:$0x1F730];
	v1 =	vadd.f32 v60, v56;
	(xrf2) =	vadd.scan.msk.f32 $0xffff, v44;
	v46 =	vsub.f32 v16, v30  }
0x369: {  	v58 =	vld [tilespmem:$0x1FFD0];
	(xrf0) =	vmax.scan.msk.f32 $0xffff, v59;
	vm0 =	veq.f32 v9, v14;
	(erf) = vpow2.f32 v29  }
0x36a: {  	v44 =	vld [tilespmem:$0x1F740];
	(xrf2) =	vadd.scan.msk.f32 $0xffff, v1;
	v3 =	vmul.f32 $1.442695020e+00, v46;
	vm0 =	vmand vm0, vm3  }
0x36b: {  	v12 =	vpop (erf);
	v29 =	vld [tilespmem:$0x1F710];
	v4 =	vsel vm0, v6, v13;
	vm0 =	veq.f32 v18, v14  }
0x36c: {  	v1 =	vsel vm4, $0x0, v12;
	v46 =	vld [tilespmem:$0x1F770];
	(erf) = vpow2.f32 v3;
	vm0 =	vmand vm0, vm3  }
0x36d: {  	v5 =	vadd.f32 v22, v1;
	(xrf0) =	vmax.scan.msk.f32 $0xffff, v4;
	v33 =	vsel vm0, v8, v25;
	v25 =	vld [tilespmem:$0x1F470]  }
0x36e: {  	v37, _, _ =	vpop (xrf0);
	vm2 =	vnez.u8 v58;
	(xrf0) =	vmax.scan.msk.f32 $0xffff, v33;
	v33 =	vld [tilespmem:$0x1F500]  }
0x36f: {  	v1 =	vsel vm14, v57, v63;
	v57 =	vld [tilespmem:$0x1F780];
	v12 =	vsel vm2, v27, v28;
	v48, _, _ =	vpop (xrf0);
	(xrf2) =	vadd.scan.msk.f32 $0xffff, v5  }
0x370: {  	v28 =	vld [tilespmem:$0x1F870];
	v5 =	vbroadcast v37, $0xF;
	v55 =	vbroadcast v48, $0xF;
	v24, _, _ =	vpop (xrf2);
	vm1 =	veq.f32 v29, v14  }
0x371: {  	v2 =	vsel vm13, v53, v62;
	v18 =	vld [tilespmem:$0x1F860];
	v47, _, _ =	vpop (xrf2);
	vm0 =	vmand vm1, vm3  }
0x372: {  	v37 =	vld [tilespmem:$0x1F790];
	v6 =	vbroadcast v24, $0xF;
	v5 =	vsel vm2, v5, v55;
	v4 =	vsel vm0, v7, v41;
	v31 =	vpop (erf)  }
0x373: {  	v48 =	vld [tilespmem:$0x1F880];
	v56, _, _ =	vpop (xrf2);
	vm0 =	veq.f32 v46, v14;
	v50 =	vsub.f32 v25, v33;
	v3 =	vsel vm4, $0x0, v31  }
0x374: {  	v55 =	vld [tilespmem:$0x1F890];
	v53 =	vbroadcast v47, $0xF;
	v13, _, _ =	vpop (xrf2);
	vm0 =	vmand vm0, vm3;
	v3 =	vadd.f32 v44, v3  }
0x375: {  	v29 =	vld [tilespmem:$0x1F580];
	v63 =	vbroadcast v56, $0xF;
	v10 =	vsel vm0, v10, v57;
	v59 =	vpop (erf);
	v9 =	vmul.f32 $1.442695020e+00, v50  }
0x376: {  	v62, _, _ =	vpop (xrf0);
	vm0 =	vnez.u8 v18;
	v18 =	vld [tilespmem:$0x1F4D0];
	v60 =	vsel vm4, $0x0, v59;
	(xrf2) =	vadd.scan.msk.f32 $0xffff, v3;
	v3 =	vsel vm2, v6, v53  }
0x377: {  	(xrf0) =	vmax.scan.msk.f32 $0xffff, v4;
	v22, _, _ =	vpop (xrf0);
	(erf) = vpow2.f32 v9;
	v9 =	vsel vm0, v12, v21;
	v6 =	vbroadcast v62, $0xF;
	v21 =	vld [tilespmem:$0x1F480]  }
0x378: {  	v8 =	vbroadcast v13, $0xF;
	v24 =	vbroadcast v22, $0xF;
	v4 =	vadd.f32 v61, v60;
	v62 =	vld [tilespmem:$0x1F8A0]  }
0x379: {  	v31, _, _ =	vpop (xrf2);
	v3 =	vsel vm0, v3, v63;
	v5 =	vsel vm0, v5, v6;
	vm0 =	vnez.u8 v28;
	v28 =	vld [tilespmem:$0x1F590]  }
0x37a: {  	v7 =	vbroadcast v31, $0xF;
	(xrf2) =	vadd.scan.msk.f32 $0xffff, v4;
	v5 =	vsel vm0, v5, v24;
	v24 =	vld [tilespmem:$0x1F490]  }
0x37b: {  	(xrf0) =	vmax.scan.msk.f32 $0xffff, v10;
	v31 =	vld [tilespmem:$0x1F5C0];
	v6 =	vsel vm0, v9, v23;
	v3 =	vsel vm0, v3, v8;
	vm0 =	veq.f32 v37, v14  }
0x37c: {  	v23 =	vld [tilespmem:$0x1F4A0];
	vm0 =	vmand vm0, vm3;
	v27 =	vsub.f32 v21, v29  }
0x37d: {  	v41, _, _ =	vpop (xrf0);
	v46 =	vsel vm0, v16, v26;
	vm0 =	vnez.u8 v48;
	v26 =	vld [tilespmem:$0x1F5B0]  }
0x37e: {  	v47 =	vbroadcast v41, $0xF;
	v6 =	vsel vm0, v6, v20;
	v20 =	vld [tilespmem:$0x1F4B0];
	v4 =	vmul.f32 $1.442695020e+00, v27  }
0x37f: {  	vm1 =	vnez.u8 v62;
	v27 =	vld [tilespmem:$0x1F5A0];
	v44 =	vsub.f32 v24, v28  }
0x380: {  	v16 =	vld [tilespmem:$0x1F7A0];
	v3 =	vsel vm0, v3, v7;
	(xrf0) =	vmax.scan.msk.f32 $0xffff, v46;
	(erf) = vpow2.f32 v4;
	v4 =	vsel vm0, v5, v47;
	v58 =	vpop (erf)  }
0x381: {  	v56, _, _ =	vpop (xrf0);
	vm0 =	vnez.u8 v55;
	v47 =	vld [tilespmem:$0x1F7D0];
	v53 =	vmul.f32 $1.442695020e+00, v44;
	v10 =	vsel vm4, $0x0, v58  }
0x382: {  	v50, _, _ =	vpop (xrf2);
	v5 =	vsel vm0, v6, v19;
	v6 =	vbroadcast v56, $0xF;
	v10 =	vadd.f32 v32, v10;
	v32 =	vld [tilespmem:$0x1F5D0]  }
0x383: {  	v19 =	vld [tilespmem:$0x1F4C0];
	v7 =	vbroadcast v50, $0xF;
	v59 =	vsub.f32 v20, v26;
	v5 =	vsel vm1, v5, v30  }
0x384: {  	v61, _, _ =	vpop (xrf2);
	v30 =	vld [tilespmem:$0x1F5E0];
	v57 =	vsub.f32 v23, v27;
	(erf) = vpow2.f32 v53;
	v4 =	vsel vm0, v4, v6  }
0x385: {  	v6 =	vbroadcast v61, $0xF;
	v3 =	vsel vm0, v3, v7;
	vm0 =	veq.f32 v16, v14;
	v16 =	vld [tilespmem:$0x1F4E0]  }
0x386: {  	v48 =	vld [tilespmem:$0x1F7E0];
	v63, _, _ =	vpop (xrf0);
	v8 =	vmul.f32 $1.442695020e+00, v59;
	(xrf2) =	vadd.scan.msk.f32 $0xffff, v10;
	v9 =	vmul.f32 $1.442695020e+00, v57  }
0x387: {  	v7 =	vbroadcast v63, $0xF;
	vm0 =	vmand vm0, vm3;
	v13 =	vsub.f32 v18, v32  }
0x388: {  	v46 =	vld [tilespmem:$0x1F600];
	v60 =	vsub.f32 v19, v31;
	v41 =	vsel vm0, v25, v52;
	(erf) = vpow2.f32 v9  }
0x389: {  	v3 =	vsel vm1, v3, v6;
	vm0 =	veq.f32 v47, v14;
	(xrf0) =	vmax.scan.msk.f32 $0xffff, v41;
	v9 =	vmul.f32 $1.442695020e+00, v13;
	v13 =	vld [tilespmem:$0x1F4F0]  }
0x38a: {  	v53 =	vld [tilespmem:$0x1F7F0];
	(erf) = vpow2.f32 v8;
	v12 =	vmul.f32 $1.442695020e+00, v60;
	v37 =	vsub.f32 v16, v30  }
0x38b: {  	v4 =	vsel vm1, v4, v7;
	vm1 =	veq.f32 v48, v14;
	vm0 =	vmand vm0, vm3;
	v22 =	vpop (erf)  }
0x38c: {  	v59 =	vld [tilespmem:$0x1F8B0];
	(erf) = vpow2.f32 v12;
	v10 =	vsel vm4, $0x0, v22;
	v8 =	vmul.f32 $1.442695020e+00, v37  }
0x38d: {  	vm1 =	vmand vm1, vm3;
	v10 =	vadd.f32 v54, v10;
	(erf) = vpow2.f32 v9;
	v44 =	vpop (erf)  }
0x38e: {  	(erf) = vpow2.f32 v8;
	v6 =	vsel vm4, $0x0, v44;
	v7 =	vsub.f32 v13, v46  }
0x38f: {  	v63 =	vld [tilespmem:$0x1F810];
	(xrf2) =	vadd.scan.msk.f32 $0xffff, v10;
	v58, _, _ =	vpop (xrf0);
	v6 =	vadd.f32 v51, v6;
	v51 =	vsel vm0, v21, v39;
	vm0 =	veq.f32 v53, v14  }
0x390: {  	v52 =	vsel vm1, v24, v49;
	v55, _, _ =	vpop (xrf2);
	v9 =	vbroadcast v58, $0xF;
	vm0 =	vmand vm0, vm3  }
0x391: {  	v21 =	vld [tilespmem:$0x1F820];
	v50 =	vpop (erf);
	v7 =	vmul.f32 $1.442695020e+00, v7;
	v57 =	vsel vm0, v23, v38;
	vm0 =	vnez.u8 v59  }
0x392: {  	(xrf2) =	vadd.scan.msk.f32 $0xffff, v6;
	v6 =	vbroadcast v55, $0xF;
	v56 =	vsel vm4, $0x0, v50;
	v5 =	vsel vm0, v5, v33  }
0x393: {  	(xrf0) =	vmax.scan.msk.f32 $0xffff, v51;
	v54 =	vpop (erf);
	v4 =	vsel vm0, v4, v9;
	(erf) = vpow2.f32 v7;
	v7 =	vadd.f32 v45, v56  }
0x394: {  	v25 =	vld [tilespmem:$0x1F830];
	(xrf0) =	vmax.scan.msk.f32 $0xffff, v52;
	v12 =	vsel vm4, $0x0, v54;
	v3 =	vsel vm0, v3, v6;
	vm0 =	veq.f32 v63, v14  }
0x395: {  	(xrf0) =	vmax.scan.msk.f32 $0xffff, v57;
	v60 =	vpop (erf);
	v61 =	vadd.f32 v42, v12;
	vm0 =	vmand vm0, vm3  }
0x396: {  	(xrf2) =	vadd.scan.msk.f32 $0xffff, v7;
	v62 =	vsel vm4, $0x0, v60;
	v20 =	vsel vm0, v20, v36;
	vm0 =	veq.f32 v21, v14  }
0x397: {  	v7 =	vadd.f32 v43, v62;
	v12 =	vpop (erf);
	(xrf2) =	vadd.scan.msk.f32 $0xffff, v61;
	vm0 =	vmand vm0, vm3  }
0x398: {  	v0 =	vadd.f32 v0, v15;
	v15 =	vadd.f32 v11, v17;
	(xrf0) =	vmax.scan.msk.f32 $0xffff, v20;
	v17 =	vpop (erf);
	v24 =	vsel vm0, v19, v35;
	v35 =	vld [tilespmem:$0x1F840]  }
0x399: {  	v5 =	vsel vm4, v5, v29;
	v43 =	vld [tilespmem:$0x1F8E0];
	v8 =	vsel vm4, $0x0, v12;
	vm0 =	veq.f32 v25, v14;
	(xrf2) =	vadd.scan.msk.f32 $0xffff, v7;
	v22, _, _ =	vpop (xrf2)  }
0x39a: {  	v38 =	vld [tilespmem:$0x1F8D0];
	v23, _, _ =	vpop (xrf0);
	v8 =	vadd.f32 v40, v8;
	v6 =	vsel vm4, $0x0, v17;
	(xrf0) =	vmax.scan.msk.f32 $0xffff, v24;
	v7 =	vbroadcast v22, $0xF  }
0x39b: {  	v36, _, _ =	vpop (xrf0);
	vm0 =	vmand vm0, vm3;
	v0 =	vadd.f32 v0, v6;
	v6 =	vbroadcast v23, $0xF  }
0x39c: {  	v44 =	vld [tilespmem:$0x1F850];
	v37, _, _ =	vpop (xrf0);
	v40 =	vbroadcast v36, $0xF;
	v34 =	vsel vm0, v18, v34;
	v3 =	vsel vm4, v3, v7  }
0x39d: {  	(xrf2) =	vadd.scan.msk.f32 $0xffff, v8;
	v33, _, _ =	vpop (xrf2);
	v4 =	vsel vm4, v4, v6;
	v6 =	vbroadcast v37, $0xF;
	vm0 =	veq.f32 v35, v14  }
0x39e: {  	v58 =	vld [tilespmem:$0x1F920];
	(xrf2) =	vadd.scan.msk.f32 $0xffff, v0;
	vm1 =	vnez.u8 v43;
	v29 =	vpop (erf);
	v0 =	vbroadcast v33, $0xF;
	vm0 =	vmand vm0, vm3  }
0x39f: {  	v50 =	vld [tilespmem:$0x1F8F0];
	v42, _, _ =	vpop (xrf0);
	v8 =	vsel vm4, $0x0, v29;
	v2 =	vsel vm0, v16, v2;
	vm0 =	vnez.u8 v38  }
0x3a0: {  	(xrf0) =	vmax.scan.msk.f32 $0xffff, v34;
	v48 =	vbroadcast v42, $0xF;
	v8 =	vadd.f32 v15, v8;
	v49, _, _ =	vpop (xrf0);
	v5 =	vsel vm0, v5, v28  }
0x3a1: {  	v53 =	vld [tilespmem:$0x1F900];
	v39, _, _ =	vpop (xrf2);
	v0 =	vsel vm0, v3, v0;
	v4 =	vsel vm0, v4, v40;
	(xrf0) =	vmax.scan.msk.f32 $0xffff, v2;
	vm0 =	veq.f32 v44, v14  }
0x3a2: {  	v60 =	vld [tilespmem:$0x1FFF0];
	v7 =	vbroadcast v49, $0xF;
	(xrf2) =	vadd.scan.msk.f32 $0xffff, v8;
	v41 =	vbroadcast v39, $0xF;
	v5 =	vsel vm1, v5, v27  }
0x3a3: {  	v56 =	vld [tilespmem:$0x1F910];
	v45, _, _ =	vpop (xrf2);
	v46 =	vsel vm1, v4, v6;
	vm0 =	vmand vm0, vm3;
	vm3 =	vnez.u8 v58  }
0x3a4: {  	v1 =	vsel vm0, v13, v1;
	v2 =	vbroadcast v45, $0xF;
	vm0 =	vnez.u8 v50  }
0x3a5: {  	v0 =	vsel vm1, v0, v41;
	v47, _, _ =	vpop (xrf2);
	v5 =	vsel vm0, v5, v26;
	(xrf0) =	vmax.scan.msk.f32 $0xffff, v1;
	v52 =	vsel vm0, v46, v48  }
0x3a6: {  	v61 =	vld [tilespmem:$0x1F510];
	v51, _, _ =	vpop (xrf0);
	v4 =	vbroadcast v47, $0xF;
	v0 =	vsel vm0, v0, v2;
	vm0 =	vnez.u8 v53  }
0x3a7: {  	v1 =	vbroadcast v51, $0xF;
	vm1 =	vnez.u8 v60;
	v3 =	vsel vm0, v5, v31;
	v54, _, _ =	vpop (xrf2)  }
0x3a8: {  	v2 =	vsel vm0, v52, v7;
	v0 =	vsel vm0, v0, v4;
	vm0 =	vnez.u8 v56;
	v57, _, _ =	vpop (xrf0)  }
0x3a9: {  	v55, _, _ =	vpop (xrf2);
	v5 =	vbroadcast v54, $0xF;
	v3 =	vsel vm0, v3, v32;
	v59 =	vbroadcast v57, $0xF  }
.Ltmp6:
0x3aa: {  	v4 =	vbroadcast v55, $0xF;
	v1 =	vsel vm0, v2, v1;
	v3 =	vsel vm3, v3, v30;
	(pc) =	sbr.rel @p0 .LBB2_12-.Ltmp6, $4  }
0x3ab: {  	v0 =	vsel vm0, v0, v5;
	v2 =	vsel vm1, v3, v61;
	v1 =	vsel vm3, v1, v59;
	v63, _, _ =	vpop (xrf0)  }
0x3ac: {  	v0 =	vsel vm3, v0, v4;
	[tilespmem:s23+$0x8100] =	vst v2;
	v1 =	vsel vm1, v1, v63;
	v62, _, _ =	vpop (xrf2)  }
0x3ad: {  	[tilespmem:s23+$0x8300] =	vst v1;
	v0 =	vsel vm1, v0, v62  }
0x3ae: {  	[tilespmem:s23+$0x8200] =	vst v0  }
.Ltmp7:
0x3af: {  	(pc) =	sbr.rel .LBB2_2-.Ltmp7, $4  }
0x3b0: {  	s0 =	sadd.s32 s24, s8  }
0x3b1: {  	s0 =	sshrl.u32 s0, $0x3  }
0x3b2: {  	s22 =	sadd.s32 $0x1, s22;
	s0 =	sadd.s32 s3, s0  }
0x3b3: {  	[tilespmem:s15], [sflag:$0x2] =	stream.linear.gather [hbm4b:s0+s2], $0x4000, $0x38;
	[tilespmem:$0x8400] =	vst v63  }
.LBB2_13:
0x3b4: {  	_ =	sfence.sel $0x180000  }
0x3b5: {  	[bflag:$0x0] =	sbarrier.arrive $0xFFFF  }
0x3b6: {  	_ =	strace $0x90000047  }
0x3b7: {  	s0 =	stileid.u32;
	[bflag:$0x2] =	sbarrier.arrive $0xFFFF  }
0x3b8: {  	p0 =	sne.s32 s0, $0x0;
	s0 =	rddreg [dreg:$0x2]  }
0x3b9: {  	s0 =	sadd.s32 @!p0 $0x100000, s0  }
0x3ba: {  	[sflag:s0] =	ssyncadd.tile.s32 @!p0 $0x1;
	_ =	shalt  }
.Lfunc_end2:
_tile_overlayer_lowered:
.L_overlay_start_2:
0x3bb: {  	(tag) =	ssettag $0x2  }
0x3bc: {  	s0 =	rddreg [dreg:$0x0];
	s2 =	stileid.u32  }
0x3bd: {  	s1 =	rddreg [dreg:$0x1];
	p0 =	sne.s32 s2, $0x0  }
0x3be: {  	s3 =	rddreg [dreg:$0x2];
	[bflag:$0x3] =	sbarrier.arrive $0xFFFF;
	s2 =	simm.s32 @!p0 $0x1C03  }
0x3bf: {  	[timem:s3], [sflag:s2] =	dma.local @!p0 [hbm:s0], s1  }
0x3c0: {  	s0 =	simm.s32 @!p0 $0x3  }
0x3c1: {  	_ =	swait.ge @!p0 [sflag:s0], s1  }
0x3c2: {  	s1 =	ssub.s32 @!p0 $0x0, s1;
	[sflag:s0] =	ssyncset.done @!p0 $0x0  }
0x3c3: {  	[sflag:s0] =	ssyncadd.s32 @!p0 s1  }
0x3c4: {  	[bflag:$0x3] =	sbarrier.arrive $0xFFFF  }
0x3c5: {  	_ =	shalt  }

</sc_bundles>
